<compile_context>
chip_gen: v7x
topology: tpu7x:2x2x1
jax: 0.10.2.dev20260603
libtpu: 0.0.44.dev20260713+nightly
codegen_flags: <defaults>
</compile_context>

<pallas_src>
import jax
import jax.numpy as jnp
from jax import lax
from jax.experimental import pallas as pl
from jax.experimental.pallas import tpu as pltpu
from jax.experimental.pallas import tpu_sc as plsc

_NC = 2
_NS = 16
_L = 16
_NW = _NC * _NS

_E = 50000
_EPW = 1568
_ESTEPS = _EPW // _L

_S = 2000
_SPW = 64
_PSTEPS = _SPW // _L

_R = 10
_N = 5000
_EPS = 1e-6

_XMID = tuple((j + 0.5) / _R for j in range(_R))


def _rsqrt(x):
  xh = x * 0.5
  i = plsc.bitcast(x, jnp.int32)
  i = 0x5F3759DF - (i >> 1)
  y = plsc.bitcast(i, jnp.float32)
  y = y * (1.5 - xh * y * y)
  y = y * (1.5 - xh * y * y)
  return y


def _sc_body(uf_h, vf_h, tf_h, tbl_h, pu_h, pv_h, o_h,
             uf_v, vf_v, tf_v, tbl_v, pu_v, pv_v, acc_v, sem):
  cid = lax.axis_index("c")
  sid = lax.axis_index("s")
  wid = sid * _NC + cid

  ebase = jnp.minimum(wid * _EPW, _E - _EPW)
  pbase = jnp.minimum(wid * _SPW, _S - _SPW)

  copies = [
      pltpu.async_copy(uf_h.at[pl.ds(ebase, _EPW)], uf_v, sem),
      pltpu.async_copy(vf_h.at[pl.ds(ebase, _EPW)], vf_v, sem),
      pltpu.async_copy(tf_h.at[pl.ds(ebase, _EPW)], tf_v, sem),
      pltpu.async_copy(tbl_h, tbl_v, sem),
      pltpu.async_copy(pu_h.at[pl.ds(pbase, _SPW)], pu_v, sem),
      pltpu.async_copy(pv_h.at[pl.ds(pbase, _SPW)], pv_v, sem),
  ]
  for cp in copies:
    cp.wait()

  iota = jnp.arange(_L, dtype=jnp.int32)
  rows = [jnp.full((_L,), r, jnp.int32) for r in range(6)]

  def pair_diffs(u, v):
    dzx = plsc.load_gather(tbl_v, [rows[0], u]) - plsc.load_gather(
        tbl_v, [rows[0], v])
    dzy = plsc.load_gather(tbl_v, [rows[1], u]) - plsc.load_gather(
        tbl_v, [rows[1], v])
    dvx = plsc.load_gather(tbl_v, [rows[2], u]) - plsc.load_gather(
        tbl_v, [rows[2], v])
    dvy = plsc.load_gather(tbl_v, [rows[3], u]) - plsc.load_gather(
        tbl_v, [rows[3], v])
    dax = plsc.load_gather(tbl_v, [rows[4], u]) - plsc.load_gather(
        tbl_v, [rows[4], v])
    day = plsc.load_gather(tbl_v, [rows[5], u]) - plsc.load_gather(
        tbl_v, [rows[5], v])
    return dzx, dzy, dvx, dvy, dax, day

  def dist(diffs, t):
    dzx, dzy, dvx, dvy, dax, day = diffs
    t2h = t * t * 0.5
    px = dzx + dvx * t + dax * t2h + _EPS
    py = dzy + dvy * t + day * t2h + _EPS
    d2 = px * px + py * py
    return d2 * _rsqrt(d2)

  def event_dist(i):
    b = i * _L
    u = uf_v[pl.ds(b, _L)].astype(jnp.int32)
    v = vf_v[pl.ds(b, _L)].astype(jnp.int32)
    t = tf_v[pl.ds(b, _L)]
    return dist(pair_diffs(u, v), t)

  eskip = wid * _EPW - ebase

  def ebody_masked(i, acc):
    m = jnp.where(i * _L + iota >= eskip, 1.0, 0.0).astype(jnp.float32)
    return acc + event_dist(i) * m

  def ebody(i, acc):
    return acc + event_dist(i)

  nsk = (eskip + _L - 1) // _L
  acc_e = lax.fori_loop(0, nsk, ebody_masked, jnp.zeros((_L,), jnp.float32))
  acc_e = lax.fori_loop(nsk, _ESTEPS, ebody, acc_e)

  pskip = wid * _SPW - pbase

  def pair_sum(i):
    b = i * _L
    pu = pu_v[pl.ds(b, _L)]
    pv = pv_v[pl.ds(b, _L)]
    diffs = pair_diffs(pu, pv)
    s = jnp.zeros((_L,), jnp.float32)
    for tj in _XMID:
      s = s + jnp.exp(-dist(diffs, tj))
    return s

  def pbody_masked(i, acc):
    pm = jnp.where(i * _L + iota >= pskip, 1.0, 0.0).astype(jnp.float32)
    return acc + pair_sum(i) * pm

  def pbody(i, acc):
    return acc + pair_sum(i)

  psk = (pskip + _L - 1) // _L
  acc_n = lax.fori_loop(0, psk, pbody_masked, jnp.zeros((_L,), jnp.float32))
  acc_n = lax.fori_loop(psk, _PSTEPS, pbody, acc_n)

  acc_v[pl.ds(0, _L)] = acc_e
  acc_v[pl.ds(_L, _L)] = acc_n
  pltpu.sync_copy(acc_v.at[pl.ds(0, _L)], o_h.at[pl.ds(wid * _L, _L)])
  pltpu.sync_copy(acc_v.at[pl.ds(_L, _L)],
                  o_h.at[pl.ds(_NW * _L + wid * _L, _L)])


@jax.jit
def _sc_call(uf, vf, tf, tbl, pair_u, pair_v):
  mesh = plsc.VectorSubcoreMesh(
      core_axis_name="c", subcore_axis_name="s",
      num_cores=_NC, num_subcores=_NS)
  f = pl.kernel(
      _sc_body,
      out_type=jax.ShapeDtypeStruct((_NW * 2 * _L,), jnp.float32),
      mesh=mesh,
      compiler_params=pltpu.CompilerParams(needs_layout_passes=False),
      scratch_types=[
          pltpu.VMEM((_EPW,), jnp.float32),
          pltpu.VMEM((_EPW,), jnp.float32),
          pltpu.VMEM((_EPW,), jnp.float32),
          pltpu.VMEM((6, _N), jnp.float32),
          pltpu.VMEM((_SPW,), jnp.int32),
          pltpu.VMEM((_SPW,), jnp.int32),
          pltpu.VMEM((2 * _L,), jnp.float32),
          pltpu.SemaphoreType.DMA,
      ],
  )
  return f(uf, vf, tf, tbl, pair_u, pair_v)


def _tc_body(parts_ref, beta_ref, t0_ref, tn_ref, out_ref):
  p = parts_ref[...]
  ev = jnp.sum(p[:_NW * _L])
  ne = jnp.sum(p[_NW * _L:])
  beta = beta_ref[0, 0]
  dx = (tn_ref[0] - t0_ref[0]) / _R
  out_ref[0, 0] = _E * beta - ev - dx * jnp.exp(beta) * ne


@jax.jit
def _tc_call(parts, beta, t0, tn):
  return pl.pallas_call(
      _tc_body,
      out_shape=jax.ShapeDtypeStruct((1, 1), jnp.float32),
      out_specs=pl.BlockSpec(memory_space=pltpu.SMEM),
      in_specs=[
          pl.BlockSpec(memory_space=pltpu.VMEM),
          pl.BlockSpec(memory_space=pltpu.SMEM),
          pl.BlockSpec(memory_space=pltpu.SMEM),
          pl.BlockSpec(memory_space=pltpu.SMEM),
      ],
  )(parts, beta, t0, tn)


def kernel(data, t0, tn, beta, z0, v0, a0, pair_u, pair_v):
  tbl = jnp.concatenate([z0.T, v0.T, a0.T], axis=0)
  parts = _sc_call(data[:, 0], data[:, 1], data[:, 2], tbl, pair_u, pair_v)
  return _tc_call(parts, beta, t0, tn)

# --- scband reference (transcript-rebuilt; emitter-appended) ---
"""Pipeline reference for scband-small-net-88252987998940 (READ-ONLY COPY).

The authoritative reference and input builder live on the scoring server;
editing this copy changes nothing except your own understanding.
"""

import jax, jax.numpy as jnp
import numpy as np

N_POINTS = 5000
N_EVENTS = 50000
RIEMANN_SAMPLES = 10
NODE_PAIR_SAMPLES = 2000
INIT_BETA = 1.0
NON_EVENT_WEIGHT = 1.0
EPS = 1e-6


def setup_inputs(seed: int = 0) -> dict:
    key = jax.random.key(seed)
    k1, k2, k3, k4, k5 = jax.random.split(key, 5)
    # data rows are (u, v, event_time); u,v are node ids stored as floats (cast to long in forward)
    uv = jax.random.randint(k1, (N_EVENTS, 2), 0, N_POINTS).astype(jnp.float32)
    times = jax.random.uniform(k2, (N_EVENTS, 1), minval=0.0, maxval=1.0)
    data = jnp.concatenate([uv, times], axis=1)
    t0 = jnp.zeros((1,), dtype=jnp.float32)
    tn = jnp.ones((1,), dtype=jnp.float32)
    # learned parameters (pars_mode=3: beta, z0, v0, a0 all trainable)
    beta = jnp.full((1, 1), INIT_BETA, dtype=jnp.float32)
    z0 = jax.random.uniform(k3, (N_POINTS, 2), minval=-0.025, maxval=0.025)
    v0 = jax.random.uniform(k4, (N_POINTS, 2), minval=-0.025, maxval=0.025)
    a0 = jax.random.uniform(k5, (N_POINTS, 2), minval=-0.025, maxval=0.025)
    # torch: ind = triu_indices(n, n, offset=1); triu_samples = randperm(n_node_pairs)[:node_pair_samples]
    rng = np.random.default_rng(0)
    iu, ju = np.triu_indices(N_POINTS, k=1)
    sel = rng.choice(iu.shape[0], size=NODE_PAIR_SAMPLES, replace=False)
    pair_u = jnp.asarray(iu[sel], dtype=jnp.int32)
    pair_v = jnp.asarray(ju[sel], dtype=jnp.int32)
    return {"data": data, "t0": t0, "tn": tn, "beta": beta, "z0": z0, "v0": v0,
            "a0": a0, "pair_u": pair_u, "pair_v": pair_v}


def reference(data, t0, tn, beta, z0, v0, a0, pair_u, pair_v):
    # ---- event intensity: sum_e (beta - dist(t_e, u_e, v_e)) ----
    u = data[:, 0].astype(jnp.int32)
    v = data[:, 1].astype(jnp.int32)
    te = data[:, 2][:, None]  # [E,1]
    # step(t): z = z0 + v0*t + 0.5*a0*t^2, gathered at event endpoints
    z_u = z0[u] + v0[u] * te + 0.5 * a0[u] * te ** 2  # [E,2]
    z_v = z0[v] + v0[v] * te + 0.5 * a0[v] * te ** 2  # [E,2]
    d_e = jnp.linalg.norm(z_u - z_v + EPS, axis=-1)  # torch PairwiseDistance(p=2, eps=1e-6)
    event_intensity = d_e.shape[0] * beta - jnp.sum(d_e)  # [1,1]
    # ---- non-event intensity: riemann sum over sampled node pairs ----
    x = t0 + (tn - t0) * jnp.arange(RIEMANN_SAMPLES + 1, dtype=jnp.float32) / RIEMANN_SAMPLES
    x_mid = (x[:-1] + x[1:]) / 2.0  # [R]
    dx = (tn - t0)[0] / RIEMANN_SAMPLES
    t_g = x_mid[:, None, None]  # [R,1,1]
    zu = z0[pair_u][None] + v0[pair_u][None] * t_g + 0.5 * a0[pair_u][None] * t_g ** 2  # [R,S,2]
    zv = z0[pair_v][None] + v0[pair_v][None] * t_g + 0.5 * a0[pair_v][None] * t_g ** 2  # [R,S,2]
    d_p = jnp.linalg.norm(zu - zv + EPS, axis=-1)  # [R,S]
    lam = jnp.exp(beta[:, :, None, None] - d_p[None, None, :, :])  # [1,1,R,S]
    non_event_intensity = jnp.sum(lam, axis=(2, 3)) * dx  # [1,1]
    log_likelihood = event_intensity - NON_EVENT_WEIGHT * non_event_intensity
    return log_likelihood

if __name__ == "__main__":
    import jax
    _d = setup_inputs()
    print(jax.jit(kernel)(*tuple(_d.values())))

</pallas_src>

<mosaic_0001>
#map = affine_map<(d0, d1) -> (0)>
#map1 = affine_map<(d0, d1) -> (0, 0)>
module attributes {stable_mosaic.version = 14 : i64} {
  func.func @_sc_body(%arg0: i32, %arg1: i32, %arg2: memref<50000xf32, #tpu.memory_space<hbm>>, %arg3: memref<50000xf32, #tpu.memory_space<hbm>>, %arg4: memref<50000xf32, #tpu.memory_space<hbm>>, %arg5: memref<6x5000xf32, #tpu.memory_space<hbm>>, %arg6: memref<2000xi32, #tpu.memory_space<hbm>>, %arg7: memref<2000xi32, #tpu.memory_space<hbm>>, %arg8: memref<1024xf32, #tpu.memory_space<hbm>>, %arg9: memref<1568xf32, #tpu.memory_space<vmem>>, %arg10: memref<1568xf32, #tpu.memory_space<vmem>>, %arg11: memref<1568xf32, #tpu.memory_space<vmem>>, %arg12: memref<6x5000xf32, #tpu.memory_space<vmem>>, %arg13: memref<64xi32, #tpu.memory_space<vmem>>, %arg14: memref<64xi32, #tpu.memory_space<vmem>>, %arg15: memref<32xf32, #tpu.memory_space<vmem>>, %arg16: memref<!tpu.dma_semaphore, #tpu.memory_space<semaphore_mem>>) attributes {dimension_semantics = [#tpu.dimension_semantics<core_parallel>, #tpu.dimension_semantics<subcore_parallel>], iteration_bounds = array<i64: 2, 16>, scalar_prefetch = 0 : i64, scratch_operands = 8 : i64, tpu.core_type = #tpu.core_type<sc_vector_subcore>, window_params = [{transform_indices = #map}, {transform_indices = #map}, {transform_indices = #map}, {transform_indices = #map1}, {transform_indices = #map}, {transform_indices = #map}, {transform_indices = #map}]} {
    %mul3A = arith.constant 2 : i32
    %mul3A_0 = arith.muli %arg1, %mul3A : i32
    %add3A = arith.addi %mul3A_0, %arg0 : i32
    %mul3A_1 = arith.constant 1568 : i32
    %mul3A_2 = arith.muli %add3A, %mul3A_1 : i32
    %min3A = arith.constant 48432 : i32
    %min3A_3 = arith.minsi %mul3A_2, %min3A : i32
    %mul3A_4 = arith.constant 64 : i32
    %mul3A_5 = arith.muli %add3A, %mul3A_4 : i32
    %min3A_6 = arith.constant 1936 : i32
    %min3A_7 = arith.minsi %mul3A_5, %min3A_6 : i32
    %dma_start3A = tpu.memref_slice %arg2[%min3A_3] : memref<50000xf32, #tpu.memory_space<hbm>> -> memref<1568xf32, #tpu.memory_space<hbm>>
    %dma_start3A_8 = tpu.memref_slice %arg2[%min3A_3] : memref<50000xf32, #tpu.memory_space<hbm>> -> memref<1568xf32, #tpu.memory_space<hbm>>
    tpu.enqueue_dma source(%dma_start3A_8 : memref<1568xf32, #tpu.memory_space<hbm>>) target(%arg9 : memref<1568xf32, #tpu.memory_space<vmem>>) target_semaphore(%arg16 : memref<!tpu.dma_semaphore, #tpu.memory_space<semaphore_mem>>)
    %dma_start3A_9 = tpu.memref_slice %arg3[%min3A_3] : memref<50000xf32, #tpu.memory_space<hbm>> -> memref<1568xf32, #tpu.memory_space<hbm>>
    %dma_start3A_10 = tpu.memref_slice %arg3[%min3A_3] : memref<50000xf32, #tpu.memory_space<hbm>> -> memref<1568xf32, #tpu.memory_space<hbm>>
    tpu.enqueue_dma source(%dma_start3A_10 : memref<1568xf32, #tpu.memory_space<hbm>>) target(%arg10 : memref<1568xf32, #tpu.memory_space<vmem>>) target_semaphore(%arg16 : memref<!tpu.dma_semaphore, #tpu.memory_space<semaphore_mem>>)
    %dma_start3A_11 = tpu.memref_slice %arg4[%min3A_3] : memref<50000xf32, #tpu.memory_space<hbm>> -> memref<1568xf32, #tpu.memory_space<hbm>>
    %dma_start3A_12 = tpu.memref_slice %arg4[%min3A_3] : memref<50000xf32, #tpu.memory_space<hbm>> -> memref<1568xf32, #tpu.memory_space<hbm>>
    tpu.enqueue_dma source(%dma_start3A_12 : memref<1568xf32, #tpu.memory_space<hbm>>) target(%arg11 : memref<1568xf32, #tpu.memory_space<vmem>>) target_semaphore(%arg16 : memref<!tpu.dma_semaphore, #tpu.memory_space<semaphore_mem>>)
    tpu.enqueue_dma source(%arg5 : memref<6x5000xf32, #tpu.memory_space<hbm>>) target(%arg12 : memref<6x5000xf32, #tpu.memory_space<vmem>>) target_semaphore(%arg16 : memref<!tpu.dma_semaphore, #tpu.memory_space<semaphore_mem>>)
    %dma_start3A_13 = tpu.memref_slice %arg6[%min3A_7] : memref<2000xi32, #tpu.memory_space<hbm>> -> memref<64xi32, #tpu.memory_space<hbm>>
    %dma_start3A_14 = tpu.memref_slice %arg6[%min3A_7] : memref<2000xi32, #tpu.memory_space<hbm>> -> memref<64xi32, #tpu.memory_space<hbm>>
    tpu.enqueue_dma source(%dma_start3A_14 : memref<64xi32, #tpu.memory_space<hbm>>) target(%arg13 : memref<64xi32, #tpu.memory_space<vmem>>) target_semaphore(%arg16 : memref<!tpu.dma_semaphore, #tpu.memory_space<semaphore_mem>>)
    %dma_start3A_15 = tpu.memref_slice %arg7[%min3A_7] : memref<2000xi32, #tpu.memory_space<hbm>> -> memref<64xi32, #tpu.memory_space<hbm>>
    %dma_start3A_16 = tpu.memref_slice %arg7[%min3A_7] : memref<2000xi32, #tpu.memory_space<hbm>> -> memref<64xi32, #tpu.memory_space<hbm>>
    tpu.enqueue_dma source(%dma_start3A_16 : memref<64xi32, #tpu.memory_space<hbm>>) target(%arg14 : memref<64xi32, #tpu.memory_space<vmem>>) target_semaphore(%arg16 : memref<!tpu.dma_semaphore, #tpu.memory_space<semaphore_mem>>)
    %dma_wait3A = tpu.memref_slice %arg2[%min3A_3] : memref<50000xf32, #tpu.memory_space<hbm>> -> memref<1568xf32, #tpu.memory_space<hbm>>
    %dma_wait3A_17 = tpu.memref_slice %arg2[%min3A_3] : memref<50000xf32, #tpu.memory_space<hbm>> -> memref<1568xf32, #tpu.memory_space<hbm>>
    tpu.wait_dma2 semaphore(%arg16 : memref<!tpu.dma_semaphore, #tpu.memory_space<semaphore_mem>>) src(%dma_wait3A_17 : memref<1568xf32, #tpu.memory_space<hbm>>) dst(%arg9 : memref<1568xf32, #tpu.memory_space<vmem>>)
    %dma_wait3A_18 = tpu.memref_slice %arg3[%min3A_3] : memref<50000xf32, #tpu.memory_space<hbm>> -> memref<1568xf32, #tpu.memory_space<hbm>>
    %dma_wait3A_19 = tpu.memref_slice %arg3[%min3A_3] : memref<50000xf32, #tpu.memory_space<hbm>> -> memref<1568xf32, #tpu.memory_space<hbm>>
    tpu.wait_dma2 semaphore(%arg16 : memref<!tpu.dma_semaphore, #tpu.memory_space<semaphore_mem>>) src(%dma_wait3A_19 : memref<1568xf32, #tpu.memory_space<hbm>>) dst(%arg10 : memref<1568xf32, #tpu.memory_space<vmem>>)
    %dma_wait3A_20 = tpu.memref_slice %arg4[%min3A_3] : memref<50000xf32, #tpu.memory_space<hbm>> -> memref<1568xf32, #tpu.memory_space<hbm>>
    %dma_wait3A_21 = tpu.memref_slice %arg4[%min3A_3] : memref<50000xf32, #tpu.memory_space<hbm>> -> memref<1568xf32, #tpu.memory_space<hbm>>
    tpu.wait_dma2 semaphore(%arg16 : memref<!tpu.dma_semaphore, #tpu.memory_space<semaphore_mem>>) src(%dma_wait3A_21 : memref<1568xf32, #tpu.memory_space<hbm>>) dst(%arg11 : memref<1568xf32, #tpu.memory_space<vmem>>)
    tpu.wait_dma2 semaphore(%arg16 : memref<!tpu.dma_semaphore, #tpu.memory_space<semaphore_mem>>) src(%arg5 : memref<6x5000xf32, #tpu.memory_space<hbm>>) dst(%arg12 : memref<6x5000xf32, #tpu.memory_space<vmem>>)
    %dma_wait3A_22 = tpu.memref_slice %arg6[%min3A_7] : memref<2000xi32, #tpu.memory_space<hbm>> -> memref<64xi32, #tpu.memory_space<hbm>>
    %dma_wait3A_23 = tpu.memref_slice %arg6[%min3A_7] : memref<2000xi32, #tpu.memory_space<hbm>> -> memref<64xi32, #tpu.memory_space<hbm>>
    tpu.wait_dma2 semaphore(%arg16 : memref<!tpu.dma_semaphore, #tpu.memory_space<semaphore_mem>>) src(%dma_wait3A_23 : memref<64xi32, #tpu.memory_space<hbm>>) dst(%arg13 : memref<64xi32, #tpu.memory_space<vmem>>)
    %dma_wait3A_24 = tpu.memref_slice %arg7[%min3A_7] : memref<2000xi32, #tpu.memory_space<hbm>> -> memref<64xi32, #tpu.memory_space<hbm>>
    %dma_wait3A_25 = tpu.memref_slice %arg7[%min3A_7] : memref<2000xi32, #tpu.memory_space<hbm>> -> memref<64xi32, #tpu.memory_space<hbm>>
    tpu.wait_dma2 semaphore(%arg16 : memref<!tpu.dma_semaphore, #tpu.memory_space<semaphore_mem>>) src(%dma_wait3A_25 : memref<64xi32, #tpu.memory_space<hbm>>) dst(%arg14 : memref<64xi32, #tpu.memory_space<vmem>>)
    %iota3A = tpu.iota {dimensions = array<i32: 0>} : vector<16xi32>
    %broadcast_in_dim3A = arith.constant 0 : i32
    %broadcast_in_dim3A_26 = vector.broadcast %broadcast_in_dim3A : i32 to vector<16xi32>
    %broadcast_in_dim3A_27 = arith.constant 1 : i32
    %broadcast_in_dim3A_28 = vector.broadcast %broadcast_in_dim3A_27 : i32 to vector<16xi32>
    %broadcast_in_dim3A_29 = arith.constant 2 : i32
    %broadcast_in_dim3A_30 = vector.broadcast %broadcast_in_dim3A_29 : i32 to vector<16xi32>
    %broadcast_in_dim3A_31 = arith.constant 3 : i32
    %broadcast_in_dim3A_32 = vector.broadcast %broadcast_in_dim3A_31 : i32 to vector<16xi32>
    %broadcast_in_dim3A_33 = arith.constant 4 : i32
    %broadcast_in_dim3A_34 = vector.broadcast %broadcast_in_dim3A_33 : i32 to vector<16xi32>
    %broadcast_in_dim3A_35 = arith.constant 5 : i32
    %broadcast_in_dim3A_36 = vector.broadcast %broadcast_in_dim3A_35 : i32 to vector<16xi32>
    %mul3A_37 = arith.constant 1568 : i32
    %mul3A_38 = arith.muli %add3A, %mul3A_37 : i32
    %sub3A = arith.subi %mul3A_38, %min3A_3 : i32
    %add3A_39 = arith.constant 16 : i32
    %add3A_40 = arith.addi %sub3A, %add3A_39 : i32
    %sub3A_41 = arith.constant 1 : i32
    %sub3A_42 = arith.subi %add3A_40, %sub3A_41 : i32
    %jit3A = arith.constant 16 : i32
    %div3A = arith.divsi %sub3A_42, %jit3A : i32
    %sign3A = arith.constant 0 : i32
    %sign3A_43 = arith.cmpi sgt, %sub3A_42, %sign3A : i32
    %sign3A_44 = arith.extui %sign3A_43 : i1 to i32
    %sign3A_45 = arith.constant 0 : i32
    %sign3A_46 = arith.cmpi slt, %sub3A_42, %sign3A_45 : i32
    %sign3A_47 = arith.extui %sign3A_46 : i1 to i32
    %sign3A_48 = arith.subi %sign3A_44, %sign3A_47 : i32
    %sign3A_49 = arith.constant 0 : i32
    %sign3A_50 = arith.cmpi sgt, %jit3A, %sign3A_49 : i32
    %sign3A_51 = arith.extui %sign3A_50 : i1 to i32
    %sign3A_52 = arith.constant 0 : i32
    %sign3A_53 = arith.cmpi slt, %jit3A, %sign3A_52 : i32
    %sign3A_54 = arith.extui %sign3A_53 : i1 to i32
    %sign3A_55 = arith.subi %sign3A_51, %sign3A_54 : i32
    %ne3A = arith.cmpi ne, %sign3A_48, %sign3A_55 : i32
    %rem3A = arith.remsi %sub3A_42, %jit3A : i32
    %ne3A_56 = arith.constant 0 : i32
    %ne3A_57 = arith.cmpi ne, %rem3A, %ne3A_56 : i32
    %and3A = arith.andi %ne3A, %ne3A_57 : i1
    %sub3A_58 = arith.constant 1 : i32
    %sub3A_59 = arith.subi %div3A, %sub3A_58 : i32
    %select_n3A = arith.select %and3A, %sub3A_59, %div3A : i32
    %broadcast_in_dim3A_60 = arith.constant 0.000000e+00 : f32
    %broadcast_in_dim3A_61 = vector.broadcast %broadcast_in_dim3A_60 : f32 to vector<16xf32>
    %while3A = arith.constant 0 : i32
    %while3A_62 = arith.subi %select_n3A, %while3A : i32
    %while3A_63 = arith.addi %while3A, %while3A_62 : i32
    %while3A_64 = arith.constant 1 : i32
    %while3A_65 = arith.divsi %while3A_62, %while3A_64 : i32
    %while3A_66 = arith.muli %while3A_65, %while3A_64 : i32
    %while3A_67 = arith.addi %while3A, %while3A_66 : i32
    %while3A_68 = arith.constant 1 : i32
    %while3A_69 = scf.for %while3A_147 = %while3A to %while3A_67 step %while3A_68 iter_args(%while3A_148 = %broadcast_in_dim3A_61) -> (vector<16xf32>)  : i32 {
      %mul3A_149 = arith.constant 16 : i32
      %mul3A_150 = arith.muli %while3A_147, %mul3A_149 : i32
      %add3A_151 = vector.broadcast %mul3A_150 : i32 to vector<16xi32>
      %add3A_152 = arith.addi %add3A_151, %iota3A : vector<16xi32>
      %ge3A = vector.broadcast %sub3A : i32 to vector<16xi32>
      %ge3A_153 = arith.cmpi sge, %add3A_152, %ge3A : vector<16xi32>
      %jit3A_154 = arith.constant 1.000000e+00 : f32
      %jit3A_155 = arith.constant 0.000000e+00 : f32
      %broadcast_in_dim3A_156 = vector.broadcast %jit3A_154 : f32 to vector<16xf32>
      %broadcast_in_dim3A_157 = vector.broadcast %jit3A_155 : f32 to vector<16xf32>
      %select_n3A_158 = arith.select %ge3A_153, %broadcast_in_dim3A_156, %broadcast_in_dim3A_157 : vector<16xi1>, vector<16xf32>
      %mul3A_159 = arith.constant 16 : i32
      %mul3A_160 = arith.muli %while3A_147, %mul3A_159 : i32
      %get3A = arith.index_cast %mul3A_160 : i32 to index
      %get3A_161 = tpu.vector_load %arg9[%get3A] {strides = array<i32>} : memref<1568xf32, #tpu.memory_space<vmem>>, vector<16xf32>,
      %convert_element_type3A = arith.fptosi %get3A_161 : vector<16xf32> to vector<16xi32>
      %get3A_162 = arith.index_cast %mul3A_160 : i32 to index
      %get3A_163 = tpu.vector_load %arg10[%get3A_162] {strides = array<i32>} : memref<1568xf32, #tpu.memory_space<vmem>>, vector<16xf32>,
      %convert_element_type3A_164 = arith.fptosi %get3A_163 : vector<16xf32> to vector<16xi32>
      %get3A_165 = arith.index_cast %mul3A_160 : i32 to index
      %get3A_166 = tpu.vector_load %arg11[%get3A_165] {strides = array<i32>} : memref<1568xf32, #tpu.memory_space<vmem>>, vector<16xf32>,
      %gather3A = tpu.vector_load_idx %arg12[%broadcast_in_dim3A_26, %convert_element_type3A] : memref<6x5000xf32, #tpu.memory_space<vmem>>[vector<16xi32>, vector<16xi32>], vector<16xf32>,
      %gather3A_167 = tpu.vector_load_idx %arg12[%broadcast_in_dim3A_26, %convert_element_type3A_164] : memref<6x5000xf32, #tpu.memory_space<vmem>>[vector<16xi32>, vector<16xi32>], vector<16xf32>,
      %sub3A_168 = arith.subf %gather3A, %gather3A_167 : vector<16xf32>
      %gather3A_169 = tpu.vector_load_idx %arg12[%broadcast_in_dim3A_28, %convert_element_type3A] : memref<6x5000xf32, #tpu.memory_space<vmem>>[vector<16xi32>, vector<16xi32>], vector<16xf32>,
      %gather3A_170 = tpu.vector_load_idx %arg12[%broadcast_in_dim3A_28, %convert_element_type3A_164] : memref<6x5000xf32, #tpu.memory_space<vmem>>[vector<16xi32>, vector<16xi32>], vector<16xf32>,
      %sub3A_171 = arith.subf %gather3A_169, %gather3A_170 : vector<16xf32>
      %gather3A_172 = tpu.vector_load_idx %arg12[%broadcast_in_dim3A_30, %convert_element_type3A] : memref<6x5000xf32, #tpu.memory_space<vmem>>[vector<16xi32>, vector<16xi32>], vector<16xf32>,
      %gather3A_173 = tpu.vector_load_idx %arg12[%broadcast_in_dim3A_30, %convert_element_type3A_164] : memref<6x5000xf32, #tpu.memory_space<vmem>>[vector<16xi32>, vector<16xi32>], vector<16xf32>,
      %sub3A_174 = arith.subf %gather3A_172, %gather3A_173 : vector<16xf32>
      %gather3A_175 = tpu.vector_load_idx %arg12[%broadcast_in_dim3A_32, %convert_element_type3A] : memref<6x5000xf32, #tpu.memory_space<vmem>>[vector<16xi32>, vector<16xi32>], vector<16xf32>,
      %gather3A_176 = tpu.vector_load_idx %arg12[%broadcast_in_dim3A_32, %convert_element_type3A_164] : memref<6x5000xf32, #tpu.memory_space<vmem>>[vector<16xi32>, vector<16xi32>], vector<16xf32>,
      %sub3A_177 = arith.subf %gather3A_175, %gather3A_176 : vector<16xf32>
      %gather3A_178 = tpu.vector_load_idx %arg12[%broadcast_in_dim3A_34, %convert_element_type3A] : memref<6x5000xf32, #tpu.memory_space<vmem>>[vector<16xi32>, vector<16xi32>], vector<16xf32>,
      %gather3A_179 = tpu.vector_load_idx %arg12[%broadcast_in_dim3A_34, %convert_element_type3A_164] : memref<6x5000xf32, #tpu.memory_space<vmem>>[vector<16xi32>, vector<16xi32>], vector<16xf32>,
      %sub3A_180 = arith.subf %gather3A_178, %gather3A_179 : vector<16xf32>
      %gather3A_181 = tpu.vector_load_idx %arg12[%broadcast_in_dim3A_36, %convert_element_type3A] : memref<6x5000xf32, #tpu.memory_space<vmem>>[vector<16xi32>, vector<16xi32>], vector<16xf32>,
      %gather3A_182 = tpu.vector_load_idx %arg12[%broadcast_in_dim3A_36, %convert_element_type3A_164] : memref<6x5000xf32, #tpu.memory_space<vmem>>[vector<16xi32>, vector<16xi32>], vector<16xf32>,
      %sub3A_183 = arith.subf %gather3A_181, %gather3A_182 : vector<16xf32>
      %mul3A_184 = arith.mulf %get3A_166, %get3A_166 : vector<16xf32>
      %mul3A_185 = arith.constant 5.000000e-01 : f32
      %mul3A_186 = vector.broadcast %mul3A_185 : f32 to vector<16xf32>
      %mul3A_187 = arith.mulf %mul3A_184, %mul3A_186 : vector<16xf32>
      %mul3A_188 = arith.mulf %sub3A_174, %get3A_166 : vector<16xf32>
      %add3A_189 = arith.addf %sub3A_168, %mul3A_188 : vector<16xf32>
      %mul3A_190 = arith.mulf %sub3A_180, %mul3A_187 : vector<16xf32>
      %add3A_191 = arith.addf %add3A_189, %mul3A_190 : vector<16xf32>
      %add3A_192 = arith.constant 9.99999997E-7 : f32
      %add3A_193 = vector.broadcast %add3A_192 : f32 to vector<16xf32>
      %add3A_194 = arith.addf %add3A_191, %add3A_193 : vector<16xf32>
      %mul3A_195 = arith.mulf %sub3A_177, %get3A_166 : vector<16xf32>
      %add3A_196 = arith.addf %sub3A_171, %mul3A_195 : vector<16xf32>
      %mul3A_197 = arith.mulf %sub3A_183, %mul3A_187 : vector<16xf32>
      %add3A_198 = arith.addf %add3A_196, %mul3A_197 : vector<16xf32>
      %add3A_199 = arith.constant 9.99999997E-7 : f32
      %add3A_200 = vector.broadcast %add3A_199 : f32 to vector<16xf32>
      %add3A_201 = arith.addf %add3A_198, %add3A_200 : vector<16xf32>
      %mul3A_202 = arith.mulf %add3A_194, %add3A_194 : vector<16xf32>
      %mul3A_203 = arith.mulf %add3A_201, %add3A_201 : vector<16xf32>
      %add3A_204 = arith.addf %mul3A_202, %mul3A_203 : vector<16xf32>
      %mul3A_205 = arith.constant 5.000000e-01 : f32
      %mul3A_206 = vector.broadcast %mul3A_205 : f32 to vector<16xf32>
      %mul3A_207 = arith.mulf %add3A_204, %mul3A_206 : vector<16xf32>
      %bitcast3A = vector.bitcast %add3A_204 : vector<16xf32> to vector<16xi32>
      %shift_right_arithmetic3A = arith.constant 1 : i32
      %shift_right_arithmetic3A_208 = vector.broadcast %shift_right_arithmetic3A : i32 to vector<16xi32>
      %shift_right_arithmetic3A_209 = arith.shrsi %bitcast3A, %shift_right_arithmetic3A_208 : vector<16xi32>
      %sub3A_210 = arith.constant 1597463007 : i32
      %sub3A_211 = vector.broadcast %sub3A_210 : i32 to vector<16xi32>
      %sub3A_212 = arith.subi %sub3A_211, %shift_right_arithmetic3A_209 : vector<16xi32>
      %bitcast3A_213 = vector.bitcast %sub3A_212 : vector<16xi32> to vector<16xf32>
      %mul3A_214 = arith.mulf %mul3A_207, %bitcast3A_213 : vector<16xf32>
      %mul3A_215 = arith.mulf %mul3A_214, %bitcast3A_213 : vector<16xf32>
      %sub3A_216 = arith.constant 1.500000e+00 : f32
      %sub3A_217 = vector.broadcast %sub3A_216 : f32 to vector<16xf32>
      %sub3A_218 = arith.subf %sub3A_217, %mul3A_215 : vector<16xf32>
      %mul3A_219 = arith.mulf %bitcast3A_213, %sub3A_218 : vector<16xf32>
      %mul3A_220 = arith.mulf %mul3A_207, %mul3A_219 : vector<16xf32>
      %mul3A_221 = arith.mulf %mul3A_220, %mul3A_219 : vector<16xf32>
      %sub3A_222 = arith.constant 1.500000e+00 : f32
      %sub3A_223 = vector.broadcast %sub3A_222 : f32 to vector<16xf32>
      %sub3A_224 = arith.subf %sub3A_223, %mul3A_221 : vector<16xf32>
      %mul3A_225 = arith.mulf %mul3A_219, %sub3A_224 : vector<16xf32>
      %mul3A_226 = arith.mulf %add3A_204, %mul3A_225 : vector<16xf32>
      %mul3A_227 = arith.mulf %mul3A_226, %select_n3A_158 : vector<16xf32>
      %add3A_228 = arith.addf %while3A_148, %mul3A_227 : vector<16xf32>
      scf.yield %add3A_228 : vector<16xf32>
    }
    %while3A_70 = arith.constant 1 : i32
    %while3A_71 = scf.for %while3A_147 = %while3A_67 to %while3A_63 step %while3A_70 iter_args(%while3A_148 = %while3A_69) -> (vector<16xf32>)  : i32 {
      %mul3A_149 = arith.constant 16 : i32
      %mul3A_150 = arith.muli %while3A_147, %mul3A_149 : i32
      %add3A_151 = vector.broadcast %mul3A_150 : i32 to vector<16xi32>
      %add3A_152 = arith.addi %add3A_151, %iota3A : vector<16xi32>
      %ge3A = vector.broadcast %sub3A : i32 to vector<16xi32>
      %ge3A_153 = arith.cmpi sge, %add3A_152, %ge3A : vector<16xi32>
      %jit3A_154 = arith.constant 1.000000e+00 : f32
      %jit3A_155 = arith.constant 0.000000e+00 : f32
      %broadcast_in_dim3A_156 = vector.broadcast %jit3A_154 : f32 to vector<16xf32>
      %broadcast_in_dim3A_157 = vector.broadcast %jit3A_155 : f32 to vector<16xf32>
      %select_n3A_158 = arith.select %ge3A_153, %broadcast_in_dim3A_156, %broadcast_in_dim3A_157 : vector<16xi1>, vector<16xf32>
      %mul3A_159 = arith.constant 16 : i32
      %mul3A_160 = arith.muli %while3A_147, %mul3A_159 : i32
      %get3A = arith.index_cast %mul3A_160 : i32 to index
      %get3A_161 = tpu.vector_load %arg9[%get3A] {strides = array<i32>} : memref<1568xf32, #tpu.memory_space<vmem>>, vector<16xf32>,
      %convert_element_type3A = arith.fptosi %get3A_161 : vector<16xf32> to vector<16xi32>
      %get3A_162 = arith.index_cast %mul3A_160 : i32 to index
      %get3A_163 = tpu.vector_load %arg10[%get3A_162] {strides = array<i32>} : memref<1568xf32, #tpu.memory_space<vmem>>, vector<16xf32>,
      %convert_element_type3A_164 = arith.fptosi %get3A_163 : vector<16xf32> to vector<16xi32>
      %get3A_165 = arith.index_cast %mul3A_160 : i32 to index
      %get3A_166 = tpu.vector_load %arg11[%get3A_165] {strides = array<i32>} : memref<1568xf32, #tpu.memory_space<vmem>>, vector<16xf32>,
      %gather3A = tpu.vector_load_idx %arg12[%broadcast_in_dim3A_26, %convert_element_type3A] : memref<6x5000xf32, #tpu.memory_space<vmem>>[vector<16xi32>, vector<16xi32>], vector<16xf32>,
      %gather3A_167 = tpu.vector_load_idx %arg12[%broadcast_in_dim3A_26, %convert_element_type3A_164] : memref<6x5000xf32, #tpu.memory_space<vmem>>[vector<16xi32>, vector<16xi32>], vector<16xf32>,
      %sub3A_168 = arith.subf %gather3A, %gather3A_167 : vector<16xf32>
      %gather3A_169 = tpu.vector_load_idx %arg12[%broadcast_in_dim3A_28, %convert_element_type3A] : memref<6x5000xf32, #tpu.memory_space<vmem>>[vector<16xi32>, vector<16xi32>], vector<16xf32>,
      %gather3A_170 = tpu.vector_load_idx %arg12[%broadcast_in_dim3A_28, %convert_element_type3A_164] : memref<6x5000xf32, #tpu.memory_space<vmem>>[vector<16xi32>, vector<16xi32>], vector<16xf32>,
      %sub3A_171 = arith.subf %gather3A_169, %gather3A_170 : vector<16xf32>
      %gather3A_172 = tpu.vector_load_idx %arg12[%broadcast_in_dim3A_30, %convert_element_type3A] : memref<6x5000xf32, #tpu.memory_space<vmem>>[vector<16xi32>, vector<16xi32>], vector<16xf32>,
      %gather3A_173 = tpu.vector_load_idx %arg12[%broadcast_in_dim3A_30, %convert_element_type3A_164] : memref<6x5000xf32, #tpu.memory_space<vmem>>[vector<16xi32>, vector<16xi32>], vector<16xf32>,
      %sub3A_174 = arith.subf %gather3A_172, %gather3A_173 : vector<16xf32>
      %gather3A_175 = tpu.vector_load_idx %arg12[%broadcast_in_dim3A_32, %convert_element_type3A] : memref<6x5000xf32, #tpu.memory_space<vmem>>[vector<16xi32>, vector<16xi32>], vector<16xf32>,
      %gather3A_176 = tpu.vector_load_idx %arg12[%broadcast_in_dim3A_32, %convert_element_type3A_164] : memref<6x5000xf32, #tpu.memory_space<vmem>>[vector<16xi32>, vector<16xi32>], vector<16xf32>,
      %sub3A_177 = arith.subf %gather3A_175, %gather3A_176 : vector<16xf32>
      %gather3A_178 = tpu.vector_load_idx %arg12[%broadcast_in_dim3A_34, %convert_element_type3A] : memref<6x5000xf32, #tpu.memory_space<vmem>>[vector<16xi32>, vector<16xi32>], vector<16xf32>,
      %gather3A_179 = tpu.vector_load_idx %arg12[%broadcast_in_dim3A_34, %convert_element_type3A_164] : memref<6x5000xf32, #tpu.memory_space<vmem>>[vector<16xi32>, vector<16xi32>], vector<16xf32>,
      %sub3A_180 = arith.subf %gather3A_178, %gather3A_179 : vector<16xf32>
      %gather3A_181 = tpu.vector_load_idx %arg12[%broadcast_in_dim3A_36, %convert_element_type3A] : memref<6x5000xf32, #tpu.memory_space<vmem>>[vector<16xi32>, vector<16xi32>], vector<16xf32>,
      %gather3A_182 = tpu.vector_load_idx %arg12[%broadcast_in_dim3A_36, %convert_element_type3A_164] : memref<6x5000xf32, #tpu.memory_space<vmem>>[vector<16xi32>, vector<16xi32>], vector<16xf32>,
      %sub3A_183 = arith.subf %gather3A_181, %gather3A_182 : vector<16xf32>
      %mul3A_184 = arith.mulf %get3A_166, %get3A_166 : vector<16xf32>
      %mul3A_185 = arith.constant 5.000000e-01 : f32
      %mul3A_186 = vector.broadcast %mul3A_185 : f32 to vector<16xf32>
      %mul3A_187 = arith.mulf %mul3A_184, %mul3A_186 : vector<16xf32>
      %mul3A_188 = arith.mulf %sub3A_174, %get3A_166 : vector<16xf32>
      %add3A_189 = arith.addf %sub3A_168, %mul3A_188 : vector<16xf32>
      %mul3A_190 = arith.mulf %sub3A_180, %mul3A_187 : vector<16xf32>
      %add3A_191 = arith.addf %add3A_189, %mul3A_190 : vector<16xf32>
      %add3A_192 = arith.constant 9.99999997E-7 : f32
      %add3A_193 = vector.broadcast %add3A_192 : f32 to vector<16xf32>
      %add3A_194 = arith.addf %add3A_191, %add3A_193 : vector<16xf32>
      %mul3A_195 = arith.mulf %sub3A_177, %get3A_166 : vector<16xf32>
      %add3A_196 = arith.addf %sub3A_171, %mul3A_195 : vector<16xf32>
      %mul3A_197 = arith.mulf %sub3A_183, %mul3A_187 : vector<16xf32>
      %add3A_198 = arith.addf %add3A_196, %mul3A_197 : vector<16xf32>
      %add3A_199 = arith.constant 9.99999997E-7 : f32
      %add3A_200 = vector.broadcast %add3A_199 : f32 to vector<16xf32>
      %add3A_201 = arith.addf %add3A_198, %add3A_200 : vector<16xf32>
      %mul3A_202 = arith.mulf %add3A_194, %add3A_194 : vector<16xf32>
      %mul3A_203 = arith.mulf %add3A_201, %add3A_201 : vector<16xf32>
      %add3A_204 = arith.addf %mul3A_202, %mul3A_203 : vector<16xf32>
      %mul3A_205 = arith.constant 5.000000e-01 : f32
      %mul3A_206 = vector.broadcast %mul3A_205 : f32 to vector<16xf32>
      %mul3A_207 = arith.mulf %add3A_204, %mul3A_206 : vector<16xf32>
      %bitcast3A = vector.bitcast %add3A_204 : vector<16xf32> to vector<16xi32>
      %shift_right_arithmetic3A = arith.constant 1 : i32
      %shift_right_arithmetic3A_208 = vector.broadcast %shift_right_arithmetic3A : i32 to vector<16xi32>
      %shift_right_arithmetic3A_209 = arith.shrsi %bitcast3A, %shift_right_arithmetic3A_208 : vector<16xi32>
      %sub3A_210 = arith.constant 1597463007 : i32
      %sub3A_211 = vector.broadcast %sub3A_210 : i32 to vector<16xi32>
      %sub3A_212 = arith.subi %sub3A_211, %shift_right_arithmetic3A_209 : vector<16xi32>
      %bitcast3A_213 = vector.bitcast %sub3A_212 : vector<16xi32> to vector<16xf32>
      %mul3A_214 = arith.mulf %mul3A_207, %bitcast3A_213 : vector<16xf32>
      %mul3A_215 = arith.mulf %mul3A_214, %bitcast3A_213 : vector<16xf32>
      %sub3A_216 = arith.constant 1.500000e+00 : f32
      %sub3A_217 = vector.broadcast %sub3A_216 : f32 to vector<16xf32>
      %sub3A_218 = arith.subf %sub3A_217, %mul3A_215 : vector<16xf32>
      %mul3A_219 = arith.mulf %bitcast3A_213, %sub3A_218 : vector<16xf32>
      %mul3A_220 = arith.mulf %mul3A_207, %mul3A_219 : vector<16xf32>
      %mul3A_221 = arith.mulf %mul3A_220, %mul3A_219 : vector<16xf32>
      %sub3A_222 = arith.constant 1.500000e+00 : f32
      %sub3A_223 = vector.broadcast %sub3A_222 : f32 to vector<16xf32>
      %sub3A_224 = arith.subf %sub3A_223, %mul3A_221 : vector<16xf32>
      %mul3A_225 = arith.mulf %mul3A_219, %sub3A_224 : vector<16xf32>
      %mul3A_226 = arith.mulf %add3A_204, %mul3A_225 : vector<16xf32>
      %mul3A_227 = arith.mulf %mul3A_226, %select_n3A_158 : vector<16xf32>
      %add3A_228 = arith.addf %while3A_148, %mul3A_227 : vector<16xf32>
      scf.yield %add3A_228 : vector<16xf32>
    }
    %while3A_72 = arith.constant 98 : i32
    %while3A_73 = arith.subi %while3A_72, %select_n3A : i32
    %while3A_74 = arith.addi %select_n3A, %while3A_73 : i32
    %while3A_75 = arith.constant 1 : i32
    %while3A_76 = arith.divsi %while3A_73, %while3A_75 : i32
    %while3A_77 = arith.muli %while3A_76, %while3A_75 : i32
    %while3A_78 = arith.addi %select_n3A, %while3A_77 : i32
    %while3A_79 = arith.constant 1 : i32
    %while3A_80 = scf.for %while3A_147 = %select_n3A to %while3A_78 step %while3A_79 iter_args(%while3A_148 = %while3A_71) -> (vector<16xf32>)  : i32 {
      %mul3A_149 = arith.constant 16 : i32
      %mul3A_150 = arith.muli %while3A_147, %mul3A_149 : i32
      %get3A = arith.index_cast %mul3A_150 : i32 to index
      %get3A_151 = tpu.vector_load %arg9[%get3A] {strides = array<i32>} : memref<1568xf32, #tpu.memory_space<vmem>>, vector<16xf32>,
      %convert_element_type3A = arith.fptosi %get3A_151 : vector<16xf32> to vector<16xi32>
      %get3A_152 = arith.index_cast %mul3A_150 : i32 to index
      %get3A_153 = tpu.vector_load %arg10[%get3A_152] {strides = array<i32>} : memref<1568xf32, #tpu.memory_space<vmem>>, vector<16xf32>,
      %convert_element_type3A_154 = arith.fptosi %get3A_153 : vector<16xf32> to vector<16xi32>
      %get3A_155 = arith.index_cast %mul3A_150 : i32 to index
      %get3A_156 = tpu.vector_load %arg11[%get3A_155] {strides = array<i32>} : memref<1568xf32, #tpu.memory_space<vmem>>, vector<16xf32>,
      %gather3A = tpu.vector_load_idx %arg12[%broadcast_in_dim3A_26, %convert_element_type3A] : memref<6x5000xf32, #tpu.memory_space<vmem>>[vector<16xi32>, vector<16xi32>], vector<16xf32>,
      %gather3A_157 = tpu.vector_load_idx %arg12[%broadcast_in_dim3A_26, %convert_element_type3A_154] : memref<6x5000xf32, #tpu.memory_space<vmem>>[vector<16xi32>, vector<16xi32>], vector<16xf32>,
      %sub3A_158 = arith.subf %gather3A, %gather3A_157 : vector<16xf32>
      %gather3A_159 = tpu.vector_load_idx %arg12[%broadcast_in_dim3A_28, %convert_element_type3A] : memref<6x5000xf32, #tpu.memory_space<vmem>>[vector<16xi32>, vector<16xi32>], vector<16xf32>,
      %gather3A_160 = tpu.vector_load_idx %arg12[%broadcast_in_dim3A_28, %convert_element_type3A_154] : memref<6x5000xf32, #tpu.memory_space<vmem>>[vector<16xi32>, vector<16xi32>], vector<16xf32>,
      %sub3A_161 = arith.subf %gather3A_159, %gather3A_160 : vector<16xf32>
      %gather3A_162 = tpu.vector_load_idx %arg12[%broadcast_in_dim3A_30, %convert_element_type3A] : memref<6x5000xf32, #tpu.memory_space<vmem>>[vector<16xi32>, vector<16xi32>], vector<16xf32>,
      %gather3A_163 = tpu.vector_load_idx %arg12[%broadcast_in_dim3A_30, %convert_element_type3A_154] : memref<6x5000xf32, #tpu.memory_space<vmem>>[vector<16xi32>, vector<16xi32>], vector<16xf32>,
      %sub3A_164 = arith.subf %gather3A_162, %gather3A_163 : vector<16xf32>
      %gather3A_165 = tpu.vector_load_idx %arg12[%broadcast_in_dim3A_32, %convert_element_type3A] : memref<6x5000xf32, #tpu.memory_space<vmem>>[vector<16xi32>, vector<16xi32>], vector<16xf32>,
      %gather3A_166 = tpu.vector_load_idx %arg12[%broadcast_in_dim3A_32, %convert_element_type3A_154] : memref<6x5000xf32, #tpu.memory_space<vmem>>[vector<16xi32>, vector<16xi32>], vector<16xf32>,
      %sub3A_167 = arith.subf %gather3A_165, %gather3A_166 : vector<16xf32>
      %gather3A_168 = tpu.vector_load_idx %arg12[%broadcast_in_dim3A_34, %convert_element_type3A] : memref<6x5000xf32, #tpu.memory_space<vmem>>[vector<16xi32>, vector<16xi32>], vector<16xf32>,
      %gather3A_169 = tpu.vector_load_idx %arg12[%broadcast_in_dim3A_34, %convert_element_type3A_154] : memref<6x5000xf32, #tpu.memory_space<vmem>>[vector<16xi32>, vector<16xi32>], vector<16xf32>,
      %sub3A_170 = arith.subf %gather3A_168, %gather3A_169 : vector<16xf32>
      %gather3A_171 = tpu.vector_load_idx %arg12[%broadcast_in_dim3A_36, %convert_element_type3A] : memref<6x5000xf32, #tpu.memory_space<vmem>>[vector<16xi32>, vector<16xi32>], vector<16xf32>,
      %gather3A_172 = tpu.vector_load_idx %arg12[%broadcast_in_dim3A_36, %convert_element_type3A_154] : memref<6x5000xf32, #tpu.memory_space<vmem>>[vector<16xi32>, vector<16xi32>], vector<16xf32>,
      %sub3A_173 = arith.subf %gather3A_171, %gather3A_172 : vector<16xf32>
      %mul3A_174 = arith.mulf %get3A_156, %get3A_156 : vector<16xf32>
      %mul3A_175 = arith.constant 5.000000e-01 : f32
      %mul3A_176 = vector.broadcast %mul3A_175 : f32 to vector<16xf32>
      %mul3A_177 = arith.mulf %mul3A_174, %mul3A_176 : vector<16xf32>
      %mul3A_178 = arith.mulf %sub3A_164, %get3A_156 : vector<16xf32>
      %add3A_179 = arith.addf %sub3A_158, %mul3A_178 : vector<16xf32>
      %mul3A_180 = arith.mulf %sub3A_170, %mul3A_177 : vector<16xf32>
      %add3A_181 = arith.addf %add3A_179, %mul3A_180 : vector<16xf32>
      %add3A_182 = arith.constant 9.99999997E-7 : f32
      %add3A_183 = vector.broadcast %add3A_182 : f32 to vector<16xf32>
      %add3A_184 = arith.addf %add3A_181, %add3A_183 : vector<16xf32>
      %mul3A_185 = arith.mulf %sub3A_167, %get3A_156 : vector<16xf32>
      %add3A_186 = arith.addf %sub3A_161, %mul3A_185 : vector<16xf32>
      %mul3A_187 = arith.mulf %sub3A_173, %mul3A_177 : vector<16xf32>
      %add3A_188 = arith.addf %add3A_186, %mul3A_187 : vector<16xf32>
      %add3A_189 = arith.constant 9.99999997E-7 : f32
      %add3A_190 = vector.broadcast %add3A_189 : f32 to vector<16xf32>
      %add3A_191 = arith.addf %add3A_188, %add3A_190 : vector<16xf32>
      %mul3A_192 = arith.mulf %add3A_184, %add3A_184 : vector<16xf32>
      %mul3A_193 = arith.mulf %add3A_191, %add3A_191 : vector<16xf32>
      %add3A_194 = arith.addf %mul3A_192, %mul3A_193 : vector<16xf32>
      %mul3A_195 = arith.constant 5.000000e-01 : f32
      %mul3A_196 = vector.broadcast %mul3A_195 : f32 to vector<16xf32>
      %mul3A_197 = arith.mulf %add3A_194, %mul3A_196 : vector<16xf32>
      %bitcast3A = vector.bitcast %add3A_194 : vector<16xf32> to vector<16xi32>
      %shift_right_arithmetic3A = arith.constant 1 : i32
      %shift_right_arithmetic3A_198 = vector.broadcast %shift_right_arithmetic3A : i32 to vector<16xi32>
      %shift_right_arithmetic3A_199 = arith.shrsi %bitcast3A, %shift_right_arithmetic3A_198 : vector<16xi32>
      %sub3A_200 = arith.constant 1597463007 : i32
      %sub3A_201 = vector.broadcast %sub3A_200 : i32 to vector<16xi32>
      %sub3A_202 = arith.subi %sub3A_201, %shift_right_arithmetic3A_199 : vector<16xi32>
      %bitcast3A_203 = vector.bitcast %sub3A_202 : vector<16xi32> to vector<16xf32>
      %mul3A_204 = arith.mulf %mul3A_197, %bitcast3A_203 : vector<16xf32>
      %mul3A_205 = arith.mulf %mul3A_204, %bitcast3A_203 : vector<16xf32>
      %sub3A_206 = arith.constant 1.500000e+00 : f32
      %sub3A_207 = vector.broadcast %sub3A_206 : f32 to vector<16xf32>
      %sub3A_208 = arith.subf %sub3A_207, %mul3A_205 : vector<16xf32>
      %mul3A_209 = arith.mulf %bitcast3A_203, %sub3A_208 : vector<16xf32>
      %mul3A_210 = arith.mulf %mul3A_197, %mul3A_209 : vector<16xf32>
      %mul3A_211 = arith.mulf %mul3A_210, %mul3A_209 : vector<16xf32>
      %sub3A_212 = arith.constant 1.500000e+00 : f32
      %sub3A_213 = vector.broadcast %sub3A_212 : f32 to vector<16xf32>
      %sub3A_214 = arith.subf %sub3A_213, %mul3A_211 : vector<16xf32>
      %mul3A_215 = arith.mulf %mul3A_209, %sub3A_214 : vector<16xf32>
      %mul3A_216 = arith.mulf %add3A_194, %mul3A_215 : vector<16xf32>
      %add3A_217 = arith.addf %while3A_148, %mul3A_216 : vector<16xf32>
      scf.yield %add3A_217 : vector<16xf32>
    }
    %while3A_81 = arith.constant 1 : i32
    %while3A_82 = scf.for %while3A_147 = %while3A_78 to %while3A_74 step %while3A_81 iter_args(%while3A_148 = %while3A_80) -> (vector<16xf32>)  : i32 {
      %mul3A_149 = arith.constant 16 : i32
      %mul3A_150 = arith.muli %while3A_147, %mul3A_149 : i32
      %get3A = arith.index_cast %mul3A_150 : i32 to index
      %get3A_151 = tpu.vector_load %arg9[%get3A] {strides = array<i32>} : memref<1568xf32, #tpu.memory_space<vmem>>, vector<16xf32>,
      %convert_element_type3A = arith.fptosi %get3A_151 : vector<16xf32> to vector<16xi32>
      %get3A_152 = arith.index_cast %mul3A_150 : i32 to index
      %get3A_153 = tpu.vector_load %arg10[%get3A_152] {strides = array<i32>} : memref<1568xf32, #tpu.memory_space<vmem>>, vector<16xf32>,
      %convert_element_type3A_154 = arith.fptosi %get3A_153 : vector<16xf32> to vector<16xi32>
      %get3A_155 = arith.index_cast %mul3A_150 : i32 to index
      %get3A_156 = tpu.vector_load %arg11[%get3A_155] {strides = array<i32>} : memref<1568xf32, #tpu.memory_space<vmem>>, vector<16xf32>,
      %gather3A = tpu.vector_load_idx %arg12[%broadcast_in_dim3A_26, %convert_element_type3A] : memref<6x5000xf32, #tpu.memory_space<vmem>>[vector<16xi32>, vector<16xi32>], vector<16xf32>,
      %gather3A_157 = tpu.vector_load_idx %arg12[%broadcast_in_dim3A_26, %convert_element_type3A_154] : memref<6x5000xf32, #tpu.memory_space<vmem>>[vector<16xi32>, vector<16xi32>], vector<16xf32>,
      %sub3A_158 = arith.subf %gather3A, %gather3A_157 : vector<16xf32>
      %gather3A_159 = tpu.vector_load_idx %arg12[%broadcast_in_dim3A_28, %convert_element_type3A] : memref<6x5000xf32, #tpu.memory_space<vmem>>[vector<16xi32>, vector<16xi32>], vector<16xf32>,
      %gather3A_160 = tpu.vector_load_idx %arg12[%broadcast_in_dim3A_28, %convert_element_type3A_154] : memref<6x5000xf32, #tpu.memory_space<vmem>>[vector<16xi32>, vector<16xi32>], vector<16xf32>,
      %sub3A_161 = arith.subf %gather3A_159, %gather3A_160 : vector<16xf32>
      %gather3A_162 = tpu.vector_load_idx %arg12[%broadcast_in_dim3A_30, %convert_element_type3A] : memref<6x5000xf32, #tpu.memory_space<vmem>>[vector<16xi32>, vector<16xi32>], vector<16xf32>,
      %gather3A_163 = tpu.vector_load_idx %arg12[%broadcast_in_dim3A_30, %convert_element_type3A_154] : memref<6x5000xf32, #tpu.memory_space<vmem>>[vector<16xi32>, vector<16xi32>], vector<16xf32>,
      %sub3A_164 = arith.subf %gather3A_162, %gather3A_163 : vector<16xf32>
      %gather3A_165 = tpu.vector_load_idx %arg12[%broadcast_in_dim3A_32, %convert_element_type3A] : memref<6x5000xf32, #tpu.memory_space<vmem>>[vector<16xi32>, vector<16xi32>], vector<16xf32>,
      %gather3A_166 = tpu.vector_load_idx %arg12[%broadcast_in_dim3A_32, %convert_element_type3A_154] : memref<6x5000xf32, #tpu.memory_space<vmem>>[vector<16xi32>, vector<16xi32>], vector<16xf32>,
      %sub3A_167 = arith.subf %gather3A_165, %gather3A_166 : vector<16xf32>
      %gather3A_168 = tpu.vector_load_idx %arg12[%broadcast_in_dim3A_34, %convert_element_type3A] : memref<6x5000xf32, #tpu.memory_space<vmem>>[vector<16xi32>, vector<16xi32>], vector<16xf32>,
      %gather3A_169 = tpu.vector_load_idx %arg12[%broadcast_in_dim3A_34, %convert_element_type3A_154] : memref<6x5000xf32, #tpu.memory_space<vmem>>[vector<16xi32>, vector<16xi32>], vector<16xf32>,
      %sub3A_170 = arith.subf %gather3A_168, %gather3A_169 : vector<16xf32>
      %gather3A_171 = tpu.vector_load_idx %arg12[%broadcast_in_dim3A_36, %convert_element_type3A] : memref<6x5000xf32, #tpu.memory_space<vmem>>[vector<16xi32>, vector<16xi32>], vector<16xf32>,
      %gather3A_172 = tpu.vector_load_idx %arg12[%broadcast_in_dim3A_36, %convert_element_type3A_154] : memref<6x5000xf32, #tpu.memory_space<vmem>>[vector<16xi32>, vector<16xi32>], vector<16xf32>,
      %sub3A_173 = arith.subf %gather3A_171, %gather3A_172 : vector<16xf32>
      %mul3A_174 = arith.mulf %get3A_156, %get3A_156 : vector<16xf32>
      %mul3A_175 = arith.constant 5.000000e-01 : f32
      %mul3A_176 = vector.broadcast %mul3A_175 : f32 to vector<16xf32>
      %mul3A_177 = arith.mulf %mul3A_174, %mul3A_176 : vector<16xf32>
      %mul3A_178 = arith.mulf %sub3A_164, %get3A_156 : vector<16xf32>
      %add3A_179 = arith.addf %sub3A_158, %mul3A_178 : vector<16xf32>
      %mul3A_180 = arith.mulf %sub3A_170, %mul3A_177 : vector<16xf32>
      %add3A_181 = arith.addf %add3A_179, %mul3A_180 : vector<16xf32>
      %add3A_182 = arith.constant 9.99999997E-7 : f32
      %add3A_183 = vector.broadcast %add3A_182 : f32 to vector<16xf32>
      %add3A_184 = arith.addf %add3A_181, %add3A_183 : vector<16xf32>
      %mul3A_185 = arith.mulf %sub3A_167, %get3A_156 : vector<16xf32>
      %add3A_186 = arith.addf %sub3A_161, %mul3A_185 : vector<16xf32>
      %mul3A_187 = arith.mulf %sub3A_173, %mul3A_177 : vector<16xf32>
      %add3A_188 = arith.addf %add3A_186, %mul3A_187 : vector<16xf32>
      %add3A_189 = arith.constant 9.99999997E-7 : f32
      %add3A_190 = vector.broadcast %add3A_189 : f32 to vector<16xf32>
      %add3A_191 = arith.addf %add3A_188, %add3A_190 : vector<16xf32>
      %mul3A_192 = arith.mulf %add3A_184, %add3A_184 : vector<16xf32>
      %mul3A_193 = arith.mulf %add3A_191, %add3A_191 : vector<16xf32>
      %add3A_194 = arith.addf %mul3A_192, %mul3A_193 : vector<16xf32>
      %mul3A_195 = arith.constant 5.000000e-01 : f32
      %mul3A_196 = vector.broadcast %mul3A_195 : f32 to vector<16xf32>
      %mul3A_197 = arith.mulf %add3A_194, %mul3A_196 : vector<16xf32>
      %bitcast3A = vector.bitcast %add3A_194 : vector<16xf32> to vector<16xi32>
      %shift_right_arithmetic3A = arith.constant 1 : i32
      %shift_right_arithmetic3A_198 = vector.broadcast %shift_right_arithmetic3A : i32 to vector<16xi32>
      %shift_right_arithmetic3A_199 = arith.shrsi %bitcast3A, %shift_right_arithmetic3A_198 : vector<16xi32>
      %sub3A_200 = arith.constant 1597463007 : i32
      %sub3A_201 = vector.broadcast %sub3A_200 : i32 to vector<16xi32>
      %sub3A_202 = arith.subi %sub3A_201, %shift_right_arithmetic3A_199 : vector<16xi32>
      %bitcast3A_203 = vector.bitcast %sub3A_202 : vector<16xi32> to vector<16xf32>
      %mul3A_204 = arith.mulf %mul3A_197, %bitcast3A_203 : vector<16xf32>
      %mul3A_205 = arith.mulf %mul3A_204, %bitcast3A_203 : vector<16xf32>
      %sub3A_206 = arith.constant 1.500000e+00 : f32
      %sub3A_207 = vector.broadcast %sub3A_206 : f32 to vector<16xf32>
      %sub3A_208 = arith.subf %sub3A_207, %mul3A_205 : vector<16xf32>
      %mul3A_209 = arith.mulf %bitcast3A_203, %sub3A_208 : vector<16xf32>
      %mul3A_210 = arith.mulf %mul3A_197, %mul3A_209 : vector<16xf32>
      %mul3A_211 = arith.mulf %mul3A_210, %mul3A_209 : vector<16xf32>
      %sub3A_212 = arith.constant 1.500000e+00 : f32
      %sub3A_213 = vector.broadcast %sub3A_212 : f32 to vector<16xf32>
      %sub3A_214 = arith.subf %sub3A_213, %mul3A_211 : vector<16xf32>
      %mul3A_215 = arith.mulf %mul3A_209, %sub3A_214 : vector<16xf32>
      %mul3A_216 = arith.mulf %add3A_194, %mul3A_215 : vector<16xf32>
      %add3A_217 = arith.addf %while3A_148, %mul3A_216 : vector<16xf32>
      scf.yield %add3A_217 : vector<16xf32>
    }
    %mul3A_83 = arith.constant 64 : i32
    %mul3A_84 = arith.muli %add3A, %mul3A_83 : i32
    %sub3A_85 = arith.subi %mul3A_84, %min3A_7 : i32
    %add3A_86 = arith.constant 16 : i32
    %add3A_87 = arith.addi %sub3A_85, %add3A_86 : i32
    %sub3A_88 = arith.constant 1 : i32
    %sub3A_89 = arith.subi %add3A_87, %sub3A_88 : i32
    %jit3A_90 = arith.constant 16 : i32
    %div3A_91 = arith.divsi %sub3A_89, %jit3A_90 : i32
    %sign3A_92 = arith.constant 0 : i32
    %sign3A_93 = arith.cmpi sgt, %sub3A_89, %sign3A_92 : i32
    %sign3A_94 = arith.extui %sign3A_93 : i1 to i32
    %sign3A_95 = arith.constant 0 : i32
    %sign3A_96 = arith.cmpi slt, %sub3A_89, %sign3A_95 : i32
    %sign3A_97 = arith.extui %sign3A_96 : i1 to i32
    %sign3A_98 = arith.subi %sign3A_94, %sign3A_97 : i32
    %sign3A_99 = arith.constant 0 : i32
    %sign3A_100 = arith.cmpi sgt, %jit3A_90, %sign3A_99 : i32
    %sign3A_101 = arith.extui %sign3A_100 : i1 to i32
    %sign3A_102 = arith.constant 0 : i32
    %sign3A_103 = arith.cmpi slt, %jit3A_90, %sign3A_102 : i32
    %sign3A_104 = arith.extui %sign3A_103 : i1 to i32
    %sign3A_105 = arith.subi %sign3A_101, %sign3A_104 : i32
    %ne3A_106 = arith.cmpi ne, %sign3A_98, %sign3A_105 : i32
    %rem3A_107 = arith.remsi %sub3A_89, %jit3A_90 : i32
    %ne3A_108 = arith.constant 0 : i32
    %ne3A_109 = arith.cmpi ne, %rem3A_107, %ne3A_108 : i32
    %and3A_110 = arith.andi %ne3A_106, %ne3A_109 : i1
    %sub3A_111 = arith.constant 1 : i32
    %sub3A_112 = arith.subi %div3A_91, %sub3A_111 : i32
    %select_n3A_113 = arith.select %and3A_110, %sub3A_112, %div3A_91 : i32
    %broadcast_in_dim3A_114 = arith.constant 0.000000e+00 : f32
    %broadcast_in_dim3A_115 = vector.broadcast %broadcast_in_dim3A_114 : f32 to vector<16xf32>
    %while3A_116 = arith.constant 0 : i32
    %while3A_117 = arith.subi %select_n3A_113, %while3A_116 : i32
    %while3A_118 = arith.addi %while3A_116, %while3A_117 : i32
    %while3A_119 = arith.constant 1 : i32
    %while3A_120 = arith.divsi %while3A_117, %while3A_119 : i32
    %while3A_121 = arith.muli %while3A_120, %while3A_119 : i32
    %while3A_122 = arith.addi %while3A_116, %while3A_121 : i32
    %while3A_123 = arith.constant 1 : i32
    %while3A_124 = scf.for %while3A_147 = %while3A_116 to %while3A_122 step %while3A_123 iter_args(%while3A_148 = %broadcast_in_dim3A_115) -> (vector<16xf32>)  : i32 {
      %mul3A_149 = arith.constant 16 : i32
      %mul3A_150 = arith.muli %while3A_147, %mul3A_149 : i32
      %add3A_151 = vector.broadcast %mul3A_150 : i32 to vector<16xi32>
      %add3A_152 = arith.addi %add3A_151, %iota3A : vector<16xi32>
      %ge3A = vector.broadcast %sub3A_85 : i32 to vector<16xi32>
      %ge3A_153 = arith.cmpi sge, %add3A_152, %ge3A : vector<16xi32>
      %jit3A_154 = arith.constant 1.000000e+00 : f32
      %jit3A_155 = arith.constant 0.000000e+00 : f32
      %broadcast_in_dim3A_156 = vector.broadcast %jit3A_154 : f32 to vector<16xf32>
      %broadcast_in_dim3A_157 = vector.broadcast %jit3A_155 : f32 to vector<16xf32>
      %select_n3A_158 = arith.select %ge3A_153, %broadcast_in_dim3A_156, %broadcast_in_dim3A_157 : vector<16xi1>, vector<16xf32>
      %mul3A_159 = arith.constant 16 : i32
      %mul3A_160 = arith.muli %while3A_147, %mul3A_159 : i32
      %get3A = arith.index_cast %mul3A_160 : i32 to index
      %get3A_161 = tpu.vector_load %arg13[%get3A] {strides = array<i32>} : memref<64xi32, #tpu.memory_space<vmem>>, vector<16xi32>,
      %get3A_162 = arith.index_cast %mul3A_160 : i32 to index
      %get3A_163 = tpu.vector_load %arg14[%get3A_162] {strides = array<i32>} : memref<64xi32, #tpu.memory_space<vmem>>, vector<16xi32>,
      %gather3A = tpu.vector_load_idx %arg12[%broadcast_in_dim3A_26, %get3A_161] : memref<6x5000xf32, #tpu.memory_space<vmem>>[vector<16xi32>, vector<16xi32>], vector<16xf32>,
      %gather3A_164 = tpu.vector_load_idx %arg12[%broadcast_in_dim3A_26, %get3A_163] : memref<6x5000xf32, #tpu.memory_space<vmem>>[vector<16xi32>, vector<16xi32>], vector<16xf32>,
      %sub3A_165 = arith.subf %gather3A, %gather3A_164 : vector<16xf32>
      %gather3A_166 = tpu.vector_load_idx %arg12[%broadcast_in_dim3A_28, %get3A_161] : memref<6x5000xf32, #tpu.memory_space<vmem>>[vector<16xi32>, vector<16xi32>], vector<16xf32>,
      %gather3A_167 = tpu.vector_load_idx %arg12[%broadcast_in_dim3A_28, %get3A_163] : memref<6x5000xf32, #tpu.memory_space<vmem>>[vector<16xi32>, vector<16xi32>], vector<16xf32>,
      %sub3A_168 = arith.subf %gather3A_166, %gather3A_167 : vector<16xf32>
      %gather3A_169 = tpu.vector_load_idx %arg12[%broadcast_in_dim3A_30, %get3A_161] : memref<6x5000xf32, #tpu.memory_space<vmem>>[vector<16xi32>, vector<16xi32>], vector<16xf32>,
      %gather3A_170 = tpu.vector_load_idx %arg12[%broadcast_in_dim3A_30, %get3A_163] : memref<6x5000xf32, #tpu.memory_space<vmem>>[vector<16xi32>, vector<16xi32>], vector<16xf32>,
      %sub3A_171 = arith.subf %gather3A_169, %gather3A_170 : vector<16xf32>
      %gather3A_172 = tpu.vector_load_idx %arg12[%broadcast_in_dim3A_32, %get3A_161] : memref<6x5000xf32, #tpu.memory_space<vmem>>[vector<16xi32>, vector<16xi32>], vector<16xf32>,
      %gather3A_173 = tpu.vector_load_idx %arg12[%broadcast_in_dim3A_32, %get3A_163] : memref<6x5000xf32, #tpu.memory_space<vmem>>[vector<16xi32>, vector<16xi32>], vector<16xf32>,
      %sub3A_174 = arith.subf %gather3A_172, %gather3A_173 : vector<16xf32>
      %gather3A_175 = tpu.vector_load_idx %arg12[%broadcast_in_dim3A_34, %get3A_161] : memref<6x5000xf32, #tpu.memory_space<vmem>>[vector<16xi32>, vector<16xi32>], vector<16xf32>,
      %gather3A_176 = tpu.vector_load_idx %arg12[%broadcast_in_dim3A_34, %get3A_163] : memref<6x5000xf32, #tpu.memory_space<vmem>>[vector<16xi32>, vector<16xi32>], vector<16xf32>,
      %sub3A_177 = arith.subf %gather3A_175, %gather3A_176 : vector<16xf32>
      %gather3A_178 = tpu.vector_load_idx %arg12[%broadcast_in_dim3A_36, %get3A_161] : memref<6x5000xf32, #tpu.memory_space<vmem>>[vector<16xi32>, vector<16xi32>], vector<16xf32>,
      %gather3A_179 = tpu.vector_load_idx %arg12[%broadcast_in_dim3A_36, %get3A_163] : memref<6x5000xf32, #tpu.memory_space<vmem>>[vector<16xi32>, vector<16xi32>], vector<16xf32>,
      %sub3A_180 = arith.subf %gather3A_178, %gather3A_179 : vector<16xf32>
      %broadcast_in_dim3A_181 = arith.constant 0.000000e+00 : f32
      %broadcast_in_dim3A_182 = vector.broadcast %broadcast_in_dim3A_181 : f32 to vector<16xf32>
      %mul3A_183 = arith.constant 5.000000e-02 : f32
      %mul3A_184 = vector.broadcast %mul3A_183 : f32 to vector<16xf32>
      %mul3A_185 = arith.mulf %sub3A_171, %mul3A_184 : vector<16xf32>
      %add3A_186 = arith.addf %sub3A_165, %mul3A_185 : vector<16xf32>
      %mul3A_187 = arith.constant 1.250000e-03 : f32
      %mul3A_188 = vector.broadcast %mul3A_187 : f32 to vector<16xf32>
      %mul3A_189 = arith.mulf %sub3A_177, %mul3A_188 : vector<16xf32>
      %add3A_190 = arith.addf %add3A_186, %mul3A_189 : vector<16xf32>
      %add3A_191 = arith.constant 9.99999997E-7 : f32
      %add3A_192 = vector.broadcast %add3A_191 : f32 to vector<16xf32>
      %add3A_193 = arith.addf %add3A_190, %add3A_192 : vector<16xf32>
      %mul3A_194 = arith.constant 5.000000e-02 : f32
      %mul3A_195 = vector.broadcast %mul3A_194 : f32 to vector<16xf32>
      %mul3A_196 = arith.mulf %sub3A_174, %mul3A_195 : vector<16xf32>
      %add3A_197 = arith.addf %sub3A_168, %mul3A_196 : vector<16xf32>
      %mul3A_198 = arith.constant 1.250000e-03 : f32
      %mul3A_199 = vector.broadcast %mul3A_198 : f32 to vector<16xf32>
      %mul3A_200 = arith.mulf %sub3A_180, %mul3A_199 : vector<16xf32>
      %add3A_201 = arith.addf %add3A_197, %mul3A_200 : vector<16xf32>
      %add3A_202 = arith.constant 9.99999997E-7 : f32
      %add3A_203 = vector.broadcast %add3A_202 : f32 to vector<16xf32>
      %add3A_204 = arith.addf %add3A_201, %add3A_203 : vector<16xf32>
      %mul3A_205 = arith.mulf %add3A_193, %add3A_193 : vector<16xf32>
      %mul3A_206 = arith.mulf %add3A_204, %add3A_204 : vector<16xf32>
      %add3A_207 = arith.addf %mul3A_205, %mul3A_206 : vector<16xf32>
      %mul3A_208 = arith.constant 5.000000e-01 : f32
      %mul3A_209 = vector.broadcast %mul3A_208 : f32 to vector<16xf32>
      %mul3A_210 = arith.mulf %add3A_207, %mul3A_209 : vector<16xf32>
      %bitcast3A = vector.bitcast %add3A_207 : vector<16xf32> to vector<16xi32>
      %shift_right_arithmetic3A = arith.constant 1 : i32
      %shift_right_arithmetic3A_211 = vector.broadcast %shift_right_arithmetic3A : i32 to vector<16xi32>
      %shift_right_arithmetic3A_212 = arith.shrsi %bitcast3A, %shift_right_arithmetic3A_211 : vector<16xi32>
      %sub3A_213 = arith.constant 1597463007 : i32
      %sub3A_214 = vector.broadcast %sub3A_213 : i32 to vector<16xi32>
      %sub3A_215 = arith.subi %sub3A_214, %shift_right_arithmetic3A_212 : vector<16xi32>
      %bitcast3A_216 = vector.bitcast %sub3A_215 : vector<16xi32> to vector<16xf32>
      %mul3A_217 = arith.mulf %mul3A_210, %bitcast3A_216 : vector<16xf32>
      %mul3A_218 = arith.mulf %mul3A_217, %bitcast3A_216 : vector<16xf32>
      %sub3A_219 = arith.constant 1.500000e+00 : f32
      %sub3A_220 = vector.broadcast %sub3A_219 : f32 to vector<16xf32>
      %sub3A_221 = arith.subf %sub3A_220, %mul3A_218 : vector<16xf32>
      %mul3A_222 = arith.mulf %bitcast3A_216, %sub3A_221 : vector<16xf32>
      %mul3A_223 = arith.mulf %mul3A_210, %mul3A_222 : vector<16xf32>
      %mul3A_224 = arith.mulf %mul3A_223, %mul3A_222 : vector<16xf32>
      %sub3A_225 = arith.constant 1.500000e+00 : f32
      %sub3A_226 = vector.broadcast %sub3A_225 : f32 to vector<16xf32>
      %sub3A_227 = arith.subf %sub3A_226, %mul3A_224 : vector<16xf32>
      %mul3A_228 = arith.mulf %mul3A_222, %sub3A_227 : vector<16xf32>
      %mul3A_229 = arith.mulf %add3A_207, %mul3A_228 : vector<16xf32>
      %neg3A = arith.constant 0.000000e+00 : f32
      %neg3A_230 = vector.broadcast %neg3A : f32 to vector<16xf32>
      %neg3A_231 = arith.subf %neg3A_230, %mul3A_229 : vector<16xf32>
      %exp3A = math.exp %neg3A_231 : vector<16xf32>
      %add3A_232 = arith.addf %broadcast_in_dim3A_182, %exp3A : vector<16xf32>
      %mul3A_233 = arith.constant 1.500000e-01 : f32
      %mul3A_234 = vector.broadcast %mul3A_233 : f32 to vector<16xf32>
      %mul3A_235 = arith.mulf %sub3A_171, %mul3A_234 : vector<16xf32>
      %add3A_236 = arith.addf %sub3A_165, %mul3A_235 : vector<16xf32>
      %mul3A_237 = arith.constant 1.125000e-02 : f32
      %mul3A_238 = vector.broadcast %mul3A_237 : f32 to vector<16xf32>
      %mul3A_239 = arith.mulf %sub3A_177, %mul3A_238 : vector<16xf32>
      %add3A_240 = arith.addf %add3A_236, %mul3A_239 : vector<16xf32>
      %add3A_241 = arith.constant 9.99999997E-7 : f32
      %add3A_242 = vector.broadcast %add3A_241 : f32 to vector<16xf32>
      %add3A_243 = arith.addf %add3A_240, %add3A_242 : vector<16xf32>
      %mul3A_244 = arith.constant 1.500000e-01 : f32
      %mul3A_245 = vector.broadcast %mul3A_244 : f32 to vector<16xf32>
      %mul3A_246 = arith.mulf %sub3A_174, %mul3A_245 : vector<16xf32>
      %add3A_247 = arith.addf %sub3A_168, %mul3A_246 : vector<16xf32>
      %mul3A_248 = arith.constant 1.125000e-02 : f32
      %mul3A_249 = vector.broadcast %mul3A_248 : f32 to vector<16xf32>
      %mul3A_250 = arith.mulf %sub3A_180, %mul3A_249 : vector<16xf32>
      %add3A_251 = arith.addf %add3A_247, %mul3A_250 : vector<16xf32>
      %add3A_252 = arith.constant 9.99999997E-7 : f32
      %add3A_253 = vector.broadcast %add3A_252 : f32 to vector<16xf32>
      %add3A_254 = arith.addf %add3A_251, %add3A_253 : vector<16xf32>
      %mul3A_255 = arith.mulf %add3A_243, %add3A_243 : vector<16xf32>
      %mul3A_256 = arith.mulf %add3A_254, %add3A_254 : vector<16xf32>
      %add3A_257 = arith.addf %mul3A_255, %mul3A_256 : vector<16xf32>
      %mul3A_258 = arith.constant 5.000000e-01 : f32
      %mul3A_259 = vector.broadcast %mul3A_258 : f32 to vector<16xf32>
      %mul3A_260 = arith.mulf %add3A_257, %mul3A_259 : vector<16xf32>
      %bitcast3A_261 = vector.bitcast %add3A_257 : vector<16xf32> to vector<16xi32>
      %shift_right_arithmetic3A_262 = arith.constant 1 : i32
      %shift_right_arithmetic3A_263 = vector.broadcast %shift_right_arithmetic3A_262 : i32 to vector<16xi32>
      %shift_right_arithmetic3A_264 = arith.shrsi %bitcast3A_261, %shift_right_arithmetic3A_263 : vector<16xi32>
      %sub3A_265 = arith.constant 1597463007 : i32
      %sub3A_266 = vector.broadcast %sub3A_265 : i32 to vector<16xi32>
      %sub3A_267 = arith.subi %sub3A_266, %shift_right_arithmetic3A_264 : vector<16xi32>
      %bitcast3A_268 = vector.bitcast %sub3A_267 : vector<16xi32> to vector<16xf32>
      %mul3A_269 = arith.mulf %mul3A_260, %bitcast3A_268 : vector<16xf32>
      %mul3A_270 = arith.mulf %mul3A_269, %bitcast3A_268 : vector<16xf32>
      %sub3A_271 = arith.constant 1.500000e+00 : f32
      %sub3A_272 = vector.broadcast %sub3A_271 : f32 to vector<16xf32>
      %sub3A_273 = arith.subf %sub3A_272, %mul3A_270 : vector<16xf32>
      %mul3A_274 = arith.mulf %bitcast3A_268, %sub3A_273 : vector<16xf32>
      %mul3A_275 = arith.mulf %mul3A_260, %mul3A_274 : vector<16xf32>
      %mul3A_276 = arith.mulf %mul3A_275, %mul3A_274 : vector<16xf32>
      %sub3A_277 = arith.constant 1.500000e+00 : f32
      %sub3A_278 = vector.broadcast %sub3A_277 : f32 to vector<16xf32>
      %sub3A_279 = arith.subf %sub3A_278, %mul3A_276 : vector<16xf32>
      %mul3A_280 = arith.mulf %mul3A_274, %sub3A_279 : vector<16xf32>
      %mul3A_281 = arith.mulf %add3A_257, %mul3A_280 : vector<16xf32>
      %neg3A_282 = arith.constant 0.000000e+00 : f32
      %neg3A_283 = vector.broadcast %neg3A_282 : f32 to vector<16xf32>
      %neg3A_284 = arith.subf %neg3A_283, %mul3A_281 : vector<16xf32>
      %exp3A_285 = math.exp %neg3A_284 : vector<16xf32>
      %add3A_286 = arith.addf %add3A_232, %exp3A_285 : vector<16xf32>
      %mul3A_287 = arith.constant 2.500000e-01 : f32
      %mul3A_288 = vector.broadcast %mul3A_287 : f32 to vector<16xf32>
      %mul3A_289 = arith.mulf %sub3A_171, %mul3A_288 : vector<16xf32>
      %add3A_290 = arith.addf %sub3A_165, %mul3A_289 : vector<16xf32>
      %mul3A_291 = arith.constant 3.125000e-02 : f32
      %mul3A_292 = vector.broadcast %mul3A_291 : f32 to vector<16xf32>
      %mul3A_293 = arith.mulf %sub3A_177, %mul3A_292 : vector<16xf32>
      %add3A_294 = arith.addf %add3A_290, %mul3A_293 : vector<16xf32>
      %add3A_295 = arith.constant 9.99999997E-7 : f32
      %add3A_296 = vector.broadcast %add3A_295 : f32 to vector<16xf32>
      %add3A_297 = arith.addf %add3A_294, %add3A_296 : vector<16xf32>
      %mul3A_298 = arith.constant 2.500000e-01 : f32
      %mul3A_299 = vector.broadcast %mul3A_298 : f32 to vector<16xf32>
      %mul3A_300 = arith.mulf %sub3A_174, %mul3A_299 : vector<16xf32>
      %add3A_301 = arith.addf %sub3A_168, %mul3A_300 : vector<16xf32>
      %mul3A_302 = arith.constant 3.125000e-02 : f32
      %mul3A_303 = vector.broadcast %mul3A_302 : f32 to vector<16xf32>
      %mul3A_304 = arith.mulf %sub3A_180, %mul3A_303 : vector<16xf32>
      %add3A_305 = arith.addf %add3A_301, %mul3A_304 : vector<16xf32>
      %add3A_306 = arith.constant 9.99999997E-7 : f32
      %add3A_307 = vector.broadcast %add3A_306 : f32 to vector<16xf32>
      %add3A_308 = arith.addf %add3A_305, %add3A_307 : vector<16xf32>
      %mul3A_309 = arith.mulf %add3A_297, %add3A_297 : vector<16xf32>
      %mul3A_310 = arith.mulf %add3A_308, %add3A_308 : vector<16xf32>
      %add3A_311 = arith.addf %mul3A_309, %mul3A_310 : vector<16xf32>
      %mul3A_312 = arith.constant 5.000000e-01 : f32
      %mul3A_313 = vector.broadcast %mul3A_312 : f32 to vector<16xf32>
      %mul3A_314 = arith.mulf %add3A_311, %mul3A_313 : vector<16xf32>
      %bitcast3A_315 = vector.bitcast %add3A_311 : vector<16xf32> to vector<16xi32>
      %shift_right_arithmetic3A_316 = arith.constant 1 : i32
      %shift_right_arithmetic3A_317 = vector.broadcast %shift_right_arithmetic3A_316 : i32 to vector<16xi32>
      %shift_right_arithmetic3A_318 = arith.shrsi %bitcast3A_315, %shift_right_arithmetic3A_317 : vector<16xi32>
      %sub3A_319 = arith.constant 1597463007 : i32
      %sub3A_320 = vector.broadcast %sub3A_319 : i32 to vector<16xi32>
      %sub3A_321 = arith.subi %sub3A_320, %shift_right_arithmetic3A_318 : vector<16xi32>
      %bitcast3A_322 = vector.bitcast %sub3A_321 : vector<16xi32> to vector<16xf32>
      %mul3A_323 = arith.mulf %mul3A_314, %bitcast3A_322 : vector<16xf32>
      %mul3A_324 = arith.mulf %mul3A_323, %bitcast3A_322 : vector<16xf32>
      %sub3A_325 = arith.constant 1.500000e+00 : f32
      %sub3A_326 = vector.broadcast %sub3A_325 : f32 to vector<16xf32>
      %sub3A_327 = arith.subf %sub3A_326, %mul3A_324 : vector<16xf32>
      %mul3A_328 = arith.mulf %bitcast3A_322, %sub3A_327 : vector<16xf32>
      %mul3A_329 = arith.mulf %mul3A_314, %mul3A_328 : vector<16xf32>
      %mul3A_330 = arith.mulf %mul3A_329, %mul3A_328 : vector<16xf32>
      %sub3A_331 = arith.constant 1.500000e+00 : f32
      %sub3A_332 = vector.broadcast %sub3A_331 : f32 to vector<16xf32>
      %sub3A_333 = arith.subf %sub3A_332, %mul3A_330 : vector<16xf32>
      %mul3A_334 = arith.mulf %mul3A_328, %sub3A_333 : vector<16xf32>
      %mul3A_335 = arith.mulf %add3A_311, %mul3A_334 : vector<16xf32>
      %neg3A_336 = arith.constant 0.000000e+00 : f32
      %neg3A_337 = vector.broadcast %neg3A_336 : f32 to vector<16xf32>
      %neg3A_338 = arith.subf %neg3A_337, %mul3A_335 : vector<16xf32>
      %exp3A_339 = math.exp %neg3A_338 : vector<16xf32>
      %add3A_340 = arith.addf %add3A_286, %exp3A_339 : vector<16xf32>
      %mul3A_341 = arith.constant 3.500000e-01 : f32
      %mul3A_342 = vector.broadcast %mul3A_341 : f32 to vector<16xf32>
      %mul3A_343 = arith.mulf %sub3A_171, %mul3A_342 : vector<16xf32>
      %add3A_344 = arith.addf %sub3A_165, %mul3A_343 : vector<16xf32>
      %mul3A_345 = arith.constant 6.125000e-02 : f32
      %mul3A_346 = vector.broadcast %mul3A_345 : f32 to vector<16xf32>
      %mul3A_347 = arith.mulf %sub3A_177, %mul3A_346 : vector<16xf32>
      %add3A_348 = arith.addf %add3A_344, %mul3A_347 : vector<16xf32>
      %add3A_349 = arith.constant 9.99999997E-7 : f32
      %add3A_350 = vector.broadcast %add3A_349 : f32 to vector<16xf32>
      %add3A_351 = arith.addf %add3A_348, %add3A_350 : vector<16xf32>
      %mul3A_352 = arith.constant 3.500000e-01 : f32
      %mul3A_353 = vector.broadcast %mul3A_352 : f32 to vector<16xf32>
      %mul3A_354 = arith.mulf %sub3A_174, %mul3A_353 : vector<16xf32>
      %add3A_355 = arith.addf %sub3A_168, %mul3A_354 : vector<16xf32>
      %mul3A_356 = arith.constant 6.125000e-02 : f32
      %mul3A_357 = vector.broadcast %mul3A_356 : f32 to vector<16xf32>
      %mul3A_358 = arith.mulf %sub3A_180, %mul3A_357 : vector<16xf32>
      %add3A_359 = arith.addf %add3A_355, %mul3A_358 : vector<16xf32>
      %add3A_360 = arith.constant 9.99999997E-7 : f32
      %add3A_361 = vector.broadcast %add3A_360 : f32 to vector<16xf32>
      %add3A_362 = arith.addf %add3A_359, %add3A_361 : vector<16xf32>
      %mul3A_363 = arith.mulf %add3A_351, %add3A_351 : vector<16xf32>
      %mul3A_364 = arith.mulf %add3A_362, %add3A_362 : vector<16xf32>
      %add3A_365 = arith.addf %mul3A_363, %mul3A_364 : vector<16xf32>
      %mul3A_366 = arith.constant 5.000000e-01 : f32
      %mul3A_367 = vector.broadcast %mul3A_366 : f32 to vector<16xf32>
      %mul3A_368 = arith.mulf %add3A_365, %mul3A_367 : vector<16xf32>
      %bitcast3A_369 = vector.bitcast %add3A_365 : vector<16xf32> to vector<16xi32>
      %shift_right_arithmetic3A_370 = arith.constant 1 : i32
      %shift_right_arithmetic3A_371 = vector.broadcast %shift_right_arithmetic3A_370 : i32 to vector<16xi32>
      %shift_right_arithmetic3A_372 = arith.shrsi %bitcast3A_369, %shift_right_arithmetic3A_371 : vector<16xi32>
      %sub3A_373 = arith.constant 1597463007 : i32
      %sub3A_374 = vector.broadcast %sub3A_373 : i32 to vector<16xi32>
      %sub3A_375 = arith.subi %sub3A_374, %shift_right_arithmetic3A_372 : vector<16xi32>
      %bitcast3A_376 = vector.bitcast %sub3A_375 : vector<16xi32> to vector<16xf32>
      %mul3A_377 = arith.mulf %mul3A_368, %bitcast3A_376 : vector<16xf32>
      %mul3A_378 = arith.mulf %mul3A_377, %bitcast3A_376 : vector<16xf32>
      %sub3A_379 = arith.constant 1.500000e+00 : f32
      %sub3A_380 = vector.broadcast %sub3A_379 : f32 to vector<16xf32>
      %sub3A_381 = arith.subf %sub3A_380, %mul3A_378 : vector<16xf32>
      %mul3A_382 = arith.mulf %bitcast3A_376, %sub3A_381 : vector<16xf32>
      %mul3A_383 = arith.mulf %mul3A_368, %mul3A_382 : vector<16xf32>
      %mul3A_384 = arith.mulf %mul3A_383, %mul3A_382 : vector<16xf32>
      %sub3A_385 = arith.constant 1.500000e+00 : f32
      %sub3A_386 = vector.broadcast %sub3A_385 : f32 to vector<16xf32>
      %sub3A_387 = arith.subf %sub3A_386, %mul3A_384 : vector<16xf32>
      %mul3A_388 = arith.mulf %mul3A_382, %sub3A_387 : vector<16xf32>
      %mul3A_389 = arith.mulf %add3A_365, %mul3A_388 : vector<16xf32>
      %neg3A_390 = arith.constant 0.000000e+00 : f32
      %neg3A_391 = vector.broadcast %neg3A_390 : f32 to vector<16xf32>
      %neg3A_392 = arith.subf %neg3A_391, %mul3A_389 : vector<16xf32>
      %exp3A_393 = math.exp %neg3A_392 : vector<16xf32>
      %add3A_394 = arith.addf %add3A_340, %exp3A_393 : vector<16xf32>
      %mul3A_395 = arith.constant 4.500000e-01 : f32
      %mul3A_396 = vector.broadcast %mul3A_395 : f32 to vector<16xf32>
      %mul3A_397 = arith.mulf %sub3A_171, %mul3A_396 : vector<16xf32>
      %add3A_398 = arith.addf %sub3A_165, %mul3A_397 : vector<16xf32>
      %mul3A_399 = arith.constant 1.012500e-01 : f32
      %mul3A_400 = vector.broadcast %mul3A_399 : f32 to vector<16xf32>
      %mul3A_401 = arith.mulf %sub3A_177, %mul3A_400 : vector<16xf32>
      %add3A_402 = arith.addf %add3A_398, %mul3A_401 : vector<16xf32>
      %add3A_403 = arith.constant 9.99999997E-7 : f32
      %add3A_404 = vector.broadcast %add3A_403 : f32 to vector<16xf32>
      %add3A_405 = arith.addf %add3A_402, %add3A_404 : vector<16xf32>
      %mul3A_406 = arith.constant 4.500000e-01 : f32
      %mul3A_407 = vector.broadcast %mul3A_406 : f32 to vector<16xf32>
      %mul3A_408 = arith.mulf %sub3A_174, %mul3A_407 : vector<16xf32>
      %add3A_409 = arith.addf %sub3A_168, %mul3A_408 : vector<16xf32>
      %mul3A_410 = arith.constant 1.012500e-01 : f32
      %mul3A_411 = vector.broadcast %mul3A_410 : f32 to vector<16xf32>
      %mul3A_412 = arith.mulf %sub3A_180, %mul3A_411 : vector<16xf32>
      %add3A_413 = arith.addf %add3A_409, %mul3A_412 : vector<16xf32>
      %add3A_414 = arith.constant 9.99999997E-7 : f32
      %add3A_415 = vector.broadcast %add3A_414 : f32 to vector<16xf32>
      %add3A_416 = arith.addf %add3A_413, %add3A_415 : vector<16xf32>
      %mul3A_417 = arith.mulf %add3A_405, %add3A_405 : vector<16xf32>
      %mul3A_418 = arith.mulf %add3A_416, %add3A_416 : vector<16xf32>
      %add3A_419 = arith.addf %mul3A_417, %mul3A_418 : vector<16xf32>
      %mul3A_420 = arith.constant 5.000000e-01 : f32
      %mul3A_421 = vector.broadcast %mul3A_420 : f32 to vector<16xf32>
      %mul3A_422 = arith.mulf %add3A_419, %mul3A_421 : vector<16xf32>
      %bitcast3A_423 = vector.bitcast %add3A_419 : vector<16xf32> to vector<16xi32>
      %shift_right_arithmetic3A_424 = arith.constant 1 : i32
      %shift_right_arithmetic3A_425 = vector.broadcast %shift_right_arithmetic3A_424 : i32 to vector<16xi32>
      %shift_right_arithmetic3A_426 = arith.shrsi %bitcast3A_423, %shift_right_arithmetic3A_425 : vector<16xi32>
      %sub3A_427 = arith.constant 1597463007 : i32
      %sub3A_428 = vector.broadcast %sub3A_427 : i32 to vector<16xi32>
      %sub3A_429 = arith.subi %sub3A_428, %shift_right_arithmetic3A_426 : vector<16xi32>
      %bitcast3A_430 = vector.bitcast %sub3A_429 : vector<16xi32> to vector<16xf32>
      %mul3A_431 = arith.mulf %mul3A_422, %bitcast3A_430 : vector<16xf32>
      %mul3A_432 = arith.mulf %mul3A_431, %bitcast3A_430 : vector<16xf32>
      %sub3A_433 = arith.constant 1.500000e+00 : f32
      %sub3A_434 = vector.broadcast %sub3A_433 : f32 to vector<16xf32>
      %sub3A_435 = arith.subf %sub3A_434, %mul3A_432 : vector<16xf32>
      %mul3A_436 = arith.mulf %bitcast3A_430, %sub3A_435 : vector<16xf32>
      %mul3A_437 = arith.mulf %mul3A_422, %mul3A_436 : vector<16xf32>
      %mul3A_438 = arith.mulf %mul3A_437, %mul3A_436 : vector<16xf32>
      %sub3A_439 = arith.constant 1.500000e+00 : f32
      %sub3A_440 = vector.broadcast %sub3A_439 : f32 to vector<16xf32>
      %sub3A_441 = arith.subf %sub3A_440, %mul3A_438 : vector<16xf32>
      %mul3A_442 = arith.mulf %mul3A_436, %sub3A_441 : vector<16xf32>
      %mul3A_443 = arith.mulf %add3A_419, %mul3A_442 : vector<16xf32>
      %neg3A_444 = arith.constant 0.000000e+00 : f32
      %neg3A_445 = vector.broadcast %neg3A_444 : f32 to vector<16xf32>
      %neg3A_446 = arith.subf %neg3A_445, %mul3A_443 : vector<16xf32>
      %exp3A_447 = math.exp %neg3A_446 : vector<16xf32>
      %add3A_448 = arith.addf %add3A_394, %exp3A_447 : vector<16xf32>
      %mul3A_449 = arith.constant 5.500000e-01 : f32
      %mul3A_450 = vector.broadcast %mul3A_449 : f32 to vector<16xf32>
      %mul3A_451 = arith.mulf %sub3A_171, %mul3A_450 : vector<16xf32>
      %add3A_452 = arith.addf %sub3A_165, %mul3A_451 : vector<16xf32>
      %mul3A_453 = arith.constant 1.512500e-01 : f32
      %mul3A_454 = vector.broadcast %mul3A_453 : f32 to vector<16xf32>
      %mul3A_455 = arith.mulf %sub3A_177, %mul3A_454 : vector<16xf32>
      %add3A_456 = arith.addf %add3A_452, %mul3A_455 : vector<16xf32>
      %add3A_457 = arith.constant 9.99999997E-7 : f32
      %add3A_458 = vector.broadcast %add3A_457 : f32 to vector<16xf32>
      %add3A_459 = arith.addf %add3A_456, %add3A_458 : vector<16xf32>
      %mul3A_460 = arith.constant 5.500000e-01 : f32
      %mul3A_461 = vector.broadcast %mul3A_460 : f32 to vector<16xf32>
      %mul3A_462 = arith.mulf %sub3A_174, %mul3A_461 : vector<16xf32>
      %add3A_463 = arith.addf %sub3A_168, %mul3A_462 : vector<16xf32>
      %mul3A_464 = arith.constant 1.512500e-01 : f32
      %mul3A_465 = vector.broadcast %mul3A_464 : f32 to vector<16xf32>
      %mul3A_466 = arith.mulf %sub3A_180, %mul3A_465 : vector<16xf32>
      %add3A_467 = arith.addf %add3A_463, %mul3A_466 : vector<16xf32>
      %add3A_468 = arith.constant 9.99999997E-7 : f32
      %add3A_469 = vector.broadcast %add3A_468 : f32 to vector<16xf32>
      %add3A_470 = arith.addf %add3A_467, %add3A_469 : vector<16xf32>
      %mul3A_471 = arith.mulf %add3A_459, %add3A_459 : vector<16xf32>
      %mul3A_472 = arith.mulf %add3A_470, %add3A_470 : vector<16xf32>
      %add3A_473 = arith.addf %mul3A_471, %mul3A_472 : vector<16xf32>
      %mul3A_474 = arith.constant 5.000000e-01 : f32
      %mul3A_475 = vector.broadcast %mul3A_474 : f32 to vector<16xf32>
      %mul3A_476 = arith.mulf %add3A_473, %mul3A_475 : vector<16xf32>
      %bitcast3A_477 = vector.bitcast %add3A_473 : vector<16xf32> to vector<16xi32>
      %shift_right_arithmetic3A_478 = arith.constant 1 : i32
      %shift_right_arithmetic3A_479 = vector.broadcast %shift_right_arithmetic3A_478 : i32 to vector<16xi32>
      %shift_right_arithmetic3A_480 = arith.shrsi %bitcast3A_477, %shift_right_arithmetic3A_479 : vector<16xi32>
      %sub3A_481 = arith.constant 1597463007 : i32
      %sub3A_482 = vector.broadcast %sub3A_481 : i32 to vector<16xi32>
      %sub3A_483 = arith.subi %sub3A_482, %shift_right_arithmetic3A_480 : vector<16xi32>
      %bitcast3A_484 = vector.bitcast %sub3A_483 : vector<16xi32> to vector<16xf32>
      %mul3A_485 = arith.mulf %mul3A_476, %bitcast3A_484 : vector<16xf32>
      %mul3A_486 = arith.mulf %mul3A_485, %bitcast3A_484 : vector<16xf32>
      %sub3A_487 = arith.constant 1.500000e+00 : f32
      %sub3A_488 = vector.broadcast %sub3A_487 : f32 to vector<16xf32>
      %sub3A_489 = arith.subf %sub3A_488, %mul3A_486 : vector<16xf32>
      %mul3A_490 = arith.mulf %bitcast3A_484, %sub3A_489 : vector<16xf32>
      %mul3A_491 = arith.mulf %mul3A_476, %mul3A_490 : vector<16xf32>
      %mul3A_492 = arith.mulf %mul3A_491, %mul3A_490 : vector<16xf32>
      %sub3A_493 = arith.constant 1.500000e+00 : f32
      %sub3A_494 = vector.broadcast %sub3A_493 : f32 to vector<16xf32>
      %sub3A_495 = arith.subf %sub3A_494, %mul3A_492 : vector<16xf32>
      %mul3A_496 = arith.mulf %mul3A_490, %sub3A_495 : vector<16xf32>
      %mul3A_497 = arith.mulf %add3A_473, %mul3A_496 : vector<16xf32>
      %neg3A_498 = arith.constant 0.000000e+00 : f32
      %neg3A_499 = vector.broadcast %neg3A_498 : f32 to vector<16xf32>
      %neg3A_500 = arith.subf %neg3A_499, %mul3A_497 : vector<16xf32>
      %exp3A_501 = math.exp %neg3A_500 : vector<16xf32>
      %add3A_502 = arith.addf %add3A_448, %exp3A_501 : vector<16xf32>
      %mul3A_503 = arith.constant 6.500000e-01 : f32
      %mul3A_504 = vector.broadcast %mul3A_503 : f32 to vector<16xf32>
      %mul3A_505 = arith.mulf %sub3A_171, %mul3A_504 : vector<16xf32>
      %add3A_506 = arith.addf %sub3A_165, %mul3A_505 : vector<16xf32>
      %mul3A_507 = arith.constant 2.112500e-01 : f32
      %mul3A_508 = vector.broadcast %mul3A_507 : f32 to vector<16xf32>
      %mul3A_509 = arith.mulf %sub3A_177, %mul3A_508 : vector<16xf32>
      %add3A_510 = arith.addf %add3A_506, %mul3A_509 : vector<16xf32>
      %add3A_511 = arith.constant 9.99999997E-7 : f32
      %add3A_512 = vector.broadcast %add3A_511 : f32 to vector<16xf32>
      %add3A_513 = arith.addf %add3A_510, %add3A_512 : vector<16xf32>
      %mul3A_514 = arith.constant 6.500000e-01 : f32
      %mul3A_515 = vector.broadcast %mul3A_514 : f32 to vector<16xf32>
      %mul3A_516 = arith.mulf %sub3A_174, %mul3A_515 : vector<16xf32>
      %add3A_517 = arith.addf %sub3A_168, %mul3A_516 : vector<16xf32>
      %mul3A_518 = arith.constant 2.112500e-01 : f32
      %mul3A_519 = vector.broadcast %mul3A_518 : f32 to vector<16xf32>
      %mul3A_520 = arith.mulf %sub3A_180, %mul3A_519 : vector<16xf32>
      %add3A_521 = arith.addf %add3A_517, %mul3A_520 : vector<16xf32>
      %add3A_522 = arith.constant 9.99999997E-7 : f32
      %add3A_523 = vector.broadcast %add3A_522 : f32 to vector<16xf32>
      %add3A_524 = arith.addf %add3A_521, %add3A_523 : vector<16xf32>
      %mul3A_525 = arith.mulf %add3A_513, %add3A_513 : vector<16xf32>
      %mul3A_526 = arith.mulf %add3A_524, %add3A_524 : vector<16xf32>
      %add3A_527 = arith.addf %mul3A_525, %mul3A_526 : vector<16xf32>
      %mul3A_528 = arith.constant 5.000000e-01 : f32
      %mul3A_529 = vector.broadcast %mul3A_528 : f32 to vector<16xf32>
      %mul3A_530 = arith.mulf %add3A_527, %mul3A_529 : vector<16xf32>
      %bitcast3A_531 = vector.bitcast %add3A_527 : vector<16xf32> to vector<16xi32>
      %shift_right_arithmetic3A_532 = arith.constant 1 : i32
      %shift_right_arithmetic3A_533 = vector.broadcast %shift_right_arithmetic3A_532 : i32 to vector<16xi32>
      %shift_right_arithmetic3A_534 = arith.shrsi %bitcast3A_531, %shift_right_arithmetic3A_533 : vector<16xi32>
      %sub3A_535 = arith.constant 1597463007 : i32
      %sub3A_536 = vector.broadcast %sub3A_535 : i32 to vector<16xi32>
      %sub3A_537 = arith.subi %sub3A_536, %shift_right_arithmetic3A_534 : vector<16xi32>
      %bitcast3A_538 = vector.bitcast %sub3A_537 : vector<16xi32> to vector<16xf32>
      %mul3A_539 = arith.mulf %mul3A_530, %bitcast3A_538 : vector<16xf32>
      %mul3A_540 = arith.mulf %mul3A_539, %bitcast3A_538 : vector<16xf32>
      %sub3A_541 = arith.constant 1.500000e+00 : f32
      %sub3A_542 = vector.broadcast %sub3A_541 : f32 to vector<16xf32>
      %sub3A_543 = arith.subf %sub3A_542, %mul3A_540 : vector<16xf32>
      %mul3A_544 = arith.mulf %bitcast3A_538, %sub3A_543 : vector<16xf32>
      %mul3A_545 = arith.mulf %mul3A_530, %mul3A_544 : vector<16xf32>
      %mul3A_546 = arith.mulf %mul3A_545, %mul3A_544 : vector<16xf32>
      %sub3A_547 = arith.constant 1.500000e+00 : f32
      %sub3A_548 = vector.broadcast %sub3A_547 : f32 to vector<16xf32>
      %sub3A_549 = arith.subf %sub3A_548, %mul3A_546 : vector<16xf32>
      %mul3A_550 = arith.mulf %mul3A_544, %sub3A_549 : vector<16xf32>
      %mul3A_551 = arith.mulf %add3A_527, %mul3A_550 : vector<16xf32>
      %neg3A_552 = arith.constant 0.000000e+00 : f32
      %neg3A_553 = vector.broadcast %neg3A_552 : f32 to vector<16xf32>
      %neg3A_554 = arith.subf %neg3A_553, %mul3A_551 : vector<16xf32>
      %exp3A_555 = math.exp %neg3A_554 : vector<16xf32>
      %add3A_556 = arith.addf %add3A_502, %exp3A_555 : vector<16xf32>
      %mul3A_557 = arith.constant 7.500000e-01 : f32
      %mul3A_558 = vector.broadcast %mul3A_557 : f32 to vector<16xf32>
      %mul3A_559 = arith.mulf %sub3A_171, %mul3A_558 : vector<16xf32>
      %add3A_560 = arith.addf %sub3A_165, %mul3A_559 : vector<16xf32>
      %mul3A_561 = arith.constant 2.812500e-01 : f32
      %mul3A_562 = vector.broadcast %mul3A_561 : f32 to vector<16xf32>
      %mul3A_563 = arith.mulf %sub3A_177, %mul3A_562 : vector<16xf32>
      %add3A_564 = arith.addf %add3A_560, %mul3A_563 : vector<16xf32>
      %add3A_565 = arith.constant 9.99999997E-7 : f32
      %add3A_566 = vector.broadcast %add3A_565 : f32 to vector<16xf32>
      %add3A_567 = arith.addf %add3A_564, %add3A_566 : vector<16xf32>
      %mul3A_568 = arith.constant 7.500000e-01 : f32
      %mul3A_569 = vector.broadcast %mul3A_568 : f32 to vector<16xf32>
      %mul3A_570 = arith.mulf %sub3A_174, %mul3A_569 : vector<16xf32>
      %add3A_571 = arith.addf %sub3A_168, %mul3A_570 : vector<16xf32>
      %mul3A_572 = arith.constant 2.812500e-01 : f32
      %mul3A_573 = vector.broadcast %mul3A_572 : f32 to vector<16xf32>
      %mul3A_574 = arith.mulf %sub3A_180, %mul3A_573 : vector<16xf32>
      %add3A_575 = arith.addf %add3A_571, %mul3A_574 : vector<16xf32>
      %add3A_576 = arith.constant 9.99999997E-7 : f32
      %add3A_577 = vector.broadcast %add3A_576 : f32 to vector<16xf32>
      %add3A_578 = arith.addf %add3A_575, %add3A_577 : vector<16xf32>
      %mul3A_579 = arith.mulf %add3A_567, %add3A_567 : vector<16xf32>
      %mul3A_580 = arith.mulf %add3A_578, %add3A_578 : vector<16xf32>
      %add3A_581 = arith.addf %mul3A_579, %mul3A_580 : vector<16xf32>
      %mul3A_582 = arith.constant 5.000000e-01 : f32
      %mul3A_583 = vector.broadcast %mul3A_582 : f32 to vector<16xf32>
      %mul3A_584 = arith.mulf %add3A_581, %mul3A_583 : vector<16xf32>
      %bitcast3A_585 = vector.bitcast %add3A_581 : vector<16xf32> to vector<16xi32>
      %shift_right_arithmetic3A_586 = arith.constant 1 : i32
      %shift_right_arithmetic3A_587 = vector.broadcast %shift_right_arithmetic3A_586 : i32 to vector<16xi32>
      %shift_right_arithmetic3A_588 = arith.shrsi %bitcast3A_585, %shift_right_arithmetic3A_587 : vector<16xi32>
      %sub3A_589 = arith.constant 1597463007 : i32
      %sub3A_590 = vector.broadcast %sub3A_589 : i32 to vector<16xi32>
      %sub3A_591 = arith.subi %sub3A_590, %shift_right_arithmetic3A_588 : vector<16xi32>
      %bitcast3A_592 = vector.bitcast %sub3A_591 : vector<16xi32> to vector<16xf32>
      %mul3A_593 = arith.mulf %mul3A_584, %bitcast3A_592 : vector<16xf32>
      %mul3A_594 = arith.mulf %mul3A_593, %bitcast3A_592 : vector<16xf32>
      %sub3A_595 = arith.constant 1.500000e+00 : f32
      %sub3A_596 = vector.broadcast %sub3A_595 : f32 to vector<16xf32>
      %sub3A_597 = arith.subf %sub3A_596, %mul3A_594 : vector<16xf32>
      %mul3A_598 = arith.mulf %bitcast3A_592, %sub3A_597 : vector<16xf32>
      %mul3A_599 = arith.mulf %mul3A_584, %mul3A_598 : vector<16xf32>
      %mul3A_600 = arith.mulf %mul3A_599, %mul3A_598 : vector<16xf32>
      %sub3A_601 = arith.constant 1.500000e+00 : f32
      %sub3A_602 = vector.broadcast %sub3A_601 : f32 to vector<16xf32>
      %sub3A_603 = arith.subf %sub3A_602, %mul3A_600 : vector<16xf32>
      %mul3A_604 = arith.mulf %mul3A_598, %sub3A_603 : vector<16xf32>
      %mul3A_605 = arith.mulf %add3A_581, %mul3A_604 : vector<16xf32>
      %neg3A_606 = arith.constant 0.000000e+00 : f32
      %neg3A_607 = vector.broadcast %neg3A_606 : f32 to vector<16xf32>
      %neg3A_608 = arith.subf %neg3A_607, %mul3A_605 : vector<16xf32>
      %exp3A_609 = math.exp %neg3A_608 : vector<16xf32>
      %add3A_610 = arith.addf %add3A_556, %exp3A_609 : vector<16xf32>
      %mul3A_611 = arith.constant 8.500000e-01 : f32
      %mul3A_612 = vector.broadcast %mul3A_611 : f32 to vector<16xf32>
      %mul3A_613 = arith.mulf %sub3A_171, %mul3A_612 : vector<16xf32>
      %add3A_614 = arith.addf %sub3A_165, %mul3A_613 : vector<16xf32>
      %mul3A_615 = arith.constant 3.612500e-01 : f32
      %mul3A_616 = vector.broadcast %mul3A_615 : f32 to vector<16xf32>
      %mul3A_617 = arith.mulf %sub3A_177, %mul3A_616 : vector<16xf32>
      %add3A_618 = arith.addf %add3A_614, %mul3A_617 : vector<16xf32>
      %add3A_619 = arith.constant 9.99999997E-7 : f32
      %add3A_620 = vector.broadcast %add3A_619 : f32 to vector<16xf32>
      %add3A_621 = arith.addf %add3A_618, %add3A_620 : vector<16xf32>
      %mul3A_622 = arith.constant 8.500000e-01 : f32
      %mul3A_623 = vector.broadcast %mul3A_622 : f32 to vector<16xf32>
      %mul3A_624 = arith.mulf %sub3A_174, %mul3A_623 : vector<16xf32>
      %add3A_625 = arith.addf %sub3A_168, %mul3A_624 : vector<16xf32>
      %mul3A_626 = arith.constant 3.612500e-01 : f32
      %mul3A_627 = vector.broadcast %mul3A_626 : f32 to vector<16xf32>
      %mul3A_628 = arith.mulf %sub3A_180, %mul3A_627 : vector<16xf32>
      %add3A_629 = arith.addf %add3A_625, %mul3A_628 : vector<16xf32>
      %add3A_630 = arith.constant 9.99999997E-7 : f32
      %add3A_631 = vector.broadcast %add3A_630 : f32 to vector<16xf32>
      %add3A_632 = arith.addf %add3A_629, %add3A_631 : vector<16xf32>
      %mul3A_633 = arith.mulf %add3A_621, %add3A_621 : vector<16xf32>
      %mul3A_634 = arith.mulf %add3A_632, %add3A_632 : vector<16xf32>
      %add3A_635 = arith.addf %mul3A_633, %mul3A_634 : vector<16xf32>
      %mul3A_636 = arith.constant 5.000000e-01 : f32
      %mul3A_637 = vector.broadcast %mul3A_636 : f32 to vector<16xf32>
      %mul3A_638 = arith.mulf %add3A_635, %mul3A_637 : vector<16xf32>
      %bitcast3A_639 = vector.bitcast %add3A_635 : vector<16xf32> to vector<16xi32>
      %shift_right_arithmetic3A_640 = arith.constant 1 : i32
      %shift_right_arithmetic3A_641 = vector.broadcast %shift_right_arithmetic3A_640 : i32 to vector<16xi32>
      %shift_right_arithmetic3A_642 = arith.shrsi %bitcast3A_639, %shift_right_arithmetic3A_641 : vector<16xi32>
      %sub3A_643 = arith.constant 1597463007 : i32
      %sub3A_644 = vector.broadcast %sub3A_643 : i32 to vector<16xi32>
      %sub3A_645 = arith.subi %sub3A_644, %shift_right_arithmetic3A_642 : vector<16xi32>
      %bitcast3A_646 = vector.bitcast %sub3A_645 : vector<16xi32> to vector<16xf32>
      %mul3A_647 = arith.mulf %mul3A_638, %bitcast3A_646 : vector<16xf32>
      %mul3A_648 = arith.mulf %mul3A_647, %bitcast3A_646 : vector<16xf32>
      %sub3A_649 = arith.constant 1.500000e+00 : f32
      %sub3A_650 = vector.broadcast %sub3A_649 : f32 to vector<16xf32>
      %sub3A_651 = arith.subf %sub3A_650, %mul3A_648 : vector<16xf32>
      %mul3A_652 = arith.mulf %bitcast3A_646, %sub3A_651 : vector<16xf32>
      %mul3A_653 = arith.mulf %mul3A_638, %mul3A_652 : vector<16xf32>
      %mul3A_654 = arith.mulf %mul3A_653, %mul3A_652 : vector<16xf32>
      %sub3A_655 = arith.constant 1.500000e+00 : f32
      %sub3A_656 = vector.broadcast %sub3A_655 : f32 to vector<16xf32>
      %sub3A_657 = arith.subf %sub3A_656, %mul3A_654 : vector<16xf32>
      %mul3A_658 = arith.mulf %mul3A_652, %sub3A_657 : vector<16xf32>
      %mul3A_659 = arith.mulf %add3A_635, %mul3A_658 : vector<16xf32>
      %neg3A_660 = arith.constant 0.000000e+00 : f32
      %neg3A_661 = vector.broadcast %neg3A_660 : f32 to vector<16xf32>
      %neg3A_662 = arith.subf %neg3A_661, %mul3A_659 : vector<16xf32>
      %exp3A_663 = math.exp %neg3A_662 : vector<16xf32>
      %add3A_664 = arith.addf %add3A_610, %exp3A_663 : vector<16xf32>
      %mul3A_665 = arith.constant 0.949999988 : f32
      %mul3A_666 = vector.broadcast %mul3A_665 : f32 to vector<16xf32>
      %mul3A_667 = arith.mulf %sub3A_171, %mul3A_666 : vector<16xf32>
      %add3A_668 = arith.addf %sub3A_165, %mul3A_667 : vector<16xf32>
      %mul3A_669 = arith.constant 4.512500e-01 : f32
      %mul3A_670 = vector.broadcast %mul3A_669 : f32 to vector<16xf32>
      %mul3A_671 = arith.mulf %sub3A_177, %mul3A_670 : vector<16xf32>
      %add3A_672 = arith.addf %add3A_668, %mul3A_671 : vector<16xf32>
      %add3A_673 = arith.constant 9.99999997E-7 : f32
      %add3A_674 = vector.broadcast %add3A_673 : f32 to vector<16xf32>
      %add3A_675 = arith.addf %add3A_672, %add3A_674 : vector<16xf32>
      %mul3A_676 = arith.constant 0.949999988 : f32
      %mul3A_677 = vector.broadcast %mul3A_676 : f32 to vector<16xf32>
      %mul3A_678 = arith.mulf %sub3A_174, %mul3A_677 : vector<16xf32>
      %add3A_679 = arith.addf %sub3A_168, %mul3A_678 : vector<16xf32>
      %mul3A_680 = arith.constant 4.512500e-01 : f32
      %mul3A_681 = vector.broadcast %mul3A_680 : f32 to vector<16xf32>
      %mul3A_682 = arith.mulf %sub3A_180, %mul3A_681 : vector<16xf32>
      %add3A_683 = arith.addf %add3A_679, %mul3A_682 : vector<16xf32>
      %add3A_684 = arith.constant 9.99999997E-7 : f32
      %add3A_685 = vector.broadcast %add3A_684 : f32 to vector<16xf32>
      %add3A_686 = arith.addf %add3A_683, %add3A_685 : vector<16xf32>
      %mul3A_687 = arith.mulf %add3A_675, %add3A_675 : vector<16xf32>
      %mul3A_688 = arith.mulf %add3A_686, %add3A_686 : vector<16xf32>
      %add3A_689 = arith.addf %mul3A_687, %mul3A_688 : vector<16xf32>
      %mul3A_690 = arith.constant 5.000000e-01 : f32
      %mul3A_691 = vector.broadcast %mul3A_690 : f32 to vector<16xf32>
      %mul3A_692 = arith.mulf %add3A_689, %mul3A_691 : vector<16xf32>
      %bitcast3A_693 = vector.bitcast %add3A_689 : vector<16xf32> to vector<16xi32>
      %shift_right_arithmetic3A_694 = arith.constant 1 : i32
      %shift_right_arithmetic3A_695 = vector.broadcast %shift_right_arithmetic3A_694 : i32 to vector<16xi32>
      %shift_right_arithmetic3A_696 = arith.shrsi %bitcast3A_693, %shift_right_arithmetic3A_695 : vector<16xi32>
      %sub3A_697 = arith.constant 1597463007 : i32
      %sub3A_698 = vector.broadcast %sub3A_697 : i32 to vector<16xi32>
      %sub3A_699 = arith.subi %sub3A_698, %shift_right_arithmetic3A_696 : vector<16xi32>
      %bitcast3A_700 = vector.bitcast %sub3A_699 : vector<16xi32> to vector<16xf32>
      %mul3A_701 = arith.mulf %mul3A_692, %bitcast3A_700 : vector<16xf32>
      %mul3A_702 = arith.mulf %mul3A_701, %bitcast3A_700 : vector<16xf32>
      %sub3A_703 = arith.constant 1.500000e+00 : f32
      %sub3A_704 = vector.broadcast %sub3A_703 : f32 to vector<16xf32>
      %sub3A_705 = arith.subf %sub3A_704, %mul3A_702 : vector<16xf32>
      %mul3A_706 = arith.mulf %bitcast3A_700, %sub3A_705 : vector<16xf32>
      %mul3A_707 = arith.mulf %mul3A_692, %mul3A_706 : vector<16xf32>
      %mul3A_708 = arith.mulf %mul3A_707, %mul3A_706 : vector<16xf32>
      %sub3A_709 = arith.constant 1.500000e+00 : f32
      %sub3A_710 = vector.broadcast %sub3A_709 : f32 to vector<16xf32>
      %sub3A_711 = arith.subf %sub3A_710, %mul3A_708 : vector<16xf32>
      %mul3A_712 = arith.mulf %mul3A_706, %sub3A_711 : vector<16xf32>
      %mul3A_713 = arith.mulf %add3A_689, %mul3A_712 : vector<16xf32>
      %neg3A_714 = arith.constant 0.000000e+00 : f32
      %neg3A_715 = vector.broadcast %neg3A_714 : f32 to vector<16xf32>
      %neg3A_716 = arith.subf %neg3A_715, %mul3A_713 : vector<16xf32>
      %exp3A_717 = math.exp %neg3A_716 : vector<16xf32>
      %add3A_718 = arith.addf %add3A_664, %exp3A_717 : vector<16xf32>
      %mul3A_719 = arith.mulf %add3A_718, %select_n3A_158 : vector<16xf32>
      %add3A_720 = arith.addf %while3A_148, %mul3A_719 : vector<16xf32>
      scf.yield %add3A_720 : vector<16xf32>
    }
    %while3A_125 = arith.constant 1 : i32
    %while3A_126 = scf.for %while3A_147 = %while3A_122 to %while3A_118 step %while3A_125 iter_args(%while3A_148 = %while3A_124) -> (vector<16xf32>)  : i32 {
      %mul3A_149 = arith.constant 16 : i32
      %mul3A_150 = arith.muli %while3A_147, %mul3A_149 : i32
      %add3A_151 = vector.broadcast %mul3A_150 : i32 to vector<16xi32>
      %add3A_152 = arith.addi %add3A_151, %iota3A : vector<16xi32>
      %ge3A = vector.broadcast %sub3A_85 : i32 to vector<16xi32>
      %ge3A_153 = arith.cmpi sge, %add3A_152, %ge3A : vector<16xi32>
      %jit3A_154 = arith.constant 1.000000e+00 : f32
      %jit3A_155 = arith.constant 0.000000e+00 : f32
      %broadcast_in_dim3A_156 = vector.broadcast %jit3A_154 : f32 to vector<16xf32>
      %broadcast_in_dim3A_157 = vector.broadcast %jit3A_155 : f32 to vector<16xf32>
      %select_n3A_158 = arith.select %ge3A_153, %broadcast_in_dim3A_156, %broadcast_in_dim3A_157 : vector<16xi1>, vector<16xf32>
      %mul3A_159 = arith.constant 16 : i32
      %mul3A_160 = arith.muli %while3A_147, %mul3A_159 : i32
      %get3A = arith.index_cast %mul3A_160 : i32 to index
      %get3A_161 = tpu.vector_load %arg13[%get3A] {strides = array<i32>} : memref<64xi32, #tpu.memory_space<vmem>>, vector<16xi32>,
      %get3A_162 = arith.index_cast %mul3A_160 : i32 to index
      %get3A_163 = tpu.vector_load %arg14[%get3A_162] {strides = array<i32>} : memref<64xi32, #tpu.memory_space<vmem>>, vector<16xi32>,
      %gather3A = tpu.vector_load_idx %arg12[%broadcast_in_dim3A_26, %get3A_161] : memref<6x5000xf32, #tpu.memory_space<vmem>>[vector<16xi32>, vector<16xi32>], vector<16xf32>,
      %gather3A_164 = tpu.vector_load_idx %arg12[%broadcast_in_dim3A_26, %get3A_163] : memref<6x5000xf32, #tpu.memory_space<vmem>>[vector<16xi32>, vector<16xi32>], vector<16xf32>,
      %sub3A_165 = arith.subf %gather3A, %gather3A_164 : vector<16xf32>
      %gather3A_166 = tpu.vector_load_idx %arg12[%broadcast_in_dim3A_28, %get3A_161] : memref<6x5000xf32, #tpu.memory_space<vmem>>[vector<16xi32>, vector<16xi32>], vector<16xf32>,
      %gather3A_167 = tpu.vector_load_idx %arg12[%broadcast_in_dim3A_28, %get3A_163] : memref<6x5000xf32, #tpu.memory_space<vmem>>[vector<16xi32>, vector<16xi32>], vector<16xf32>,
      %sub3A_168 = arith.subf %gather3A_166, %gather3A_167 : vector<16xf32>
      %gather3A_169 = tpu.vector_load_idx %arg12[%broadcast_in_dim3A_30, %get3A_161] : memref<6x5000xf32, #tpu.memory_space<vmem>>[vector<16xi32>, vector<16xi32>], vector<16xf32>,
      %gather3A_170 = tpu.vector_load_idx %arg12[%broadcast_in_dim3A_30, %get3A_163] : memref<6x5000xf32, #tpu.memory_space<vmem>>[vector<16xi32>, vector<16xi32>], vector<16xf32>,
      %sub3A_171 = arith.subf %gather3A_169, %gather3A_170 : vector<16xf32>
      %gather3A_172 = tpu.vector_load_idx %arg12[%broadcast_in_dim3A_32, %get3A_161] : memref<6x5000xf32, #tpu.memory_space<vmem>>[vector<16xi32>, vector<16xi32>], vector<16xf32>,
      %gather3A_173 = tpu.vector_load_idx %arg12[%broadcast_in_dim3A_32, %get3A_163] : memref<6x5000xf32, #tpu.memory_space<vmem>>[vector<16xi32>, vector<16xi32>], vector<16xf32>,
      %sub3A_174 = arith.subf %gather3A_172, %gather3A_173 : vector<16xf32>
      %gather3A_175 = tpu.vector_load_idx %arg12[%broadcast_in_dim3A_34, %get3A_161] : memref<6x5000xf32, #tpu.memory_space<vmem>>[vector<16xi32>, vector<16xi32>], vector<16xf32>,
      %gather3A_176 = tpu.vector_load_idx %arg12[%broadcast_in_dim3A_34, %get3A_163] : memref<6x5000xf32, #tpu.memory_space<vmem>>[vector<16xi32>, vector<16xi32>], vector<16xf32>,
      %sub3A_177 = arith.subf %gather3A_175, %gather3A_176 : vector<16xf32>
      %gather3A_178 = tpu.vector_load_idx %arg12[%broadcast_in_dim3A_36, %get3A_161] : memref<6x5000xf32, #tpu.memory_space<vmem>>[vector<16xi32>, vector<16xi32>], vector<16xf32>,
      %gather3A_179 = tpu.vector_load_idx %arg12[%broadcast_in_dim3A_36, %get3A_163] : memref<6x5000xf32, #tpu.memory_space<vmem>>[vector<16xi32>, vector<16xi32>], vector<16xf32>,
      %sub3A_180 = arith.subf %gather3A_178, %gather3A_179 : vector<16xf32>
      %broadcast_in_dim3A_181 = arith.constant 0.000000e+00 : f32
      %broadcast_in_dim3A_182 = vector.broadcast %broadcast_in_dim3A_181 : f32 to vector<16xf32>
      %mul3A_183 = arith.constant 5.000000e-02 : f32
      %mul3A_184 = vector.broadcast %mul3A_183 : f32 to vector<16xf32>
      %mul3A_185 = arith.mulf %sub3A_171, %mul3A_184 : vector<16xf32>
      %add3A_186 = arith.addf %sub3A_165, %mul3A_185 : vector<16xf32>
      %mul3A_187 = arith.constant 1.250000e-03 : f32
      %mul3A_188 = vector.broadcast %mul3A_187 : f32 to vector<16xf32>
      %mul3A_189 = arith.mulf %sub3A_177, %mul3A_188 : vector<16xf32>
      %add3A_190 = arith.addf %add3A_186, %mul3A_189 : vector<16xf32>
      %add3A_191 = arith.constant 9.99999997E-7 : f32
      %add3A_192 = vector.broadcast %add3A_191 : f32 to vector<16xf32>
      %add3A_193 = arith.addf %add3A_190, %add3A_192 : vector<16xf32>
      %mul3A_194 = arith.constant 5.000000e-02 : f32
      %mul3A_195 = vector.broadcast %mul3A_194 : f32 to vector<16xf32>
      %mul3A_196 = arith.mulf %sub3A_174, %mul3A_195 : vector<16xf32>
      %add3A_197 = arith.addf %sub3A_168, %mul3A_196 : vector<16xf32>
      %mul3A_198 = arith.constant 1.250000e-03 : f32
      %mul3A_199 = vector.broadcast %mul3A_198 : f32 to vector<16xf32>
      %mul3A_200 = arith.mulf %sub3A_180, %mul3A_199 : vector<16xf32>
      %add3A_201 = arith.addf %add3A_197, %mul3A_200 : vector<16xf32>
      %add3A_202 = arith.constant 9.99999997E-7 : f32
      %add3A_203 = vector.broadcast %add3A_202 : f32 to vector<16xf32>
      %add3A_204 = arith.addf %add3A_201, %add3A_203 : vector<16xf32>
      %mul3A_205 = arith.mulf %add3A_193, %add3A_193 : vector<16xf32>
      %mul3A_206 = arith.mulf %add3A_204, %add3A_204 : vector<16xf32>
      %add3A_207 = arith.addf %mul3A_205, %mul3A_206 : vector<16xf32>
      %mul3A_208 = arith.constant 5.000000e-01 : f32
      %mul3A_209 = vector.broadcast %mul3A_208 : f32 to vector<16xf32>
      %mul3A_210 = arith.mulf %add3A_207, %mul3A_209 : vector<16xf32>
      %bitcast3A = vector.bitcast %add3A_207 : vector<16xf32> to vector<16xi32>
      %shift_right_arithmetic3A = arith.constant 1 : i32
      %shift_right_arithmetic3A_211 = vector.broadcast %shift_right_arithmetic3A : i32 to vector<16xi32>
      %shift_right_arithmetic3A_212 = arith.shrsi %bitcast3A, %shift_right_arithmetic3A_211 : vector<16xi32>
      %sub3A_213 = arith.constant 1597463007 : i32
      %sub3A_214 = vector.broadcast %sub3A_213 : i32 to vector<16xi32>
      %sub3A_215 = arith.subi %sub3A_214, %shift_right_arithmetic3A_212 : vector<16xi32>
      %bitcast3A_216 = vector.bitcast %sub3A_215 : vector<16xi32> to vector<16xf32>
      %mul3A_217 = arith.mulf %mul3A_210, %bitcast3A_216 : vector<16xf32>
      %mul3A_218 = arith.mulf %mul3A_217, %bitcast3A_216 : vector<16xf32>
      %sub3A_219 = arith.constant 1.500000e+00 : f32
      %sub3A_220 = vector.broadcast %sub3A_219 : f32 to vector<16xf32>
      %sub3A_221 = arith.subf %sub3A_220, %mul3A_218 : vector<16xf32>
      %mul3A_222 = arith.mulf %bitcast3A_216, %sub3A_221 : vector<16xf32>
      %mul3A_223 = arith.mulf %mul3A_210, %mul3A_222 : vector<16xf32>
      %mul3A_224 = arith.mulf %mul3A_223, %mul3A_222 : vector<16xf32>
      %sub3A_225 = arith.constant 1.500000e+00 : f32
      %sub3A_226 = vector.broadcast %sub3A_225 : f32 to vector<16xf32>
      %sub3A_227 = arith.subf %sub3A_226, %mul3A_224 : vector<16xf32>
      %mul3A_228 = arith.mulf %mul3A_222, %sub3A_227 : vector<16xf32>
      %mul3A_229 = arith.mulf %add3A_207, %mul3A_228 : vector<16xf32>
      %neg3A = arith.constant 0.000000e+00 : f32
      %neg3A_230 = vector.broadcast %neg3A : f32 to vector<16xf32>
      %neg3A_231 = arith.subf %neg3A_230, %mul3A_229 : vector<16xf32>
      %exp3A = math.exp %neg3A_231 : vector<16xf32>
      %add3A_232 = arith.addf %broadcast_in_dim3A_182, %exp3A : vector<16xf32>
      %mul3A_233 = arith.constant 1.500000e-01 : f32
      %mul3A_234 = vector.broadcast %mul3A_233 : f32 to vector<16xf32>
      %mul3A_235 = arith.mulf %sub3A_171, %mul3A_234 : vector<16xf32>
      %add3A_236 = arith.addf %sub3A_165, %mul3A_235 : vector<16xf32>
      %mul3A_237 = arith.constant 1.125000e-02 : f32
      %mul3A_238 = vector.broadcast %mul3A_237 : f32 to vector<16xf32>
      %mul3A_239 = arith.mulf %sub3A_177, %mul3A_238 : vector<16xf32>
      %add3A_240 = arith.addf %add3A_236, %mul3A_239 : vector<16xf32>
      %add3A_241 = arith.constant 9.99999997E-7 : f32
      %add3A_242 = vector.broadcast %add3A_241 : f32 to vector<16xf32>
      %add3A_243 = arith.addf %add3A_240, %add3A_242 : vector<16xf32>
      %mul3A_244 = arith.constant 1.500000e-01 : f32
      %mul3A_245 = vector.broadcast %mul3A_244 : f32 to vector<16xf32>
      %mul3A_246 = arith.mulf %sub3A_174, %mul3A_245 : vector<16xf32>
      %add3A_247 = arith.addf %sub3A_168, %mul3A_246 : vector<16xf32>
      %mul3A_248 = arith.constant 1.125000e-02 : f32
      %mul3A_249 = vector.broadcast %mul3A_248 : f32 to vector<16xf32>
      %mul3A_250 = arith.mulf %sub3A_180, %mul3A_249 : vector<16xf32>
      %add3A_251 = arith.addf %add3A_247, %mul3A_250 : vector<16xf32>
      %add3A_252 = arith.constant 9.99999997E-7 : f32
      %add3A_253 = vector.broadcast %add3A_252 : f32 to vector<16xf32>
      %add3A_254 = arith.addf %add3A_251, %add3A_253 : vector<16xf32>
      %mul3A_255 = arith.mulf %add3A_243, %add3A_243 : vector<16xf32>
      %mul3A_256 = arith.mulf %add3A_254, %add3A_254 : vector<16xf32>
      %add3A_257 = arith.addf %mul3A_255, %mul3A_256 : vector<16xf32>
      %mul3A_258 = arith.constant 5.000000e-01 : f32
      %mul3A_259 = vector.broadcast %mul3A_258 : f32 to vector<16xf32>
      %mul3A_260 = arith.mulf %add3A_257, %mul3A_259 : vector<16xf32>
      %bitcast3A_261 = vector.bitcast %add3A_257 : vector<16xf32> to vector<16xi32>
      %shift_right_arithmetic3A_262 = arith.constant 1 : i32
      %shift_right_arithmetic3A_263 = vector.broadcast %shift_right_arithmetic3A_262 : i32 to vector<16xi32>
      %shift_right_arithmetic3A_264 = arith.shrsi %bitcast3A_261, %shift_right_arithmetic3A_263 : vector<16xi32>
      %sub3A_265 = arith.constant 1597463007 : i32
      %sub3A_266 = vector.broadcast %sub3A_265 : i32 to vector<16xi32>
      %sub3A_267 = arith.subi %sub3A_266, %shift_right_arithmetic3A_264 : vector<16xi32>
      %bitcast3A_268 = vector.bitcast %sub3A_267 : vector<16xi32> to vector<16xf32>
      %mul3A_269 = arith.mulf %mul3A_260, %bitcast3A_268 : vector<16xf32>
      %mul3A_270 = arith.mulf %mul3A_269, %bitcast3A_268 : vector<16xf32>
      %sub3A_271 = arith.constant 1.500000e+00 : f32
      %sub3A_272 = vector.broadcast %sub3A_271 : f32 to vector<16xf32>
      %sub3A_273 = arith.subf %sub3A_272, %mul3A_270 : vector<16xf32>
      %mul3A_274 = arith.mulf %bitcast3A_268, %sub3A_273 : vector<16xf32>
      %mul3A_275 = arith.mulf %mul3A_260, %mul3A_274 : vector<16xf32>
      %mul3A_276 = arith.mulf %mul3A_275, %mul3A_274 : vector<16xf32>
      %sub3A_277 = arith.constant 1.500000e+00 : f32
      %sub3A_278 = vector.broadcast %sub3A_277 : f32 to vector<16xf32>
      %sub3A_279 = arith.subf %sub3A_278, %mul3A_276 : vector<16xf32>
      %mul3A_280 = arith.mulf %mul3A_274, %sub3A_279 : vector<16xf32>
      %mul3A_281 = arith.mulf %add3A_257, %mul3A_280 : vector<16xf32>
      %neg3A_282 = arith.constant 0.000000e+00 : f32
      %neg3A_283 = vector.broadcast %neg3A_282 : f32 to vector<16xf32>
      %neg3A_284 = arith.subf %neg3A_283, %mul3A_281 : vector<16xf32>
      %exp3A_285 = math.exp %neg3A_284 : vector<16xf32>
      %add3A_286 = arith.addf %add3A_232, %exp3A_285 : vector<16xf32>
      %mul3A_287 = arith.constant 2.500000e-01 : f32
      %mul3A_288 = vector.broadcast %mul3A_287 : f32 to vector<16xf32>
      %mul3A_289 = arith.mulf %sub3A_171, %mul3A_288 : vector<16xf32>
      %add3A_290 = arith.addf %sub3A_165, %mul3A_289 : vector<16xf32>
      %mul3A_291 = arith.constant 3.125000e-02 : f32
      %mul3A_292 = vector.broadcast %mul3A_291 : f32 to vector<16xf32>
      %mul3A_293 = arith.mulf %sub3A_177, %mul3A_292 : vector<16xf32>
      %add3A_294 = arith.addf %add3A_290, %mul3A_293 : vector<16xf32>
      %add3A_295 = arith.constant 9.99999997E-7 : f32
      %add3A_296 = vector.broadcast %add3A_295 : f32 to vector<16xf32>
      %add3A_297 = arith.addf %add3A_294, %add3A_296 : vector<16xf32>
      %mul3A_298 = arith.constant 2.500000e-01 : f32
      %mul3A_299 = vector.broadcast %mul3A_298 : f32 to vector<16xf32>
      %mul3A_300 = arith.mulf %sub3A_174, %mul3A_299 : vector<16xf32>
      %add3A_301 = arith.addf %sub3A_168, %mul3A_300 : vector<16xf32>
      %mul3A_302 = arith.constant 3.125000e-02 : f32
      %mul3A_303 = vector.broadcast %mul3A_302 : f32 to vector<16xf32>
      %mul3A_304 = arith.mulf %sub3A_180, %mul3A_303 : vector<16xf32>
      %add3A_305 = arith.addf %add3A_301, %mul3A_304 : vector<16xf32>
      %add3A_306 = arith.constant 9.99999997E-7 : f32
      %add3A_307 = vector.broadcast %add3A_306 : f32 to vector<16xf32>
      %add3A_308 = arith.addf %add3A_305, %add3A_307 : vector<16xf32>
      %mul3A_309 = arith.mulf %add3A_297, %add3A_297 : vector<16xf32>
      %mul3A_310 = arith.mulf %add3A_308, %add3A_308 : vector<16xf32>
      %add3A_311 = arith.addf %mul3A_309, %mul3A_310 : vector<16xf32>
      %mul3A_312 = arith.constant 5.000000e-01 : f32
      %mul3A_313 = vector.broadcast %mul3A_312 : f32 to vector<16xf32>
      %mul3A_314 = arith.mulf %add3A_311, %mul3A_313 : vector<16xf32>
      %bitcast3A_315 = vector.bitcast %add3A_311 : vector<16xf32> to vector<16xi32>
      %shift_right_arithmetic3A_316 = arith.constant 1 : i32
      %shift_right_arithmetic3A_317 = vector.broadcast %shift_right_arithmetic3A_316 : i32 to vector<16xi32>
      %shift_right_arithmetic3A_318 = arith.shrsi %bitcast3A_315, %shift_right_arithmetic3A_317 : vector<16xi32>
      %sub3A_319 = arith.constant 1597463007 : i32
      %sub3A_320 = vector.broadcast %sub3A_319 : i32 to vector<16xi32>
      %sub3A_321 = arith.subi %sub3A_320, %shift_right_arithmetic3A_318 : vector<16xi32>
      %bitcast3A_322 = vector.bitcast %sub3A_321 : vector<16xi32> to vector<16xf32>
      %mul3A_323 = arith.mulf %mul3A_314, %bitcast3A_322 : vector<16xf32>
      %mul3A_324 = arith.mulf %mul3A_323, %bitcast3A_322 : vector<16xf32>
      %sub3A_325 = arith.constant 1.500000e+00 : f32
      %sub3A_326 = vector.broadcast %sub3A_325 : f32 to vector<16xf32>
      %sub3A_327 = arith.subf %sub3A_326, %mul3A_324 : vector<16xf32>
      %mul3A_328 = arith.mulf %bitcast3A_322, %sub3A_327 : vector<16xf32>
      %mul3A_329 = arith.mulf %mul3A_314, %mul3A_328 : vector<16xf32>
      %mul3A_330 = arith.mulf %mul3A_329, %mul3A_328 : vector<16xf32>
      %sub3A_331 = arith.constant 1.500000e+00 : f32
      %sub3A_332 = vector.broadcast %sub3A_331 : f32 to vector<16xf32>
      %sub3A_333 = arith.subf %sub3A_332, %mul3A_330 : vector<16xf32>
      %mul3A_334 = arith.mulf %mul3A_328, %sub3A_333 : vector<16xf32>
      %mul3A_335 = arith.mulf %add3A_311, %mul3A_334 : vector<16xf32>
      %neg3A_336 = arith.constant 0.000000e+00 : f32
      %neg3A_337 = vector.broadcast %neg3A_336 : f32 to vector<16xf32>
      %neg3A_338 = arith.subf %neg3A_337, %mul3A_335 : vector<16xf32>
      %exp3A_339 = math.exp %neg3A_338 : vector<16xf32>
      %add3A_340 = arith.addf %add3A_286, %exp3A_339 : vector<16xf32>
      %mul3A_341 = arith.constant 3.500000e-01 : f32
      %mul3A_342 = vector.broadcast %mul3A_341 : f32 to vector<16xf32>
      %mul3A_343 = arith.mulf %sub3A_171, %mul3A_342 : vector<16xf32>
      %add3A_344 = arith.addf %sub3A_165, %mul3A_343 : vector<16xf32>
      %mul3A_345 = arith.constant 6.125000e-02 : f32
      %mul3A_346 = vector.broadcast %mul3A_345 : f32 to vector<16xf32>
      %mul3A_347 = arith.mulf %sub3A_177, %mul3A_346 : vector<16xf32>
      %add3A_348 = arith.addf %add3A_344, %mul3A_347 : vector<16xf32>
      %add3A_349 = arith.constant 9.99999997E-7 : f32
      %add3A_350 = vector.broadcast %add3A_349 : f32 to vector<16xf32>
      %add3A_351 = arith.addf %add3A_348, %add3A_350 : vector<16xf32>
      %mul3A_352 = arith.constant 3.500000e-01 : f32
      %mul3A_353 = vector.broadcast %mul3A_352 : f32 to vector<16xf32>
      %mul3A_354 = arith.mulf %sub3A_174, %mul3A_353 : vector<16xf32>
      %add3A_355 = arith.addf %sub3A_168, %mul3A_354 : vector<16xf32>
      %mul3A_356 = arith.constant 6.125000e-02 : f32
      %mul3A_357 = vector.broadcast %mul3A_356 : f32 to vector<16xf32>
      %mul3A_358 = arith.mulf %sub3A_180, %mul3A_357 : vector<16xf32>
      %add3A_359 = arith.addf %add3A_355, %mul3A_358 : vector<16xf32>
      %add3A_360 = arith.constant 9.99999997E-7 : f32
      %add3A_361 = vector.broadcast %add3A_360 : f32 to vector<16xf32>
      %add3A_362 = arith.addf %add3A_359, %add3A_361 : vector<16xf32>
      %mul3A_363 = arith.mulf %add3A_351, %add3A_351 : vector<16xf32>
      %mul3A_364 = arith.mulf %add3A_362, %add3A_362 : vector<16xf32>
      %add3A_365 = arith.addf %mul3A_363, %mul3A_364 : vector<16xf32>
      %mul3A_366 = arith.constant 5.000000e-01 : f32
      %mul3A_367 = vector.broadcast %mul3A_366 : f32 to vector<16xf32>
      %mul3A_368 = arith.mulf %add3A_365, %mul3A_367 : vector<16xf32>
      %bitcast3A_369 = vector.bitcast %add3A_365 : vector<16xf32> to vector<16xi32>
      %shift_right_arithmetic3A_370 = arith.constant 1 : i32
      %shift_right_arithmetic3A_371 = vector.broadcast %shift_right_arithmetic3A_370 : i32 to vector<16xi32>
      %shift_right_arithmetic3A_372 = arith.shrsi %bitcast3A_369, %shift_right_arithmetic3A_371 : vector<16xi32>
      %sub3A_373 = arith.constant 1597463007 : i32
      %sub3A_374 = vector.broadcast %sub3A_373 : i32 to vector<16xi32>
      %sub3A_375 = arith.subi %sub3A_374, %shift_right_arithmetic3A_372 : vector<16xi32>
      %bitcast3A_376 = vector.bitcast %sub3A_375 : vector<16xi32> to vector<16xf32>
      %mul3A_377 = arith.mulf %mul3A_368, %bitcast3A_376 : vector<16xf32>
      %mul3A_378 = arith.mulf %mul3A_377, %bitcast3A_376 : vector<16xf32>
      %sub3A_379 = arith.constant 1.500000e+00 : f32
      %sub3A_380 = vector.broadcast %sub3A_379 : f32 to vector<16xf32>
      %sub3A_381 = arith.subf %sub3A_380, %mul3A_378 : vector<16xf32>
      %mul3A_382 = arith.mulf %bitcast3A_376, %sub3A_381 : vector<16xf32>
      %mul3A_383 = arith.mulf %mul3A_368, %mul3A_382 : vector<16xf32>
      %mul3A_384 = arith.mulf %mul3A_383, %mul3A_382 : vector<16xf32>
      %sub3A_385 = arith.constant 1.500000e+00 : f32
      %sub3A_386 = vector.broadcast %sub3A_385 : f32 to vector<16xf32>
      %sub3A_387 = arith.subf %sub3A_386, %mul3A_384 : vector<16xf32>
      %mul3A_388 = arith.mulf %mul3A_382, %sub3A_387 : vector<16xf32>
      %mul3A_389 = arith.mulf %add3A_365, %mul3A_388 : vector<16xf32>
      %neg3A_390 = arith.constant 0.000000e+00 : f32
      %neg3A_391 = vector.broadcast %neg3A_390 : f32 to vector<16xf32>
      %neg3A_392 = arith.subf %neg3A_391, %mul3A_389 : vector<16xf32>
      %exp3A_393 = math.exp %neg3A_392 : vector<16xf32>
      %add3A_394 = arith.addf %add3A_340, %exp3A_393 : vector<16xf32>
      %mul3A_395 = arith.constant 4.500000e-01 : f32
      %mul3A_396 = vector.broadcast %mul3A_395 : f32 to vector<16xf32>
      %mul3A_397 = arith.mulf %sub3A_171, %mul3A_396 : vector<16xf32>
      %add3A_398 = arith.addf %sub3A_165, %mul3A_397 : vector<16xf32>
      %mul3A_399 = arith.constant 1.012500e-01 : f32
      %mul3A_400 = vector.broadcast %mul3A_399 : f32 to vector<16xf32>
      %mul3A_401 = arith.mulf %sub3A_177, %mul3A_400 : vector<16xf32>
      %add3A_402 = arith.addf %add3A_398, %mul3A_401 : vector<16xf32>
      %add3A_403 = arith.constant 9.99999997E-7 : f32
      %add3A_404 = vector.broadcast %add3A_403 : f32 to vector<16xf32>
      %add3A_405 = arith.addf %add3A_402, %add3A_404 : vector<16xf32>
      %mul3A_406 = arith.constant 4.500000e-01 : f32
      %mul3A_407 = vector.broadcast %mul3A_406 : f32 to vector<16xf32>
      %mul3A_408 = arith.mulf %sub3A_174, %mul3A_407 : vector<16xf32>
      %add3A_409 = arith.addf %sub3A_168, %mul3A_408 : vector<16xf32>
      %mul3A_410 = arith.constant 1.012500e-01 : f32
      %mul3A_411 = vector.broadcast %mul3A_410 : f32 to vector<16xf32>
      %mul3A_412 = arith.mulf %sub3A_180, %mul3A_411 : vector<16xf32>
      %add3A_413 = arith.addf %add3A_409, %mul3A_412 : vector<16xf32>
      %add3A_414 = arith.constant 9.99999997E-7 : f32
      %add3A_415 = vector.broadcast %add3A_414 : f32 to vector<16xf32>
      %add3A_416 = arith.addf %add3A_413, %add3A_415 : vector<16xf32>
      %mul3A_417 = arith.mulf %add3A_405, %add3A_405 : vector<16xf32>
      %mul3A_418 = arith.mulf %add3A_416, %add3A_416 : vector<16xf32>
      %add3A_419 = arith.addf %mul3A_417, %mul3A_418 : vector<16xf32>
      %mul3A_420 = arith.constant 5.000000e-01 : f32
      %mul3A_421 = vector.broadcast %mul3A_420 : f32 to vector<16xf32>
      %mul3A_422 = arith.mulf %add3A_419, %mul3A_421 : vector<16xf32>
      %bitcast3A_423 = vector.bitcast %add3A_419 : vector<16xf32> to vector<16xi32>
      %shift_right_arithmetic3A_424 = arith.constant 1 : i32
      %shift_right_arithmetic3A_425 = vector.broadcast %shift_right_arithmetic3A_424 : i32 to vector<16xi32>
      %shift_right_arithmetic3A_426 = arith.shrsi %bitcast3A_423, %shift_right_arithmetic3A_425 : vector<16xi32>
      %sub3A_427 = arith.constant 1597463007 : i32
      %sub3A_428 = vector.broadcast %sub3A_427 : i32 to vector<16xi32>
      %sub3A_429 = arith.subi %sub3A_428, %shift_right_arithmetic3A_426 : vector<16xi32>
      %bitcast3A_430 = vector.bitcast %sub3A_429 : vector<16xi32> to vector<16xf32>
      %mul3A_431 = arith.mulf %mul3A_422, %bitcast3A_430 : vector<16xf32>
      %mul3A_432 = arith.mulf %mul3A_431, %bitcast3A_430 : vector<16xf32>
      %sub3A_433 = arith.constant 1.500000e+00 : f32
      %sub3A_434 = vector.broadcast %sub3A_433 : f32 to vector<16xf32>
      %sub3A_435 = arith.subf %sub3A_434, %mul3A_432 : vector<16xf32>
      %mul3A_436 = arith.mulf %bitcast3A_430, %sub3A_435 : vector<16xf32>
      %mul3A_437 = arith.mulf %mul3A_422, %mul3A_436 : vector<16xf32>
      %mul3A_438 = arith.mulf %mul3A_437, %mul3A_436 : vector<16xf32>
      %sub3A_439 = arith.constant 1.500000e+00 : f32
      %sub3A_440 = vector.broadcast %sub3A_439 : f32 to vector<16xf32>
      %sub3A_441 = arith.subf %sub3A_440, %mul3A_438 : vector<16xf32>
      %mul3A_442 = arith.mulf %mul3A_436, %sub3A_441 : vector<16xf32>
      %mul3A_443 = arith.mulf %add3A_419, %mul3A_442 : vector<16xf32>
      %neg3A_444 = arith.constant 0.000000e+00 : f32
      %neg3A_445 = vector.broadcast %neg3A_444 : f32 to vector<16xf32>
      %neg3A_446 = arith.subf %neg3A_445, %mul3A_443 : vector<16xf32>
      %exp3A_447 = math.exp %neg3A_446 : vector<16xf32>
      %add3A_448 = arith.addf %add3A_394, %exp3A_447 : vector<16xf32>
      %mul3A_449 = arith.constant 5.500000e-01 : f32
      %mul3A_450 = vector.broadcast %mul3A_449 : f32 to vector<16xf32>
      %mul3A_451 = arith.mulf %sub3A_171, %mul3A_450 : vector<16xf32>
      %add3A_452 = arith.addf %sub3A_165, %mul3A_451 : vector<16xf32>
      %mul3A_453 = arith.constant 1.512500e-01 : f32
      %mul3A_454 = vector.broadcast %mul3A_453 : f32 to vector<16xf32>
      %mul3A_455 = arith.mulf %sub3A_177, %mul3A_454 : vector<16xf32>
      %add3A_456 = arith.addf %add3A_452, %mul3A_455 : vector<16xf32>
      %add3A_457 = arith.constant 9.99999997E-7 : f32
      %add3A_458 = vector.broadcast %add3A_457 : f32 to vector<16xf32>
      %add3A_459 = arith.addf %add3A_456, %add3A_458 : vector<16xf32>
      %mul3A_460 = arith.constant 5.500000e-01 : f32
      %mul3A_461 = vector.broadcast %mul3A_460 : f32 to vector<16xf32>
      %mul3A_462 = arith.mulf %sub3A_174, %mul3A_461 : vector<16xf32>
      %add3A_463 = arith.addf %sub3A_168, %mul3A_462 : vector<16xf32>
      %mul3A_464 = arith.constant 1.512500e-01 : f32
      %mul3A_465 = vector.broadcast %mul3A_464 : f32 to vector<16xf32>
      %mul3A_466 = arith.mulf %sub3A_180, %mul3A_465 : vector<16xf32>
      %add3A_467 = arith.addf %add3A_463, %mul3A_466 : vector<16xf32>
      %add3A_468 = arith.constant 9.99999997E-7 : f32
      %add3A_469 = vector.broadcast %add3A_468 : f32 to vector<16xf32>
      %add3A_470 = arith.addf %add3A_467, %add3A_469 : vector<16xf32>
      %mul3A_471 = arith.mulf %add3A_459, %add3A_459 : vector<16xf32>
      %mul3A_472 = arith.mulf %add3A_470, %add3A_470 : vector<16xf32>
      %add3A_473 = arith.addf %mul3A_471, %mul3A_472 : vector<16xf32>
      %mul3A_474 = arith.constant 5.000000e-01 : f32
      %mul3A_475 = vector.broadcast %mul3A_474 : f32 to vector<16xf32>
      %mul3A_476 = arith.mulf %add3A_473, %mul3A_475 : vector<16xf32>
      %bitcast3A_477 = vector.bitcast %add3A_473 : vector<16xf32> to vector<16xi32>
      %shift_right_arithmetic3A_478 = arith.constant 1 : i32
      %shift_right_arithmetic3A_479 = vector.broadcast %shift_right_arithmetic3A_478 : i32 to vector<16xi32>
      %shift_right_arithmetic3A_480 = arith.shrsi %bitcast3A_477, %shift_right_arithmetic3A_479 : vector<16xi32>
      %sub3A_481 = arith.constant 1597463007 : i32
      %sub3A_482 = vector.broadcast %sub3A_481 : i32 to vector<16xi32>
      %sub3A_483 = arith.subi %sub3A_482, %shift_right_arithmetic3A_480 : vector<16xi32>
      %bitcast3A_484 = vector.bitcast %sub3A_483 : vector<16xi32> to vector<16xf32>
      %mul3A_485 = arith.mulf %mul3A_476, %bitcast3A_484 : vector<16xf32>
      %mul3A_486 = arith.mulf %mul3A_485, %bitcast3A_484 : vector<16xf32>
      %sub3A_487 = arith.constant 1.500000e+00 : f32
      %sub3A_488 = vector.broadcast %sub3A_487 : f32 to vector<16xf32>
      %sub3A_489 = arith.subf %sub3A_488, %mul3A_486 : vector<16xf32>
      %mul3A_490 = arith.mulf %bitcast3A_484, %sub3A_489 : vector<16xf32>
      %mul3A_491 = arith.mulf %mul3A_476, %mul3A_490 : vector<16xf32>
      %mul3A_492 = arith.mulf %mul3A_491, %mul3A_490 : vector<16xf32>
      %sub3A_493 = arith.constant 1.500000e+00 : f32
      %sub3A_494 = vector.broadcast %sub3A_493 : f32 to vector<16xf32>
      %sub3A_495 = arith.subf %sub3A_494, %mul3A_492 : vector<16xf32>
      %mul3A_496 = arith.mulf %mul3A_490, %sub3A_495 : vector<16xf32>
      %mul3A_497 = arith.mulf %add3A_473, %mul3A_496 : vector<16xf32>
      %neg3A_498 = arith.constant 0.000000e+00 : f32
      %neg3A_499 = vector.broadcast %neg3A_498 : f32 to vector<16xf32>
      %neg3A_500 = arith.subf %neg3A_499, %mul3A_497 : vector<16xf32>
      %exp3A_501 = math.exp %neg3A_500 : vector<16xf32>
      %add3A_502 = arith.addf %add3A_448, %exp3A_501 : vector<16xf32>
      %mul3A_503 = arith.constant 6.500000e-01 : f32
      %mul3A_504 = vector.broadcast %mul3A_503 : f32 to vector<16xf32>
      %mul3A_505 = arith.mulf %sub3A_171, %mul3A_504 : vector<16xf32>
      %add3A_506 = arith.addf %sub3A_165, %mul3A_505 : vector<16xf32>
      %mul3A_507 = arith.constant 2.112500e-01 : f32
      %mul3A_508 = vector.broadcast %mul3A_507 : f32 to vector<16xf32>
      %mul3A_509 = arith.mulf %sub3A_177, %mul3A_508 : vector<16xf32>
      %add3A_510 = arith.addf %add3A_506, %mul3A_509 : vector<16xf32>
      %add3A_511 = arith.constant 9.99999997E-7 : f32
      %add3A_512 = vector.broadcast %add3A_511 : f32 to vector<16xf32>
      %add3A_513 = arith.addf %add3A_510, %add3A_512 : vector<16xf32>
      %mul3A_514 = arith.constant 6.500000e-01 : f32
      %mul3A_515 = vector.broadcast %mul3A_514 : f32 to vector<16xf32>
      %mul3A_516 = arith.mulf %sub3A_174, %mul3A_515 : vector<16xf32>
      %add3A_517 = arith.addf %sub3A_168, %mul3A_516 : vector<16xf32>
      %mul3A_518 = arith.constant 2.112500e-01 : f32
      %mul3A_519 = vector.broadcast %mul3A_518 : f32 to vector<16xf32>
      %mul3A_520 = arith.mulf %sub3A_180, %mul3A_519 : vector<16xf32>
      %add3A_521 = arith.addf %add3A_517, %mul3A_520 : vector<16xf32>
      %add3A_522 = arith.constant 9.99999997E-7 : f32
      %add3A_523 = vector.broadcast %add3A_522 : f32 to vector<16xf32>
      %add3A_524 = arith.addf %add3A_521, %add3A_523 : vector<16xf32>
      %mul3A_525 = arith.mulf %add3A_513, %add3A_513 : vector<16xf32>
      %mul3A_526 = arith.mulf %add3A_524, %add3A_524 : vector<16xf32>
      %add3A_527 = arith.addf %mul3A_525, %mul3A_526 : vector<16xf32>
      %mul3A_528 = arith.constant 5.000000e-01 : f32
      %mul3A_529 = vector.broadcast %mul3A_528 : f32 to vector<16xf32>
      %mul3A_530 = arith.mulf %add3A_527, %mul3A_529 : vector<16xf32>
      %bitcast3A_531 = vector.bitcast %add3A_527 : vector<16xf32> to vector<16xi32>
      %shift_right_arithmetic3A_532 = arith.constant 1 : i32
      %shift_right_arithmetic3A_533 = vector.broadcast %shift_right_arithmetic3A_532 : i32 to vector<16xi32>
      %shift_right_arithmetic3A_534 = arith.shrsi %bitcast3A_531, %shift_right_arithmetic3A_533 : vector<16xi32>
      %sub3A_535 = arith.constant 1597463007 : i32
      %sub3A_536 = vector.broadcast %sub3A_535 : i32 to vector<16xi32>
      %sub3A_537 = arith.subi %sub3A_536, %shift_right_arithmetic3A_534 : vector<16xi32>
      %bitcast3A_538 = vector.bitcast %sub3A_537 : vector<16xi32> to vector<16xf32>
      %mul3A_539 = arith.mulf %mul3A_530, %bitcast3A_538 : vector<16xf32>
      %mul3A_540 = arith.mulf %mul3A_539, %bitcast3A_538 : vector<16xf32>
      %sub3A_541 = arith.constant 1.500000e+00 : f32
      %sub3A_542 = vector.broadcast %sub3A_541 : f32 to vector<16xf32>
      %sub3A_543 = arith.subf %sub3A_542, %mul3A_540 : vector<16xf32>
      %mul3A_544 = arith.mulf %bitcast3A_538, %sub3A_543 : vector<16xf32>
      %mul3A_545 = arith.mulf %mul3A_530, %mul3A_544 : vector<16xf32>
      %mul3A_546 = arith.mulf %mul3A_545, %mul3A_544 : vector<16xf32>
      %sub3A_547 = arith.constant 1.500000e+00 : f32
      %sub3A_548 = vector.broadcast %sub3A_547 : f32 to vector<16xf32>
      %sub3A_549 = arith.subf %sub3A_548, %mul3A_546 : vector<16xf32>
      %mul3A_550 = arith.mulf %mul3A_544, %sub3A_549 : vector<16xf32>
      %mul3A_551 = arith.mulf %add3A_527, %mul3A_550 : vector<16xf32>
      %neg3A_552 = arith.constant 0.000000e+00 : f32
      %neg3A_553 = vector.broadcast %neg3A_552 : f32 to vector<16xf32>
      %neg3A_554 = arith.subf %neg3A_553, %mul3A_551 : vector<16xf32>
      %exp3A_555 = math.exp %neg3A_554 : vector<16xf32>
      %add3A_556 = arith.addf %add3A_502, %exp3A_555 : vector<16xf32>
      %mul3A_557 = arith.constant 7.500000e-01 : f32
      %mul3A_558 = vector.broadcast %mul3A_557 : f32 to vector<16xf32>
      %mul3A_559 = arith.mulf %sub3A_171, %mul3A_558 : vector<16xf32>
      %add3A_560 = arith.addf %sub3A_165, %mul3A_559 : vector<16xf32>
      %mul3A_561 = arith.constant 2.812500e-01 : f32
      %mul3A_562 = vector.broadcast %mul3A_561 : f32 to vector<16xf32>
      %mul3A_563 = arith.mulf %sub3A_177, %mul3A_562 : vector<16xf32>
      %add3A_564 = arith.addf %add3A_560, %mul3A_563 : vector<16xf32>
      %add3A_565 = arith.constant 9.99999997E-7 : f32
      %add3A_566 = vector.broadcast %add3A_565 : f32 to vector<16xf32>
      %add3A_567 = arith.addf %add3A_564, %add3A_566 : vector<16xf32>
      %mul3A_568 = arith.constant 7.500000e-01 : f32
      %mul3A_569 = vector.broadcast %mul3A_568 : f32 to vector<16xf32>
      %mul3A_570 = arith.mulf %sub3A_174, %mul3A_569 : vector<16xf32>
      %add3A_571 = arith.addf %sub3A_168, %mul3A_570 : vector<16xf32>
      %mul3A_572 = arith.constant 2.812500e-01 : f32
      %mul3A_573 = vector.broadcast %mul3A_572 : f32 to vector<16xf32>
      %mul3A_574 = arith.mulf %sub3A_180, %mul3A_573 : vector<16xf32>
      %add3A_575 = arith.addf %add3A_571, %mul3A_574 : vector<16xf32>
      %add3A_576 = arith.constant 9.99999997E-7 : f32
      %add3A_577 = vector.broadcast %add3A_576 : f32 to vector<16xf32>
      %add3A_578 = arith.addf %add3A_575, %add3A_577 : vector<16xf32>
      %mul3A_579 = arith.mulf %add3A_567, %add3A_567 : vector<16xf32>
      %mul3A_580 = arith.mulf %add3A_578, %add3A_578 : vector<16xf32>
      %add3A_581 = arith.addf %mul3A_579, %mul3A_580 : vector<16xf32>
      %mul3A_582 = arith.constant 5.000000e-01 : f32
      %mul3A_583 = vector.broadcast %mul3A_582 : f32 to vector<16xf32>
      %mul3A_584 = arith.mulf %add3A_581, %mul3A_583 : vector<16xf32>
      %bitcast3A_585 = vector.bitcast %add3A_581 : vector<16xf32> to vector<16xi32>
      %shift_right_arithmetic3A_586 = arith.constant 1 : i32
      %shift_right_arithmetic3A_587 = vector.broadcast %shift_right_arithmetic3A_586 : i32 to vector<16xi32>
      %shift_right_arithmetic3A_588 = arith.shrsi %bitcast3A_585, %shift_right_arithmetic3A_587 : vector<16xi32>
      %sub3A_589 = arith.constant 1597463007 : i32
      %sub3A_590 = vector.broadcast %sub3A_589 : i32 to vector<16xi32>
      %sub3A_591 = arith.subi %sub3A_590, %shift_right_arithmetic3A_588 : vector<16xi32>
      %bitcast3A_592 = vector.bitcast %sub3A_591 : vector<16xi32> to vector<16xf32>
      %mul3A_593 = arith.mulf %mul3A_584, %bitcast3A_592 : vector<16xf32>
      %mul3A_594 = arith.mulf %mul3A_593, %bitcast3A_592 : vector<16xf32>
      %sub3A_595 = arith.constant 1.500000e+00 : f32
      %sub3A_596 = vector.broadcast %sub3A_595 : f32 to vector<16xf32>
      %sub3A_597 = arith.subf %sub3A_596, %mul3A_594 : vector<16xf32>
      %mul3A_598 = arith.mulf %bitcast3A_592, %sub3A_597 : vector<16xf32>
      %mul3A_599 = arith.mulf %mul3A_584, %mul3A_598 : vector<16xf32>
      %mul3A_600 = arith.mulf %mul3A_599, %mul3A_598 : vector<16xf32>
      %sub3A_601 = arith.constant 1.500000e+00 : f32
      %sub3A_602 = vector.broadcast %sub3A_601 : f32 to vector<16xf32>
      %sub3A_603 = arith.subf %sub3A_602, %mul3A_600 : vector<16xf32>
      %mul3A_604 = arith.mulf %mul3A_598, %sub3A_603 : vector<16xf32>
      %mul3A_605 = arith.mulf %add3A_581, %mul3A_604 : vector<16xf32>
      %neg3A_606 = arith.constant 0.000000e+00 : f32
      %neg3A_607 = vector.broadcast %neg3A_606 : f32 to vector<16xf32>
      %neg3A_608 = arith.subf %neg3A_607, %mul3A_605 : vector<16xf32>
      %exp3A_609 = math.exp %neg3A_608 : vector<16xf32>
      %add3A_610 = arith.addf %add3A_556, %exp3A_609 : vector<16xf32>
      %mul3A_611 = arith.constant 8.500000e-01 : f32
      %mul3A_612 = vector.broadcast %mul3A_611 : f32 to vector<16xf32>
      %mul3A_613 = arith.mulf %sub3A_171, %mul3A_612 : vector<16xf32>
      %add3A_614 = arith.addf %sub3A_165, %mul3A_613 : vector<16xf32>
      %mul3A_615 = arith.constant 3.612500e-01 : f32
      %mul3A_616 = vector.broadcast %mul3A_615 : f32 to vector<16xf32>
      %mul3A_617 = arith.mulf %sub3A_177, %mul3A_616 : vector<16xf32>
      %add3A_618 = arith.addf %add3A_614, %mul3A_617 : vector<16xf32>
      %add3A_619 = arith.constant 9.99999997E-7 : f32
      %add3A_620 = vector.broadcast %add3A_619 : f32 to vector<16xf32>
      %add3A_621 = arith.addf %add3A_618, %add3A_620 : vector<16xf32>
      %mul3A_622 = arith.constant 8.500000e-01 : f32
      %mul3A_623 = vector.broadcast %mul3A_622 : f32 to vector<16xf32>
      %mul3A_624 = arith.mulf %sub3A_174, %mul3A_623 : vector<16xf32>
      %add3A_625 = arith.addf %sub3A_168, %mul3A_624 : vector<16xf32>
      %mul3A_626 = arith.constant 3.612500e-01 : f32
      %mul3A_627 = vector.broadcast %mul3A_626 : f32 to vector<16xf32>
      %mul3A_628 = arith.mulf %sub3A_180, %mul3A_627 : vector<16xf32>
      %add3A_629 = arith.addf %add3A_625, %mul3A_628 : vector<16xf32>
      %add3A_630 = arith.constant 9.99999997E-7 : f32
      %add3A_631 = vector.broadcast %add3A_630 : f32 to vector<16xf32>
      %add3A_632 = arith.addf %add3A_629, %add3A_631 : vector<16xf32>
      %mul3A_633 = arith.mulf %add3A_621, %add3A_621 : vector<16xf32>
      %mul3A_634 = arith.mulf %add3A_632, %add3A_632 : vector<16xf32>
      %add3A_635 = arith.addf %mul3A_633, %mul3A_634 : vector<16xf32>
      %mul3A_636 = arith.constant 5.000000e-01 : f32
      %mul3A_637 = vector.broadcast %mul3A_636 : f32 to vector<16xf32>
      %mul3A_638 = arith.mulf %add3A_635, %mul3A_637 : vector<16xf32>
      %bitcast3A_639 = vector.bitcast %add3A_635 : vector<16xf32> to vector<16xi32>
      %shift_right_arithmetic3A_640 = arith.constant 1 : i32
      %shift_right_arithmetic3A_641 = vector.broadcast %shift_right_arithmetic3A_640 : i32 to vector<16xi32>
      %shift_right_arithmetic3A_642 = arith.shrsi %bitcast3A_639, %shift_right_arithmetic3A_641 : vector<16xi32>
      %sub3A_643 = arith.constant 1597463007 : i32
      %sub3A_644 = vector.broadcast %sub3A_643 : i32 to vector<16xi32>
      %sub3A_645 = arith.subi %sub3A_644, %shift_right_arithmetic3A_642 : vector<16xi32>
      %bitcast3A_646 = vector.bitcast %sub3A_645 : vector<16xi32> to vector<16xf32>
      %mul3A_647 = arith.mulf %mul3A_638, %bitcast3A_646 : vector<16xf32>
      %mul3A_648 = arith.mulf %mul3A_647, %bitcast3A_646 : vector<16xf32>
      %sub3A_649 = arith.constant 1.500000e+00 : f32
      %sub3A_650 = vector.broadcast %sub3A_649 : f32 to vector<16xf32>
      %sub3A_651 = arith.subf %sub3A_650, %mul3A_648 : vector<16xf32>
      %mul3A_652 = arith.mulf %bitcast3A_646, %sub3A_651 : vector<16xf32>
      %mul3A_653 = arith.mulf %mul3A_638, %mul3A_652 : vector<16xf32>
      %mul3A_654 = arith.mulf %mul3A_653, %mul3A_652 : vector<16xf32>
      %sub3A_655 = arith.constant 1.500000e+00 : f32
      %sub3A_656 = vector.broadcast %sub3A_655 : f32 to vector<16xf32>
      %sub3A_657 = arith.subf %sub3A_656, %mul3A_654 : vector<16xf32>
      %mul3A_658 = arith.mulf %mul3A_652, %sub3A_657 : vector<16xf32>
      %mul3A_659 = arith.mulf %add3A_635, %mul3A_658 : vector<16xf32>
      %neg3A_660 = arith.constant 0.000000e+00 : f32
      %neg3A_661 = vector.broadcast %neg3A_660 : f32 to vector<16xf32>
      %neg3A_662 = arith.subf %neg3A_661, %mul3A_659 : vector<16xf32>
      %exp3A_663 = math.exp %neg3A_662 : vector<16xf32>
      %add3A_664 = arith.addf %add3A_610, %exp3A_663 : vector<16xf32>
      %mul3A_665 = arith.constant 0.949999988 : f32
      %mul3A_666 = vector.broadcast %mul3A_665 : f32 to vector<16xf32>
      %mul3A_667 = arith.mulf %sub3A_171, %mul3A_666 : vector<16xf32>
      %add3A_668 = arith.addf %sub3A_165, %mul3A_667 : vector<16xf32>
      %mul3A_669 = arith.constant 4.512500e-01 : f32
      %mul3A_670 = vector.broadcast %mul3A_669 : f32 to vector<16xf32>
      %mul3A_671 = arith.mulf %sub3A_177, %mul3A_670 : vector<16xf32>
      %add3A_672 = arith.addf %add3A_668, %mul3A_671 : vector<16xf32>
      %add3A_673 = arith.constant 9.99999997E-7 : f32
      %add3A_674 = vector.broadcast %add3A_673 : f32 to vector<16xf32>
      %add3A_675 = arith.addf %add3A_672, %add3A_674 : vector<16xf32>
      %mul3A_676 = arith.constant 0.949999988 : f32
      %mul3A_677 = vector.broadcast %mul3A_676 : f32 to vector<16xf32>
      %mul3A_678 = arith.mulf %sub3A_174, %mul3A_677 : vector<16xf32>
      %add3A_679 = arith.addf %sub3A_168, %mul3A_678 : vector<16xf32>
      %mul3A_680 = arith.constant 4.512500e-01 : f32
      %mul3A_681 = vector.broadcast %mul3A_680 : f32 to vector<16xf32>
      %mul3A_682 = arith.mulf %sub3A_180, %mul3A_681 : vector<16xf32>
      %add3A_683 = arith.addf %add3A_679, %mul3A_682 : vector<16xf32>
      %add3A_684 = arith.constant 9.99999997E-7 : f32
      %add3A_685 = vector.broadcast %add3A_684 : f32 to vector<16xf32>
      %add3A_686 = arith.addf %add3A_683, %add3A_685 : vector<16xf32>
      %mul3A_687 = arith.mulf %add3A_675, %add3A_675 : vector<16xf32>
      %mul3A_688 = arith.mulf %add3A_686, %add3A_686 : vector<16xf32>
      %add3A_689 = arith.addf %mul3A_687, %mul3A_688 : vector<16xf32>
      %mul3A_690 = arith.constant 5.000000e-01 : f32
      %mul3A_691 = vector.broadcast %mul3A_690 : f32 to vector<16xf32>
      %mul3A_692 = arith.mulf %add3A_689, %mul3A_691 : vector<16xf32>
      %bitcast3A_693 = vector.bitcast %add3A_689 : vector<16xf32> to vector<16xi32>
      %shift_right_arithmetic3A_694 = arith.constant 1 : i32
      %shift_right_arithmetic3A_695 = vector.broadcast %shift_right_arithmetic3A_694 : i32 to vector<16xi32>
      %shift_right_arithmetic3A_696 = arith.shrsi %bitcast3A_693, %shift_right_arithmetic3A_695 : vector<16xi32>
      %sub3A_697 = arith.constant 1597463007 : i32
      %sub3A_698 = vector.broadcast %sub3A_697 : i32 to vector<16xi32>
      %sub3A_699 = arith.subi %sub3A_698, %shift_right_arithmetic3A_696 : vector<16xi32>
      %bitcast3A_700 = vector.bitcast %sub3A_699 : vector<16xi32> to vector<16xf32>
      %mul3A_701 = arith.mulf %mul3A_692, %bitcast3A_700 : vector<16xf32>
      %mul3A_702 = arith.mulf %mul3A_701, %bitcast3A_700 : vector<16xf32>
      %sub3A_703 = arith.constant 1.500000e+00 : f32
      %sub3A_704 = vector.broadcast %sub3A_703 : f32 to vector<16xf32>
      %sub3A_705 = arith.subf %sub3A_704, %mul3A_702 : vector<16xf32>
      %mul3A_706 = arith.mulf %bitcast3A_700, %sub3A_705 : vector<16xf32>
      %mul3A_707 = arith.mulf %mul3A_692, %mul3A_706 : vector<16xf32>
      %mul3A_708 = arith.mulf %mul3A_707, %mul3A_706 : vector<16xf32>
      %sub3A_709 = arith.constant 1.500000e+00 : f32
      %sub3A_710 = vector.broadcast %sub3A_709 : f32 to vector<16xf32>
      %sub3A_711 = arith.subf %sub3A_710, %mul3A_708 : vector<16xf32>
      %mul3A_712 = arith.mulf %mul3A_706, %sub3A_711 : vector<16xf32>
      %mul3A_713 = arith.mulf %add3A_689, %mul3A_712 : vector<16xf32>
      %neg3A_714 = arith.constant 0.000000e+00 : f32
      %neg3A_715 = vector.broadcast %neg3A_714 : f32 to vector<16xf32>
      %neg3A_716 = arith.subf %neg3A_715, %mul3A_713 : vector<16xf32>
      %exp3A_717 = math.exp %neg3A_716 : vector<16xf32>
      %add3A_718 = arith.addf %add3A_664, %exp3A_717 : vector<16xf32>
      %mul3A_719 = arith.mulf %add3A_718, %select_n3A_158 : vector<16xf32>
      %add3A_720 = arith.addf %while3A_148, %mul3A_719 : vector<16xf32>
      scf.yield %add3A_720 : vector<16xf32>
    }
    %while3A_127 = arith.constant 4 : i32
    %while3A_128 = arith.subi %while3A_127, %select_n3A_113 : i32
    %while3A_129 = arith.addi %select_n3A_113, %while3A_128 : i32
    %while3A_130 = arith.constant 1 : i32
    %while3A_131 = arith.divsi %while3A_128, %while3A_130 : i32
    %while3A_132 = arith.muli %while3A_131, %while3A_130 : i32
    %while3A_133 = arith.addi %select_n3A_113, %while3A_132 : i32
    %while3A_134 = arith.constant 1 : i32
    %while3A_135 = scf.for %while3A_147 = %select_n3A_113 to %while3A_133 step %while3A_134 iter_args(%while3A_148 = %while3A_126) -> (vector<16xf32>)  : i32 {
      %mul3A_149 = arith.constant 16 : i32
      %mul3A_150 = arith.muli %while3A_147, %mul3A_149 : i32
      %get3A = arith.index_cast %mul3A_150 : i32 to index
      %get3A_151 = tpu.vector_load %arg13[%get3A] {strides = array<i32>} : memref<64xi32, #tpu.memory_space<vmem>>, vector<16xi32>,
      %get3A_152 = arith.index_cast %mul3A_150 : i32 to index
      %get3A_153 = tpu.vector_load %arg14[%get3A_152] {strides = array<i32>} : memref<64xi32, #tpu.memory_space<vmem>>, vector<16xi32>,
      %gather3A = tpu.vector_load_idx %arg12[%broadcast_in_dim3A_26, %get3A_151] : memref<6x5000xf32, #tpu.memory_space<vmem>>[vector<16xi32>, vector<16xi32>], vector<16xf32>,
      %gather3A_154 = tpu.vector_load_idx %arg12[%broadcast_in_dim3A_26, %get3A_153] : memref<6x5000xf32, #tpu.memory_space<vmem>>[vector<16xi32>, vector<16xi32>], vector<16xf32>,
      %sub3A_155 = arith.subf %gather3A, %gather3A_154 : vector<16xf32>
      %gather3A_156 = tpu.vector_load_idx %arg12[%broadcast_in_dim3A_28, %get3A_151] : memref<6x5000xf32, #tpu.memory_space<vmem>>[vector<16xi32>, vector<16xi32>], vector<16xf32>,
      %gather3A_157 = tpu.vector_load_idx %arg12[%broadcast_in_dim3A_28, %get3A_153] : memref<6x5000xf32, #tpu.memory_space<vmem>>[vector<16xi32>, vector<16xi32>], vector<16xf32>,
      %sub3A_158 = arith.subf %gather3A_156, %gather3A_157 : vector<16xf32>
      %gather3A_159 = tpu.vector_load_idx %arg12[%broadcast_in_dim3A_30, %get3A_151] : memref<6x5000xf32, #tpu.memory_space<vmem>>[vector<16xi32>, vector<16xi32>], vector<16xf32>,
      %gather3A_160 = tpu.vector_load_idx %arg12[%broadcast_in_dim3A_30, %get3A_153] : memref<6x5000xf32, #tpu.memory_space<vmem>>[vector<16xi32>, vector<16xi32>], vector<16xf32>,
      %sub3A_161 = arith.subf %gather3A_159, %gather3A_160 : vector<16xf32>
      %gather3A_162 = tpu.vector_load_idx %arg12[%broadcast_in_dim3A_32, %get3A_151] : memref<6x5000xf32, #tpu.memory_space<vmem>>[vector<16xi32>, vector<16xi32>], vector<16xf32>,
      %gather3A_163 = tpu.vector_load_idx %arg12[%broadcast_in_dim3A_32, %get3A_153] : memref<6x5000xf32, #tpu.memory_space<vmem>>[vector<16xi32>, vector<16xi32>], vector<16xf32>,
      %sub3A_164 = arith.subf %gather3A_162, %gather3A_163 : vector<16xf32>
      %gather3A_165 = tpu.vector_load_idx %arg12[%broadcast_in_dim3A_34, %get3A_151] : memref<6x5000xf32, #tpu.memory_space<vmem>>[vector<16xi32>, vector<16xi32>], vector<16xf32>,
      %gather3A_166 = tpu.vector_load_idx %arg12[%broadcast_in_dim3A_34, %get3A_153] : memref<6x5000xf32, #tpu.memory_space<vmem>>[vector<16xi32>, vector<16xi32>], vector<16xf32>,
      %sub3A_167 = arith.subf %gather3A_165, %gather3A_166 : vector<16xf32>
      %gather3A_168 = tpu.vector_load_idx %arg12[%broadcast_in_dim3A_36, %get3A_151] : memref<6x5000xf32, #tpu.memory_space<vmem>>[vector<16xi32>, vector<16xi32>], vector<16xf32>,
      %gather3A_169 = tpu.vector_load_idx %arg12[%broadcast_in_dim3A_36, %get3A_153] : memref<6x5000xf32, #tpu.memory_space<vmem>>[vector<16xi32>, vector<16xi32>], vector<16xf32>,
      %sub3A_170 = arith.subf %gather3A_168, %gather3A_169 : vector<16xf32>
      %broadcast_in_dim3A_171 = arith.constant 0.000000e+00 : f32
      %broadcast_in_dim3A_172 = vector.broadcast %broadcast_in_dim3A_171 : f32 to vector<16xf32>
      %mul3A_173 = arith.constant 5.000000e-02 : f32
      %mul3A_174 = vector.broadcast %mul3A_173 : f32 to vector<16xf32>
      %mul3A_175 = arith.mulf %sub3A_161, %mul3A_174 : vector<16xf32>
      %add3A_176 = arith.addf %sub3A_155, %mul3A_175 : vector<16xf32>
      %mul3A_177 = arith.constant 1.250000e-03 : f32
      %mul3A_178 = vector.broadcast %mul3A_177 : f32 to vector<16xf32>
      %mul3A_179 = arith.mulf %sub3A_167, %mul3A_178 : vector<16xf32>
      %add3A_180 = arith.addf %add3A_176, %mul3A_179 : vector<16xf32>
      %add3A_181 = arith.constant 9.99999997E-7 : f32
      %add3A_182 = vector.broadcast %add3A_181 : f32 to vector<16xf32>
      %add3A_183 = arith.addf %add3A_180, %add3A_182 : vector<16xf32>
      %mul3A_184 = arith.constant 5.000000e-02 : f32
      %mul3A_185 = vector.broadcast %mul3A_184 : f32 to vector<16xf32>
      %mul3A_186 = arith.mulf %sub3A_164, %mul3A_185 : vector<16xf32>
      %add3A_187 = arith.addf %sub3A_158, %mul3A_186 : vector<16xf32>
      %mul3A_188 = arith.constant 1.250000e-03 : f32
      %mul3A_189 = vector.broadcast %mul3A_188 : f32 to vector<16xf32>
      %mul3A_190 = arith.mulf %sub3A_170, %mul3A_189 : vector<16xf32>
      %add3A_191 = arith.addf %add3A_187, %mul3A_190 : vector<16xf32>
      %add3A_192 = arith.constant 9.99999997E-7 : f32
      %add3A_193 = vector.broadcast %add3A_192 : f32 to vector<16xf32>
      %add3A_194 = arith.addf %add3A_191, %add3A_193 : vector<16xf32>
      %mul3A_195 = arith.mulf %add3A_183, %add3A_183 : vector<16xf32>
      %mul3A_196 = arith.mulf %add3A_194, %add3A_194 : vector<16xf32>
      %add3A_197 = arith.addf %mul3A_195, %mul3A_196 : vector<16xf32>
      %mul3A_198 = arith.constant 5.000000e-01 : f32
      %mul3A_199 = vector.broadcast %mul3A_198 : f32 to vector<16xf32>
      %mul3A_200 = arith.mulf %add3A_197, %mul3A_199 : vector<16xf32>
      %bitcast3A = vector.bitcast %add3A_197 : vector<16xf32> to vector<16xi32>
      %shift_right_arithmetic3A = arith.constant 1 : i32
      %shift_right_arithmetic3A_201 = vector.broadcast %shift_right_arithmetic3A : i32 to vector<16xi32>
      %shift_right_arithmetic3A_202 = arith.shrsi %bitcast3A, %shift_right_arithmetic3A_201 : vector<16xi32>
      %sub3A_203 = arith.constant 1597463007 : i32
      %sub3A_204 = vector.broadcast %sub3A_203 : i32 to vector<16xi32>
      %sub3A_205 = arith.subi %sub3A_204, %shift_right_arithmetic3A_202 : vector<16xi32>
      %bitcast3A_206 = vector.bitcast %sub3A_205 : vector<16xi32> to vector<16xf32>
      %mul3A_207 = arith.mulf %mul3A_200, %bitcast3A_206 : vector<16xf32>
      %mul3A_208 = arith.mulf %mul3A_207, %bitcast3A_206 : vector<16xf32>
      %sub3A_209 = arith.constant 1.500000e+00 : f32
      %sub3A_210 = vector.broadcast %sub3A_209 : f32 to vector<16xf32>
      %sub3A_211 = arith.subf %sub3A_210, %mul3A_208 : vector<16xf32>
      %mul3A_212 = arith.mulf %bitcast3A_206, %sub3A_211 : vector<16xf32>
      %mul3A_213 = arith.mulf %mul3A_200, %mul3A_212 : vector<16xf32>
      %mul3A_214 = arith.mulf %mul3A_213, %mul3A_212 : vector<16xf32>
      %sub3A_215 = arith.constant 1.500000e+00 : f32
      %sub3A_216 = vector.broadcast %sub3A_215 : f32 to vector<16xf32>
      %sub3A_217 = arith.subf %sub3A_216, %mul3A_214 : vector<16xf32>
      %mul3A_218 = arith.mulf %mul3A_212, %sub3A_217 : vector<16xf32>
      %mul3A_219 = arith.mulf %add3A_197, %mul3A_218 : vector<16xf32>
      %neg3A = arith.constant 0.000000e+00 : f32
      %neg3A_220 = vector.broadcast %neg3A : f32 to vector<16xf32>
      %neg3A_221 = arith.subf %neg3A_220, %mul3A_219 : vector<16xf32>
      %exp3A = math.exp %neg3A_221 : vector<16xf32>
      %add3A_222 = arith.addf %broadcast_in_dim3A_172, %exp3A : vector<16xf32>
      %mul3A_223 = arith.constant 1.500000e-01 : f32
      %mul3A_224 = vector.broadcast %mul3A_223 : f32 to vector<16xf32>
      %mul3A_225 = arith.mulf %sub3A_161, %mul3A_224 : vector<16xf32>
      %add3A_226 = arith.addf %sub3A_155, %mul3A_225 : vector<16xf32>
      %mul3A_227 = arith.constant 1.125000e-02 : f32
      %mul3A_228 = vector.broadcast %mul3A_227 : f32 to vector<16xf32>
      %mul3A_229 = arith.mulf %sub3A_167, %mul3A_228 : vector<16xf32>
      %add3A_230 = arith.addf %add3A_226, %mul3A_229 : vector<16xf32>
      %add3A_231 = arith.constant 9.99999997E-7 : f32
      %add3A_232 = vector.broadcast %add3A_231 : f32 to vector<16xf32>
      %add3A_233 = arith.addf %add3A_230, %add3A_232 : vector<16xf32>
      %mul3A_234 = arith.constant 1.500000e-01 : f32
      %mul3A_235 = vector.broadcast %mul3A_234 : f32 to vector<16xf32>
      %mul3A_236 = arith.mulf %sub3A_164, %mul3A_235 : vector<16xf32>
      %add3A_237 = arith.addf %sub3A_158, %mul3A_236 : vector<16xf32>
      %mul3A_238 = arith.constant 1.125000e-02 : f32
      %mul3A_239 = vector.broadcast %mul3A_238 : f32 to vector<16xf32>
      %mul3A_240 = arith.mulf %sub3A_170, %mul3A_239 : vector<16xf32>
      %add3A_241 = arith.addf %add3A_237, %mul3A_240 : vector<16xf32>
      %add3A_242 = arith.constant 9.99999997E-7 : f32
      %add3A_243 = vector.broadcast %add3A_242 : f32 to vector<16xf32>
      %add3A_244 = arith.addf %add3A_241, %add3A_243 : vector<16xf32>
      %mul3A_245 = arith.mulf %add3A_233, %add3A_233 : vector<16xf32>
      %mul3A_246 = arith.mulf %add3A_244, %add3A_244 : vector<16xf32>
      %add3A_247 = arith.addf %mul3A_245, %mul3A_246 : vector<16xf32>
      %mul3A_248 = arith.constant 5.000000e-01 : f32
      %mul3A_249 = vector.broadcast %mul3A_248 : f32 to vector<16xf32>
      %mul3A_250 = arith.mulf %add3A_247, %mul3A_249 : vector<16xf32>
      %bitcast3A_251 = vector.bitcast %add3A_247 : vector<16xf32> to vector<16xi32>
      %shift_right_arithmetic3A_252 = arith.constant 1 : i32
      %shift_right_arithmetic3A_253 = vector.broadcast %shift_right_arithmetic3A_252 : i32 to vector<16xi32>
      %shift_right_arithmetic3A_254 = arith.shrsi %bitcast3A_251, %shift_right_arithmetic3A_253 : vector<16xi32>
      %sub3A_255 = arith.constant 1597463007 : i32
      %sub3A_256 = vector.broadcast %sub3A_255 : i32 to vector<16xi32>
      %sub3A_257 = arith.subi %sub3A_256, %shift_right_arithmetic3A_254 : vector<16xi32>
      %bitcast3A_258 = vector.bitcast %sub3A_257 : vector<16xi32> to vector<16xf32>
      %mul3A_259 = arith.mulf %mul3A_250, %bitcast3A_258 : vector<16xf32>
      %mul3A_260 = arith.mulf %mul3A_259, %bitcast3A_258 : vector<16xf32>
      %sub3A_261 = arith.constant 1.500000e+00 : f32
      %sub3A_262 = vector.broadcast %sub3A_261 : f32 to vector<16xf32>
      %sub3A_263 = arith.subf %sub3A_262, %mul3A_260 : vector<16xf32>
      %mul3A_264 = arith.mulf %bitcast3A_258, %sub3A_263 : vector<16xf32>
      %mul3A_265 = arith.mulf %mul3A_250, %mul3A_264 : vector<16xf32>
      %mul3A_266 = arith.mulf %mul3A_265, %mul3A_264 : vector<16xf32>
      %sub3A_267 = arith.constant 1.500000e+00 : f32
      %sub3A_268 = vector.broadcast %sub3A_267 : f32 to vector<16xf32>
      %sub3A_269 = arith.subf %sub3A_268, %mul3A_266 : vector<16xf32>
      %mul3A_270 = arith.mulf %mul3A_264, %sub3A_269 : vector<16xf32>
      %mul3A_271 = arith.mulf %add3A_247, %mul3A_270 : vector<16xf32>
      %neg3A_272 = arith.constant 0.000000e+00 : f32
      %neg3A_273 = vector.broadcast %neg3A_272 : f32 to vector<16xf32>
      %neg3A_274 = arith.subf %neg3A_273, %mul3A_271 : vector<16xf32>
      %exp3A_275 = math.exp %neg3A_274 : vector<16xf32>
      %add3A_276 = arith.addf %add3A_222, %exp3A_275 : vector<16xf32>
      %mul3A_277 = arith.constant 2.500000e-01 : f32
      %mul3A_278 = vector.broadcast %mul3A_277 : f32 to vector<16xf32>
      %mul3A_279 = arith.mulf %sub3A_161, %mul3A_278 : vector<16xf32>
      %add3A_280 = arith.addf %sub3A_155, %mul3A_279 : vector<16xf32>
      %mul3A_281 = arith.constant 3.125000e-02 : f32
      %mul3A_282 = vector.broadcast %mul3A_281 : f32 to vector<16xf32>
      %mul3A_283 = arith.mulf %sub3A_167, %mul3A_282 : vector<16xf32>
      %add3A_284 = arith.addf %add3A_280, %mul3A_283 : vector<16xf32>
      %add3A_285 = arith.constant 9.99999997E-7 : f32
      %add3A_286 = vector.broadcast %add3A_285 : f32 to vector<16xf32>
      %add3A_287 = arith.addf %add3A_284, %add3A_286 : vector<16xf32>
      %mul3A_288 = arith.constant 2.500000e-01 : f32
      %mul3A_289 = vector.broadcast %mul3A_288 : f32 to vector<16xf32>
      %mul3A_290 = arith.mulf %sub3A_164, %mul3A_289 : vector<16xf32>
      %add3A_291 = arith.addf %sub3A_158, %mul3A_290 : vector<16xf32>
      %mul3A_292 = arith.constant 3.125000e-02 : f32
      %mul3A_293 = vector.broadcast %mul3A_292 : f32 to vector<16xf32>
      %mul3A_294 = arith.mulf %sub3A_170, %mul3A_293 : vector<16xf32>
      %add3A_295 = arith.addf %add3A_291, %mul3A_294 : vector<16xf32>
      %add3A_296 = arith.constant 9.99999997E-7 : f32
      %add3A_297 = vector.broadcast %add3A_296 : f32 to vector<16xf32>
      %add3A_298 = arith.addf %add3A_295, %add3A_297 : vector<16xf32>
      %mul3A_299 = arith.mulf %add3A_287, %add3A_287 : vector<16xf32>
      %mul3A_300 = arith.mulf %add3A_298, %add3A_298 : vector<16xf32>
      %add3A_301 = arith.addf %mul3A_299, %mul3A_300 : vector<16xf32>
      %mul3A_302 = arith.constant 5.000000e-01 : f32
      %mul3A_303 = vector.broadcast %mul3A_302 : f32 to vector<16xf32>
      %mul3A_304 = arith.mulf %add3A_301, %mul3A_303 : vector<16xf32>
      %bitcast3A_305 = vector.bitcast %add3A_301 : vector<16xf32> to vector<16xi32>
      %shift_right_arithmetic3A_306 = arith.constant 1 : i32
      %shift_right_arithmetic3A_307 = vector.broadcast %shift_right_arithmetic3A_306 : i32 to vector<16xi32>
      %shift_right_arithmetic3A_308 = arith.shrsi %bitcast3A_305, %shift_right_arithmetic3A_307 : vector<16xi32>
      %sub3A_309 = arith.constant 1597463007 : i32
      %sub3A_310 = vector.broadcast %sub3A_309 : i32 to vector<16xi32>
      %sub3A_311 = arith.subi %sub3A_310, %shift_right_arithmetic3A_308 : vector<16xi32>
      %bitcast3A_312 = vector.bitcast %sub3A_311 : vector<16xi32> to vector<16xf32>
      %mul3A_313 = arith.mulf %mul3A_304, %bitcast3A_312 : vector<16xf32>
      %mul3A_314 = arith.mulf %mul3A_313, %bitcast3A_312 : vector<16xf32>
      %sub3A_315 = arith.constant 1.500000e+00 : f32
      %sub3A_316 = vector.broadcast %sub3A_315 : f32 to vector<16xf32>
      %sub3A_317 = arith.subf %sub3A_316, %mul3A_314 : vector<16xf32>
      %mul3A_318 = arith.mulf %bitcast3A_312, %sub3A_317 : vector<16xf32>
      %mul3A_319 = arith.mulf %mul3A_304, %mul3A_318 : vector<16xf32>
      %mul3A_320 = arith.mulf %mul3A_319, %mul3A_318 : vector<16xf32>
      %sub3A_321 = arith.constant 1.500000e+00 : f32
      %sub3A_322 = vector.broadcast %sub3A_321 : f32 to vector<16xf32>
      %sub3A_323 = arith.subf %sub3A_322, %mul3A_320 : vector<16xf32>
      %mul3A_324 = arith.mulf %mul3A_318, %sub3A_323 : vector<16xf32>
      %mul3A_325 = arith.mulf %add3A_301, %mul3A_324 : vector<16xf32>
      %neg3A_326 = arith.constant 0.000000e+00 : f32
      %neg3A_327 = vector.broadcast %neg3A_326 : f32 to vector<16xf32>
      %neg3A_328 = arith.subf %neg3A_327, %mul3A_325 : vector<16xf32>
      %exp3A_329 = math.exp %neg3A_328 : vector<16xf32>
      %add3A_330 = arith.addf %add3A_276, %exp3A_329 : vector<16xf32>
      %mul3A_331 = arith.constant 3.500000e-01 : f32
      %mul3A_332 = vector.broadcast %mul3A_331 : f32 to vector<16xf32>
      %mul3A_333 = arith.mulf %sub3A_161, %mul3A_332 : vector<16xf32>
      %add3A_334 = arith.addf %sub3A_155, %mul3A_333 : vector<16xf32>
      %mul3A_335 = arith.constant 6.125000e-02 : f32
      %mul3A_336 = vector.broadcast %mul3A_335 : f32 to vector<16xf32>
      %mul3A_337 = arith.mulf %sub3A_167, %mul3A_336 : vector<16xf32>
      %add3A_338 = arith.addf %add3A_334, %mul3A_337 : vector<16xf32>
      %add3A_339 = arith.constant 9.99999997E-7 : f32
      %add3A_340 = vector.broadcast %add3A_339 : f32 to vector<16xf32>
      %add3A_341 = arith.addf %add3A_338, %add3A_340 : vector<16xf32>
      %mul3A_342 = arith.constant 3.500000e-01 : f32
      %mul3A_343 = vector.broadcast %mul3A_342 : f32 to vector<16xf32>
      %mul3A_344 = arith.mulf %sub3A_164, %mul3A_343 : vector<16xf32>
      %add3A_345 = arith.addf %sub3A_158, %mul3A_344 : vector<16xf32>
      %mul3A_346 = arith.constant 6.125000e-02 : f32
      %mul3A_347 = vector.broadcast %mul3A_346 : f32 to vector<16xf32>
      %mul3A_348 = arith.mulf %sub3A_170, %mul3A_347 : vector<16xf32>
      %add3A_349 = arith.addf %add3A_345, %mul3A_348 : vector<16xf32>
      %add3A_350 = arith.constant 9.99999997E-7 : f32
      %add3A_351 = vector.broadcast %add3A_350 : f32 to vector<16xf32>
      %add3A_352 = arith.addf %add3A_349, %add3A_351 : vector<16xf32>
      %mul3A_353 = arith.mulf %add3A_341, %add3A_341 : vector<16xf32>
      %mul3A_354 = arith.mulf %add3A_352, %add3A_352 : vector<16xf32>
      %add3A_355 = arith.addf %mul3A_353, %mul3A_354 : vector<16xf32>
      %mul3A_356 = arith.constant 5.000000e-01 : f32
      %mul3A_357 = vector.broadcast %mul3A_356 : f32 to vector<16xf32>
      %mul3A_358 = arith.mulf %add3A_355, %mul3A_357 : vector<16xf32>
      %bitcast3A_359 = vector.bitcast %add3A_355 : vector<16xf32> to vector<16xi32>
      %shift_right_arithmetic3A_360 = arith.constant 1 : i32
      %shift_right_arithmetic3A_361 = vector.broadcast %shift_right_arithmetic3A_360 : i32 to vector<16xi32>
      %shift_right_arithmetic3A_362 = arith.shrsi %bitcast3A_359, %shift_right_arithmetic3A_361 : vector<16xi32>
      %sub3A_363 = arith.constant 1597463007 : i32
      %sub3A_364 = vector.broadcast %sub3A_363 : i32 to vector<16xi32>
      %sub3A_365 = arith.subi %sub3A_364, %shift_right_arithmetic3A_362 : vector<16xi32>
      %bitcast3A_366 = vector.bitcast %sub3A_365 : vector<16xi32> to vector<16xf32>
      %mul3A_367 = arith.mulf %mul3A_358, %bitcast3A_366 : vector<16xf32>
      %mul3A_368 = arith.mulf %mul3A_367, %bitcast3A_366 : vector<16xf32>
      %sub3A_369 = arith.constant 1.500000e+00 : f32
      %sub3A_370 = vector.broadcast %sub3A_369 : f32 to vector<16xf32>
      %sub3A_371 = arith.subf %sub3A_370, %mul3A_368 : vector<16xf32>
      %mul3A_372 = arith.mulf %bitcast3A_366, %sub3A_371 : vector<16xf32>
      %mul3A_373 = arith.mulf %mul3A_358, %mul3A_372 : vector<16xf32>
      %mul3A_374 = arith.mulf %mul3A_373, %mul3A_372 : vector<16xf32>
      %sub3A_375 = arith.constant 1.500000e+00 : f32
      %sub3A_376 = vector.broadcast %sub3A_375 : f32 to vector<16xf32>
      %sub3A_377 = arith.subf %sub3A_376, %mul3A_374 : vector<16xf32>
      %mul3A_378 = arith.mulf %mul3A_372, %sub3A_377 : vector<16xf32>
      %mul3A_379 = arith.mulf %add3A_355, %mul3A_378 : vector<16xf32>
      %neg3A_380 = arith.constant 0.000000e+00 : f32
      %neg3A_381 = vector.broadcast %neg3A_380 : f32 to vector<16xf32>
      %neg3A_382 = arith.subf %neg3A_381, %mul3A_379 : vector<16xf32>
      %exp3A_383 = math.exp %neg3A_382 : vector<16xf32>
      %add3A_384 = arith.addf %add3A_330, %exp3A_383 : vector<16xf32>
      %mul3A_385 = arith.constant 4.500000e-01 : f32
      %mul3A_386 = vector.broadcast %mul3A_385 : f32 to vector<16xf32>
      %mul3A_387 = arith.mulf %sub3A_161, %mul3A_386 : vector<16xf32>
      %add3A_388 = arith.addf %sub3A_155, %mul3A_387 : vector<16xf32>
      %mul3A_389 = arith.constant 1.012500e-01 : f32
      %mul3A_390 = vector.broadcast %mul3A_389 : f32 to vector<16xf32>
      %mul3A_391 = arith.mulf %sub3A_167, %mul3A_390 : vector<16xf32>
      %add3A_392 = arith.addf %add3A_388, %mul3A_391 : vector<16xf32>
      %add3A_393 = arith.constant 9.99999997E-7 : f32
      %add3A_394 = vector.broadcast %add3A_393 : f32 to vector<16xf32>
      %add3A_395 = arith.addf %add3A_392, %add3A_394 : vector<16xf32>
      %mul3A_396 = arith.constant 4.500000e-01 : f32
      %mul3A_397 = vector.broadcast %mul3A_396 : f32 to vector<16xf32>
      %mul3A_398 = arith.mulf %sub3A_164, %mul3A_397 : vector<16xf32>
      %add3A_399 = arith.addf %sub3A_158, %mul3A_398 : vector<16xf32>
      %mul3A_400 = arith.constant 1.012500e-01 : f32
      %mul3A_401 = vector.broadcast %mul3A_400 : f32 to vector<16xf32>
      %mul3A_402 = arith.mulf %sub3A_170, %mul3A_401 : vector<16xf32>
      %add3A_403 = arith.addf %add3A_399, %mul3A_402 : vector<16xf32>
      %add3A_404 = arith.constant 9.99999997E-7 : f32
      %add3A_405 = vector.broadcast %add3A_404 : f32 to vector<16xf32>
      %add3A_406 = arith.addf %add3A_403, %add3A_405 : vector<16xf32>
      %mul3A_407 = arith.mulf %add3A_395, %add3A_395 : vector<16xf32>
      %mul3A_408 = arith.mulf %add3A_406, %add3A_406 : vector<16xf32>
      %add3A_409 = arith.addf %mul3A_407, %mul3A_408 : vector<16xf32>
      %mul3A_410 = arith.constant 5.000000e-01 : f32
      %mul3A_411 = vector.broadcast %mul3A_410 : f32 to vector<16xf32>
      %mul3A_412 = arith.mulf %add3A_409, %mul3A_411 : vector<16xf32>
      %bitcast3A_413 = vector.bitcast %add3A_409 : vector<16xf32> to vector<16xi32>
      %shift_right_arithmetic3A_414 = arith.constant 1 : i32
      %shift_right_arithmetic3A_415 = vector.broadcast %shift_right_arithmetic3A_414 : i32 to vector<16xi32>
      %shift_right_arithmetic3A_416 = arith.shrsi %bitcast3A_413, %shift_right_arithmetic3A_415 : vector<16xi32>
      %sub3A_417 = arith.constant 1597463007 : i32
      %sub3A_418 = vector.broadcast %sub3A_417 : i32 to vector<16xi32>
      %sub3A_419 = arith.subi %sub3A_418, %shift_right_arithmetic3A_416 : vector<16xi32>
      %bitcast3A_420 = vector.bitcast %sub3A_419 : vector<16xi32> to vector<16xf32>
      %mul3A_421 = arith.mulf %mul3A_412, %bitcast3A_420 : vector<16xf32>
      %mul3A_422 = arith.mulf %mul3A_421, %bitcast3A_420 : vector<16xf32>
      %sub3A_423 = arith.constant 1.500000e+00 : f32
      %sub3A_424 = vector.broadcast %sub3A_423 : f32 to vector<16xf32>
      %sub3A_425 = arith.subf %sub3A_424, %mul3A_422 : vector<16xf32>
      %mul3A_426 = arith.mulf %bitcast3A_420, %sub3A_425 : vector<16xf32>
      %mul3A_427 = arith.mulf %mul3A_412, %mul3A_426 : vector<16xf32>
      %mul3A_428 = arith.mulf %mul3A_427, %mul3A_426 : vector<16xf32>
      %sub3A_429 = arith.constant 1.500000e+00 : f32
      %sub3A_430 = vector.broadcast %sub3A_429 : f32 to vector<16xf32>
      %sub3A_431 = arith.subf %sub3A_430, %mul3A_428 : vector<16xf32>
      %mul3A_432 = arith.mulf %mul3A_426, %sub3A_431 : vector<16xf32>
      %mul3A_433 = arith.mulf %add3A_409, %mul3A_432 : vector<16xf32>
      %neg3A_434 = arith.constant 0.000000e+00 : f32
      %neg3A_435 = vector.broadcast %neg3A_434 : f32 to vector<16xf32>
      %neg3A_436 = arith.subf %neg3A_435, %mul3A_433 : vector<16xf32>
      %exp3A_437 = math.exp %neg3A_436 : vector<16xf32>
      %add3A_438 = arith.addf %add3A_384, %exp3A_437 : vector<16xf32>
      %mul3A_439 = arith.constant 5.500000e-01 : f32
      %mul3A_440 = vector.broadcast %mul3A_439 : f32 to vector<16xf32>
      %mul3A_441 = arith.mulf %sub3A_161, %mul3A_440 : vector<16xf32>
      %add3A_442 = arith.addf %sub3A_155, %mul3A_441 : vector<16xf32>
      %mul3A_443 = arith.constant 1.512500e-01 : f32
      %mul3A_444 = vector.broadcast %mul3A_443 : f32 to vector<16xf32>
      %mul3A_445 = arith.mulf %sub3A_167, %mul3A_444 : vector<16xf32>
      %add3A_446 = arith.addf %add3A_442, %mul3A_445 : vector<16xf32>
      %add3A_447 = arith.constant 9.99999997E-7 : f32
      %add3A_448 = vector.broadcast %add3A_447 : f32 to vector<16xf32>
      %add3A_449 = arith.addf %add3A_446, %add3A_448 : vector<16xf32>
      %mul3A_450 = arith.constant 5.500000e-01 : f32
      %mul3A_451 = vector.broadcast %mul3A_450 : f32 to vector<16xf32>
      %mul3A_452 = arith.mulf %sub3A_164, %mul3A_451 : vector<16xf32>
      %add3A_453 = arith.addf %sub3A_158, %mul3A_452 : vector<16xf32>
      %mul3A_454 = arith.constant 1.512500e-01 : f32
      %mul3A_455 = vector.broadcast %mul3A_454 : f32 to vector<16xf32>
      %mul3A_456 = arith.mulf %sub3A_170, %mul3A_455 : vector<16xf32>
      %add3A_457 = arith.addf %add3A_453, %mul3A_456 : vector<16xf32>
      %add3A_458 = arith.constant 9.99999997E-7 : f32
      %add3A_459 = vector.broadcast %add3A_458 : f32 to vector<16xf32>
      %add3A_460 = arith.addf %add3A_457, %add3A_459 : vector<16xf32>
      %mul3A_461 = arith.mulf %add3A_449, %add3A_449 : vector<16xf32>
      %mul3A_462 = arith.mulf %add3A_460, %add3A_460 : vector<16xf32>
      %add3A_463 = arith.addf %mul3A_461, %mul3A_462 : vector<16xf32>
      %mul3A_464 = arith.constant 5.000000e-01 : f32
      %mul3A_465 = vector.broadcast %mul3A_464 : f32 to vector<16xf32>
      %mul3A_466 = arith.mulf %add3A_463, %mul3A_465 : vector<16xf32>
      %bitcast3A_467 = vector.bitcast %add3A_463 : vector<16xf32> to vector<16xi32>
      %shift_right_arithmetic3A_468 = arith.constant 1 : i32
      %shift_right_arithmetic3A_469 = vector.broadcast %shift_right_arithmetic3A_468 : i32 to vector<16xi32>
      %shift_right_arithmetic3A_470 = arith.shrsi %bitcast3A_467, %shift_right_arithmetic3A_469 : vector<16xi32>
      %sub3A_471 = arith.constant 1597463007 : i32
      %sub3A_472 = vector.broadcast %sub3A_471 : i32 to vector<16xi32>
      %sub3A_473 = arith.subi %sub3A_472, %shift_right_arithmetic3A_470 : vector<16xi32>
      %bitcast3A_474 = vector.bitcast %sub3A_473 : vector<16xi32> to vector<16xf32>
      %mul3A_475 = arith.mulf %mul3A_466, %bitcast3A_474 : vector<16xf32>
      %mul3A_476 = arith.mulf %mul3A_475, %bitcast3A_474 : vector<16xf32>
      %sub3A_477 = arith.constant 1.500000e+00 : f32
      %sub3A_478 = vector.broadcast %sub3A_477 : f32 to vector<16xf32>
      %sub3A_479 = arith.subf %sub3A_478, %mul3A_476 : vector<16xf32>
      %mul3A_480 = arith.mulf %bitcast3A_474, %sub3A_479 : vector<16xf32>
      %mul3A_481 = arith.mulf %mul3A_466, %mul3A_480 : vector<16xf32>
      %mul3A_482 = arith.mulf %mul3A_481, %mul3A_480 : vector<16xf32>
      %sub3A_483 = arith.constant 1.500000e+00 : f32
      %sub3A_484 = vector.broadcast %sub3A_483 : f32 to vector<16xf32>
      %sub3A_485 = arith.subf %sub3A_484, %mul3A_482 : vector<16xf32>
      %mul3A_486 = arith.mulf %mul3A_480, %sub3A_485 : vector<16xf32>
      %mul3A_487 = arith.mulf %add3A_463, %mul3A_486 : vector<16xf32>
      %neg3A_488 = arith.constant 0.000000e+00 : f32
      %neg3A_489 = vector.broadcast %neg3A_488 : f32 to vector<16xf32>
      %neg3A_490 = arith.subf %neg3A_489, %mul3A_487 : vector<16xf32>
      %exp3A_491 = math.exp %neg3A_490 : vector<16xf32>
      %add3A_492 = arith.addf %add3A_438, %exp3A_491 : vector<16xf32>
      %mul3A_493 = arith.constant 6.500000e-01 : f32
      %mul3A_494 = vector.broadcast %mul3A_493 : f32 to vector<16xf32>
      %mul3A_495 = arith.mulf %sub3A_161, %mul3A_494 : vector<16xf32>
      %add3A_496 = arith.addf %sub3A_155, %mul3A_495 : vector<16xf32>
      %mul3A_497 = arith.constant 2.112500e-01 : f32
      %mul3A_498 = vector.broadcast %mul3A_497 : f32 to vector<16xf32>
      %mul3A_499 = arith.mulf %sub3A_167, %mul3A_498 : vector<16xf32>
      %add3A_500 = arith.addf %add3A_496, %mul3A_499 : vector<16xf32>
      %add3A_501 = arith.constant 9.99999997E-7 : f32
      %add3A_502 = vector.broadcast %add3A_501 : f32 to vector<16xf32>
      %add3A_503 = arith.addf %add3A_500, %add3A_502 : vector<16xf32>
      %mul3A_504 = arith.constant 6.500000e-01 : f32
      %mul3A_505 = vector.broadcast %mul3A_504 : f32 to vector<16xf32>
      %mul3A_506 = arith.mulf %sub3A_164, %mul3A_505 : vector<16xf32>
      %add3A_507 = arith.addf %sub3A_158, %mul3A_506 : vector<16xf32>
      %mul3A_508 = arith.constant 2.112500e-01 : f32
      %mul3A_509 = vector.broadcast %mul3A_508 : f32 to vector<16xf32>
      %mul3A_510 = arith.mulf %sub3A_170, %mul3A_509 : vector<16xf32>
      %add3A_511 = arith.addf %add3A_507, %mul3A_510 : vector<16xf32>
      %add3A_512 = arith.constant 9.99999997E-7 : f32
      %add3A_513 = vector.broadcast %add3A_512 : f32 to vector<16xf32>
      %add3A_514 = arith.addf %add3A_511, %add3A_513 : vector<16xf32>
      %mul3A_515 = arith.mulf %add3A_503, %add3A_503 : vector<16xf32>
      %mul3A_516 = arith.mulf %add3A_514, %add3A_514 : vector<16xf32>
      %add3A_517 = arith.addf %mul3A_515, %mul3A_516 : vector<16xf32>
      %mul3A_518 = arith.constant 5.000000e-01 : f32
      %mul3A_519 = vector.broadcast %mul3A_518 : f32 to vector<16xf32>
      %mul3A_520 = arith.mulf %add3A_517, %mul3A_519 : vector<16xf32>
      %bitcast3A_521 = vector.bitcast %add3A_517 : vector<16xf32> to vector<16xi32>
      %shift_right_arithmetic3A_522 = arith.constant 1 : i32
      %shift_right_arithmetic3A_523 = vector.broadcast %shift_right_arithmetic3A_522 : i32 to vector<16xi32>
      %shift_right_arithmetic3A_524 = arith.shrsi %bitcast3A_521, %shift_right_arithmetic3A_523 : vector<16xi32>
      %sub3A_525 = arith.constant 1597463007 : i32
      %sub3A_526 = vector.broadcast %sub3A_525 : i32 to vector<16xi32>
      %sub3A_527 = arith.subi %sub3A_526, %shift_right_arithmetic3A_524 : vector<16xi32>
      %bitcast3A_528 = vector.bitcast %sub3A_527 : vector<16xi32> to vector<16xf32>
      %mul3A_529 = arith.mulf %mul3A_520, %bitcast3A_528 : vector<16xf32>
      %mul3A_530 = arith.mulf %mul3A_529, %bitcast3A_528 : vector<16xf32>
      %sub3A_531 = arith.constant 1.500000e+00 : f32
      %sub3A_532 = vector.broadcast %sub3A_531 : f32 to vector<16xf32>
      %sub3A_533 = arith.subf %sub3A_532, %mul3A_530 : vector<16xf32>
      %mul3A_534 = arith.mulf %bitcast3A_528, %sub3A_533 : vector<16xf32>
      %mul3A_535 = arith.mulf %mul3A_520, %mul3A_534 : vector<16xf32>
      %mul3A_536 = arith.mulf %mul3A_535, %mul3A_534 : vector<16xf32>
      %sub3A_537 = arith.constant 1.500000e+00 : f32
      %sub3A_538 = vector.broadcast %sub3A_537 : f32 to vector<16xf32>
      %sub3A_539 = arith.subf %sub3A_538, %mul3A_536 : vector<16xf32>
      %mul3A_540 = arith.mulf %mul3A_534, %sub3A_539 : vector<16xf32>
      %mul3A_541 = arith.mulf %add3A_517, %mul3A_540 : vector<16xf32>
      %neg3A_542 = arith.constant 0.000000e+00 : f32
      %neg3A_543 = vector.broadcast %neg3A_542 : f32 to vector<16xf32>
      %neg3A_544 = arith.subf %neg3A_543, %mul3A_541 : vector<16xf32>
      %exp3A_545 = math.exp %neg3A_544 : vector<16xf32>
      %add3A_546 = arith.addf %add3A_492, %exp3A_545 : vector<16xf32>
      %mul3A_547 = arith.constant 7.500000e-01 : f32
      %mul3A_548 = vector.broadcast %mul3A_547 : f32 to vector<16xf32>
      %mul3A_549 = arith.mulf %sub3A_161, %mul3A_548 : vector<16xf32>
      %add3A_550 = arith.addf %sub3A_155, %mul3A_549 : vector<16xf32>
      %mul3A_551 = arith.constant 2.812500e-01 : f32
      %mul3A_552 = vector.broadcast %mul3A_551 : f32 to vector<16xf32>
      %mul3A_553 = arith.mulf %sub3A_167, %mul3A_552 : vector<16xf32>
      %add3A_554 = arith.addf %add3A_550, %mul3A_553 : vector<16xf32>
      %add3A_555 = arith.constant 9.99999997E-7 : f32
      %add3A_556 = vector.broadcast %add3A_555 : f32 to vector<16xf32>
      %add3A_557 = arith.addf %add3A_554, %add3A_556 : vector<16xf32>
      %mul3A_558 = arith.constant 7.500000e-01 : f32
      %mul3A_559 = vector.broadcast %mul3A_558 : f32 to vector<16xf32>
      %mul3A_560 = arith.mulf %sub3A_164, %mul3A_559 : vector<16xf32>
      %add3A_561 = arith.addf %sub3A_158, %mul3A_560 : vector<16xf32>
      %mul3A_562 = arith.constant 2.812500e-01 : f32
      %mul3A_563 = vector.broadcast %mul3A_562 : f32 to vector<16xf32>
      %mul3A_564 = arith.mulf %sub3A_170, %mul3A_563 : vector<16xf32>
      %add3A_565 = arith.addf %add3A_561, %mul3A_564 : vector<16xf32>
      %add3A_566 = arith.constant 9.99999997E-7 : f32
      %add3A_567 = vector.broadcast %add3A_566 : f32 to vector<16xf32>
      %add3A_568 = arith.addf %add3A_565, %add3A_567 : vector<16xf32>
      %mul3A_569 = arith.mulf %add3A_557, %add3A_557 : vector<16xf32>
      %mul3A_570 = arith.mulf %add3A_568, %add3A_568 : vector<16xf32>
      %add3A_571 = arith.addf %mul3A_569, %mul3A_570 : vector<16xf32>
      %mul3A_572 = arith.constant 5.000000e-01 : f32
      %mul3A_573 = vector.broadcast %mul3A_572 : f32 to vector<16xf32>
      %mul3A_574 = arith.mulf %add3A_571, %mul3A_573 : vector<16xf32>
      %bitcast3A_575 = vector.bitcast %add3A_571 : vector<16xf32> to vector<16xi32>
      %shift_right_arithmetic3A_576 = arith.constant 1 : i32
      %shift_right_arithmetic3A_577 = vector.broadcast %shift_right_arithmetic3A_576 : i32 to vector<16xi32>
      %shift_right_arithmetic3A_578 = arith.shrsi %bitcast3A_575, %shift_right_arithmetic3A_577 : vector<16xi32>
      %sub3A_579 = arith.constant 1597463007 : i32
      %sub3A_580 = vector.broadcast %sub3A_579 : i32 to vector<16xi32>
      %sub3A_581 = arith.subi %sub3A_580, %shift_right_arithmetic3A_578 : vector<16xi32>
      %bitcast3A_582 = vector.bitcast %sub3A_581 : vector<16xi32> to vector<16xf32>
      %mul3A_583 = arith.mulf %mul3A_574, %bitcast3A_582 : vector<16xf32>
      %mul3A_584 = arith.mulf %mul3A_583, %bitcast3A_582 : vector<16xf32>
      %sub3A_585 = arith.constant 1.500000e+00 : f32
      %sub3A_586 = vector.broadcast %sub3A_585 : f32 to vector<16xf32>
      %sub3A_587 = arith.subf %sub3A_586, %mul3A_584 : vector<16xf32>
      %mul3A_588 = arith.mulf %bitcast3A_582, %sub3A_587 : vector<16xf32>
      %mul3A_589 = arith.mulf %mul3A_574, %mul3A_588 : vector<16xf32>
      %mul3A_590 = arith.mulf %mul3A_589, %mul3A_588 : vector<16xf32>
      %sub3A_591 = arith.constant 1.500000e+00 : f32
      %sub3A_592 = vector.broadcast %sub3A_591 : f32 to vector<16xf32>
      %sub3A_593 = arith.subf %sub3A_592, %mul3A_590 : vector<16xf32>
      %mul3A_594 = arith.mulf %mul3A_588, %sub3A_593 : vector<16xf32>
      %mul3A_595 = arith.mulf %add3A_571, %mul3A_594 : vector<16xf32>
      %neg3A_596 = arith.constant 0.000000e+00 : f32
      %neg3A_597 = vector.broadcast %neg3A_596 : f32 to vector<16xf32>
      %neg3A_598 = arith.subf %neg3A_597, %mul3A_595 : vector<16xf32>
      %exp3A_599 = math.exp %neg3A_598 : vector<16xf32>
      %add3A_600 = arith.addf %add3A_546, %exp3A_599 : vector<16xf32>
      %mul3A_601 = arith.constant 8.500000e-01 : f32
      %mul3A_602 = vector.broadcast %mul3A_601 : f32 to vector<16xf32>
      %mul3A_603 = arith.mulf %sub3A_161, %mul3A_602 : vector<16xf32>
      %add3A_604 = arith.addf %sub3A_155, %mul3A_603 : vector<16xf32>
      %mul3A_605 = arith.constant 3.612500e-01 : f32
      %mul3A_606 = vector.broadcast %mul3A_605 : f32 to vector<16xf32>
      %mul3A_607 = arith.mulf %sub3A_167, %mul3A_606 : vector<16xf32>
      %add3A_608 = arith.addf %add3A_604, %mul3A_607 : vector<16xf32>
      %add3A_609 = arith.constant 9.99999997E-7 : f32
      %add3A_610 = vector.broadcast %add3A_609 : f32 to vector<16xf32>
      %add3A_611 = arith.addf %add3A_608, %add3A_610 : vector<16xf32>
      %mul3A_612 = arith.constant 8.500000e-01 : f32
      %mul3A_613 = vector.broadcast %mul3A_612 : f32 to vector<16xf32>
      %mul3A_614 = arith.mulf %sub3A_164, %mul3A_613 : vector<16xf32>
      %add3A_615 = arith.addf %sub3A_158, %mul3A_614 : vector<16xf32>
      %mul3A_616 = arith.constant 3.612500e-01 : f32
      %mul3A_617 = vector.broadcast %mul3A_616 : f32 to vector<16xf32>
      %mul3A_618 = arith.mulf %sub3A_170, %mul3A_617 : vector<16xf32>
      %add3A_619 = arith.addf %add3A_615, %mul3A_618 : vector<16xf32>
      %add3A_620 = arith.constant 9.99999997E-7 : f32
      %add3A_621 = vector.broadcast %add3A_620 : f32 to vector<16xf32>
      %add3A_622 = arith.addf %add3A_619, %add3A_621 : vector<16xf32>
      %mul3A_623 = arith.mulf %add3A_611, %add3A_611 : vector<16xf32>
      %mul3A_624 = arith.mulf %add3A_622, %add3A_622 : vector<16xf32>
      %add3A_625 = arith.addf %mul3A_623, %mul3A_624 : vector<16xf32>
      %mul3A_626 = arith.constant 5.000000e-01 : f32
      %mul3A_627 = vector.broadcast %mul3A_626 : f32 to vector<16xf32>
      %mul3A_628 = arith.mulf %add3A_625, %mul3A_627 : vector<16xf32>
      %bitcast3A_629 = vector.bitcast %add3A_625 : vector<16xf32> to vector<16xi32>
      %shift_right_arithmetic3A_630 = arith.constant 1 : i32
      %shift_right_arithmetic3A_631 = vector.broadcast %shift_right_arithmetic3A_630 : i32 to vector<16xi32>
      %shift_right_arithmetic3A_632 = arith.shrsi %bitcast3A_629, %shift_right_arithmetic3A_631 : vector<16xi32>
      %sub3A_633 = arith.constant 1597463007 : i32
      %sub3A_634 = vector.broadcast %sub3A_633 : i32 to vector<16xi32>
      %sub3A_635 = arith.subi %sub3A_634, %shift_right_arithmetic3A_632 : vector<16xi32>
      %bitcast3A_636 = vector.bitcast %sub3A_635 : vector<16xi32> to vector<16xf32>
      %mul3A_637 = arith.mulf %mul3A_628, %bitcast3A_636 : vector<16xf32>
      %mul3A_638 = arith.mulf %mul3A_637, %bitcast3A_636 : vector<16xf32>
      %sub3A_639 = arith.constant 1.500000e+00 : f32
      %sub3A_640 = vector.broadcast %sub3A_639 : f32 to vector<16xf32>
      %sub3A_641 = arith.subf %sub3A_640, %mul3A_638 : vector<16xf32>
      %mul3A_642 = arith.mulf %bitcast3A_636, %sub3A_641 : vector<16xf32>
      %mul3A_643 = arith.mulf %mul3A_628, %mul3A_642 : vector<16xf32>
      %mul3A_644 = arith.mulf %mul3A_643, %mul3A_642 : vector<16xf32>
      %sub3A_645 = arith.constant 1.500000e+00 : f32
      %sub3A_646 = vector.broadcast %sub3A_645 : f32 to vector<16xf32>
      %sub3A_647 = arith.subf %sub3A_646, %mul3A_644 : vector<16xf32>
      %mul3A_648 = arith.mulf %mul3A_642, %sub3A_647 : vector<16xf32>
      %mul3A_649 = arith.mulf %add3A_625, %mul3A_648 : vector<16xf32>
      %neg3A_650 = arith.constant 0.000000e+00 : f32
      %neg3A_651 = vector.broadcast %neg3A_650 : f32 to vector<16xf32>
      %neg3A_652 = arith.subf %neg3A_651, %mul3A_649 : vector<16xf32>
      %exp3A_653 = math.exp %neg3A_652 : vector<16xf32>
      %add3A_654 = arith.addf %add3A_600, %exp3A_653 : vector<16xf32>
      %mul3A_655 = arith.constant 0.949999988 : f32
      %mul3A_656 = vector.broadcast %mul3A_655 : f32 to vector<16xf32>
      %mul3A_657 = arith.mulf %sub3A_161, %mul3A_656 : vector<16xf32>
      %add3A_658 = arith.addf %sub3A_155, %mul3A_657 : vector<16xf32>
      %mul3A_659 = arith.constant 4.512500e-01 : f32
      %mul3A_660 = vector.broadcast %mul3A_659 : f32 to vector<16xf32>
      %mul3A_661 = arith.mulf %sub3A_167, %mul3A_660 : vector<16xf32>
      %add3A_662 = arith.addf %add3A_658, %mul3A_661 : vector<16xf32>
      %add3A_663 = arith.constant 9.99999997E-7 : f32
      %add3A_664 = vector.broadcast %add3A_663 : f32 to vector<16xf32>
      %add3A_665 = arith.addf %add3A_662, %add3A_664 : vector<16xf32>
      %mul3A_666 = arith.constant 0.949999988 : f32
      %mul3A_667 = vector.broadcast %mul3A_666 : f32 to vector<16xf32>
      %mul3A_668 = arith.mulf %sub3A_164, %mul3A_667 : vector<16xf32>
      %add3A_669 = arith.addf %sub3A_158, %mul3A_668 : vector<16xf32>
      %mul3A_670 = arith.constant 4.512500e-01 : f32
      %mul3A_671 = vector.broadcast %mul3A_670 : f32 to vector<16xf32>
      %mul3A_672 = arith.mulf %sub3A_170, %mul3A_671 : vector<16xf32>
      %add3A_673 = arith.addf %add3A_669, %mul3A_672 : vector<16xf32>
      %add3A_674 = arith.constant 9.99999997E-7 : f32
      %add3A_675 = vector.broadcast %add3A_674 : f32 to vector<16xf32>
      %add3A_676 = arith.addf %add3A_673, %add3A_675 : vector<16xf32>
      %mul3A_677 = arith.mulf %add3A_665, %add3A_665 : vector<16xf32>
      %mul3A_678 = arith.mulf %add3A_676, %add3A_676 : vector<16xf32>
      %add3A_679 = arith.addf %mul3A_677, %mul3A_678 : vector<16xf32>
      %mul3A_680 = arith.constant 5.000000e-01 : f32
      %mul3A_681 = vector.broadcast %mul3A_680 : f32 to vector<16xf32>
      %mul3A_682 = arith.mulf %add3A_679, %mul3A_681 : vector<16xf32>
      %bitcast3A_683 = vector.bitcast %add3A_679 : vector<16xf32> to vector<16xi32>
      %shift_right_arithmetic3A_684 = arith.constant 1 : i32
      %shift_right_arithmetic3A_685 = vector.broadcast %shift_right_arithmetic3A_684 : i32 to vector<16xi32>
      %shift_right_arithmetic3A_686 = arith.shrsi %bitcast3A_683, %shift_right_arithmetic3A_685 : vector<16xi32>
      %sub3A_687 = arith.constant 1597463007 : i32
      %sub3A_688 = vector.broadcast %sub3A_687 : i32 to vector<16xi32>
      %sub3A_689 = arith.subi %sub3A_688, %shift_right_arithmetic3A_686 : vector<16xi32>
      %bitcast3A_690 = vector.bitcast %sub3A_689 : vector<16xi32> to vector<16xf32>
      %mul3A_691 = arith.mulf %mul3A_682, %bitcast3A_690 : vector<16xf32>
      %mul3A_692 = arith.mulf %mul3A_691, %bitcast3A_690 : vector<16xf32>
      %sub3A_693 = arith.constant 1.500000e+00 : f32
      %sub3A_694 = vector.broadcast %sub3A_693 : f32 to vector<16xf32>
      %sub3A_695 = arith.subf %sub3A_694, %mul3A_692 : vector<16xf32>
      %mul3A_696 = arith.mulf %bitcast3A_690, %sub3A_695 : vector<16xf32>
      %mul3A_697 = arith.mulf %mul3A_682, %mul3A_696 : vector<16xf32>
      %mul3A_698 = arith.mulf %mul3A_697, %mul3A_696 : vector<16xf32>
      %sub3A_699 = arith.constant 1.500000e+00 : f32
      %sub3A_700 = vector.broadcast %sub3A_699 : f32 to vector<16xf32>
      %sub3A_701 = arith.subf %sub3A_700, %mul3A_698 : vector<16xf32>
      %mul3A_702 = arith.mulf %mul3A_696, %sub3A_701 : vector<16xf32>
      %mul3A_703 = arith.mulf %add3A_679, %mul3A_702 : vector<16xf32>
      %neg3A_704 = arith.constant 0.000000e+00 : f32
      %neg3A_705 = vector.broadcast %neg3A_704 : f32 to vector<16xf32>
      %neg3A_706 = arith.subf %neg3A_705, %mul3A_703 : vector<16xf32>
      %exp3A_707 = math.exp %neg3A_706 : vector<16xf32>
      %add3A_708 = arith.addf %add3A_654, %exp3A_707 : vector<16xf32>
      %add3A_709 = arith.addf %while3A_148, %add3A_708 : vector<16xf32>
      scf.yield %add3A_709 : vector<16xf32>
    }
    %while3A_136 = arith.constant 1 : i32
    %while3A_137 = scf.for %while3A_147 = %while3A_133 to %while3A_129 step %while3A_136 iter_args(%while3A_148 = %while3A_135) -> (vector<16xf32>)  : i32 {
      %mul3A_149 = arith.constant 16 : i32
      %mul3A_150 = arith.muli %while3A_147, %mul3A_149 : i32
      %get3A = arith.index_cast %mul3A_150 : i32 to index
      %get3A_151 = tpu.vector_load %arg13[%get3A] {strides = array<i32>} : memref<64xi32, #tpu.memory_space<vmem>>, vector<16xi32>,
      %get3A_152 = arith.index_cast %mul3A_150 : i32 to index
      %get3A_153 = tpu.vector_load %arg14[%get3A_152] {strides = array<i32>} : memref<64xi32, #tpu.memory_space<vmem>>, vector<16xi32>,
      %gather3A = tpu.vector_load_idx %arg12[%broadcast_in_dim3A_26, %get3A_151] : memref<6x5000xf32, #tpu.memory_space<vmem>>[vector<16xi32>, vector<16xi32>], vector<16xf32>,
      %gather3A_154 = tpu.vector_load_idx %arg12[%broadcast_in_dim3A_26, %get3A_153] : memref<6x5000xf32, #tpu.memory_space<vmem>>[vector<16xi32>, vector<16xi32>], vector<16xf32>,
      %sub3A_155 = arith.subf %gather3A, %gather3A_154 : vector<16xf32>
      %gather3A_156 = tpu.vector_load_idx %arg12[%broadcast_in_dim3A_28, %get3A_151] : memref<6x5000xf32, #tpu.memory_space<vmem>>[vector<16xi32>, vector<16xi32>], vector<16xf32>,
      %gather3A_157 = tpu.vector_load_idx %arg12[%broadcast_in_dim3A_28, %get3A_153] : memref<6x5000xf32, #tpu.memory_space<vmem>>[vector<16xi32>, vector<16xi32>], vector<16xf32>,
      %sub3A_158 = arith.subf %gather3A_156, %gather3A_157 : vector<16xf32>
      %gather3A_159 = tpu.vector_load_idx %arg12[%broadcast_in_dim3A_30, %get3A_151] : memref<6x5000xf32, #tpu.memory_space<vmem>>[vector<16xi32>, vector<16xi32>], vector<16xf32>,
      %gather3A_160 = tpu.vector_load_idx %arg12[%broadcast_in_dim3A_30, %get3A_153] : memref<6x5000xf32, #tpu.memory_space<vmem>>[vector<16xi32>, vector<16xi32>], vector<16xf32>,
      %sub3A_161 = arith.subf %gather3A_159, %gather3A_160 : vector<16xf32>
      %gather3A_162 = tpu.vector_load_idx %arg12[%broadcast_in_dim3A_32, %get3A_151] : memref<6x5000xf32, #tpu.memory_space<vmem>>[vector<16xi32>, vector<16xi32>], vector<16xf32>,
      %gather3A_163 = tpu.vector_load_idx %arg12[%broadcast_in_dim3A_32, %get3A_153] : memref<6x5000xf32, #tpu.memory_space<vmem>>[vector<16xi32>, vector<16xi32>], vector<16xf32>,
      %sub3A_164 = arith.subf %gather3A_162, %gather3A_163 : vector<16xf32>
      %gather3A_165 = tpu.vector_load_idx %arg12[%broadcast_in_dim3A_34, %get3A_151] : memref<6x5000xf32, #tpu.memory_space<vmem>>[vector<16xi32>, vector<16xi32>], vector<16xf32>,
      %gather3A_166 = tpu.vector_load_idx %arg12[%broadcast_in_dim3A_34, %get3A_153] : memref<6x5000xf32, #tpu.memory_space<vmem>>[vector<16xi32>, vector<16xi32>], vector<16xf32>,
      %sub3A_167 = arith.subf %gather3A_165, %gather3A_166 : vector<16xf32>
      %gather3A_168 = tpu.vector_load_idx %arg12[%broadcast_in_dim3A_36, %get3A_151] : memref<6x5000xf32, #tpu.memory_space<vmem>>[vector<16xi32>, vector<16xi32>], vector<16xf32>,
      %gather3A_169 = tpu.vector_load_idx %arg12[%broadcast_in_dim3A_36, %get3A_153] : memref<6x5000xf32, #tpu.memory_space<vmem>>[vector<16xi32>, vector<16xi32>], vector<16xf32>,
      %sub3A_170 = arith.subf %gather3A_168, %gather3A_169 : vector<16xf32>
      %broadcast_in_dim3A_171 = arith.constant 0.000000e+00 : f32
      %broadcast_in_dim3A_172 = vector.broadcast %broadcast_in_dim3A_171 : f32 to vector<16xf32>
      %mul3A_173 = arith.constant 5.000000e-02 : f32
      %mul3A_174 = vector.broadcast %mul3A_173 : f32 to vector<16xf32>
      %mul3A_175 = arith.mulf %sub3A_161, %mul3A_174 : vector<16xf32>
      %add3A_176 = arith.addf %sub3A_155, %mul3A_175 : vector<16xf32>
      %mul3A_177 = arith.constant 1.250000e-03 : f32
      %mul3A_178 = vector.broadcast %mul3A_177 : f32 to vector<16xf32>
      %mul3A_179 = arith.mulf %sub3A_167, %mul3A_178 : vector<16xf32>
      %add3A_180 = arith.addf %add3A_176, %mul3A_179 : vector<16xf32>
      %add3A_181 = arith.constant 9.99999997E-7 : f32
      %add3A_182 = vector.broadcast %add3A_181 : f32 to vector<16xf32>
      %add3A_183 = arith.addf %add3A_180, %add3A_182 : vector<16xf32>
      %mul3A_184 = arith.constant 5.000000e-02 : f32
      %mul3A_185 = vector.broadcast %mul3A_184 : f32 to vector<16xf32>
      %mul3A_186 = arith.mulf %sub3A_164, %mul3A_185 : vector<16xf32>
      %add3A_187 = arith.addf %sub3A_158, %mul3A_186 : vector<16xf32>
      %mul3A_188 = arith.constant 1.250000e-03 : f32
      %mul3A_189 = vector.broadcast %mul3A_188 : f32 to vector<16xf32>
      %mul3A_190 = arith.mulf %sub3A_170, %mul3A_189 : vector<16xf32>
      %add3A_191 = arith.addf %add3A_187, %mul3A_190 : vector<16xf32>
      %add3A_192 = arith.constant 9.99999997E-7 : f32
      %add3A_193 = vector.broadcast %add3A_192 : f32 to vector<16xf32>
      %add3A_194 = arith.addf %add3A_191, %add3A_193 : vector<16xf32>
      %mul3A_195 = arith.mulf %add3A_183, %add3A_183 : vector<16xf32>
      %mul3A_196 = arith.mulf %add3A_194, %add3A_194 : vector<16xf32>
      %add3A_197 = arith.addf %mul3A_195, %mul3A_196 : vector<16xf32>
      %mul3A_198 = arith.constant 5.000000e-01 : f32
      %mul3A_199 = vector.broadcast %mul3A_198 : f32 to vector<16xf32>
      %mul3A_200 = arith.mulf %add3A_197, %mul3A_199 : vector<16xf32>
      %bitcast3A = vector.bitcast %add3A_197 : vector<16xf32> to vector<16xi32>
      %shift_right_arithmetic3A = arith.constant 1 : i32
      %shift_right_arithmetic3A_201 = vector.broadcast %shift_right_arithmetic3A : i32 to vector<16xi32>
      %shift_right_arithmetic3A_202 = arith.shrsi %bitcast3A, %shift_right_arithmetic3A_201 : vector<16xi32>
      %sub3A_203 = arith.constant 1597463007 : i32
      %sub3A_204 = vector.broadcast %sub3A_203 : i32 to vector<16xi32>
      %sub3A_205 = arith.subi %sub3A_204, %shift_right_arithmetic3A_202 : vector<16xi32>
      %bitcast3A_206 = vector.bitcast %sub3A_205 : vector<16xi32> to vector<16xf32>
      %mul3A_207 = arith.mulf %mul3A_200, %bitcast3A_206 : vector<16xf32>
      %mul3A_208 = arith.mulf %mul3A_207, %bitcast3A_206 : vector<16xf32>
      %sub3A_209 = arith.constant 1.500000e+00 : f32
      %sub3A_210 = vector.broadcast %sub3A_209 : f32 to vector<16xf32>
      %sub3A_211 = arith.subf %sub3A_210, %mul3A_208 : vector<16xf32>
      %mul3A_212 = arith.mulf %bitcast3A_206, %sub3A_211 : vector<16xf32>
      %mul3A_213 = arith.mulf %mul3A_200, %mul3A_212 : vector<16xf32>
      %mul3A_214 = arith.mulf %mul3A_213, %mul3A_212 : vector<16xf32>
      %sub3A_215 = arith.constant 1.500000e+00 : f32
      %sub3A_216 = vector.broadcast %sub3A_215 : f32 to vector<16xf32>
      %sub3A_217 = arith.subf %sub3A_216, %mul3A_214 : vector<16xf32>
      %mul3A_218 = arith.mulf %mul3A_212, %sub3A_217 : vector<16xf32>
      %mul3A_219 = arith.mulf %add3A_197, %mul3A_218 : vector<16xf32>
      %neg3A = arith.constant 0.000000e+00 : f32
      %neg3A_220 = vector.broadcast %neg3A : f32 to vector<16xf32>
      %neg3A_221 = arith.subf %neg3A_220, %mul3A_219 : vector<16xf32>
      %exp3A = math.exp %neg3A_221 : vector<16xf32>
      %add3A_222 = arith.addf %broadcast_in_dim3A_172, %exp3A : vector<16xf32>
      %mul3A_223 = arith.constant 1.500000e-01 : f32
      %mul3A_224 = vector.broadcast %mul3A_223 : f32 to vector<16xf32>
      %mul3A_225 = arith.mulf %sub3A_161, %mul3A_224 : vector<16xf32>
      %add3A_226 = arith.addf %sub3A_155, %mul3A_225 : vector<16xf32>
      %mul3A_227 = arith.constant 1.125000e-02 : f32
      %mul3A_228 = vector.broadcast %mul3A_227 : f32 to vector<16xf32>
      %mul3A_229 = arith.mulf %sub3A_167, %mul3A_228 : vector<16xf32>
      %add3A_230 = arith.addf %add3A_226, %mul3A_229 : vector<16xf32>
      %add3A_231 = arith.constant 9.99999997E-7 : f32
      %add3A_232 = vector.broadcast %add3A_231 : f32 to vector<16xf32>
      %add3A_233 = arith.addf %add3A_230, %add3A_232 : vector<16xf32>
      %mul3A_234 = arith.constant 1.500000e-01 : f32
      %mul3A_235 = vector.broadcast %mul3A_234 : f32 to vector<16xf32>
      %mul3A_236 = arith.mulf %sub3A_164, %mul3A_235 : vector<16xf32>
      %add3A_237 = arith.addf %sub3A_158, %mul3A_236 : vector<16xf32>
      %mul3A_238 = arith.constant 1.125000e-02 : f32
      %mul3A_239 = vector.broadcast %mul3A_238 : f32 to vector<16xf32>
      %mul3A_240 = arith.mulf %sub3A_170, %mul3A_239 : vector<16xf32>
      %add3A_241 = arith.addf %add3A_237, %mul3A_240 : vector<16xf32>
      %add3A_242 = arith.constant 9.99999997E-7 : f32
      %add3A_243 = vector.broadcast %add3A_242 : f32 to vector<16xf32>
      %add3A_244 = arith.addf %add3A_241, %add3A_243 : vector<16xf32>
      %mul3A_245 = arith.mulf %add3A_233, %add3A_233 : vector<16xf32>
      %mul3A_246 = arith.mulf %add3A_244, %add3A_244 : vector<16xf32>
      %add3A_247 = arith.addf %mul3A_245, %mul3A_246 : vector<16xf32>
      %mul3A_248 = arith.constant 5.000000e-01 : f32
      %mul3A_249 = vector.broadcast %mul3A_248 : f32 to vector<16xf32>
      %mul3A_250 = arith.mulf %add3A_247, %mul3A_249 : vector<16xf32>
      %bitcast3A_251 = vector.bitcast %add3A_247 : vector<16xf32> to vector<16xi32>
      %shift_right_arithmetic3A_252 = arith.constant 1 : i32
      %shift_right_arithmetic3A_253 = vector.broadcast %shift_right_arithmetic3A_252 : i32 to vector<16xi32>
      %shift_right_arithmetic3A_254 = arith.shrsi %bitcast3A_251, %shift_right_arithmetic3A_253 : vector<16xi32>
      %sub3A_255 = arith.constant 1597463007 : i32
      %sub3A_256 = vector.broadcast %sub3A_255 : i32 to vector<16xi32>
      %sub3A_257 = arith.subi %sub3A_256, %shift_right_arithmetic3A_254 : vector<16xi32>
      %bitcast3A_258 = vector.bitcast %sub3A_257 : vector<16xi32> to vector<16xf32>
      %mul3A_259 = arith.mulf %mul3A_250, %bitcast3A_258 : vector<16xf32>
      %mul3A_260 = arith.mulf %mul3A_259, %bitcast3A_258 : vector<16xf32>
      %sub3A_261 = arith.constant 1.500000e+00 : f32
      %sub3A_262 = vector.broadcast %sub3A_261 : f32 to vector<16xf32>
      %sub3A_263 = arith.subf %sub3A_262, %mul3A_260 : vector<16xf32>
      %mul3A_264 = arith.mulf %bitcast3A_258, %sub3A_263 : vector<16xf32>
      %mul3A_265 = arith.mulf %mul3A_250, %mul3A_264 : vector<16xf32>
      %mul3A_266 = arith.mulf %mul3A_265, %mul3A_264 : vector<16xf32>
      %sub3A_267 = arith.constant 1.500000e+00 : f32
      %sub3A_268 = vector.broadcast %sub3A_267 : f32 to vector<16xf32>
      %sub3A_269 = arith.subf %sub3A_268, %mul3A_266 : vector<16xf32>
      %mul3A_270 = arith.mulf %mul3A_264, %sub3A_269 : vector<16xf32>
      %mul3A_271 = arith.mulf %add3A_247, %mul3A_270 : vector<16xf32>
      %neg3A_272 = arith.constant 0.000000e+00 : f32
      %neg3A_273 = vector.broadcast %neg3A_272 : f32 to vector<16xf32>
      %neg3A_274 = arith.subf %neg3A_273, %mul3A_271 : vector<16xf32>
      %exp3A_275 = math.exp %neg3A_274 : vector<16xf32>
      %add3A_276 = arith.addf %add3A_222, %exp3A_275 : vector<16xf32>
      %mul3A_277 = arith.constant 2.500000e-01 : f32
      %mul3A_278 = vector.broadcast %mul3A_277 : f32 to vector<16xf32>
      %mul3A_279 = arith.mulf %sub3A_161, %mul3A_278 : vector<16xf32>
      %add3A_280 = arith.addf %sub3A_155, %mul3A_279 : vector<16xf32>
      %mul3A_281 = arith.constant 3.125000e-02 : f32
      %mul3A_282 = vector.broadcast %mul3A_281 : f32 to vector<16xf32>
      %mul3A_283 = arith.mulf %sub3A_167, %mul3A_282 : vector<16xf32>
      %add3A_284 = arith.addf %add3A_280, %mul3A_283 : vector<16xf32>
      %add3A_285 = arith.constant 9.99999997E-7 : f32
      %add3A_286 = vector.broadcast %add3A_285 : f32 to vector<16xf32>
      %add3A_287 = arith.addf %add3A_284, %add3A_286 : vector<16xf32>
      %mul3A_288 = arith.constant 2.500000e-01 : f32
      %mul3A_289 = vector.broadcast %mul3A_288 : f32 to vector<16xf32>
      %mul3A_290 = arith.mulf %sub3A_164, %mul3A_289 : vector<16xf32>
      %add3A_291 = arith.addf %sub3A_158, %mul3A_290 : vector<16xf32>
      %mul3A_292 = arith.constant 3.125000e-02 : f32
      %mul3A_293 = vector.broadcast %mul3A_292 : f32 to vector<16xf32>
      %mul3A_294 = arith.mulf %sub3A_170, %mul3A_293 : vector<16xf32>
      %add3A_295 = arith.addf %add3A_291, %mul3A_294 : vector<16xf32>
      %add3A_296 = arith.constant 9.99999997E-7 : f32
      %add3A_297 = vector.broadcast %add3A_296 : f32 to vector<16xf32>
      %add3A_298 = arith.addf %add3A_295, %add3A_297 : vector<16xf32>
      %mul3A_299 = arith.mulf %add3A_287, %add3A_287 : vector<16xf32>
      %mul3A_300 = arith.mulf %add3A_298, %add3A_298 : vector<16xf32>
      %add3A_301 = arith.addf %mul3A_299, %mul3A_300 : vector<16xf32>
      %mul3A_302 = arith.constant 5.000000e-01 : f32
      %mul3A_303 = vector.broadcast %mul3A_302 : f32 to vector<16xf32>
      %mul3A_304 = arith.mulf %add3A_301, %mul3A_303 : vector<16xf32>
      %bitcast3A_305 = vector.bitcast %add3A_301 : vector<16xf32> to vector<16xi32>
      %shift_right_arithmetic3A_306 = arith.constant 1 : i32
      %shift_right_arithmetic3A_307 = vector.broadcast %shift_right_arithmetic3A_306 : i32 to vector<16xi32>
      %shift_right_arithmetic3A_308 = arith.shrsi %bitcast3A_305, %shift_right_arithmetic3A_307 : vector<16xi32>
      %sub3A_309 = arith.constant 1597463007 : i32
      %sub3A_310 = vector.broadcast %sub3A_309 : i32 to vector<16xi32>
      %sub3A_311 = arith.subi %sub3A_310, %shift_right_arithmetic3A_308 : vector<16xi32>
      %bitcast3A_312 = vector.bitcast %sub3A_311 : vector<16xi32> to vector<16xf32>
      %mul3A_313 = arith.mulf %mul3A_304, %bitcast3A_312 : vector<16xf32>
      %mul3A_314 = arith.mulf %mul3A_313, %bitcast3A_312 : vector<16xf32>
      %sub3A_315 = arith.constant 1.500000e+00 : f32
      %sub3A_316 = vector.broadcast %sub3A_315 : f32 to vector<16xf32>
      %sub3A_317 = arith.subf %sub3A_316, %mul3A_314 : vector<16xf32>
      %mul3A_318 = arith.mulf %bitcast3A_312, %sub3A_317 : vector<16xf32>
      %mul3A_319 = arith.mulf %mul3A_304, %mul3A_318 : vector<16xf32>
      %mul3A_320 = arith.mulf %mul3A_319, %mul3A_318 : vector<16xf32>
      %sub3A_321 = arith.constant 1.500000e+00 : f32
      %sub3A_322 = vector.broadcast %sub3A_321 : f32 to vector<16xf32>
      %sub3A_323 = arith.subf %sub3A_322, %mul3A_320 : vector<16xf32>
      %mul3A_324 = arith.mulf %mul3A_318, %sub3A_323 : vector<16xf32>
      %mul3A_325 = arith.mulf %add3A_301, %mul3A_324 : vector<16xf32>
      %neg3A_326 = arith.constant 0.000000e+00 : f32
      %neg3A_327 = vector.broadcast %neg3A_326 : f32 to vector<16xf32>
      %neg3A_328 = arith.subf %neg3A_327, %mul3A_325 : vector<16xf32>
      %exp3A_329 = math.exp %neg3A_328 : vector<16xf32>
      %add3A_330 = arith.addf %add3A_276, %exp3A_329 : vector<16xf32>
      %mul3A_331 = arith.constant 3.500000e-01 : f32
      %mul3A_332 = vector.broadcast %mul3A_331 : f32 to vector<16xf32>
      %mul3A_333 = arith.mulf %sub3A_161, %mul3A_332 : vector<16xf32>
      %add3A_334 = arith.addf %sub3A_155, %mul3A_333 : vector<16xf32>
      %mul3A_335 = arith.constant 6.125000e-02 : f32
      %mul3A_336 = vector.broadcast %mul3A_335 : f32 to vector<16xf32>
      %mul3A_337 = arith.mulf %sub3A_167, %mul3A_336 : vector<16xf32>
      %add3A_338 = arith.addf %add3A_334, %mul3A_337 : vector<16xf32>
      %add3A_339 = arith.constant 9.99999997E-7 : f32
      %add3A_340 = vector.broadcast %add3A_339 : f32 to vector<16xf32>
      %add3A_341 = arith.addf %add3A_338, %add3A_340 : vector<16xf32>
      %mul3A_342 = arith.constant 3.500000e-01 : f32
      %mul3A_343 = vector.broadcast %mul3A_342 : f32 to vector<16xf32>
      %mul3A_344 = arith.mulf %sub3A_164, %mul3A_343 : vector<16xf32>
      %add3A_345 = arith.addf %sub3A_158, %mul3A_344 : vector<16xf32>
      %mul3A_346 = arith.constant 6.125000e-02 : f32
      %mul3A_347 = vector.broadcast %mul3A_346 : f32 to vector<16xf32>
      %mul3A_348 = arith.mulf %sub3A_170, %mul3A_347 : vector<16xf32>
      %add3A_349 = arith.addf %add3A_345, %mul3A_348 : vector<16xf32>
      %add3A_350 = arith.constant 9.99999997E-7 : f32
      %add3A_351 = vector.broadcast %add3A_350 : f32 to vector<16xf32>
      %add3A_352 = arith.addf %add3A_349, %add3A_351 : vector<16xf32>
      %mul3A_353 = arith.mulf %add3A_341, %add3A_341 : vector<16xf32>
      %mul3A_354 = arith.mulf %add3A_352, %add3A_352 : vector<16xf32>
      %add3A_355 = arith.addf %mul3A_353, %mul3A_354 : vector<16xf32>
      %mul3A_356 = arith.constant 5.000000e-01 : f32
      %mul3A_357 = vector.broadcast %mul3A_356 : f32 to vector<16xf32>
      %mul3A_358 = arith.mulf %add3A_355, %mul3A_357 : vector<16xf32>
      %bitcast3A_359 = vector.bitcast %add3A_355 : vector<16xf32> to vector<16xi32>
      %shift_right_arithmetic3A_360 = arith.constant 1 : i32
      %shift_right_arithmetic3A_361 = vector.broadcast %shift_right_arithmetic3A_360 : i32 to vector<16xi32>
      %shift_right_arithmetic3A_362 = arith.shrsi %bitcast3A_359, %shift_right_arithmetic3A_361 : vector<16xi32>
      %sub3A_363 = arith.constant 1597463007 : i32
      %sub3A_364 = vector.broadcast %sub3A_363 : i32 to vector<16xi32>
      %sub3A_365 = arith.subi %sub3A_364, %shift_right_arithmetic3A_362 : vector<16xi32>
      %bitcast3A_366 = vector.bitcast %sub3A_365 : vector<16xi32> to vector<16xf32>
      %mul3A_367 = arith.mulf %mul3A_358, %bitcast3A_366 : vector<16xf32>
      %mul3A_368 = arith.mulf %mul3A_367, %bitcast3A_366 : vector<16xf32>
      %sub3A_369 = arith.constant 1.500000e+00 : f32
      %sub3A_370 = vector.broadcast %sub3A_369 : f32 to vector<16xf32>
      %sub3A_371 = arith.subf %sub3A_370, %mul3A_368 : vector<16xf32>
      %mul3A_372 = arith.mulf %bitcast3A_366, %sub3A_371 : vector<16xf32>
      %mul3A_373 = arith.mulf %mul3A_358, %mul3A_372 : vector<16xf32>
      %mul3A_374 = arith.mulf %mul3A_373, %mul3A_372 : vector<16xf32>
      %sub3A_375 = arith.constant 1.500000e+00 : f32
      %sub3A_376 = vector.broadcast %sub3A_375 : f32 to vector<16xf32>
      %sub3A_377 = arith.subf %sub3A_376, %mul3A_374 : vector<16xf32>
      %mul3A_378 = arith.mulf %mul3A_372, %sub3A_377 : vector<16xf32>
      %mul3A_379 = arith.mulf %add3A_355, %mul3A_378 : vector<16xf32>
      %neg3A_380 = arith.constant 0.000000e+00 : f32
      %neg3A_381 = vector.broadcast %neg3A_380 : f32 to vector<16xf32>
      %neg3A_382 = arith.subf %neg3A_381, %mul3A_379 : vector<16xf32>
      %exp3A_383 = math.exp %neg3A_382 : vector<16xf32>
      %add3A_384 = arith.addf %add3A_330, %exp3A_383 : vector<16xf32>
      %mul3A_385 = arith.constant 4.500000e-01 : f32
      %mul3A_386 = vector.broadcast %mul3A_385 : f32 to vector<16xf32>
      %mul3A_387 = arith.mulf %sub3A_161, %mul3A_386 : vector<16xf32>
      %add3A_388 = arith.addf %sub3A_155, %mul3A_387 : vector<16xf32>
      %mul3A_389 = arith.constant 1.012500e-01 : f32
      %mul3A_390 = vector.broadcast %mul3A_389 : f32 to vector<16xf32>
      %mul3A_391 = arith.mulf %sub3A_167, %mul3A_390 : vector<16xf32>
      %add3A_392 = arith.addf %add3A_388, %mul3A_391 : vector<16xf32>
      %add3A_393 = arith.constant 9.99999997E-7 : f32
      %add3A_394 = vector.broadcast %add3A_393 : f32 to vector<16xf32>
      %add3A_395 = arith.addf %add3A_392, %add3A_394 : vector<16xf32>
      %mul3A_396 = arith.constant 4.500000e-01 : f32
      %mul3A_397 = vector.broadcast %mul3A_396 : f32 to vector<16xf32>
      %mul3A_398 = arith.mulf %sub3A_164, %mul3A_397 : vector<16xf32>
      %add3A_399 = arith.addf %sub3A_158, %mul3A_398 : vector<16xf32>
      %mul3A_400 = arith.constant 1.012500e-01 : f32
      %mul3A_401 = vector.broadcast %mul3A_400 : f32 to vector<16xf32>
      %mul3A_402 = arith.mulf %sub3A_170, %mul3A_401 : vector<16xf32>
      %add3A_403 = arith.addf %add3A_399, %mul3A_402 : vector<16xf32>
      %add3A_404 = arith.constant 9.99999997E-7 : f32
      %add3A_405 = vector.broadcast %add3A_404 : f32 to vector<16xf32>
      %add3A_406 = arith.addf %add3A_403, %add3A_405 : vector<16xf32>
      %mul3A_407 = arith.mulf %add3A_395, %add3A_395 : vector<16xf32>
      %mul3A_408 = arith.mulf %add3A_406, %add3A_406 : vector<16xf32>
      %add3A_409 = arith.addf %mul3A_407, %mul3A_408 : vector<16xf32>
      %mul3A_410 = arith.constant 5.000000e-01 : f32
      %mul3A_411 = vector.broadcast %mul3A_410 : f32 to vector<16xf32>
      %mul3A_412 = arith.mulf %add3A_409, %mul3A_411 : vector<16xf32>
      %bitcast3A_413 = vector.bitcast %add3A_409 : vector<16xf32> to vector<16xi32>
      %shift_right_arithmetic3A_414 = arith.constant 1 : i32
      %shift_right_arithmetic3A_415 = vector.broadcast %shift_right_arithmetic3A_414 : i32 to vector<16xi32>
      %shift_right_arithmetic3A_416 = arith.shrsi %bitcast3A_413, %shift_right_arithmetic3A_415 : vector<16xi32>
      %sub3A_417 = arith.constant 1597463007 : i32
      %sub3A_418 = vector.broadcast %sub3A_417 : i32 to vector<16xi32>
      %sub3A_419 = arith.subi %sub3A_418, %shift_right_arithmetic3A_416 : vector<16xi32>
      %bitcast3A_420 = vector.bitcast %sub3A_419 : vector<16xi32> to vector<16xf32>
      %mul3A_421 = arith.mulf %mul3A_412, %bitcast3A_420 : vector<16xf32>
      %mul3A_422 = arith.mulf %mul3A_421, %bitcast3A_420 : vector<16xf32>
      %sub3A_423 = arith.constant 1.500000e+00 : f32
      %sub3A_424 = vector.broadcast %sub3A_423 : f32 to vector<16xf32>
      %sub3A_425 = arith.subf %sub3A_424, %mul3A_422 : vector<16xf32>
      %mul3A_426 = arith.mulf %bitcast3A_420, %sub3A_425 : vector<16xf32>
      %mul3A_427 = arith.mulf %mul3A_412, %mul3A_426 : vector<16xf32>
      %mul3A_428 = arith.mulf %mul3A_427, %mul3A_426 : vector<16xf32>
      %sub3A_429 = arith.constant 1.500000e+00 : f32
      %sub3A_430 = vector.broadcast %sub3A_429 : f32 to vector<16xf32>
      %sub3A_431 = arith.subf %sub3A_430, %mul3A_428 : vector<16xf32>
      %mul3A_432 = arith.mulf %mul3A_426, %sub3A_431 : vector<16xf32>
      %mul3A_433 = arith.mulf %add3A_409, %mul3A_432 : vector<16xf32>
      %neg3A_434 = arith.constant 0.000000e+00 : f32
      %neg3A_435 = vector.broadcast %neg3A_434 : f32 to vector<16xf32>
      %neg3A_436 = arith.subf %neg3A_435, %mul3A_433 : vector<16xf32>
      %exp3A_437 = math.exp %neg3A_436 : vector<16xf32>
      %add3A_438 = arith.addf %add3A_384, %exp3A_437 : vector<16xf32>
      %mul3A_439 = arith.constant 5.500000e-01 : f32
      %mul3A_440 = vector.broadcast %mul3A_439 : f32 to vector<16xf32>
      %mul3A_441 = arith.mulf %sub3A_161, %mul3A_440 : vector<16xf32>
      %add3A_442 = arith.addf %sub3A_155, %mul3A_441 : vector<16xf32>
      %mul3A_443 = arith.constant 1.512500e-01 : f32
      %mul3A_444 = vector.broadcast %mul3A_443 : f32 to vector<16xf32>
      %mul3A_445 = arith.mulf %sub3A_167, %mul3A_444 : vector<16xf32>
      %add3A_446 = arith.addf %add3A_442, %mul3A_445 : vector<16xf32>
      %add3A_447 = arith.constant 9.99999997E-7 : f32
      %add3A_448 = vector.broadcast %add3A_447 : f32 to vector<16xf32>
      %add3A_449 = arith.addf %add3A_446, %add3A_448 : vector<16xf32>
      %mul3A_450 = arith.constant 5.500000e-01 : f32
      %mul3A_451 = vector.broadcast %mul3A_450 : f32 to vector<16xf32>
      %mul3A_452 = arith.mulf %sub3A_164, %mul3A_451 : vector<16xf32>
      %add3A_453 = arith.addf %sub3A_158, %mul3A_452 : vector<16xf32>
      %mul3A_454 = arith.constant 1.512500e-01 : f32
      %mul3A_455 = vector.broadcast %mul3A_454 : f32 to vector<16xf32>
      %mul3A_456 = arith.mulf %sub3A_170, %mul3A_455 : vector<16xf32>
      %add3A_457 = arith.addf %add3A_453, %mul3A_456 : vector<16xf32>
      %add3A_458 = arith.constant 9.99999997E-7 : f32
      %add3A_459 = vector.broadcast %add3A_458 : f32 to vector<16xf32>
      %add3A_460 = arith.addf %add3A_457, %add3A_459 : vector<16xf32>
      %mul3A_461 = arith.mulf %add3A_449, %add3A_449 : vector<16xf32>
      %mul3A_462 = arith.mulf %add3A_460, %add3A_460 : vector<16xf32>
      %add3A_463 = arith.addf %mul3A_461, %mul3A_462 : vector<16xf32>
      %mul3A_464 = arith.constant 5.000000e-01 : f32
      %mul3A_465 = vector.broadcast %mul3A_464 : f32 to vector<16xf32>
      %mul3A_466 = arith.mulf %add3A_463, %mul3A_465 : vector<16xf32>
      %bitcast3A_467 = vector.bitcast %add3A_463 : vector<16xf32> to vector<16xi32>
      %shift_right_arithmetic3A_468 = arith.constant 1 : i32
      %shift_right_arithmetic3A_469 = vector.broadcast %shift_right_arithmetic3A_468 : i32 to vector<16xi32>
      %shift_right_arithmetic3A_470 = arith.shrsi %bitcast3A_467, %shift_right_arithmetic3A_469 : vector<16xi32>
      %sub3A_471 = arith.constant 1597463007 : i32
      %sub3A_472 = vector.broadcast %sub3A_471 : i32 to vector<16xi32>
      %sub3A_473 = arith.subi %sub3A_472, %shift_right_arithmetic3A_470 : vector<16xi32>
      %bitcast3A_474 = vector.bitcast %sub3A_473 : vector<16xi32> to vector<16xf32>
      %mul3A_475 = arith.mulf %mul3A_466, %bitcast3A_474 : vector<16xf32>
      %mul3A_476 = arith.mulf %mul3A_475, %bitcast3A_474 : vector<16xf32>
      %sub3A_477 = arith.constant 1.500000e+00 : f32
      %sub3A_478 = vector.broadcast %sub3A_477 : f32 to vector<16xf32>
      %sub3A_479 = arith.subf %sub3A_478, %mul3A_476 : vector<16xf32>
      %mul3A_480 = arith.mulf %bitcast3A_474, %sub3A_479 : vector<16xf32>
      %mul3A_481 = arith.mulf %mul3A_466, %mul3A_480 : vector<16xf32>
      %mul3A_482 = arith.mulf %mul3A_481, %mul3A_480 : vector<16xf32>
      %sub3A_483 = arith.constant 1.500000e+00 : f32
      %sub3A_484 = vector.broadcast %sub3A_483 : f32 to vector<16xf32>
      %sub3A_485 = arith.subf %sub3A_484, %mul3A_482 : vector<16xf32>
      %mul3A_486 = arith.mulf %mul3A_480, %sub3A_485 : vector<16xf32>
      %mul3A_487 = arith.mulf %add3A_463, %mul3A_486 : vector<16xf32>
      %neg3A_488 = arith.constant 0.000000e+00 : f32
      %neg3A_489 = vector.broadcast %neg3A_488 : f32 to vector<16xf32>
      %neg3A_490 = arith.subf %neg3A_489, %mul3A_487 : vector<16xf32>
      %exp3A_491 = math.exp %neg3A_490 : vector<16xf32>
      %add3A_492 = arith.addf %add3A_438, %exp3A_491 : vector<16xf32>
      %mul3A_493 = arith.constant 6.500000e-01 : f32
      %mul3A_494 = vector.broadcast %mul3A_493 : f32 to vector<16xf32>
      %mul3A_495 = arith.mulf %sub3A_161, %mul3A_494 : vector<16xf32>
      %add3A_496 = arith.addf %sub3A_155, %mul3A_495 : vector<16xf32>
      %mul3A_497 = arith.constant 2.112500e-01 : f32
      %mul3A_498 = vector.broadcast %mul3A_497 : f32 to vector<16xf32>
      %mul3A_499 = arith.mulf %sub3A_167, %mul3A_498 : vector<16xf32>
      %add3A_500 = arith.addf %add3A_496, %mul3A_499 : vector<16xf32>
      %add3A_501 = arith.constant 9.99999997E-7 : f32
      %add3A_502 = vector.broadcast %add3A_501 : f32 to vector<16xf32>
      %add3A_503 = arith.addf %add3A_500, %add3A_502 : vector<16xf32>
      %mul3A_504 = arith.constant 6.500000e-01 : f32
      %mul3A_505 = vector.broadcast %mul3A_504 : f32 to vector<16xf32>
      %mul3A_506 = arith.mulf %sub3A_164, %mul3A_505 : vector<16xf32>
      %add3A_507 = arith.addf %sub3A_158, %mul3A_506 : vector<16xf32>
      %mul3A_508 = arith.constant 2.112500e-01 : f32
      %mul3A_509 = vector.broadcast %mul3A_508 : f32 to vector<16xf32>
      %mul3A_510 = arith.mulf %sub3A_170, %mul3A_509 : vector<16xf32>
      %add3A_511 = arith.addf %add3A_507, %mul3A_510 : vector<16xf32>
      %add3A_512 = arith.constant 9.99999997E-7 : f32
      %add3A_513 = vector.broadcast %add3A_512 : f32 to vector<16xf32>
      %add3A_514 = arith.addf %add3A_511, %add3A_513 : vector<16xf32>
      %mul3A_515 = arith.mulf %add3A_503, %add3A_503 : vector<16xf32>
      %mul3A_516 = arith.mulf %add3A_514, %add3A_514 : vector<16xf32>
      %add3A_517 = arith.addf %mul3A_515, %mul3A_516 : vector<16xf32>
      %mul3A_518 = arith.constant 5.000000e-01 : f32
      %mul3A_519 = vector.broadcast %mul3A_518 : f32 to vector<16xf32>
      %mul3A_520 = arith.mulf %add3A_517, %mul3A_519 : vector<16xf32>
      %bitcast3A_521 = vector.bitcast %add3A_517 : vector<16xf32> to vector<16xi32>
      %shift_right_arithmetic3A_522 = arith.constant 1 : i32
      %shift_right_arithmetic3A_523 = vector.broadcast %shift_right_arithmetic3A_522 : i32 to vector<16xi32>
      %shift_right_arithmetic3A_524 = arith.shrsi %bitcast3A_521, %shift_right_arithmetic3A_523 : vector<16xi32>
      %sub3A_525 = arith.constant 1597463007 : i32
      %sub3A_526 = vector.broadcast %sub3A_525 : i32 to vector<16xi32>
      %sub3A_527 = arith.subi %sub3A_526, %shift_right_arithmetic3A_524 : vector<16xi32>
      %bitcast3A_528 = vector.bitcast %sub3A_527 : vector<16xi32> to vector<16xf32>
      %mul3A_529 = arith.mulf %mul3A_520, %bitcast3A_528 : vector<16xf32>
      %mul3A_530 = arith.mulf %mul3A_529, %bitcast3A_528 : vector<16xf32>
      %sub3A_531 = arith.constant 1.500000e+00 : f32
      %sub3A_532 = vector.broadcast %sub3A_531 : f32 to vector<16xf32>
      %sub3A_533 = arith.subf %sub3A_532, %mul3A_530 : vector<16xf32>
      %mul3A_534 = arith.mulf %bitcast3A_528, %sub3A_533 : vector<16xf32>
      %mul3A_535 = arith.mulf %mul3A_520, %mul3A_534 : vector<16xf32>
      %mul3A_536 = arith.mulf %mul3A_535, %mul3A_534 : vector<16xf32>
      %sub3A_537 = arith.constant 1.500000e+00 : f32
      %sub3A_538 = vector.broadcast %sub3A_537 : f32 to vector<16xf32>
      %sub3A_539 = arith.subf %sub3A_538, %mul3A_536 : vector<16xf32>
      %mul3A_540 = arith.mulf %mul3A_534, %sub3A_539 : vector<16xf32>
      %mul3A_541 = arith.mulf %add3A_517, %mul3A_540 : vector<16xf32>
      %neg3A_542 = arith.constant 0.000000e+00 : f32
      %neg3A_543 = vector.broadcast %neg3A_542 : f32 to vector<16xf32>
      %neg3A_544 = arith.subf %neg3A_543, %mul3A_541 : vector<16xf32>
      %exp3A_545 = math.exp %neg3A_544 : vector<16xf32>
      %add3A_546 = arith.addf %add3A_492, %exp3A_545 : vector<16xf32>
      %mul3A_547 = arith.constant 7.500000e-01 : f32
      %mul3A_548 = vector.broadcast %mul3A_547 : f32 to vector<16xf32>
      %mul3A_549 = arith.mulf %sub3A_161, %mul3A_548 : vector<16xf32>
      %add3A_550 = arith.addf %sub3A_155, %mul3A_549 : vector<16xf32>
      %mul3A_551 = arith.constant 2.812500e-01 : f32
      %mul3A_552 = vector.broadcast %mul3A_551 : f32 to vector<16xf32>
      %mul3A_553 = arith.mulf %sub3A_167, %mul3A_552 : vector<16xf32>
      %add3A_554 = arith.addf %add3A_550, %mul3A_553 : vector<16xf32>
      %add3A_555 = arith.constant 9.99999997E-7 : f32
      %add3A_556 = vector.broadcast %add3A_555 : f32 to vector<16xf32>
      %add3A_557 = arith.addf %add3A_554, %add3A_556 : vector<16xf32>
      %mul3A_558 = arith.constant 7.500000e-01 : f32
      %mul3A_559 = vector.broadcast %mul3A_558 : f32 to vector<16xf32>
      %mul3A_560 = arith.mulf %sub3A_164, %mul3A_559 : vector<16xf32>
      %add3A_561 = arith.addf %sub3A_158, %mul3A_560 : vector<16xf32>
      %mul3A_562 = arith.constant 2.812500e-01 : f32
      %mul3A_563 = vector.broadcast %mul3A_562 : f32 to vector<16xf32>
      %mul3A_564 = arith.mulf %sub3A_170, %mul3A_563 : vector<16xf32>
      %add3A_565 = arith.addf %add3A_561, %mul3A_564 : vector<16xf32>
      %add3A_566 = arith.constant 9.99999997E-7 : f32
      %add3A_567 = vector.broadcast %add3A_566 : f32 to vector<16xf32>
      %add3A_568 = arith.addf %add3A_565, %add3A_567 : vector<16xf32>
      %mul3A_569 = arith.mulf %add3A_557, %add3A_557 : vector<16xf32>
      %mul3A_570 = arith.mulf %add3A_568, %add3A_568 : vector<16xf32>
      %add3A_571 = arith.addf %mul3A_569, %mul3A_570 : vector<16xf32>
      %mul3A_572 = arith.constant 5.000000e-01 : f32
      %mul3A_573 = vector.broadcast %mul3A_572 : f32 to vector<16xf32>
      %mul3A_574 = arith.mulf %add3A_571, %mul3A_573 : vector<16xf32>
      %bitcast3A_575 = vector.bitcast %add3A_571 : vector<16xf32> to vector<16xi32>
      %shift_right_arithmetic3A_576 = arith.constant 1 : i32
      %shift_right_arithmetic3A_577 = vector.broadcast %shift_right_arithmetic3A_576 : i32 to vector<16xi32>
      %shift_right_arithmetic3A_578 = arith.shrsi %bitcast3A_575, %shift_right_arithmetic3A_577 : vector<16xi32>
      %sub3A_579 = arith.constant 1597463007 : i32
      %sub3A_580 = vector.broadcast %sub3A_579 : i32 to vector<16xi32>
      %sub3A_581 = arith.subi %sub3A_580, %shift_right_arithmetic3A_578 : vector<16xi32>
      %bitcast3A_582 = vector.bitcast %sub3A_581 : vector<16xi32> to vector<16xf32>
      %mul3A_583 = arith.mulf %mul3A_574, %bitcast3A_582 : vector<16xf32>
      %mul3A_584 = arith.mulf %mul3A_583, %bitcast3A_582 : vector<16xf32>
      %sub3A_585 = arith.constant 1.500000e+00 : f32
      %sub3A_586 = vector.broadcast %sub3A_585 : f32 to vector<16xf32>
      %sub3A_587 = arith.subf %sub3A_586, %mul3A_584 : vector<16xf32>
      %mul3A_588 = arith.mulf %bitcast3A_582, %sub3A_587 : vector<16xf32>
      %mul3A_589 = arith.mulf %mul3A_574, %mul3A_588 : vector<16xf32>
      %mul3A_590 = arith.mulf %mul3A_589, %mul3A_588 : vector<16xf32>
      %sub3A_591 = arith.constant 1.500000e+00 : f32
      %sub3A_592 = vector.broadcast %sub3A_591 : f32 to vector<16xf32>
      %sub3A_593 = arith.subf %sub3A_592, %mul3A_590 : vector<16xf32>
      %mul3A_594 = arith.mulf %mul3A_588, %sub3A_593 : vector<16xf32>
      %mul3A_595 = arith.mulf %add3A_571, %mul3A_594 : vector<16xf32>
      %neg3A_596 = arith.constant 0.000000e+00 : f32
      %neg3A_597 = vector.broadcast %neg3A_596 : f32 to vector<16xf32>
      %neg3A_598 = arith.subf %neg3A_597, %mul3A_595 : vector<16xf32>
      %exp3A_599 = math.exp %neg3A_598 : vector<16xf32>
      %add3A_600 = arith.addf %add3A_546, %exp3A_599 : vector<16xf32>
      %mul3A_601 = arith.constant 8.500000e-01 : f32
      %mul3A_602 = vector.broadcast %mul3A_601 : f32 to vector<16xf32>
      %mul3A_603 = arith.mulf %sub3A_161, %mul3A_602 : vector<16xf32>
      %add3A_604 = arith.addf %sub3A_155, %mul3A_603 : vector<16xf32>
      %mul3A_605 = arith.constant 3.612500e-01 : f32
      %mul3A_606 = vector.broadcast %mul3A_605 : f32 to vector<16xf32>
      %mul3A_607 = arith.mulf %sub3A_167, %mul3A_606 : vector<16xf32>
      %add3A_608 = arith.addf %add3A_604, %mul3A_607 : vector<16xf32>
      %add3A_609 = arith.constant 9.99999997E-7 : f32
      %add3A_610 = vector.broadcast %add3A_609 : f32 to vector<16xf32>
      %add3A_611 = arith.addf %add3A_608, %add3A_610 : vector<16xf32>
      %mul3A_612 = arith.constant 8.500000e-01 : f32
      %mul3A_613 = vector.broadcast %mul3A_612 : f32 to vector<16xf32>
      %mul3A_614 = arith.mulf %sub3A_164, %mul3A_613 : vector<16xf32>
      %add3A_615 = arith.addf %sub3A_158, %mul3A_614 : vector<16xf32>
      %mul3A_616 = arith.constant 3.612500e-01 : f32
      %mul3A_617 = vector.broadcast %mul3A_616 : f32 to vector<16xf32>
      %mul3A_618 = arith.mulf %sub3A_170, %mul3A_617 : vector<16xf32>
      %add3A_619 = arith.addf %add3A_615, %mul3A_618 : vector<16xf32>
      %add3A_620 = arith.constant 9.99999997E-7 : f32
      %add3A_621 = vector.broadcast %add3A_620 : f32 to vector<16xf32>
      %add3A_622 = arith.addf %add3A_619, %add3A_621 : vector<16xf32>
      %mul3A_623 = arith.mulf %add3A_611, %add3A_611 : vector<16xf32>
      %mul3A_624 = arith.mulf %add3A_622, %add3A_622 : vector<16xf32>
      %add3A_625 = arith.addf %mul3A_623, %mul3A_624 : vector<16xf32>
      %mul3A_626 = arith.constant 5.000000e-01 : f32
      %mul3A_627 = vector.broadcast %mul3A_626 : f32 to vector<16xf32>
      %mul3A_628 = arith.mulf %add3A_625, %mul3A_627 : vector<16xf32>
      %bitcast3A_629 = vector.bitcast %add3A_625 : vector<16xf32> to vector<16xi32>
      %shift_right_arithmetic3A_630 = arith.constant 1 : i32
      %shift_right_arithmetic3A_631 = vector.broadcast %shift_right_arithmetic3A_630 : i32 to vector<16xi32>
      %shift_right_arithmetic3A_632 = arith.shrsi %bitcast3A_629, %shift_right_arithmetic3A_631 : vector<16xi32>
      %sub3A_633 = arith.constant 1597463007 : i32
      %sub3A_634 = vector.broadcast %sub3A_633 : i32 to vector<16xi32>
      %sub3A_635 = arith.subi %sub3A_634, %shift_right_arithmetic3A_632 : vector<16xi32>
      %bitcast3A_636 = vector.bitcast %sub3A_635 : vector<16xi32> to vector<16xf32>
      %mul3A_637 = arith.mulf %mul3A_628, %bitcast3A_636 : vector<16xf32>
      %mul3A_638 = arith.mulf %mul3A_637, %bitcast3A_636 : vector<16xf32>
      %sub3A_639 = arith.constant 1.500000e+00 : f32
      %sub3A_640 = vector.broadcast %sub3A_639 : f32 to vector<16xf32>
      %sub3A_641 = arith.subf %sub3A_640, %mul3A_638 : vector<16xf32>
      %mul3A_642 = arith.mulf %bitcast3A_636, %sub3A_641 : vector<16xf32>
      %mul3A_643 = arith.mulf %mul3A_628, %mul3A_642 : vector<16xf32>
      %mul3A_644 = arith.mulf %mul3A_643, %mul3A_642 : vector<16xf32>
      %sub3A_645 = arith.constant 1.500000e+00 : f32
      %sub3A_646 = vector.broadcast %sub3A_645 : f32 to vector<16xf32>
      %sub3A_647 = arith.subf %sub3A_646, %mul3A_644 : vector<16xf32>
      %mul3A_648 = arith.mulf %mul3A_642, %sub3A_647 : vector<16xf32>
      %mul3A_649 = arith.mulf %add3A_625, %mul3A_648 : vector<16xf32>
      %neg3A_650 = arith.constant 0.000000e+00 : f32
      %neg3A_651 = vector.broadcast %neg3A_650 : f32 to vector<16xf32>
      %neg3A_652 = arith.subf %neg3A_651, %mul3A_649 : vector<16xf32>
      %exp3A_653 = math.exp %neg3A_652 : vector<16xf32>
      %add3A_654 = arith.addf %add3A_600, %exp3A_653 : vector<16xf32>
      %mul3A_655 = arith.constant 0.949999988 : f32
      %mul3A_656 = vector.broadcast %mul3A_655 : f32 to vector<16xf32>
      %mul3A_657 = arith.mulf %sub3A_161, %mul3A_656 : vector<16xf32>
      %add3A_658 = arith.addf %sub3A_155, %mul3A_657 : vector<16xf32>
      %mul3A_659 = arith.constant 4.512500e-01 : f32
      %mul3A_660 = vector.broadcast %mul3A_659 : f32 to vector<16xf32>
      %mul3A_661 = arith.mulf %sub3A_167, %mul3A_660 : vector<16xf32>
      %add3A_662 = arith.addf %add3A_658, %mul3A_661 : vector<16xf32>
      %add3A_663 = arith.constant 9.99999997E-7 : f32
      %add3A_664 = vector.broadcast %add3A_663 : f32 to vector<16xf32>
      %add3A_665 = arith.addf %add3A_662, %add3A_664 : vector<16xf32>
      %mul3A_666 = arith.constant 0.949999988 : f32
      %mul3A_667 = vector.broadcast %mul3A_666 : f32 to vector<16xf32>
      %mul3A_668 = arith.mulf %sub3A_164, %mul3A_667 : vector<16xf32>
      %add3A_669 = arith.addf %sub3A_158, %mul3A_668 : vector<16xf32>
      %mul3A_670 = arith.constant 4.512500e-01 : f32
      %mul3A_671 = vector.broadcast %mul3A_670 : f32 to vector<16xf32>
      %mul3A_672 = arith.mulf %sub3A_170, %mul3A_671 : vector<16xf32>
      %add3A_673 = arith.addf %add3A_669, %mul3A_672 : vector<16xf32>
      %add3A_674 = arith.constant 9.99999997E-7 : f32
      %add3A_675 = vector.broadcast %add3A_674 : f32 to vector<16xf32>
      %add3A_676 = arith.addf %add3A_673, %add3A_675 : vector<16xf32>
      %mul3A_677 = arith.mulf %add3A_665, %add3A_665 : vector<16xf32>
      %mul3A_678 = arith.mulf %add3A_676, %add3A_676 : vector<16xf32>
      %add3A_679 = arith.addf %mul3A_677, %mul3A_678 : vector<16xf32>
      %mul3A_680 = arith.constant 5.000000e-01 : f32
      %mul3A_681 = vector.broadcast %mul3A_680 : f32 to vector<16xf32>
      %mul3A_682 = arith.mulf %add3A_679, %mul3A_681 : vector<16xf32>
      %bitcast3A_683 = vector.bitcast %add3A_679 : vector<16xf32> to vector<16xi32>
      %shift_right_arithmetic3A_684 = arith.constant 1 : i32
      %shift_right_arithmetic3A_685 = vector.broadcast %shift_right_arithmetic3A_684 : i32 to vector<16xi32>
      %shift_right_arithmetic3A_686 = arith.shrsi %bitcast3A_683, %shift_right_arithmetic3A_685 : vector<16xi32>
      %sub3A_687 = arith.constant 1597463007 : i32
      %sub3A_688 = vector.broadcast %sub3A_687 : i32 to vector<16xi32>
      %sub3A_689 = arith.subi %sub3A_688, %shift_right_arithmetic3A_686 : vector<16xi32>
      %bitcast3A_690 = vector.bitcast %sub3A_689 : vector<16xi32> to vector<16xf32>
      %mul3A_691 = arith.mulf %mul3A_682, %bitcast3A_690 : vector<16xf32>
      %mul3A_692 = arith.mulf %mul3A_691, %bitcast3A_690 : vector<16xf32>
      %sub3A_693 = arith.constant 1.500000e+00 : f32
      %sub3A_694 = vector.broadcast %sub3A_693 : f32 to vector<16xf32>
      %sub3A_695 = arith.subf %sub3A_694, %mul3A_692 : vector<16xf32>
      %mul3A_696 = arith.mulf %bitcast3A_690, %sub3A_695 : vector<16xf32>
      %mul3A_697 = arith.mulf %mul3A_682, %mul3A_696 : vector<16xf32>
      %mul3A_698 = arith.mulf %mul3A_697, %mul3A_696 : vector<16xf32>
      %sub3A_699 = arith.constant 1.500000e+00 : f32
      %sub3A_700 = vector.broadcast %sub3A_699 : f32 to vector<16xf32>
      %sub3A_701 = arith.subf %sub3A_700, %mul3A_698 : vector<16xf32>
      %mul3A_702 = arith.mulf %mul3A_696, %sub3A_701 : vector<16xf32>
      %mul3A_703 = arith.mulf %add3A_679, %mul3A_702 : vector<16xf32>
      %neg3A_704 = arith.constant 0.000000e+00 : f32
      %neg3A_705 = vector.broadcast %neg3A_704 : f32 to vector<16xf32>
      %neg3A_706 = arith.subf %neg3A_705, %mul3A_703 : vector<16xf32>
      %exp3A_707 = math.exp %neg3A_706 : vector<16xf32>
      %add3A_708 = arith.addf %add3A_654, %exp3A_707 : vector<16xf32>
      %add3A_709 = arith.addf %while3A_148, %add3A_708 : vector<16xf32>
      scf.yield %add3A_709 : vector<16xf32>
    }
    %swap3A = arith.constant 0 : index
    %swap3A_138 = tpu.vector_load %arg15[%swap3A] {strides = array<i32>} : memref<32xf32, #tpu.memory_space<vmem>>, vector<16xf32>,
    tpu.vector_store %arg15[%swap3A], %while3A_82 {strides = array<i32>} : memref<32xf32, #tpu.memory_space<vmem>>, vector<16xf32>,
    %swap3A_139 = arith.constant 16 : index
    %swap3A_140 = tpu.vector_load %arg15[%swap3A_139] {strides = array<i32>} : memref<32xf32, #tpu.memory_space<vmem>>, vector<16xf32>,
    tpu.vector_store %arg15[%swap3A_139], %while3A_137 {strides = array<i32>} : memref<32xf32, #tpu.memory_space<vmem>>, vector<16xf32>,
    %mul3A_141 = arith.constant 16 : i32
    %mul3A_142 = arith.muli %add3A, %mul3A_141 : i32
    "tpu.region"() ({
      %run_scoped3A = tpu.sem_alloc : memref<!tpu.dma_semaphore, #tpu.memory_space<semaphore_mem>>
      %dma_start3A_147 = arith.constant 0 : i32
      %dma_start3A_148 = tpu.memref_slice %arg15[%dma_start3A_147] : memref<32xf32, #tpu.memory_space<vmem>> -> memref<16xf32, #tpu.memory_space<vmem>>
      %dma_start3A_149 = tpu.memref_slice %arg8[%mul3A_142] : memref<1024xf32, #tpu.memory_space<hbm>> -> memref<16xf32, #tpu.memory_space<hbm>>
      %dma_start3A_150 = tpu.memref_slice %arg8[%mul3A_142] : memref<1024xf32, #tpu.memory_space<hbm>> -> memref<16xf32, #tpu.memory_space<hbm>>
      %dma_start3A_151 = arith.constant 0 : i32
      %dma_start3A_152 = tpu.memref_slice %arg15[%dma_start3A_151] : memref<32xf32, #tpu.memory_space<vmem>> -> memref<16xf32, #tpu.memory_space<vmem>>
      tpu.enqueue_dma source(%dma_start3A_152 : memref<16xf32, #tpu.memory_space<vmem>>) target(%dma_start3A_150 : memref<16xf32, #tpu.memory_space<hbm>>) target_semaphore(%run_scoped3A : memref<!tpu.dma_semaphore, #tpu.memory_space<semaphore_mem>>)
      %dma_wait3A_153 = arith.constant 0 : i32
      %dma_wait3A_154 = tpu.memref_slice %arg15[%dma_wait3A_153] : memref<32xf32, #tpu.memory_space<vmem>> -> memref<16xf32, #tpu.memory_space<vmem>>
      %dma_wait3A_155 = tpu.memref_slice %arg8[%mul3A_142] : memref<1024xf32, #tpu.memory_space<hbm>> -> memref<16xf32, #tpu.memory_space<hbm>>
      %dma_wait3A_156 = tpu.memref_slice %arg8[%mul3A_142] : memref<1024xf32, #tpu.memory_space<hbm>> -> memref<16xf32, #tpu.memory_space<hbm>>
      %dma_wait3A_157 = arith.constant 0 : i32
      %dma_wait3A_158 = tpu.memref_slice %arg15[%dma_wait3A_157] : memref<32xf32, #tpu.memory_space<vmem>> -> memref<16xf32, #tpu.memory_space<vmem>>
      tpu.wait_dma2 semaphore(%run_scoped3A : memref<!tpu.dma_semaphore, #tpu.memory_space<semaphore_mem>>) src(%dma_wait3A_158 : memref<16xf32, #tpu.memory_space<vmem>>) dst(%dma_wait3A_156 : memref<16xf32, #tpu.memory_space<hbm>>)
      tpu.yield
    }) : () -> ()
    %mul3A_143 = arith.constant 16 : i32
    %mul3A_144 = arith.muli %add3A, %mul3A_143 : i32
    %add3A_145 = arith.constant 512 : i32
    %add3A_146 = arith.addi %add3A_145, %mul3A_144 : i32
    "tpu.region"() ({
      %run_scoped3A = tpu.sem_alloc : memref<!tpu.dma_semaphore, #tpu.memory_space<semaphore_mem>>
      %dma_start3A_147 = arith.constant 16 : i32
      %dma_start3A_148 = tpu.memref_slice %arg15[%dma_start3A_147] : memref<32xf32, #tpu.memory_space<vmem>> -> memref<16xf32, #tpu.memory_space<vmem>>
      %dma_start3A_149 = tpu.memref_slice %arg8[%add3A_146] : memref<1024xf32, #tpu.memory_space<hbm>> -> memref<16xf32, #tpu.memory_space<hbm>>
      %dma_start3A_150 = tpu.memref_slice %arg8[%add3A_146] : memref<1024xf32, #tpu.memory_space<hbm>> -> memref<16xf32, #tpu.memory_space<hbm>>
      %dma_start3A_151 = arith.constant 16 : i32
      %dma_start3A_152 = tpu.memref_slice %arg15[%dma_start3A_151] : memref<32xf32, #tpu.memory_space<vmem>> -> memref<16xf32, #tpu.memory_space<vmem>>
      tpu.enqueue_dma source(%dma_start3A_152 : memref<16xf32, #tpu.memory_space<vmem>>) target(%dma_start3A_150 : memref<16xf32, #tpu.memory_space<hbm>>) target_semaphore(%run_scoped3A : memref<!tpu.dma_semaphore, #tpu.memory_space<semaphore_mem>>)
      %dma_wait3A_153 = arith.constant 16 : i32
      %dma_wait3A_154 = tpu.memref_slice %arg15[%dma_wait3A_153] : memref<32xf32, #tpu.memory_space<vmem>> -> memref<16xf32, #tpu.memory_space<vmem>>
      %dma_wait3A_155 = tpu.memref_slice %arg8[%add3A_146] : memref<1024xf32, #tpu.memory_space<hbm>> -> memref<16xf32, #tpu.memory_space<hbm>>
      %dma_wait3A_156 = tpu.memref_slice %arg8[%add3A_146] : memref<1024xf32, #tpu.memory_space<hbm>> -> memref<16xf32, #tpu.memory_space<hbm>>
      %dma_wait3A_157 = arith.constant 16 : i32
      %dma_wait3A_158 = tpu.memref_slice %arg15[%dma_wait3A_157] : memref<32xf32, #tpu.memory_space<vmem>> -> memref<16xf32, #tpu.memory_space<vmem>>
      tpu.wait_dma2 semaphore(%run_scoped3A : memref<!tpu.dma_semaphore, #tpu.memory_space<semaphore_mem>>) src(%dma_wait3A_158 : memref<16xf32, #tpu.memory_space<vmem>>) dst(%dma_wait3A_156 : memref<16xf32, #tpu.memory_space<hbm>>)
      tpu.yield
    }) : () -> ()
    return
  }
}

</mosaic_0001>

<sc_bundles>
// kernel: _sc_call.3.cloned.1.call-start
scs
__scs_entry_jumppad:
0x0: {  	(pc) =	sbr.rel $0x88, $3  }
0x1: {  	(tag) =	ssettag $0x0;
	lr =	simm.s32 $0x1  }
0x2: {  	[smem:$0x3F9B] =	sst lr;
	_ =	strace $0xD0000000  }
0x3: {  	_ = 	snop  }
0x4: {  	_ = 	snop  }
0x5: {  	_ = 	snop  }
0x6: {  	_ = 	snop  }
0x7: {  	_ = 	snop  }
__scs_overlays_trampoline_lowered:
0x8: {  	[smem:$0x3FAA] =	sst s0  }
0x9: {  	[smem:$0x3FAB] =	sst s1  }
0xa: {  	[smem:$0x3FAC] =	sst s2  }
0xb: {  	[smem:$0x3FAD] =	sst s3  }
0xc: {  	[smem:$0x3FAE] =	sst s4  }
0xd: {  	[smem:$0x3FAF] =	sst s5  }
0xe: {  	[smem:$0x3FB0] =	sst s6  }
0xf: {  	[smem:$0x3FB1] =	sst s7  }
0x10: {  	[smem:$0x3FB2] =	sst s8  }
0x11: {  	[smem:$0x3FB3] =	sst s9;
	s0 =	simm.s32 @!p0 $0x0  }
0x12: {  	s1 =	sld [smem:$0x3F99];
	s0 =	simm.s32 @p0 $0x1  }
0x13: {  	[smem:$0x3FB4] =	sst s0;
	s0 =	simm.s32 @!p1 $0x0  }
0x14: {  	s2 =	sld [smem:$0x3F98];
	s0 =	simm.s32 @p1 $0x1  }
0x15: {  	[smem:$0x3FB5] =	sst s0;
	s0 =	simm.s32 @!p2 $0x0  }
0x16: {  	s3 =	sld [smem:$0x3FDB];
	s0 =	simm.s32 @p2 $0x1  }
0x17: {  	s4 =	simm.s32 $0x1BF5;
	[smem:$0x3FB7] =	sst s0  }
0x18: {  	s0 =	sld [smem:$0x3F9A];
	_ =	swait.ge [sflag:s4], $0x0  }
0x19: {  	s7 =	sld [smem:$0x3F9B]  }
0x1a: {  	s8 =	sadd.s32 $0xFFFFE003, lr  }
0x1b: {  	s9 =	sadd.s32 $0xFFFFFEF7, lr;
	s5 =	simm.s32 $0xFFFFFFFF;
	p2 =	slt.u32 s8, $0xFFFFF086  }
0x1c: {  	p1 =	slt.u32 s9, $0xF7A;
	s5 =	simm.s32 @!p2 $0x0  }
0x1d: {  	s5 =	simm.s32 @p1 $0x1;
	p0 =	seq.s32 s7, s2  }
0x1e: {  	s7 =	smul.u32 @!p0 $0xF7A, s2;
	p2 =	seq.s32 @!p0 s5, $0x0  }
0x1f: {  	s9 =	smul.u32 $0xF7A, s1;
	s8 =	simm.s32 @!p0 $0x1BF5;
	p2 =	por !p2, p0  }
0x20: {  	[sflag:s8] =	ssyncset.s32 @!p0 $0xFFFFF086;
	s6 =	sadd.s32 @!p0 s3, s7;
	s7 =	simm.s32 @!p0 $0x108  }
0x21: {  	s3 =	sadd.s32 s3, s9;
	s6 =	sadd.s32 @!p0 $0x88, s6;
	s7 =	simm.s32 @p2 $0x1082  }
0x22: {  	[simem:s7], [sflag:s8] =	dma.local @!p0 [hbm:s6], $0xF7A  }
0x23: {  	s9 =	sor.u32 $0xD0000000, s2;
	s6 =	simm.s32 $0x108;
	_ =	swait.ge @!p0 [sflag:s8], $0x0  }
0x24: {  	s3 =	sadd.s32 $0x88, s3;
	s6 =	simm.s32 @!p1 $0x1082;
	[sflag:s4] =	ssyncset.s32 $0xFFFFF086  }
0x25: {  	[simem:s6], [sflag:s4] =	dma.local [hbm:s3], $0xF7A  }
0x26: {  	[smem:$0x3F9B] =	sst s1;
	(tag) =	ssettag s2;
	_ =	strace s9  }
0x27: {  	s1 =	sld [smem:$0x3FAB]  }
0x28: {  	s2 =	sld [smem:$0x3FAC]  }
0x29: {  	s4 =	sld [smem:$0x3FAE]  }
0x2a: {  	p0 =	seq.s32 s5, $0x0;
	s5 =	sld [smem:$0x3FAF]  }
0x2b: {  	s6 =	sld [smem:$0x3FB0]  }
0x2c: {  	s7 =	sld [smem:$0x3FB1]  }
0x2d: {  	s3 =	simm.s32 $0x108;
	s8 =	sld [smem:$0x3FB2]  }
0x2e: {  	s3 =	simm.s32 @!p0 $0x1082;
	s9 =	sld [smem:$0x3FB3]  }
0x2f: {  	lr =	sadd.s32 s0, s3;
	s0 =	sld [smem:$0x3FAA]  }
0x30: {  	s3 =	sld [smem:$0x3FAD]  }
0x31: {  	[smem:$0x3FB6] =	sst s10  }
0x32: {  	s10 =	sld [smem:$0x3FB4];
	_ =	sdelay $0x3  }
0x33: {  	p0 =	seq.s32 s10, $0x1;
	s10 =	sld [smem:$0x3FB6];
	_ =	sdelay $0x3  }
0x34: {  	[smem:$0x3FB6] =	sst s10  }
0x35: {  	s10 =	sld [smem:$0x3FB5];
	_ =	sdelay $0x3  }
0x36: {  	p1 =	seq.s32 s10, $0x1;
	s10 =	sld [smem:$0x3FB6];
	_ =	sdelay $0x3  }
0x37: {  	[smem:$0x3FB6] =	sst s10  }
0x38: {  	s10 =	sld [smem:$0x3FB7]  }
0x39: {  	_ = 	snop;
	(pc) =	sbr.ind lr, $3  }
0x3a: {  	_ = 	snop  }
0x3b: {  	_ = 	snop  }
0x3c: {  	p2 =	seq.s32 s10, $0x1;
	s10 =	sld [smem:$0x3FB6]  }
0x3d: {  	_ =	shalt  }
0x3e: {  	_ =	shalt  }
0x3f: {  	_ =	shalt  }
0x40: {  	_ =	shalt  }
0x41: {  	_ =	shalt  }
0x42: {  	_ =	shalt  }
0x43: {  	_ =	shalt  }
0x44: {  	_ =	shalt  }
0x45: {  	_ =	shalt  }
0x46: {  	_ =	shalt  }
0x47: {  	_ =	shalt  }
0x48: {  	_ =	shalt  }
0x49: {  	_ =	shalt  }
0x4a: {  	_ =	shalt  }
0x4b: {  	_ =	shalt  }
0x4c: {  	_ =	shalt  }
0x4d: {  	_ =	shalt  }
0x4e: {  	_ =	shalt  }
0x4f: {  	_ =	shalt  }
0x50: {  	_ =	shalt  }
0x51: {  	_ =	shalt  }
0x52: {  	_ =	shalt  }
0x53: {  	_ =	shalt  }
0x54: {  	_ =	shalt  }
0x55: {  	_ =	shalt  }
0x56: {  	_ =	shalt  }
0x57: {  	_ =	shalt  }
0x58: {  	_ =	shalt  }
0x59: {  	_ =	shalt  }
0x5a: {  	_ =	shalt  }
0x5b: {  	_ =	shalt  }
0x5c: {  	_ =	shalt  }
0x5d: {  	_ =	shalt  }
0x5e: {  	_ =	shalt  }
0x5f: {  	_ =	shalt  }
0x60: {  	_ =	shalt  }
0x61: {  	_ =	shalt  }
0x62: {  	_ =	shalt  }
0x63: {  	_ =	shalt  }
0x64: {  	_ =	shalt  }
0x65: {  	_ =	shalt  }
0x66: {  	_ =	shalt  }
0x67: {  	_ =	shalt  }
0x68: {  	_ =	shalt  }
0x69: {  	_ =	shalt  }
0x6a: {  	_ =	shalt  }
0x6b: {  	_ =	shalt  }
0x6c: {  	_ =	shalt  }
0x6d: {  	_ =	shalt  }
0x6e: {  	_ =	shalt  }
0x6f: {  	_ =	shalt  }
0x70: {  	_ =	shalt  }
0x71: {  	_ =	shalt  }
0x72: {  	_ =	shalt  }
0x73: {  	_ =	shalt  }
0x74: {  	_ =	shalt  }
0x75: {  	_ =	shalt  }
0x76: {  	_ =	shalt  }
0x77: {  	_ =	shalt  }
0x78: {  	_ =	shalt  }
0x79: {  	_ =	shalt  }
0x7a: {  	_ =	shalt  }
0x7b: {  	_ =	shalt  }
0x7c: {  	_ =	shalt  }
0x7d: {  	_ =	shalt  }
0x7e: {  	_ =	shalt  }
0x7f: {  	_ =	shalt  }
0x80: {  	_ =	shalt  }
0x81: {  	_ =	shalt  }
0x82: {  	_ =	shalt  }
0x83: {  	_ =	shalt  }
0x84: {  	_ =	shalt  }
0x85: {  	_ =	shalt  }
0x86: {  	_ =	shalt  }
0x87: {  	_ =	shalt  }
.Lfunc_end0:
.L_simem_size_0:
called_computation_lowered:
.L_overlay_start_0:
0x88: {  	s2 =	sld [smem:$0x3FD9]  }
0x89: {  	s3 =	sld [smem:$0x3FFE];
	_ =	sdelay $0x1  }
0x8a: {  	s1 =	srdreg.scid  }
0x8b: {  	s0 =	sand.u32 $0x1, s1  }
0x8c: {  	s18 =	sshll.u32 s0, $0xA;
	s2 =	sadd.s32 s3, s2  }
0x8d: {  	s2 =	sadd.s32 s2, s18  }
0x8e: {  	[smem:$0x3FC2] =	sst s2  }
0x8f: {  	_ = 	snop  }
0x90: {  	s2 =	sld [smem:$0x3FC9]  }
0x91: {  	s19 =	sld [smem:$0x3FC8]  }
0x92: {  	s4 =	sld [smem:$0x3FC7]  }
0x93: {  	s5 =	sld [smem:$0x3FC6]  }
0x94: {  	s6 =	sld [smem:$0x3FC5]  }
0x95: {  	s7 =	sld [smem:$0x3FC4]  }
0x96: {  	s8 =	sld [smem:$0x3FD0];
	(tm) =	ssettm $0x1  }
0x97: {  	s9 =	sld [smem:$0x3FFB];
	_ =	sdelay $0x3  }
0x98: {  	_ =	strace s9  }
0x99: {  	s9 =	sld [smem:$0x3FFC];
	_ =	sdelay $0x3  }
0x9a: {  	_ =	strace s9  }
0x9b: {  	s9 =	sld [smem:$0x3FFD];
	_ =	sdelay $0x3  }
0x9c: {  	_ =	strace s9  }
0x9d: {  	_ =	strace $0x8FFFFFFF  }
0x9e: {  	s20 =	sld [smem:$0x3FDB];
	_ =	sdelay $0x1  }
0x9f: {  	s10 =	simm.s32 $_scs_section_size  }
0xa0: {  	s11 =	simm.s32 $_size__tile_overlayer_lowered;
	s12 =	simm.s32 $_tile_overlayer_lowered  }
0xa1: {  	s23 =	simm.s32 $0x1BFF;
	s22 =	sshll.u32 s12, $0x1;
	s9 =	sadd.s32 s10, s20  }
0xa2: {  	s13 =	simm.s32 $0x0;
	s21 =	sshll.u32 s11, $0x1;
	s11 =	sadd.s32 s22, s9  }
0xa3: {  	[timem:s13], [sflag:s23] =	dma.local [hbm:s11], s21  }
0xa4: {  	_ =	swait.ge [sflag:s23], s21  }
0xa5: {  	s10 =	ssub.s32 $0x0, s21;
	[sflag:s23] =	ssyncset.done $0x0  }
0xa6: {  	[sflag:s23] =	ssyncadd.s32 s10;
	_ =	sdelay $0x1  }
0xa7: {  	s24 =	simm.s32 $0x1B8B  }
0xa8: {  	_ =	swait.ge [sflag:s24], $0x1  }
0xa9: {  	[sflag:s24] =	ssyncset.done $0x0  }
0xaa: {  	s25 =	simm.s32 $0x1B8E;
	[sflag:s24] =	ssyncadd.s32 $0xFFFFFFFF  }
0xab: {  	s26 =	simm.s32 $execute0_lowered;
	[smem:$0x3FD2] =	sst s25  }
0xac: {  	s10 =	sshll.u32 s26, $0x1;
	_ =	strace $0x80000046;
	[dreg:$0x1] =	wrdreg $0xFFFFFFFF  }
0xad: {  	s28 =	simm.s32 $_size_execute0_lowered;
	s9 =	sadd.s32 s9, s10;
	[dreg:$0x0] =	wrdreg $0x0  }
0xae: {  	s10 =	sshll.u32 s28, $0x1;
	[dreg:$0x2] =	wrdreg s9  }
0xaf: {  	[dreg:$0x3] =	wrdreg s10  }
0xb0: {  	[dreg:$0x4] =	wrdreg $0xC0  }
0xb1: {  	_ =	task [dreg:s13], $0x5FFFF  }
0xb2: {  	[dreg:$0x1] =	wrdreg $0xFFFFFFFF  }
0xb3: {  	[dreg:$0x0] =	wrdreg $0x60  }
0xb4: {  	[dreg:$0x2] =	wrdreg s2  }
0xb5: {  	[dreg:$0x3] =	wrdreg s19  }
0xb6: {  	[dreg:$0x4] =	wrdreg s4  }
0xb7: {  	[dreg:$0x5] =	wrdreg s5  }
0xb8: {  	[dreg:$0x6] =	wrdreg s6  }
0xb9: {  	[dreg:$0x7] =	wrdreg s7  }
0xba: {  	[dreg:$0x8] =	wrdreg s8  }
0xbb: {  	[dreg:$0x9] =	wrdreg $0x9  }
0xbc: {  	_ =	task.clear_ibuf [dreg:s13], $0xAFFFF;
	_ =	strace $0x90000046  }
0xbd: {  	s29 =	simm.s32 $0x9;
	_ =	strace $0x80000048  }
0xbe: {  	_ =	swait.ge [sflag:s29], $0x1  }
0xbf: {  	[sflag:s29] =	ssyncadd.s32 $0xFFFFFFFF  }
0xc0: {  	_ =	strace $0x90000048  }
0xc1: {  	_ =	sfence  }
0xc2: {  	s30 =	sld [smem:$0x0];
	_ =	sdelay $0x2  }
0xc3: {  	s31 =	sshll.u32 s1, $0xD;
	s1 =	sshrl.u32 s1, $0x2  }
0xc4: {  	s3 =	sand.u32 $0x4000, s31;
	s1 =	sadd.s32 s1, s30  }
0xc5: {  	s0 =	sor.u32 s3, s0;
	s1 =	sshll.u32 s1, $0x11  }
0xc6: {  	s0 =	sor.u32 s1, s0  }
0xc7: {  	s0 =	sadd.s32 $0x8F2B, s0  }
0xc8: {  	[sflag:s0] =	ssyncadd.remote.s32 $0x1  }
0xc9: {  	_ =	sfence.sel $0xFFFF  }
0xca: {  	[dreg:$0x0] =	wrdreg $0xFFFFFFFF;
	(pc) =	sbr.abs _section_cstart, $3  }
0xcb: {  	[dreg:$0x1] =	wrdreg $0xFFFFFFFF  }
0xcc: {  	_ =	task.clear_ibuf [dreg:s13], $0x2FFFF;
	_ =	strace $0x9FFFFFFF  }
0xcd: {  	(tm) =	ssettm $0x7FFFFFFF  }
tec
execute0_lowered:
.L_overlay_start_1:
0x0: {  	(tag) =	ssettag $0x1  }
0x1: {  	s0 =	rddreg [dreg:$0x0]  }
0x2: {  	s1 =	rddreg [dreg:$0x1]  }
0x3: {  	s2 =	rddreg [dreg:$0x2]  }
0x4: {  	s7 =	rddreg [dreg:$0x4]  }
0x5: {  	s8 =	rddreg [dreg:$0x5]  }
0x6: {  	s3 =	srdreg.scid;
	s16 =	stileid.u32  }
0x7: {  	s9 =	rddreg [dreg:$0x6];
	s28 =	simm.s32 $0xB490;
	s29 =	simm.s32 $0x0  }
0x8: {  	s10 =	sand.u32 $0x1, s3;
	s4 =	sshll.u32 s16, $0x1;
	s3 =	simm.s32 $0x0  }
0x9: {  	s17 =	smul.u32 $0xC40, s16;
	s23 =	sshll.u32 s16, $0x7;
	s21 =	sor.u32 s10, s4  }
0xa: {  	[smem:$0x7FF] =	sst s3;
	s15 =	ssub.s32 $0x2, s10;
	s19 =	smul.u32 $0x620, s10  }
0xb: {  	s24 =	sshll.u32 s10, $0x6;
	s11 =	smul.u32 $0x620, s21;
	_ =	strace $0x80000047  }
0xc: {  	s5 =	sshrl.u32 s15, $0x1;
	s13 =	sshll.u32 s21, $0x6;
	s20 =	sshll.u32 s21, $0x1  }
0xd: {  	p0 =	seq.s32 s21, $0x1F;
	s21 =	simm.s32 $0x1380;
	s14 =	ssub.s32 s15, s5  }
0xe: {  	s15 =	smin.u32 s13, $0x790;
	s9 =	sadd.s32 s9, s20;
	s12 =	smin.u32 s11, $0xBD30  }
0xf: {  	s18 =	sshrl.u32 s15, $0x3;
	s22 =	ssub.s32 s13, s15;
	s6 =	sshrl.u32 s12, $0x3  }
0x10: {  	s7 =	sadd.s32 s7, s18;
	s8 =	sadd.s32 s8, s18;
	p2 =	slt.u32 s22, $0x40  }
0x11: {  	s4 =	sadd.s32 s0, s6;
	s5 =	sadd.s32 s1, s6;
	s6 =	sadd.s32 s2, s6  }
0x12: {  	s1 =	ssub.s32 s11, s12;
	s0 =	sadd.s32 s19, s17;
	s2 =	sor.u32 s24, s23  }
0x13: {  	s11 =	sadd.s32 $0x40, s9;
	s12 =	smax.u32 s14, $0x1;
	s23 =	simm.s32 $0xB400  }
0x14: {  	s24 =	simm.s32 $0x1;
	s0 =	smax.u32 s0, $0xBD30;
	s2 =	smax.u32 s2, $0x790  }
0x15: {  	p1 =	slt.u32 s1, $0x620;
	s10 =	sadd.s32 $0xFFFF42D0, s0;
	s30 =	sadd.s32 $0xFFFFF870, s2  }
.Ltmp0:
0x16: {  	s15 =	sadd.s32 $0xFFFF4950, s0;
	s16 =	sadd.s32 $0xFFFF4FD0, s0;
	(pc) =	sbr.rel .LBB2_1-.Ltmp0, $4  }
0x17: {  	v0 =	vlaneseq.u32;
	s19 =	sadd.s32 $0xABF0, s2;
	s20 =	sadd.s32 $0xAC70, s2;
	s25 =	sshrl.u32 s10, $0x4  }
0x18: {  	v2 =	vmul.u32 $0xFFFFFFFF, v0;
	s18 =	sshrl.u32 s30, $0x4;
	s26 =	smax.u32 s25, $0x1;
	s14 =	sadd.s32 $0xFFFFFFFF, s25  }
0x19: {  	s31 =	smax.u32 s18, $0x1;
	s18 =	sadd.s32 $0xFFFFFFFF, s18;
	s25 =	simm.s32 $0xB480  }
0x1a: {  	v3 =	vimm.f32 $1.000000000e+00;
	v2 =	vadd.s32 s22, v2;
	v1 =	vmov s1;
	s13 =	ssub.s32 $0x0, s26;
	s17 =	ssub.s32 $0x0, s31;
	s26 =	simm.s32 $0x2  }
.LBB2_28:
0x1b: {  	v26 =	vadd.f32 $9.999999970e-07, v6;
	v23 =	vmul.f32 v23, v23;
	v7 =	vadd.f32 v14, v7  }
0x1c: {  	v19 =	vmul.f32 v19, v19;
	v6 =	vadd.f32 v9, v8;
	v9 =	vadd.f32 v17, v11  }
0x1d: {  	v24 =	vmul.f32 v24, v24;
	v8 =	vadd.f32 v13, v10;
	v50 =	vadd.f32 v20, v15  }
0x1e: {  	v48 =	vmul.f32 v25, v25;
	v12 =	vadd.f32 v16, v12;
	v52 =	vadd.f32 v22, v18  }
0x1f: {  	v49 =	vmul.f32 v26, v26;
	v51 =	vadd.f32 v19, v21;
	v53 =	vadd.f32 v24, v23  }
0x20: {  	v54 =	vmul.f32 $5.000000000e-01, v7;
	v55 =	vmul.f32 $5.000000000e-01, v6;
	v56 =	vshra.s32 v6, $0x1  }
0x21: {  	v57 =	vmul.f32 $5.000000000e-01, v8;
	v58 =	vshra.s32 v8, $0x1;
	v59 =	vshra.s32 v7, $0x1  }
0x22: {  	v60 =	vmul.f32 $5.000000000e-01, v12;
	v61 =	vmul.f32 $5.000000000e-01, v9;
	v62 =	vshra.s32 v9, $0x1  }
0x23: {  	v63 =	vmul.f32 $5.000000000e-01, v50;
	v47 =	vshra.s32 v50, $0x1;
	v27 =	vshra.s32 v12, $0x1  }
0x24: {  	v29 =	vmul.f32 $5.000000000e-01, v52;
	v30 =	vshra.s32 v52, $0x1;
	v18 =	vsub.s32 $0x5F3759DF, v56  }
0x25: {  	v24 =	vsub.s32 $0x5F3759DF, v62;
	v20 =	vsub.s32 $0x5F3759DF, v58;
	v21 =	vsub.s32 $0x5F3759DF, v59  }
0x26: {  	v26 =	vsub.s32 $0x5F3759DF, v47;
	v27 =	vsub.s32 $0x5F3759DF, v27;
	v28 =	vmul.f32 $5.000000000e-01, v51  }
0x27: {  	v30 =	vsub.s32 $0x5F3759DF, v30;
	v31 =	vmul.f32 $5.000000000e-01, v53;
	v36 =	vmul.f32 v18, v55  }
0x28: {  	v10 =	vadd.f32 v49, v48;
	v37 =	vmul.f32 v20, v57;
	v38 =	vmul.f32 v21, v54  }
0x29: {  	v32 =	vshra.s32 v53, $0x1;
	v39 =	vmul.f32 v27, v60;
	v40 =	vmul.f32 v24, v61  }
0x2a: {  	v33 =	vshra.s32 v51, $0x1;
	v41 =	vmul.f32 v30, v29;
	v42 =	vmul.f32 v26, v63  }
0x2b: {  	v33 =	vsub.s32 $0x5F3759DF, v33;
	v32 =	vsub.s32 $0x5F3759DF, v32;
	v34 =	vmul.f32 $5.000000000e-01, v10  }
0x2c: {  	v43 =	vmul.f32 v32, v31;
	v44 =	vmul.f32 v33, v28  }
0x2d: {  	v36 =	vmul.f32 v18, v36;
	v37 =	vmul.f32 v20, v37  }
0x2e: {  	v35 =	vshra.s32 v10, $0x1;
	v38 =	vmul.f32 v21, v38;
	v39 =	vmul.f32 v27, v39  }
0x2f: {  	v40 =	vmul.f32 v24, v40;
	v41 =	vmul.f32 v30, v41;
	v35 =	vsub.s32 $0x5F3759DF, v35  }
0x30: {  	v42 =	vmul.f32 v26, v42;
	v45 =	vmul.f32 v35, v34;
	v36 =	vsub.f32 $1.500000000e+00, v36  }
0x31: {  	v44 =	vmul.f32 v33, v44;
	v37 =	vsub.f32 $1.500000000e+00, v37;
	v38 =	vsub.f32 $1.500000000e+00, v38  }
0x32: {  	v43 =	vmul.f32 v32, v43;
	v39 =	vsub.f32 $1.500000000e+00, v39;
	v40 =	vsub.f32 $1.500000000e+00, v40  }
0x33: {  	v41 =	vsub.f32 $1.500000000e+00, v41;
	v42 =	vsub.f32 $1.500000000e+00, v42;
	v45 =	vmul.f32 v35, v45  }
0x34: {  	v44 =	vsub.f32 $1.500000000e+00, v44;
	v21 =	vmul.f32 v21, v38;
	v18 =	vmul.f32 v18, v36  }
0x35: {  	v48 =	vsub.f32 $1.500000000e+00, v43;
	v24 =	vmul.f32 v24, v40;
	v20 =	vmul.f32 v20, v37  }
0x36: {  	v26 =	vmul.f32 v26, v42;
	v27 =	vmul.f32 v27, v39;
	v49 =	vsub.f32 $1.500000000e+00, v45  }
0x37: {  	v30 =	vmul.f32 v30, v41;
	v33 =	vmul.f32 v33, v44  }
0x38: {  	v32 =	vmul.f32 v32, v48;
	v35 =	vmul.f32 v35, v49  }
0x39: {  	v16 =	vmul.f32 v21, v54;
	v17 =	vmul.f32 v18, v55  }
0x3a: {  	v19 =	vmul.f32 v20, v57;
	v34 =	vmul.f32 v35, v34  }
0x3b: {  	v22 =	vmul.f32 v27, v60;
	v23 =	vmul.f32 v24, v61  }
0x3c: {  	v31 =	vmul.f32 v32, v31;
	v34 =	vmul.f32 v34, v35  }
0x3d: {  	v29 =	vmul.f32 v30, v29;
	v25 =	vmul.f32 v26, v63  }
0x3e: {  	v28 =	vmul.f32 v33, v28;
	v31 =	vmul.f32 v31, v32;
	v34 =	vsub.f32 $1.500000000e+00, v34  }
0x3f: {  	v16 =	vmul.f32 v16, v21;
	v17 =	vmul.f32 v17, v18  }
0x40: {  	v28 =	vmul.f32 v28, v33;
	v31 =	vsub.f32 $1.500000000e+00, v31;
	v34 =	vmul.f32 v34, v35  }
0x41: {  	v29 =	vmul.f32 v29, v30;
	v19 =	vmul.f32 v19, v20  }
0x42: {  	v28 =	vsub.f32 $1.500000000e+00, v28;
	v31 =	vmul.f32 v31, v32;
	v10 =	vmul.f32 v34, v10  }
0x43: {  	v25 =	vmul.f32 v25, v26;
	v23 =	vmul.f32 v23, v24;
	v29 =	vsub.f32 $1.500000000e+00, v29  }
0x44: {  	v28 =	vmul.f32 v28, v33;
	v14 =	vmul.f32 v31, v53;
	v10 =	vsub.f32 $0.0e+00, v10  }
0x45: {  	v22 =	vmul.f32 v22, v27;
	v25 =	vsub.f32 $1.500000000e+00, v25;
	v29 =	vmul.f32 v29, v30  }
0x46: {  	v13 =	vmul.f32 v28, v51;
	v14 =	vsub.f32 $0.0e+00, v14;
	v10 =	vmul.f32 $1.442695020e+00, v10  }
0x47: {  	v25 =	vmul.f32 v25, v26;
	v15 =	vmul.f32 v29, v52  }
0x48: {  	v13 =	vsub.f32 $0.0e+00, v13;
	v14 =	vmul.f32 $1.442695020e+00, v14;
	(erf) = vpow2.f32 v10  }
0x49: {  	v22 =	vsub.f32 $1.500000000e+00, v22;
	v54 =	vsub.f32 $1.500000000e+00, v19;
	v50 =	vmul.f32 v25, v50  }
0x4a: {  	v15 =	vsub.f32 $0.0e+00, v15;
	v13 =	vmul.f32 $1.442695020e+00, v13;
	(erf) = vpow2.f32 v14  }
0x4b: {  	v55 =	vmul.f32 v54, v20;
	v52 =	vsub.f32 $1.500000000e+00, v23;
	v51 =	vmul.f32 v22, v27  }
0x4c: {  	v15 =	vmul.f32 $1.442695020e+00, v15;
	v10 =	vsub.f32 $0.0e+00, v50;
	(erf) = vpow2.f32 v13  }
0x4d: {  	v56 =	vsub.f32 $1.500000000e+00, v16;
	v53 =	vmul.f32 v52, v24;
	v11 =	vmul.f32 v51, v12  }
0x4e: {  	v10 =	vmul.f32 $1.442695020e+00, v10;
	(erf) = vpow2.f32 v15  }
0x4f: {  	v57 =	vmul.f32 v56, v21;
	v9 =	vmul.f32 v53, v9;
	v11 =	vsub.f32 $0.0e+00, v11  }
0x50: {  	v58 =	vsub.f32 $1.500000000e+00, v17;
	v8 =	vmul.f32 v55, v8;
	(erf) = vpow2.f32 v10  }
0x51: {  	v7 =	vmul.f32 v57, v7;
	v9 =	vsub.f32 $0.0e+00, v9;
	v11 =	vmul.f32 $1.442695020e+00, v11;
	v60 =	vpop (erf)  }
0x52: {  	v59 =	vmul.f32 v58, v18;
	v8 =	vsub.f32 $0.0e+00, v8;
	v12 =	vadd.f32 $0.0e+00, v60  }
0x53: {  	v7 =	vsub.f32 $0.0e+00, v7;
	v9 =	vmul.f32 $1.442695020e+00, v9;
	(erf) = vpow2.f32 v11;
	v61 =	vpop (erf)  }
0x54: {  	v6 =	vmul.f32 v59, v6;
	v8 =	vmul.f32 $1.442695020e+00, v8;
	v10 =	vadd.f32 v12, v61  }
0x55: {  	v7 =	vmul.f32 $1.442695020e+00, v7;
	(erf) = vpow2.f32 v9;
	v62 =	vpop (erf)  }
0x56: {  	v6 =	vsub.f32 $0.0e+00, v6;
	v9 =	vadd.f32 v10, v62  }
0x57: {  	(erf) = vpow2.f32 v8;
	v63 =	vpop (erf)  }
0x58: {  	v6 =	vmul.f32 $1.442695020e+00, v6;
	v8 =	vadd.f32 v9, v63  }
0x59: {  	(erf) = vpow2.f32 v7;
	v7 =	vpop (erf)  }
0x5a: {  	v7 =	vadd.f32 v8, v7  }
0x5b: {  	(erf) = vpow2.f32 v6  }
0x5c: {  	v6 =	vpop (erf)  }
0x5d: {  	v6 =	vadd.f32 v7, v6  }
0x5e: {  	v7 =	vpop (erf)  }
0x5f: {  	v6 =	vadd.f32 v6, v7  }
0x60: {  	v7 =	vpop (erf)  }
0x61: {  	v6 =	vadd.f32 v6, v7  }
0x62: {  	v7 =	vpop (erf)  }
0x63: {  	v6 =	vadd.f32 v6, v7  }
0x64: {  	v7 =	vpop (erf)  }
0x65: {  	v6 =	vadd.f32 v6, v7;
	_ =	sdelay $0x1  }
0x66: {  	v5 =	vadd.f32 v6, v5  }
.LBB2_29:
0x67: {  	[tilespmem:$0xB480] =	vst v4  }
0x68: {  	[tilespmem:$0xB490] =	vst v5  }
0x69: {  	[hbm4b:s9+s3] =	stream.linear.scatter [tilespmem:s25], [sflag:$0x2], $0x10, $0x38;
	[tilespmem:$0xB500] =	vst v63  }
0x6a: {  	s29 =	sadd.s32 $0x1, s29;
	_ =	swait.ge [sflag:s26], $0x10  }
0x6b: {  	p3 =	sne.s32 s29, s12;
	[sflag:s26] =	ssyncset.done $0x0  }
.Ltmp1:
0x6c: {  	[sflag:s26] =	ssyncadd.s32 $0xFFFFFFF0;
	(pc) =	sbr.rel @!p3 .LBB2_30-.Ltmp1, $4  }
0x6d: {  	[hbm4b:s11+s3] =	stream.linear.scatter [tilespmem:s28], [sflag:$0x2], $0x10, $0x38;
	[tilespmem:$0xB500] =	vst v63  }
0x6e: {  	_ =	swait.ge [sflag:s26], $0x10  }
0x6f: {  	[sflag:s26] =	ssyncset.done $0x0  }
0x70: {  	[sflag:s26] =	ssyncadd.s32 $0xFFFFFFF0  }
.LBB2_1:
0x71: {  	[tilespmem:s3], [sflag:$0x1] =	stream.linear.gather [hbm4b:s4+s3], $0x620, $0x38;
	[tilespmem:$0xB500] =	vst v63  }
0x72: {  	s2 =	simm.s32 $0x680  }
0x73: {  	[tilespmem:s2], [sflag:$0x1] =	stream.linear.gather [hbm4b:s5+s3], $0x620, $0x38;
	[tilespmem:$0xB500] =	vst v63  }
0x74: {  	s0 =	simm.s32 $0xD00  }
0x75: {  	[tilespmem:s0], [sflag:$0x1] =	stream.linear.gather [hbm4b:s6+s3], $0x620, $0x38;
	[tilespmem:$0xB500] =	vst v63  }
0x76: {  	s1 =	rddreg [dreg:$0x3]  }
0x77: {  	[tilespmem:s21], [sflag:$0x1] =	stream.linear.gather [hbm4b:s1+s3], $0xA000, $0x38;
	[tilespmem:$0xB500] =	vst v63  }
0x78: {  	s31 =	simm.s32 $0xB380  }
0x79: {  	[tilespmem:s31], [sflag:$0x1] =	stream.linear.gather [hbm4b:s7+s3], $0x40, $0x38;
	[tilespmem:$0xB500] =	vst v63  }
0x7a: {  	_ = 	snop  }
0x7b: {  	[tilespmem:s23], [sflag:$0x1] =	stream.linear.gather [hbm4b:s8+s3], $0x40, $0x38;
	[tilespmem:$0xB500] =	vst v63  }
0x7c: {  	_ =	swait.ge [sflag:s24], $0x620  }
0x7d: {  	[sflag:s24] =	ssyncset.done $0x0  }
0x7e: {  	[sflag:s24] =	ssyncadd.s32 $0xFFFFF9E0  }
0x7f: {  	_ =	swait.ge [sflag:s24], $0x620  }
0x80: {  	[sflag:s24] =	ssyncset.done $0x0  }
0x81: {  	[sflag:s24] =	ssyncadd.s32 $0xFFFFF9E0  }
0x82: {  	_ =	swait.ge [sflag:s24], $0x620  }
0x83: {  	[sflag:s24] =	ssyncset.done $0x0  }
0x84: {  	[sflag:s24] =	ssyncadd.s32 $0xFFFFF9E0  }
0x85: {  	_ =	swait.ge [sflag:s24], $0xA000  }
0x86: {  	[sflag:s24] =	ssyncset.done $0x0  }
0x87: {  	[sflag:s24] =	ssyncadd.s32 $0xFFFF6000  }
0x88: {  	_ =	swait.ge [sflag:s24], $0x40  }
.Ltmp2:
0x89: {  	[sflag:s24] =	ssyncset.done $0x0;
	(pc) =	sbr.rel @!p0 .LBB2_2-.Ltmp2, $4  }
0x8a: {  	[sflag:s24] =	ssyncadd.s32 $0xFFFFFFC0  }
0x8b: {  	_ =	swait.ge [sflag:s24], $0x40  }
0x8c: {  	[sflag:s24] =	ssyncset.done $0x0  }
0x8d: {  	v4 =	vimm.f32 $0.0e+00;
	[sflag:s24] =	ssyncadd.s32 $0xFFFFFFC0  }
0x8e: {  	v5 =	vld [tilespmem:s3+$0x0]  }
0x8f: {  	v6 =	vld [tilespmem:s2+$0x0];
	_ =	sdelay $0x4  }
0x90: {  	s30 =	sadd.s32 $0x1, s13;
	v5 =	vtrunc.f32 v5;
	v6 =	vtrunc.f32 v6  }
0x91: {  	p6 =	seq.s32 s30, $0x0;
	v5 =	vcvt.f32.s32 v5;
	v6 =	vcvt.f32.s32 v6  }
.Ltmp3:
0x92: {  	_ = 	snop;
	(pc) =	sbr.rel @p6 .LBB2_6-.Ltmp3, $4  }
0x93: {  	v7 =	vand.u32 $0x7F, v5;
	v5 =	vshll.u32 v5, $0x3;
	v8 =	vshll.u32 v6, $0x3  }
0x94: {  	v6 =	vand.u32 $0x7F, v6;
	v5 =	vand.u32 $0xFFFFFC00, v5;
	v8 =	vand.u32 $0xFFFFFC00, v8  }
0x95: {  	s1 =	sadd.s32 $0x10, s3;
	v9 =	vor.u32 v7, v5;
	v7 =	vor.u32 v6, v8  }
0x96: {  	v13 =	vld [tilespmem:s0+$0x0];
	p3 =	por $0x0, $0x0;
	p4 =	por $0x0, $0x0;
	p5 =	por $0x0, $0x0;
	v14 =	vor.u32 $0x80, v9;
	v15 =	vor.u32 $0x80, v7  }
0x97: {  	_ =	sdelay $0x2  }
0x98: {  	v5 =	vld [tilespmem:s1+$0x0]  }
0x99: {  	v6 =	vor.u32 $0x200, v9;
	v10 =	vld.idx.msk [tilespmem:v9+s21+$0x0], $0xffff  }
0x9a: {  	v11 =	vor.u32 $0x200, v7;
	v16 =	vld.idx.msk [tilespmem:v7+s21+$0x0], $0xffff  }
0x9b: {  	v12 =	vor.u32 $0x100, v9;
	v17 =	vld.idx.msk [tilespmem:v14+s21+$0x0], $0xffff  }
0x9c: {  	s22 =	sadd.s32 $0x10, s2;
	v14 =	vor.u32 $0x100, v7;
	v19 =	vld.idx.msk [tilespmem:v15+s21+$0x0], $0xffff  }
0x9d: {  	v15 =	vor.u32 $0x180, v9;
	v8 =	vld [tilespmem:s22+$0x0]  }
0x9e: {  	v18 =	vor.u32 $0x180, v7;
	v6 =	vld.idx.msk [tilespmem:v6+s21+$0x0], $0xffff  }
0x9f: {  	v9 =	vor.u32 $0x280, v9;
	v11 =	vld.idx.msk [tilespmem:v11+s21+$0x0], $0xffff  }
0xa0: {  	v7 =	vor.u32 $0x280, v7;
	v20 =	vld.idx.msk [tilespmem:v12+s21+$0x0], $0xffff  }
0xa1: {  	v21 =	vld.idx.msk [tilespmem:v14+s21+$0x0], $0xffff  }
0xa2: {  	v15 =	vld.idx.msk [tilespmem:v15+s21+$0x0], $0xffff  }
0xa3: {  	v5 =	vtrunc.f32 v5;
	v22 =	vld.idx.msk [tilespmem:v18+s21+$0x0], $0xffff  }
0xa4: {  	v23 =	vld.idx.msk [tilespmem:v9+s21+$0x0], $0xffff;
	v8 =	vtrunc.f32 v8;
	v5 =	vcvt.f32.s32 v5  }
0xa5: {  	s2 =	sadd.s32 $0x1, s30;
	v12 =	vmul.f32 v13, v13;
	v24 =	vld.idx.msk [tilespmem:v7+s21+$0x0], $0xffff;
	v18 =	vsub.f32 v10, v16;
	v8 =	vcvt.f32.s32 v8  }
0xa6: {  	p6 =	seq.s32 s2, $0x0;
	v19 =	vsub.f32 v17, v19;
	v9 =	vand.u32 $0x7F, v5;
	v5 =	vshll.u32 v5, $0x3  }
.Ltmp4:
0xa7: {  	v12 =	vmul.f32 $5.000000000e-01, v12;
	v14 =	vshll.u32 v8, $0x3;
	v5 =	vand.u32 $0xFFFFFC00, v5;
	(pc) =	sbr.rel @p6 .LBB2_8-.Ltmp4, $4  }
0xa8: {  	v7 =	vand.u32 $0x7F, v8;
	v9 =	vor.u32 v9, v5;
	v5 =	vsub.f32 v20, v21  }
0xa9: {  	v8 =	vand.u32 $0xFFFFFC00, v14;
	v10 =	vsub.f32 v15, v22;
	v21 =	vsub.f32 v6, v11  }
0xaa: {  	s30 =	sadd.s32 $0x10, s0;
	v23 =	vsub.f32 v23, v24;
	v7 =	vor.u32 v7, v8;
	v14 =	vor.u32 $0x80, v9  }
0xab: {  	s31 =	sadd.s32 $0x10, s1;
	p3 =	por $0x1, $0x1;
	v8 =	vld [tilespmem:s30+$0x0];
	v15 =	vor.u32 $0x80, v7;
	v22 =	vmul.f32 v5, v13;
	v24 =	vmul.f32 v10, v13  }
0xac: {  	_ =	sdelay $0x1  }
0xad: {  	v10 =	vmul.f32 v21, v12  }
0xae: {  	v6 =	vld [tilespmem:s31+$0x0];
	v12 =	vmul.f32 v23, v12;
	v5 =	vadd.f32 v22, v18;
	v11 =	vadd.f32 v24, v19  }
0xaf: {  	v13 =	vor.u32 $0x200, v9;
	v17 =	vld.idx.msk [tilespmem:v9+s21+$0x0], $0xffff  }
0xb0: {  	s1 =	sadd.s32 $0x10, s22;
	v20 =	vld.idx.msk [tilespmem:v15+s21+$0x0], $0xffff;
	v15 =	vor.u32 $0x180, v9;
	v5 =	vadd.f32 v10, v5;
	v10 =	vadd.f32 v12, v11  }
0xb1: {  	v21 =	vor.u32 $0x180, v7;
	v16 =	vld [tilespmem:s1+$0x0]  }
0xb2: {  	v19 =	vld.idx.msk [tilespmem:v14+s21+$0x0], $0xffff;
	v14 =	vor.u32 $0x100, v7;
	v5 =	vadd.f32 $9.999999970e-07, v5;
	v10 =	vadd.f32 $9.999999970e-07, v10  }
0xb3: {  	v11 =	vld.idx.msk [tilespmem:v7+s21+$0x0], $0xffff;
	v12 =	vor.u32 $0x100, v9  }
0xb4: {  	v18 =	vor.u32 $0x200, v7;
	v13 =	vld.idx.msk [tilespmem:v13+s21+$0x0], $0xffff;
	v5 =	vmul.f32 v5, v5;
	v10 =	vmul.f32 v10, v10  }
0xb5: {  	v9 =	vor.u32 $0x280, v9;
	v7 =	vor.u32 $0x280, v7;
	v26 =	vld.idx.msk [tilespmem:v15+s21+$0x0], $0xffff  }
0xb6: {  	v22 =	vmul.f32 v8, v8;
	v6 =	vtrunc.f32 v6;
	v21 =	vld.idx.msk [tilespmem:v21+s21+$0x0], $0xffff;
	v5 =	vadd.f32 v10, v5  }
0xb7: {  	v25 =	vld.idx.msk [tilespmem:v14+s21+$0x0], $0xffff;
	v10 =	vtrunc.f32 v16;
	v16 =	vcvt.f32.s32 v6  }
0xb8: {  	v24 =	vld.idx.msk [tilespmem:v12+s21+$0x0], $0xffff;
	v10 =	vcvt.f32.s32 v10;
	v6 =	vmul.f32 $5.000000000e-01, v5;
	v14 =	vshra.s32 v5, $0x1  }
0xb9: {  	v23 =	vld.idx.msk [tilespmem:v18+s21+$0x0], $0xffff;
	v19 =	vsub.f32 v19, v20;
	v15 =	vand.u32 $0x7F, v16;
	v27 =	vsub.s32 $0x5F3759DF, v14  }
0xba: {  	s0 =	sadd.s32 $0x1, s2;
	v14 =	vshll.u32 v16, $0x3;
	v16 =	vld.idx.msk [tilespmem:v9+s21+$0x0], $0xffff;
	v9 =	vshll.u32 v10, $0x3;
	v18 =	vmul.f32 v27, v6  }
0xbb: {  	p6 =	seq.s32 s0, $0x0;
	v28 =	vld.idx.msk [tilespmem:v7+s21+$0x0], $0xffff;
	v10 =	vand.u32 $0x7F, v10;
	v7 =	vand.u32 $0xFFFFFC00, v14;
	v14 =	vand.u32 $0xFFFFFC00, v9  }
.Ltmp5:
0xbc: {  	v9 =	vor.u32 v15, v7;
	v7 =	vor.u32 v10, v14;
	v10 =	vmul.f32 v27, v18;
	(pc) =	sbr.rel @p6 .LBB2_10-.Ltmp5, $4  }
0xbd: {  	v12 =	vmul.f32 $5.000000000e-01, v22;
	v18 =	vsub.f32 v17, v11;
	v11 =	vsub.f32 v24, v25  }
0xbe: {  	v14 =	vor.u32 $0x80, v9;
	v17 =	vsub.f32 v26, v21;
	v10 =	vsub.f32 $1.500000000e+00, v10  }
0xbf: {  	s30 =	sadd.s32 $0x10, s30;
	v15 =	vor.u32 $0x80, v7;
	v21 =	vsub.f32 v13, v23;
	v22 =	vmul.f32 v11, v8  }
0xc0: {  	s31 =	sadd.s32 $0x10, s31;
	p4 =	por $0x1, $0x1;
	v13 =	vld [tilespmem:s30+$0x0];
	v23 =	vsub.f32 v16, v28;
	v24 =	vmul.f32 v17, v8;
	v8 =	vmul.f32 v27, v10  }
0xc1: {  	_ =	sdelay $0x2  }
0xc2: {  	v10 =	vor.u32 $0x200, v9;
	v17 =	vld [tilespmem:s31+$0x0]  }
0xc3: {  	v11 =	vadd.f32 v22, v18;
	v16 =	vmul.f32 v21, v12;
	v21 =	vor.u32 $0x200, v7;
	v22 =	vld.idx.msk [tilespmem:v9+s21+$0x0], $0xffff  }
0xc4: {  	v25 =	vld.idx.msk [tilespmem:v14+s21+$0x0], $0xffff;
	v18 =	vadd.f32 v24, v19;
	v12 =	vmul.f32 v23, v12;
	v19 =	vmul.f32 v8, v6  }
0xc5: {  	s1 =	sadd.s32 $0x10, s1;
	v14 =	vor.u32 $0x180, v9;
	v26 =	vld.idx.msk [tilespmem:v15+s21+$0x0], $0xffff;
	v15 =	vor.u32 $0x180, v7;
	v11 =	vadd.f32 v16, v11  }
0xc6: {  	v20 =	vld [tilespmem:s1+$0x0];
	v23 =	vor.u32 $0x100, v9;
	v12 =	vadd.f32 v12, v18;
	v18 =	vmul.f32 v19, v8  }
0xc7: {  	v24 =	vor.u32 $0x100, v7;
	v16 =	vor.u32 s3, v0;
	v19 =	vld.idx.msk [tilespmem:v7+s21+$0x0], $0xffff;
	v11 =	vadd.f32 $9.999999970e-07, v11  }
0xc8: {  	vm0 =	vlt.s32 v16, v1;
	v12 =	vadd.f32 $9.999999970e-07, v12;
	v16 =	vsub.f32 $1.500000000e+00, v18;
	v27 =	vld.idx.msk [tilespmem:v10+s21+$0x0], $0xffff  }
0xc9: {  	v18 =	vmul.f32 v13, v13;
	v21 =	vld.idx.msk [tilespmem:v21+s21+$0x0], $0xffff;
	v11 =	vmul.f32 v11, v11  }
0xca: {  	v28 =	vld.idx.msk [tilespmem:v14+s21+$0x0], $0xffff;
	v10 =	vmul.f32 v12, v12;
	v12 =	vmul.f32 v16, v8  }
0xcb: {  	v9 =	vor.u32 $0x280, v9;
	v29 =	vld.idx.msk [tilespmem:v15+s21+$0x0], $0xffff;
	v16 =	vtrunc.f32 v17;
	v17 =	vtrunc.f32 v20  }
0xcc: {  	v7 =	vor.u32 $0x280, v7;
	v20 =	vld.idx.msk [tilespmem:v23+s21+$0x0], $0xffff;
	v23 =	vcvt.f32.s32 v16;
	v17 =	vcvt.f32.s32 v17  }
0xcd: {  	v24 =	vld.idx.msk [tilespmem:v24+s21+$0x0], $0xffff;
	v10 =	vadd.f32 v10, v11;
	v11 =	vmul.f32 v12, v5;
	v12 =	vmul.f32 $5.000000000e-01, v18  }
0xce: {  	v18 =	vsel vm0, $0x0, v3;
	v15 =	vand.u32 $0x7F, v23;
	v21 =	vsub.f32 v27, v21  }
0xcf: {  	v16 =	vmul.f32 $5.000000000e-01, v10;
	v14 =	vshra.s32 v10, $0x1;
	v11 =	vmul.f32 v11, v18  }
0xd0: {  	v18 =	vshll.u32 v23, $0x3;
	v23 =	vld.idx.msk [tilespmem:v9+s21+$0x0], $0xffff;
	v9 =	vshll.u32 v17, $0x3;
	v30 =	vsub.s32 $0x5F3759DF, v14  }
0xd1: {  	s2 =	sadd.s32 $0x1, s0;
	v31 =	vld.idx.msk [tilespmem:v7+s21+$0x0], $0xffff;
	v17 =	vand.u32 $0x7F, v17;
	v7 =	vand.u32 $0xFFFFFC00, v18;
	v14 =	vmul.f32 v30, v16  }
0xd2: {  	p6 =	seq.s32 s2, $0x0;
	v18 =	vand.u32 $0xFFFFFC00, v9;
	v20 =	vsub.f32 v20, v24;
	v24 =	vsub.f32 v28, v29  }
.Ltmp6:
0xd3: {  	v9 =	vor.u32 v15, v7;
	v7 =	vor.u32 v17, v18;
	v17 =	vmul.f32 v30, v14;
	(pc) =	sbr.rel @p6 .LBB2_12-.Ltmp6, $4  }
0xd4: {  	v11 =	vadd.f32 v11, v4;
	v18 =	vsub.f32 v22, v19  }
0xd5: {  	v19 =	vsub.f32 v25, v26;
	v17 =	vsub.f32 $1.500000000e+00, v17  }
0xd6: {  	s30 =	sadd.s32 $0x10, s30;
	v15 =	vor.u32 $0x80, v7;
	v22 =	vmul.f32 v20, v13;
	v24 =	vmul.f32 v24, v13  }
0xd7: {  	s31 =	sadd.s32 $0x10, s31;
	p5 =	por $0x1, $0x1;
	s0 =	simm.s32 $0x0;
	v20 =	vld [tilespmem:s30+$0x0];
	v14 =	vor.u32 $0x80, v9;
	v23 =	vsub.f32 v23, v31;
	v17 =	vmul.f32 v30, v17  }
.LBB2_13:
0xd8: {  	v13 =	vld [tilespmem:s31+$0x0];
	v25 =	vor.u32 $0x200, v9;
	s1 =	sadd.s32 $0x10, s1;
	v18 =	vadd.f32 v22, v18;
	v21 =	vmul.f32 v21, v12  }
0xd9: {  	s0 =	sadd.s32 $0x10, s0;
	v22 =	vld [tilespmem:s1+$0x0];
	v19 =	vadd.f32 v24, v19;
	v12 =	vmul.f32 v23, v12;
	v16 =	vmul.f32 v17, v16  }
0xda: {  	v24 =	vor.u32 $0x200, v7;
	v23 =	vld.idx.msk [tilespmem:v9+s21+$0x0], $0xffff;
	v18 =	vadd.f32 v21, v18;
	v21 =	vor.u32 s0, v0  }
0xdb: {  	v27 =	vor.u32 $0x100, v9;
	v26 =	vld.idx.msk [tilespmem:v7+s21+$0x0], $0xffff;
	v12 =	vadd.f32 v12, v19;
	v16 =	vmul.f32 v16, v17  }
0xdc: {  	vm0 =	vlt.s32 v21, v1;
	v19 =	vld.idx.msk [tilespmem:v14+s21+$0x0], $0xffff;
	v14 =	vor.u32 $0x100, v7;
	v18 =	vadd.f32 $9.999999970e-07, v18  }
0xdd: {  	v21 =	vld.idx.msk [tilespmem:v15+s21+$0x0], $0xffff;
	v15 =	vor.u32 $0x180, v9;
	v12 =	vadd.f32 $9.999999970e-07, v12;
	v16 =	vsub.f32 $1.500000000e+00, v16  }
0xde: {  	v28 =	vor.u32 $0x180, v7;
	v29 =	vmul.f32 v20, v20;
	v25 =	vld.idx.msk [tilespmem:v25+s21+$0x0], $0xffff;
	v18 =	vmul.f32 v18, v18  }
0xdf: {  	v9 =	vor.u32 $0x280, v9;
	v24 =	vld.idx.msk [tilespmem:v24+s21+$0x0], $0xffff;
	v12 =	vmul.f32 v12, v12;
	v16 =	vmul.f32 v16, v17  }
0xe0: {  	v7 =	vor.u32 $0x280, v7;
	v13 =	vtrunc.f32 v13;
	v17 =	vtrunc.f32 v22;
	v22 =	vld.idx.msk [tilespmem:v27+s21+$0x0], $0xffff  }
0xe1: {  	v13 =	vcvt.f32.s32 v13;
	v27 =	vld.idx.msk [tilespmem:v14+s21+$0x0], $0xffff;
	v14 =	vmul.f32 v16, v10;
	v10 =	vadd.f32 v12, v18  }
0xe2: {  	v17 =	vcvt.f32.s32 v17;
	v12 =	vmul.f32 $5.000000000e-01, v29;
	v30 =	vld.idx.msk [tilespmem:v15+s21+$0x0], $0xffff;
	v15 =	vsel vm0, $0x0, v3  }
0xe3: {  	v28 =	vld.idx.msk [tilespmem:v28+s21+$0x0], $0xffff;
	v16 =	vmul.f32 $5.000000000e-01, v10;
	v18 =	vshra.s32 v10, $0x1;
	v14 =	vmul.f32 v14, v15  }
0xe4: {  	v15 =	vand.u32 $0x7F, v13;
	v13 =	vshll.u32 v13, $0x3;
	v29 =	vld.idx.msk [tilespmem:v9+s21+$0x0], $0xffff;
	v31 =	vsub.s32 $0x5F3759DF, v18  }
0xe5: {  	s2 =	sadd.s32 $0x1, s2;
	v9 =	vshll.u32 v17, $0x3;
	v32 =	vld.idx.msk [tilespmem:v7+s21+$0x0], $0xffff;
	v18 =	vmul.f32 v31, v16;
	v11 =	vadd.f32 v14, v11  }
0xe6: {  	p6 =	seq.s32 s2, $0x0;
	v7 =	vand.u32 $0xFFFFFC00, v13;
	v13 =	vand.u32 $0x7F, v17;
	v14 =	vand.u32 $0xFFFFFC00, v9  }
.Ltmp7:
0xe7: {  	v9 =	vor.u32 v15, v7;
	v7 =	vor.u32 v13, v14;
	v13 =	vmul.f32 v31, v18;
	(pc) =	sbr.rel @!p6 .LBB2_13-.Ltmp7, $4  }
0xe8: {  	v17 =	vsub.f32 v22, v27;
	v14 =	vor.u32 $0x80, v9;
	v18 =	vsub.f32 v23, v26  }
0xe9: {  	v15 =	vor.u32 $0x80, v7;
	v26 =	vsub.f32 v30, v28;
	v13 =	vsub.f32 $1.500000000e+00, v13  }
0xea: {  	s30 =	sadd.s32 $0x10, s30;
	v19 =	vsub.f32 v19, v21;
	v21 =	vsub.f32 v25, v24;
	v22 =	vmul.f32 v17, v20  }
0xeb: {  	s31 =	sadd.s32 $0x10, s31;
	v23 =	vsub.f32 v29, v32;
	v24 =	vmul.f32 v26, v20;
	v20 =	vld [tilespmem:s30+$0x0];
	v17 =	vmul.f32 v31, v13  }
0xec: {  	_ =	sdelay $0x3  }
0xed: {  	v13 =	vmov v20  }
.LBB2_15:
0xee: {  	_ =	sdelay $0x2  }
0xef: {  	v20 =	vor.u32 $0x200, v9  }
0xf0: {  	v25 =	vld.idx.msk [tilespmem:v9+s21+$0x0], $0xffff;
	v26 =	vor.u32 $0x200, v7  }
0xf1: {  	v27 =	vld.idx.msk [tilespmem:v7+s21+$0x0], $0xffff;
	v28 =	vor.u32 $0x100, v9  }
0xf2: {  	v14 =	vld.idx.msk [tilespmem:v14+s21+$0x0], $0xffff;
	v29 =	vor.u32 $0x100, v7  }
0xf3: {  	v15 =	vld.idx.msk [tilespmem:v15+s21+$0x0], $0xffff;
	v30 =	vor.u32 $0x180, v9  }
0xf4: {  	v31 =	vor.u32 $0x180, v7;
	v20 =	vld.idx.msk [tilespmem:v20+s21+$0x0], $0xffff  }
0xf5: {  	v45 =	vor.u32 $0x280, v9;
	v26 =	vld.idx.msk [tilespmem:v26+s21+$0x0], $0xffff  }
0xf6: {  	v7 =	vor.u32 $0x280, v7;
	v28 =	vld.idx.msk [tilespmem:v28+s21+$0x0], $0xffff  }
0xf7: {  	v29 =	vld.idx.msk [tilespmem:v29+s21+$0x0], $0xffff  }
0xf8: {  	v30 =	vld.idx.msk [tilespmem:v30+s21+$0x0], $0xffff  }
0xf9: {  	v31 =	vld.idx.msk [tilespmem:v31+s21+$0x0], $0xffff  }
0xfa: {  	v18 =	vadd.f32 @p3 v22, v18;
	v21 =	vmul.f32 @p3 v21, v12;
	v9 =	vld.idx.msk [tilespmem:v45+s21+$0x0], $0xffff  }
0xfb: {  	v19 =	vadd.f32 @p3 v24, v19;
	v12 =	vmul.f32 @p3 v23, v12;
	v7 =	vld.idx.msk [tilespmem:v7+s21+$0x0], $0xffff  }
0xfc: {  	v18 =	vadd.f32 @p3 v21, v18  }
0xfd: {  	v46 =	vmul.f32 v13, v13;
	v12 =	vadd.f32 @p3 v12, v19;
	v49 =	vsub.f32 v25, v27  }
0xfe: {  	v47 =	vsub.f32 v28, v29;
	v48 =	vsub.f32 v30, v31  }
0xff: {  	v21 =	vmul.f32 $5.000000000e-01, v46;
	v14 =	vsub.f32 v14, v15;
	v51 =	vsub.f32 v20, v26  }
0x100: {  	v7 =	vsub.f32 v9, v7;
	v50 =	vmul.f32 v47, v13;
	v52 =	vmul.f32 v48, v13  }
0x101: {  	v18 =	vadd.f32 @p3 $9.999999970e-07, v18;
	v12 =	vadd.f32 @p3 $9.999999970e-07, v12;
	v54 =	vmul.f32 v51, v21  }
0x102: {  	v7 =	vmul.f32 v7, v21;
	v53 =	vadd.f32 v50, v49;
	v9 =	vadd.f32 v52, v14  }
0x103: {  	v12 =	vmul.f32 @p3 v12, v12;
	v14 =	vmul.f32 @p3 v18, v18  }
0x104: {  	v13 =	vadd.f32 v54, v53;
	v7 =	vadd.f32 v7, v9  }
0x105: {  	v9 =	vadd.f32 @p3 v12, v14  }
0x106: {  	v55 =	vadd.f32 $9.999999970e-07, v13;
	v7 =	vadd.f32 $9.999999970e-07, v7  }
0x107: {  	v13 =	vmul.f32 @p3 $5.000000000e-01, v9  }
0x108: {  	v14 =	vshra.s32 @p3 v9, $0x1;
	v12 =	vmul.f32 v55, v55;
	v7 =	vmul.f32 v7, v7  }
0x109: {  	v14 =	vsub.s32 @p3 $0x5F3759DF, v14  }
0x10a: {  	v15 =	vmul.f32 @p3 v14, v13;
	v7 =	vadd.f32 v7, v12;
	_ =	sdelay $0x1  }
0x10b: {  	v12 =	vmul.f32 @p3 v14, v15;
	v56 =	vmul.f32 $5.000000000e-01, v7;
	v57 =	vshra.s32 v7, $0x1  }
0x10c: {  	v18 =	vsub.s32 $0x5F3759DF, v57  }
0x10d: {  	v12 =	vsub.f32 @p3 $1.500000000e+00, v12;
	v58 =	vmul.f32 v18, v56  }
0x10e: {  	v16 =	vmul.f32 @p4 v17, v16  }
0x10f: {  	v12 =	vmul.f32 @p3 v14, v12;
	v59 =	vmul.f32 v18, v58  }
0x110: {  	v16 =	vmul.f32 @p4 v16, v17  }
0x111: {  	v6 =	vpsel p3, v13, v6;
	v8 =	vpsel p3, v12, v8;
	v60 =	vsub.f32 $1.500000000e+00, v59  }
0x112: {  	v6 =	vmul.f32 @p3 v8, v6  }
0x113: {  	v13 =	vsub.f32 @p4 $1.500000000e+00, v16;
	v12 =	vmul.f32 v18, v60  }
0x114: {  	s0 =	sadd.s32 @p5 $0x10, s0;
	s1 =	simm.s32 $0x0;
	v6 =	vmul.f32 @p3 v6, v8  }
0x115: {  	s1 =	smov.u32 @p5 s0;
	v13 =	vmul.f32 @p4 v13, v17;
	v15 =	vmul.f32 v12, v56  }
0x116: {  	v14 =	vor.u32 @p4 s1, v0;
	v6 =	vsub.f32 @p3 $1.500000000e+00, v6  }
0x117: {  	s0 =	sadd.s32 @p4 $0x10, s1;
	v10 =	vmul.f32 @p4 v13, v10;
	s1 =	simm.s32 $0x0;
	vm0 =	vlt.s32 @p4 v14, v1;
	v61 =	vmul.f32 v15, v12  }
0x118: {  	v5 =	vpsel p3, v9, v5;
	s1 =	smov.u32 @p4 s0;
	v13 =	vsel @p4 vm0, $0x0, v3;
	v6 =	vmul.f32 @p3 v6, v8  }
0x119: {  	v10 =	vmul.f32 @p4 v10, v13;
	v8 =	vor.u32 @p3 s1, v0;
	v62 =	vsub.f32 $1.500000000e+00, v61  }
0x11a: {  	s0 =	sadd.s32 @p3 $0x10, s1;
	s1 =	simm.s32 $0x0;
	vm0 =	vlt.s32 @p3 v8, v1;
	v5 =	vmul.f32 @p3 v6, v5  }
0x11b: {  	s1 =	smov.u32 @p3 s0;
	v6 =	vadd.f32 @p4 v10, v11;
	v8 =	vsel @p3 vm0, $0x0, v3;
	v9 =	vmul.f32 v62, v12  }
0x11c: {  	v63 =	vor.u32 s1, v0;
	v5 =	vmul.f32 @p3 v5, v8  }
0x11d: {  	vm15 =	vlt.s32 v63, v1;
	v6 =	vpsel p4, v6, v4;
	v7 =	vmul.f32 v9, v7  }
0x11e: {  	v5 =	vadd.f32 @p3 v5, v6;
	v6 =	vsel vm15, $0x0, v3  }
0x11f: {  	v6 =	vmul.f32 v7, v6  }
0x120: {  	v4 =	vpsel p3, v5, v4  }
0x121: {  	v4 =	vadd.f32 v6, v4  }
.LBB2_2:
.Ltmp8:
0x122: {  	(pc) =	sbr.rel @!p1 .LBB2_22-.Ltmp8, $1  }
0x123: {  	_ =	sdelay $0x3  }
0x124: {  	v5 =	vld [tilespmem:s10+$0x0]  }
0x125: {  	v6 =	vld [tilespmem:s15+$0x0];
	_ =	sdelay $0x3  }
0x126: {  	s1 =	sadd.s32 $0x1, s14;
	v5 =	vtrunc.f32 v5  }
0x127: {  	p5 =	slt.u32 s1, $0x61;
	v6 =	vtrunc.f32 v6;
	v5 =	vcvt.f32.s32 v5  }
.Ltmp9:
0x128: {  	v6 =	vcvt.f32.s32 v6;
	(pc) =	sbr.rel @!p5 .LBB2_4-.Ltmp9, $4  }
0x129: {  	v7 =	vshll.u32 v5, $0x3  }
0x12a: {  	v5 =	vand.u32 $0x7F, v5;
	v8 =	vshll.u32 v6, $0x3;
	v7 =	vand.u32 $0xFFFFFC00, v7  }
0x12b: {  	v6 =	vand.u32 $0x7F, v6;
	v7 =	vor.u32 v5, v7;
	v5 =	vand.u32 $0xFFFFFC00, v8  }
0x12c: {  	s22 =	sadd.s32 $0x10, s10;
	p3 =	por $0x0, $0x0;
	p4 =	por $0x0, $0x0;
	v8 =	vor.u32 v6, v5;
	v14 =	vor.u32 $0x80, v7  }
0x12d: {  	_ =	sdelay $0x1  }
0x12e: {  	v6 =	vld [tilespmem:s22+$0x0]  }
0x12f: {  	v9 =	vor.u32 $0x80, v8;
	v5 =	vld [tilespmem:s16+$0x0]  }
0x130: {  	s0 =	sadd.s32 $0x10, s15;
	v10 =	vor.u32 $0x200, v7;
	v15 =	vld.idx.msk [tilespmem:v7+s21+$0x0], $0xffff  }
0x131: {  	v12 =	vor.u32 $0x200, v8;
	v11 =	vld [tilespmem:s0+$0x0]  }
0x132: {  	v21 =	vld.idx.msk [tilespmem:v8+s21+$0x0], $0xffff;
	v13 =	vor.u32 $0x100, v7  }
0x133: {  	v23 =	vld.idx.msk [tilespmem:v14+s21+$0x0], $0xffff;
	v17 =	vor.u32 $0x180, v7  }
0x134: {  	v14 =	vor.u32 $0x100, v8;
	v9 =	vld.idx.msk [tilespmem:v9+s21+$0x0], $0xffff  }
0x135: {  	v18 =	vor.u32 $0x180, v8;
	v6 =	vtrunc.f32 v6;
	v10 =	vld.idx.msk [tilespmem:v10+s21+$0x0], $0xffff  }
0x136: {  	s2 =	sadd.s32 $0x1, s1;
	v16 =	vtrunc.f32 v11;
	v6 =	vcvt.f32.s32 v6;
	v11 =	vld.idx.msk [tilespmem:v12+s21+$0x0], $0xffff;
	v12 =	vor.u32 $0x280, v7  }
0x137: {  	v20 =	vor.u32 $0x280, v8;
	p5 =	slt.u32 s2, $0x61;
	v13 =	vld.idx.msk [tilespmem:v13+s21+$0x0], $0xffff;
	v7 =	vcvt.f32.s32 v16  }
.Ltmp10:
0x138: {  	v17 =	vld.idx.msk [tilespmem:v17+s21+$0x0], $0xffff;
	v8 =	vand.u32 $0x7F, v6;
	v6 =	vshll.u32 v6, $0x3;
	(pc) =	sbr.rel @!p5 .LBB2_17-.Ltmp10, $4  }
0x139: {  	v24 =	vmul.f32 v5, v5;
	v16 =	vld.idx.msk [tilespmem:v14+s21+$0x0], $0xffff;
	v14 =	vshll.u32 v7, $0x3;
	v6 =	vand.u32 $0xFFFFFC00, v6  }
0x13a: {  	v18 =	vld.idx.msk [tilespmem:v18+s21+$0x0], $0xffff;
	v22 =	vand.u32 $0x7F, v7;
	v7 =	vor.u32 v8, v6;
	v6 =	vand.u32 $0xFFFFFC00, v14  }
0x13b: {  	v23 =	vsub.f32 v23, v9;
	v19 =	vld.idx.msk [tilespmem:v12+s21+$0x0], $0xffff;
	v8 =	vor.u32 v22, v6  }
0x13c: {  	s30 =	sadd.s32 $0x10, s22;
	p3 =	por $0x1, $0x1;
	v14 =	vor.u32 $0x80, v7;
	v22 =	vld.idx.msk [tilespmem:v20+s21+$0x0], $0xffff;
	v20 =	vmul.f32 $5.000000000e-01, v24;
	v24 =	vsub.f32 v15, v21  }
0x13d: {  	_ =	sdelay $0x1  }
0x13e: {  	v6 =	vsub.f32 v13, v16;
	v9 =	vsub.f32 v17, v18  }
0x13f: {  	v10 =	vsub.f32 v10, v11  }
0x140: {  	v6 =	vmul.f32 v6, v5;
	v11 =	vsub.f32 v19, v22;
	v5 =	vmul.f32 v9, v5  }
0x141: {  	v15 =	vor.u32 $0x80, v8;
	v10 =	vmul.f32 v10, v20  }
0x142: {  	v21 =	vld.idx.msk [tilespmem:v7+s21+$0x0], $0xffff;
	v6 =	vadd.f32 v6, v24;
	v13 =	vadd.f32 v5, v23;
	v11 =	vmul.f32 v11, v20  }
0x143: {  	s1 =	sadd.s32 $0x10, s0;
	v25 =	vld.idx.msk [tilespmem:v14+s21+$0x0], $0xffff  }
0x144: {  	v12 =	vld [tilespmem:s1+$0x0];
	v18 =	vor.u32 $0x180, v8;
	v6 =	vadd.f32 v10, v6;
	v10 =	vadd.f32 v11, v13  }
0x145: {  	v9 =	vld [tilespmem:s30+$0x0];
	v19 =	vor.u32 $0x280, v7  }
0x146: {  	s0 =	sadd.s32 $0x10, s16;
	v16 =	vor.u32 $0x200, v7;
	v26 =	vld.idx.msk [tilespmem:v15+s21+$0x0], $0xffff;
	v6 =	vadd.f32 $9.999999970e-07, v6;
	v10 =	vadd.f32 $9.999999970e-07, v10  }
0x147: {  	v14 =	vor.u32 $0x100, v8;
	v5 =	vld [tilespmem:s0+$0x0]  }
0x148: {  	v15 =	vor.u32 $0x180, v7;
	v23 =	vld.idx.msk [tilespmem:v8+s21+$0x0], $0xffff;
	v6 =	vmul.f32 v6, v6;
	v17 =	vmul.f32 v10, v10  }
0x149: {  	v12 =	vtrunc.f32 v12;
	v18 =	vld.idx.msk [tilespmem:v18+s21+$0x0], $0xffff;
	v11 =	vor.u32 $0x200, v8;
	v13 =	vor.u32 $0x100, v7  }
0x14a: {  	v7 =	vcvt.f32.s32 v12;
	v9 =	vtrunc.f32 v9;
	v19 =	vld.idx.msk [tilespmem:v19+s21+$0x0], $0xffff;
	v6 =	vadd.f32 v17, v6  }
0x14b: {  	v22 =	vor.u32 $0x280, v8;
	v9 =	vcvt.f32.s32 v9;
	v10 =	vld.idx.msk [tilespmem:v16+s21+$0x0], $0xffff  }
0x14c: {  	s2 =	sadd.s32 $0x1, s2;
	v27 =	vshll.u32 v7, $0x3;
	v16 =	vld.idx.msk [tilespmem:v14+s21+$0x0], $0xffff;
	v12 =	vmul.f32 $5.000000000e-01, v6;
	v24 =	vshra.s32 v6, $0x1  }
0x14d: {  	p5 =	slt.u32 s2, $0x61;
	v8 =	vand.u32 $0x7F, v9;
	v9 =	vshll.u32 v9, $0x3;
	v17 =	vld.idx.msk [tilespmem:v15+s21+$0x0], $0xffff;
	v15 =	vsub.s32 $0x5F3759DF, v24  }
.Ltmp11:
0x14e: {  	v14 =	vand.u32 $0x7F, v7;
	v13 =	vld.idx.msk [tilespmem:v13+s21+$0x0], $0xffff;
	v7 =	vand.u32 $0xFFFFFC00, v9;
	v9 =	vmul.f32 v15, v12;
	(pc) =	sbr.rel @!p5 .LBB2_19-.Ltmp11, $4  }
0x14f: {  	v20 =	vmul.f32 v5, v5;
	v11 =	vld.idx.msk [tilespmem:v11+s21+$0x0], $0xffff  }
0x150: {  	v22 =	vld.idx.msk [tilespmem:v22+s21+$0x0], $0xffff;
	v7 =	vor.u32 v8, v7;
	v8 =	vand.u32 $0xFFFFFC00, v27  }
0x151: {  	v20 =	vmul.f32 $5.000000000e-01, v20;
	v8 =	vor.u32 v14, v8;
	v14 =	vor.u32 $0x80, v7  }
0x152: {  	p4 =	por $0x1, $0x1;
	s30 =	sadd.s32 $0x10, s30;
	v24 =	vsub.f32 v21, v23;
	v23 =	vsub.f32 v25, v26;
	v21 =	vmul.f32 v15, v9;
	v9 =	vmovc v4  }
.LBB2_20:
0x153: {  	v25 =	vld [tilespmem:s30+$0x0];
	v26 =	vor.u32 $0x80, v8;
	v13 =	vsub.f32 v13, v16;
	v16 =	vsub.f32 v17, v18  }
0x154: {  	v17 =	vor.u32 $0x200, v7;
	s1 =	sadd.s32 $0x10, s1;
	v10 =	vsub.f32 v10, v11;
	v11 =	vsub.f32 $1.500000000e+00, v21  }
0x155: {  	s0 =	sadd.s32 $0x10, s0;
	v19 =	vsub.f32 v19, v22;
	v18 =	vld [tilespmem:s1+$0x0];
	v13 =	vmul.f32 v13, v5;
	v16 =	vmul.f32 v16, v5  }
0x156: {  	v21 =	vor.u32 $0x200, v8;
	v10 =	vmul.f32 v10, v20;
	v5 =	vld [tilespmem:s0+$0x0];
	v15 =	vmul.f32 v15, v11  }
0x157: {  	v27 =	vld.idx.msk [tilespmem:v7+s21+$0x0], $0xffff;
	v11 =	vadd.f32 v13, v24;
	v13 =	vadd.f32 v16, v23;
	v16 =	vmul.f32 v19, v20  }
0x158: {  	v20 =	vor.u32 $0x100, v7;
	v19 =	vtrunc.f32 v25;
	v23 =	vld.idx.msk [tilespmem:v8+s21+$0x0], $0xffff;
	v12 =	vmul.f32 v15, v12  }
0x159: {  	v25 =	vld.idx.msk [tilespmem:v14+s21+$0x0], $0xffff;
	v14 =	vor.u32 $0x100, v8;
	v11 =	vadd.f32 v10, v11;
	v13 =	vadd.f32 v16, v13  }
0x15a: {  	v16 =	vtrunc.f32 v18;
	v26 =	vld.idx.msk [tilespmem:v26+s21+$0x0], $0xffff;
	v18 =	vor.u32 $0x180, v7;
	v12 =	vmul.f32 v12, v15  }
0x15b: {  	v22 =	vor.u32 $0x180, v8;
	v10 =	vld.idx.msk [tilespmem:v17+s21+$0x0], $0xffff;
	v17 =	vadd.f32 $9.999999970e-07, v11;
	v24 =	vadd.f32 $9.999999970e-07, v13  }
0x15c: {  	v19 =	vcvt.f32.s32 v19;
	v7 =	vor.u32 $0x280, v7;
	v11 =	vld.idx.msk [tilespmem:v21+s21+$0x0], $0xffff;
	v12 =	vsub.f32 $1.500000000e+00, v12  }
0x15d: {  	v8 =	vor.u32 $0x280, v8;
	v13 =	vld.idx.msk [tilespmem:v20+s21+$0x0], $0xffff;
	v20 =	vmul.f32 v17, v17;
	v21 =	vmul.f32 v24, v24  }
0x15e: {  	v24 =	vcvt.f32.s32 v16;
	v16 =	vld.idx.msk [tilespmem:v14+s21+$0x0], $0xffff;
	v12 =	vmul.f32 v12, v15  }
0x15f: {  	s2 =	sadd.s32 $0x1, s2;
	v28 =	vmul.f32 v5, v5;
	v14 =	vand.u32 $0x7F, v19;
	v17 =	vld.idx.msk [tilespmem:v18+s21+$0x0], $0xffff;
	v15 =	vadd.f32 v21, v20  }
0x160: {  	p5 =	slt.u32 s2, $0x61;
	v20 =	vshll.u32 v19, $0x3;
	v21 =	vand.u32 $0x7F, v24;
	v18 =	vld.idx.msk [tilespmem:v22+s21+$0x0], $0xffff;
	v29 =	vmul.f32 v12, v6  }
.Ltmp12:
0x161: {  	v24 =	vshll.u32 v24, $0x3;
	v19 =	vld.idx.msk [tilespmem:v7+s21+$0x0], $0xffff;
	v12 =	vmul.f32 $5.000000000e-01, v15;
	v7 =	vshra.s32 v15, $0x1;
	v6 =	vmovc v15;
	(pc) =	sbr.rel @p5 .LBB2_20-.Ltmp12, $4  }
0x162: {  	v20 =	vand.u32 $0xFFFFFC00, v20;
	v22 =	vld.idx.msk [tilespmem:v8+s21+$0x0], $0xffff;
	v15 =	vsub.s32 $0x5F3759DF, v7;
	v9 =	vadd.f32 v29, v9  }
0x163: {  	v7 =	vor.u32 v14, v20;
	v8 =	vand.u32 $0xFFFFFC00, v24;
	v29 =	vmul.f32 v15, v12  }
0x164: {  	v20 =	vmul.f32 $5.000000000e-01, v28;
	v8 =	vor.u32 v21, v8;
	v14 =	vor.u32 $0x80, v7  }
0x165: {  	s30 =	sadd.s32 $0x10, s30;
	v24 =	vsub.f32 v27, v23;
	v23 =	vsub.f32 v25, v26;
	v21 =	vmul.f32 v15, v29  }
.LBB2_21:
0x166: {  	_ =	sdelay $0x2  }
0x167: {  	v25 =	vor.u32 $0x80, v8  }
0x168: {  	v26 =	vor.u32 $0x200, v7;
	v29 =	vld.idx.msk [tilespmem:v7+s21+$0x0], $0xffff  }
0x169: {  	s0 =	sadd.s32 @p3 $0x10, s0;
	s1 =	smov.u32 s16;
	v28 =	vor.u32 $0x200, v8;
	v30 =	vld.idx.msk [tilespmem:v8+s21+$0x0], $0xffff  }
0x16a: {  	v31 =	vor.u32 $0x100, v7;
	v14 =	vld.idx.msk [tilespmem:v14+s21+$0x0], $0xffff;
	s1 =	smov.u32 @p3 s0  }
0x16b: {  	v32 =	vor.u32 $0x100, v8;
	v27 =	vld [tilespmem:s1+$0x0]  }
0x16c: {  	v33 =	vor.u32 $0x180, v7;
	v25 =	vld.idx.msk [tilespmem:v25+s21+$0x0], $0xffff  }
0x16d: {  	v34 =	vor.u32 $0x180, v8;
	v26 =	vld.idx.msk [tilespmem:v26+s21+$0x0], $0xffff  }
0x16e: {  	v7 =	vor.u32 $0x280, v7;
	v28 =	vld.idx.msk [tilespmem:v28+s21+$0x0], $0xffff  }
0x16f: {  	v49 =	vor.u32 $0x280, v8;
	v48 =	vld.idx.msk [tilespmem:v31+s21+$0x0], $0xffff  }
0x170: {  	v13 =	vsub.f32 @p3 v13, v16;
	v17 =	vsub.f32 @p3 v17, v18;
	v50 =	vld.idx.msk [tilespmem:v32+s21+$0x0], $0xffff  }
0x171: {  	v10 =	vsub.f32 @p3 v10, v11;
	v51 =	vld.idx.msk [tilespmem:v33+s21+$0x0], $0xffff  }
0x172: {  	v19 =	vsub.f32 @p3 v19, v22;
	v11 =	vmul.f32 @p3 v13, v5;
	v5 =	vmul.f32 @p3 v17, v5;
	v52 =	vld.idx.msk [tilespmem:v34+s21+$0x0], $0xffff  }
0x173: {  	v10 =	vmul.f32 @p3 v10, v20;
	v7 =	vld.idx.msk [tilespmem:v7+s21+$0x0], $0xffff  }
0x174: {  	v19 =	vmul.f32 @p3 v19, v20;
	v11 =	vadd.f32 @p3 v11, v24;
	v5 =	vadd.f32 @p3 v5, v23;
	v8 =	vld.idx.msk [tilespmem:v49+s21+$0x0], $0xffff  }
0x175: {  	v54 =	vsub.f32 v29, v30  }
0x176: {  	v10 =	vadd.f32 @p3 v10, v11;
	v5 =	vadd.f32 @p3 v19, v5;
	v53 =	vmul.f32 v27, v27  }
0x177: {  	v16 =	vsub.f32 v48, v50;
	v13 =	vsub.f32 v51, v52  }
0x178: {  	v11 =	vmul.f32 $5.000000000e-01, v53;
	v14 =	vsub.f32 v14, v25;
	v55 =	vsub.f32 v26, v28  }
0x179: {  	v7 =	vsub.f32 v7, v8;
	v56 =	vmul.f32 v16, v27;
	v13 =	vmul.f32 v13, v27  }
0x17a: {  	v10 =	vadd.f32 @p3 $9.999999970e-07, v10;
	v5 =	vadd.f32 @p3 $9.999999970e-07, v5;
	v57 =	vmul.f32 v55, v11  }
0x17b: {  	v7 =	vmul.f32 v7, v11;
	v8 =	vadd.f32 v56, v54;
	v13 =	vadd.f32 v13, v14  }
0x17c: {  	v10 =	vmul.f32 @p3 v10, v10;
	v5 =	vmul.f32 @p3 v5, v5  }
0x17d: {  	v8 =	vadd.f32 v57, v8;
	v7 =	vadd.f32 v7, v13  }
0x17e: {  	v5 =	vadd.f32 @p3 v5, v10  }
0x17f: {  	v8 =	vadd.f32 $9.999999970e-07, v8;
	v7 =	vadd.f32 $9.999999970e-07, v7  }
0x180: {  	v10 =	vmul.f32 @p3 $5.000000000e-01, v5;
	v11 =	vshra.s32 @p3 v5, $0x1  }
0x181: {  	v11 =	vsub.s32 @p3 $0x5F3759DF, v11;
	v8 =	vmul.f32 v8, v8;
	v7 =	vmul.f32 v7, v7  }
0x182: {  	v13 =	vmul.f32 @p3 v11, v10  }
0x183: {  	v7 =	vadd.f32 v7, v8  }
0x184: {  	v13 =	vmul.f32 @p3 v11, v13  }
0x185: {  	v8 =	vsub.f32 @p4 $1.500000000e+00, v21;
	v58 =	vmul.f32 $5.000000000e-01, v7;
	v59 =	vshra.s32 v7, $0x1  }
0x186: {  	v16 =	vsub.s32 $0x5F3759DF, v59  }
0x187: {  	v13 =	vpsel p3, v13, v0;
	v8 =	vmul.f32 @p4 v15, v8;
	v60 =	vmul.f32 v16, v58  }
0x188: {  	v13 =	vsub.f32 @p3 $1.500000000e+00, v13  }
0x189: {  	v11 =	vpsel p3, v11, v0;
	v12 =	vmul.f32 @p4 v8, v12;
	v15 =	vmul.f32 v16, v60  }
0x18a: {  	v11 =	vmul.f32 @p3 v11, v13  }
0x18b: {  	v10 =	vpsel p3, v10, v0;
	v12 =	vmul.f32 @p4 v12, v8;
	v61 =	vsub.f32 $1.500000000e+00, v15  }
0x18c: {  	v10 =	vmul.f32 @p3 v11, v10  }
0x18d: {  	v12 =	vsub.f32 @p4 $1.500000000e+00, v12;
	v13 =	vmul.f32 v16, v61  }
0x18e: {  	v10 =	vmul.f32 @p3 v10, v11  }
0x18f: {  	v8 =	vmul.f32 @p4 v12, v8;
	v62 =	vmul.f32 v13, v58  }
0x190: {  	v10 =	vsub.f32 @p3 $1.500000000e+00, v10  }
0x191: {  	v6 =	vmul.f32 @p4 v8, v6;
	v63 =	vmul.f32 v62, v13  }
0x192: {  	v10 =	vmul.f32 @p3 v10, v11  }
0x193: {  	v5 =	vpsel p3, v5, v0;
	v6 =	vadd.f32 @p4 v6, v9;
	v8 =	vsub.f32 $1.500000000e+00, v63  }
0x194: {  	v5 =	vmul.f32 @p3 v10, v5  }
0x195: {  	v6 =	vpsel p4, v6, v4;
	v8 =	vmul.f32 v8, v13  }
0x196: {  	v5 =	vadd.f32 @p3 v5, v6  }
0x197: {  	v6 =	vmul.f32 v8, v7  }
0x198: {  	v4 =	vpsel p3, v5, v4  }
0x199: {  	v4 =	vadd.f32 v6, v4  }
.LBB2_22:
.Ltmp13:
0x19a: {  	(pc) =	sbr.rel @!p0 .LBB2_25-.Ltmp13, $2  }
0x19b: {  	_ =	sdelay $0x2  }
0x19c: {  	v5 =	vimm.f32 $0.0e+00  }
0x19d: {  	s1 =	simm.s32 $0xB380  }
0x19e: {  	s0 =	simm.s32 $0xB400;
	v6 =	vld [tilespmem:s1+$0x0]  }
0x19f: {  	v7 =	vld [tilespmem:s0+$0x0];
	_ =	sdelay $0x3  }
0x1a0: {  	v8 =	vshll.u32 v6, $0x3  }
0x1a1: {  	v6 =	vand.u32 $0x7F, v6;
	v9 =	vshll.u32 v7, $0x3;
	v8 =	vand.u32 $0xFFFFFC00, v8  }
0x1a2: {  	v7 =	vand.u32 $0x7F, v7;
	v9 =	vand.u32 $0xFFFFFC00, v9;
	v6 =	vor.u32 v6, v8  }
0x1a3: {  	v7 =	vor.u32 v7, v9;
	v8 =	vor.u32 $0x200, v6  }
0x1a4: {  	v9 =	vor.u32 $0x200, v7  }
0x1a5: {  	v10 =	vor.u32 $0x280, v6  }
0x1a6: {  	v11 =	vor.u32 $0x280, v7  }
0x1a7: {  	v12 =	vor.u32 $0x100, v6  }
0x1a8: {  	v13 =	vor.u32 $0x100, v7;
	v8 =	vld.idx.msk [tilespmem:v8+s21+$0x0], $0xffff  }
0x1a9: {  	v14 =	vor.u32 $0x180, v6;
	v9 =	vld.idx.msk [tilespmem:v9+s21+$0x0], $0xffff  }
0x1aa: {  	v15 =	vor.u32 $0x180, v7;
	v10 =	vld.idx.msk [tilespmem:v10+s21+$0x0], $0xffff  }
0x1ab: {  	v11 =	vld.idx.msk [tilespmem:v11+s21+$0x0], $0xffff  }
0x1ac: {  	v12 =	vld.idx.msk [tilespmem:v12+s21+$0x0], $0xffff  }
0x1ad: {  	v13 =	vld.idx.msk [tilespmem:v13+s21+$0x0], $0xffff  }
0x1ae: {  	v14 =	vld.idx.msk [tilespmem:v14+s21+$0x0], $0xffff  }
0x1af: {  	v15 =	vld.idx.msk [tilespmem:v15+s21+$0x0], $0xffff;
	_ =	sdelay $0x1  }
0x1b0: {  	v8 =	vsub.f32 v8, v9  }
0x1b1: {  	v10 =	vsub.f32 v10, v11  }
0x1b2: {  	v11 =	vsub.f32 v12, v13;
	v12 =	vmul.f32 $4.512499870e-01, v8;
	v13 =	vmul.f32 $3.612500130e-01, v8  }
0x1b3: {  	v14 =	vsub.f32 v14, v15;
	v15 =	vmul.f32 $4.512499870e-01, v10;
	v17 =	vmul.f32 $3.612500130e-01, v10  }
0x1b4: {  	v16 =	vor.u32 $0x80, v6;
	v6 =	vld.idx.msk [tilespmem:v6+s21+$0x0], $0xffff;
	v18 =	vmul.f32 $9.499999880e-01, v11;
	v19 =	vmul.f32 $2.812500000e-01, v8  }
0x1b5: {  	v9 =	vor.u32 $0x80, v7;
	v7 =	vld.idx.msk [tilespmem:v7+s21+$0x0], $0xffff;
	v20 =	vmul.f32 $9.499999880e-01, v14;
	v21 =	vmul.f32 $2.812500000e-01, v10  }
0x1b6: {  	v22 =	vmul.f32 $8.500000230e-01, v11;
	v23 =	vmul.f32 $2.112500070e-01, v8  }
0x1b7: {  	v24 =	vmul.f32 $8.500000230e-01, v14;
	v25 =	vmul.f32 $2.112500070e-01, v10  }
0x1b8: {  	v26 =	vmul.f32 $7.500000000e-01, v11;
	v27 =	vmul.f32 $7.500000000e-01, v14  }
0x1b9: {  	v28 =	vmul.f32 $1.512500050e-01, v8;
	v29 =	vmul.f32 $1.512500050e-01, v10  }
0x1ba: {  	v30 =	vmul.f32 $6.499999760e-01, v14;
	v31 =	vmul.f32 $5.500000120e-01, v14;
	v6 =	vsub.f32 v6, v7  }
0x1bb: {  	v16 =	vld.idx.msk [tilespmem:v16+s21+$0x0], $0xffff;
	v32 =	vmul.f32 $4.499999880e-01, v11;
	v33 =	vmul.f32 $4.499999880e-01, v14  }
0x1bc: {  	v34 =	vmul.f32 $3.499999940e-01, v11;
	v9 =	vld.idx.msk [tilespmem:v9+s21+$0x0], $0xffff;
	v7 =	vmul.f32 $6.499999760e-01, v11;
	v18 =	vadd.f32 v18, v6  }
0x1bd: {  	v36 =	vmul.f32 $2.500000000e-01, v11;
	v22 =	vadd.f32 v22, v6;
	v26 =	vadd.f32 v26, v6  }
0x1be: {  	v38 =	vmul.f32 $1.500000060e-01, v11;
	v7 =	vadd.f32 v7, v6;
	v32 =	vadd.f32 v32, v6  }
0x1bf: {  	v35 =	vmul.f32 $3.499999940e-01, v14;
	v34 =	vadd.f32 v34, v6;
	v36 =	vadd.f32 v36, v6  }
0x1c0: {  	v37 =	vmul.f32 $2.500000000e-01, v14;
	v38 =	vadd.f32 v38, v6;
	v12 =	vadd.f32 v12, v18  }
0x1c1: {  	v39 =	vmul.f32 $1.500000060e-01, v14;
	v13 =	vadd.f32 v13, v22;
	v9 =	vsub.f32 v16, v9  }
0x1c2: {  	v14 =	vmul.f32 $5.000000070e-02, v14;
	v19 =	vadd.f32 v19, v26;
	v7 =	vadd.f32 v23, v7  }
0x1c3: {  	v16 =	vmul.f32 $5.500000120e-01, v11;
	v20 =	vadd.f32 v20, v9;
	v24 =	vadd.f32 v24, v9  }
0x1c4: {  	v40 =	vmul.f32 $1.012500000e-01, v8;
	v27 =	vadd.f32 v27, v9;
	v30 =	vadd.f32 v30, v9  }
0x1c5: {  	v18 =	vmul.f32 $6.125000110e-02, v10;
	v16 =	vadd.f32 v16, v6;
	v31 =	vadd.f32 v31, v9  }
0x1c6: {  	v11 =	vmul.f32 $5.000000070e-02, v11;
	v33 =	vadd.f32 v33, v9;
	v35 =	vadd.f32 v35, v9  }
0x1c7: {  	v22 =	vmul.f32 $3.125000000e-02, v10;
	v37 =	vadd.f32 v37, v9;
	v39 =	vadd.f32 v39, v9  }
0x1c8: {  	v26 =	vmul.f32 $1.125000040e-02, v10;
	v6 =	vadd.f32 v11, v6;
	v9 =	vadd.f32 v14, v9  }
0x1c9: {  	v11 =	vmul.f32 $1.012500000e-01, v10;
	v15 =	vadd.f32 v15, v20;
	v17 =	vadd.f32 v17, v24  }
0x1ca: {  	v14 =	vmul.f32 $6.125000110e-02, v8;
	v21 =	vadd.f32 v21, v27;
	v23 =	vadd.f32 v25, v30  }
0x1cb: {  	v10 =	vmul.f32 $1.249999970e-03, v10;
	v16 =	vadd.f32 v28, v16;
	v25 =	vadd.f32 v29, v31  }
0x1cc: {  	v20 =	vmul.f32 $3.125000000e-02, v8;
	v27 =	vadd.f32 v40, v32;
	v11 =	vadd.f32 v11, v33  }
0x1cd: {  	v24 =	vmul.f32 $1.125000040e-02, v8;
	v14 =	vadd.f32 v14, v34;
	v18 =	vadd.f32 v18, v35  }
0x1ce: {  	v8 =	vmul.f32 $1.249999970e-03, v8;
	v22 =	vadd.f32 v22, v37;
	v26 =	vadd.f32 v26, v39  }
0x1cf: {  	v20 =	vadd.f32 v20, v36;
	v24 =	vadd.f32 v24, v38  }
0x1d0: {  	v59 =	vadd.f32 v8, v6;
	v6 =	vadd.f32 v10, v9  }
0x1d1: {  	v8 =	vadd.f32 $9.999999970e-07, v12;
	v9 =	vadd.f32 $9.999999970e-07, v15  }
0x1d2: {  	v10 =	vadd.f32 $9.999999970e-07, v13;
	v12 =	vadd.f32 $9.999999970e-07, v17  }
0x1d3: {  	v13 =	vadd.f32 $9.999999970e-07, v19;
	v15 =	vadd.f32 $9.999999970e-07, v21  }
0x1d4: {  	v17 =	vadd.f32 $9.999999970e-07, v7;
	v21 =	vadd.f32 $9.999999970e-07, v23  }
0x1d5: {  	v16 =	vadd.f32 $9.999999970e-07, v16;
	v25 =	vadd.f32 $9.999999970e-07, v25  }
0x1d6: {  	v27 =	vadd.f32 $9.999999970e-07, v27;
	v60 =	vadd.f32 $9.999999970e-07, v11;
	v8 =	vmul.f32 v8, v8  }
0x1d7: {  	s0 =	sadd.s32 $0x1, s17;
	v61 =	vadd.f32 $9.999999970e-07, v14;
	v7 =	vmul.f32 v10, v10;
	v9 =	vmul.f32 v9, v9  }
0x1d8: {  	p4 =	seq.s32 s0, $0x0;
	v62 =	vadd.f32 $9.999999970e-07, v18;
	v10 =	vmul.f32 v13, v13;
	v14 =	vmul.f32 v12, v12  }
.Ltmp14:
0x1d9: {  	v19 =	vadd.f32 $9.999999970e-07, v22;
	v11 =	vmul.f32 v17, v17;
	v13 =	vmul.f32 v15, v15;
	(pc) =	sbr.rel @p4 .LBB2_24-.Ltmp14, $4  }
0x1da: {  	v63 =	vadd.f32 $9.999999970e-07, v20;
	v12 =	vmul.f32 v16, v16;
	v17 =	vmul.f32 v21, v21  }
0x1db: {  	v23 =	vadd.f32 $9.999999970e-07, v24;
	v15 =	vmul.f32 v27, v27;
	v16 =	vmul.f32 v25, v25  }
0x1dc: {  	v24 =	vadd.f32 $9.999999970e-07, v26;
	v18 =	vmul.f32 v61, v61;
	v20 =	vmul.f32 v60, v60  }
0x1dd: {  	s30 =	simm.s32 $0x0;
	p3 =	por $0x0, $0x0;
	s1 =	simm.s32 $0xB390;
	v25 =	vadd.f32 $9.999999970e-07, v59;
	v22 =	vmul.f32 v62, v62;
	v21 =	vmul.f32 v63, v63  }
0x1de: {  	v26 =	vadd.f32 $9.999999970e-07, v6  }
0x1df: {  	v23 =	vmul.f32 v23, v23;
	v7 =	vadd.f32 v14, v7;
	v6 =	vadd.f32 v9, v8  }
0x1e0: {  	v19 =	vmul.f32 v19, v19;
	v9 =	vadd.f32 v17, v11;
	v8 =	vadd.f32 v13, v10  }
0x1e1: {  	v24 =	vmul.f32 v24, v24;
	v11 =	vadd.f32 v20, v15;
	v10 =	vadd.f32 v16, v12  }
0x1e2: {  	v14 =	vmul.f32 v25, v25;
	v15 =	vadd.f32 v22, v18;
	v13 =	vmul.f32 v26, v26  }
0x1e3: {  	v12 =	vadd.f32 v19, v21;
	v16 =	vmul.f32 $5.000000000e-01, v7;
	v17 =	vmul.f32 $5.000000000e-01, v6  }
0x1e4: {  	v18 =	vshra.s32 v6, $0x1;
	v19 =	vmul.f32 $5.000000000e-01, v8;
	v20 =	vshra.s32 v8, $0x1  }
0x1e5: {  	v21 =	vshra.s32 v7, $0x1;
	v22 =	vmul.f32 $5.000000000e-01, v10;
	v25 =	vmul.f32 $5.000000000e-01, v11  }
0x1e6: {  	v26 =	vshra.s32 v11, $0x1;
	v27 =	vshra.s32 v10, $0x1;
	v29 =	vmul.f32 $5.000000000e-01, v15  }
0x1e7: {  	v30 =	vshra.s32 v15, $0x1;
	v18 =	vsub.s32 $0x5F3759DF, v18;
	v20 =	vsub.s32 $0x5F3759DF, v20  }
0x1e8: {  	v21 =	vsub.s32 $0x5F3759DF, v21;
	v26 =	vsub.s32 $0x5F3759DF, v26;
	v27 =	vsub.s32 $0x5F3759DF, v27  }
0x1e9: {  	v13 =	vadd.f32 v13, v14;
	v14 =	vadd.f32 v24, v23;
	v23 =	vmul.f32 $5.000000000e-01, v9  }
0x1ea: {  	v24 =	vshra.s32 v9, $0x1;
	v28 =	vmul.f32 $5.000000000e-01, v12;
	v37 =	vmul.f32 v18, v17  }
0x1eb: {  	v33 =	vshra.s32 v12, $0x1;
	v39 =	vmul.f32 v20, v19;
	v40 =	vmul.f32 v21, v16  }
0x1ec: {  	v30 =	vsub.s32 $0x5F3759DF, v30;
	v41 =	vmul.f32 v27, v22;
	v44 =	vmul.f32 v26, v25  }
0x1ed: {  	v24 =	vsub.s32 $0x5F3759DF, v24;
	v43 =	vmul.f32 v30, v29;
	v31 =	vmul.f32 $5.000000000e-01, v14  }
0x1ee: {  	v33 =	vsub.s32 $0x5F3759DF, v33;
	v34 =	vmul.f32 $5.000000000e-01, v13;
	v42 =	vmul.f32 v24, v23  }
0x1ef: {  	v46 =	vmul.f32 v33, v28;
	v37 =	vmul.f32 v18, v37  }
0x1f0: {  	v32 =	vshra.s32 v14, $0x1;
	v39 =	vmul.f32 v20, v39;
	v40 =	vmul.f32 v21, v40  }
0x1f1: {  	v35 =	vshra.s32 v13, $0x1;
	v41 =	vmul.f32 v27, v41;
	v44 =	vmul.f32 v26, v44  }
0x1f2: {  	v32 =	vsub.s32 $0x5F3759DF, v32;
	v35 =	vsub.s32 $0x5F3759DF, v35;
	v43 =	vmul.f32 v30, v43  }
0x1f3: {  	v45 =	vmul.f32 v32, v31;
	v48 =	vmul.f32 v35, v34;
	v37 =	vsub.f32 $1.500000000e+00, v37  }
0x1f4: {  	v42 =	vmul.f32 v24, v42;
	v39 =	vsub.f32 $1.500000000e+00, v39;
	v40 =	vsub.f32 $1.500000000e+00, v40  }
0x1f5: {  	v46 =	vmul.f32 v33, v46;
	v41 =	vsub.f32 $1.500000000e+00, v41;
	v44 =	vsub.f32 $1.500000000e+00, v44  }
0x1f6: {  	v43 =	vsub.f32 $1.500000000e+00, v43;
	v45 =	vmul.f32 v32, v45;
	v48 =	vmul.f32 v35, v48  }
0x1f7: {  	v42 =	vsub.f32 $1.500000000e+00, v42;
	v21 =	vmul.f32 v21, v40;
	v18 =	vmul.f32 v18, v37  }
0x1f8: {  	v46 =	vsub.f32 $1.500000000e+00, v46;
	v20 =	vmul.f32 v20, v39;
	v26 =	vmul.f32 v26, v44  }
0x1f9: {  	v27 =	vmul.f32 v27, v41;
	v30 =	vmul.f32 v30, v43  }
0x1fa: {  	v24 =	vmul.f32 v24, v42;
	v60 =	vsub.f32 $1.500000000e+00, v48;
	v33 =	vmul.f32 v33, v46  }
0x1fb: {  	v36 =	vld [tilespmem:s1+$0x0];
	v59 =	vsub.f32 $1.500000000e+00, v45;
	v16 =	vmul.f32 v21, v16;
	v17 =	vmul.f32 v18, v17  }
0x1fc: {  	v19 =	vmul.f32 v20, v19;
	v35 =	vmul.f32 v35, v60  }
0x1fd: {  	v22 =	vmul.f32 v27, v22;
	v32 =	vmul.f32 v32, v59  }
0x1fe: {  	s31 =	simm.s32 $0xB410;
	v25 =	vmul.f32 v26, v25;
	v34 =	vmul.f32 v35, v34  }
0x1ff: {  	v38 =	vld [tilespmem:s31+$0x0];
	v29 =	vmul.f32 v30, v29;
	v31 =	vmul.f32 v32, v31  }
0x200: {  	v47 =	vand.u32 $0x7F, v36;
	v23 =	vmul.f32 v24, v23;
	v34 =	vmul.f32 v34, v35  }
0x201: {  	v36 =	vshll.u32 v36, $0x3;
	v28 =	vmul.f32 v33, v28;
	v31 =	vmul.f32 v31, v32  }
0x202: {  	v16 =	vmul.f32 v16, v21;
	v17 =	vmul.f32 v17, v18;
	v34 =	vsub.f32 $1.500000000e+00, v34  }
0x203: {  	v19 =	vmul.f32 v19, v20;
	v28 =	vmul.f32 v28, v33;
	v31 =	vsub.f32 $1.500000000e+00, v31  }
0x204: {  	v49 =	vand.u32 $0x7F, v38;
	v25 =	vmul.f32 v25, v26;
	v34 =	vmul.f32 v34, v35  }
0x205: {  	v29 =	vmul.f32 v29, v30;
	v28 =	vsub.f32 $1.500000000e+00, v28;
	v31 =	vmul.f32 v31, v32  }
0x206: {  	v22 =	vmul.f32 v22, v27;
	v25 =	vsub.f32 $1.500000000e+00, v25;
	v13 =	vmul.f32 v34, v13  }
0x207: {  	v29 =	vsub.f32 $1.500000000e+00, v29;
	v28 =	vmul.f32 v28, v33;
	v14 =	vmul.f32 v31, v14  }
0x208: {  	v23 =	vmul.f32 v23, v24;
	v25 =	vmul.f32 v25, v26;
	v13 =	vsub.f32 $0.0e+00, v13  }
0x209: {  	v29 =	vmul.f32 v29, v30;
	v12 =	vmul.f32 v28, v12;
	v14 =	vsub.f32 $0.0e+00, v14  }
0x20a: {  	v22 =	vsub.f32 $1.500000000e+00, v22;
	v11 =	vmul.f32 v25, v11;
	v13 =	vmul.f32 $1.442695020e+00, v13  }
0x20b: {  	v15 =	vmul.f32 v29, v15;
	v12 =	vsub.f32 $0.0e+00, v12;
	v14 =	vmul.f32 $1.442695020e+00, v14  }
0x20c: {  	(erf) = vpow2.f32 v13;
	v13 =	vmul.f32 v22, v27;
	v22 =	vsub.f32 $1.500000000e+00, v23  }
0x20d: {  	v38 =	vshll.u32 v38, $0x3;
	v12 =	vmul.f32 $1.442695020e+00, v12;
	(erf) = vpow2.f32 v14  }
0x20e: {  	v14 =	vsub.f32 $1.500000000e+00, v19;
	v10 =	vmul.f32 v13, v10;
	v13 =	vmul.f32 v22, v24  }
0x20f: {  	v11 =	vsub.f32 $0.0e+00, v11;
	v15 =	vsub.f32 $0.0e+00, v15;
	(erf) = vpow2.f32 v12  }
0x210: {  	v12 =	vmul.f32 v14, v20;
	v9 =	vmul.f32 v13, v9;
	v13 =	vsub.f32 $1.500000000e+00, v16  }
0x211: {  	v36 =	vand.u32 $0xFFFFFC00, v36;
	v11 =	vmul.f32 $1.442695020e+00, v11;
	v15 =	vmul.f32 $1.442695020e+00, v15  }
0x212: {  	v8 =	vmul.f32 v12, v8;
	v12 =	vmul.f32 v13, v21;
	v13 =	vsub.f32 $1.500000000e+00, v17  }
0x213: {  	v61 =	vand.u32 $0xFFFFFC00, v38;
	v36 =	vor.u32 v47, v36;
	(erf) = vpow2.f32 v15  }
0x214: {  	v10 =	vsub.f32 $0.0e+00, v10;
	(erf) = vpow2.f32 v11;
	v11 =	vmul.f32 v13, v18  }
0x215: {  	v62 =	vor.u32 $0x200, v36;
	v37 =	vor.u32 v49, v61;
	v9 =	vsub.f32 $0.0e+00, v9  }
0x216: {  	v63 =	vor.u32 $0x200, v37;
	v10 =	vmul.f32 $1.442695020e+00, v10;
	v7 =	vmul.f32 v12, v7;
	v12 =	vpop (erf)  }
0x217: {  	v8 =	vsub.f32 $0.0e+00, v8;
	v9 =	vmul.f32 $1.442695020e+00, v9;
	v12 =	vadd.f32 $0.0e+00, v12  }
0x218: {  	v45 =	vor.u32 $0x280, v37;
	(erf) = vpow2.f32 v10;
	v6 =	vmul.f32 v11, v6;
	v11 =	vpop (erf)  }
0x219: {  	v44 =	vor.u32 $0x280, v36;
	v8 =	vmul.f32 $1.442695020e+00, v8;
	v11 =	vadd.f32 v12, v11  }
0x21a: {  	v10 =	vor.u32 $0x100, v36;
	v7 =	vsub.f32 $0.0e+00, v7;
	(erf) = vpow2.f32 v9;
	v14 =	vpop (erf)  }
0x21b: {  	v15 =	vld.idx.msk [tilespmem:v63+s21+$0x0], $0xffff;
	v13 =	vor.u32 $0x180, v36;
	v9 =	vor.u32 $0x100, v37;
	v11 =	vadd.f32 v11, v14  }
0x21c: {  	v6 =	vsub.f32 $0.0e+00, v6;
	v7 =	vmul.f32 $1.442695020e+00, v7;
	v12 =	vld.idx.msk [tilespmem:v62+s21+$0x0], $0xffff;
	(erf) = vpow2.f32 v8;
	v16 =	vpop (erf)  }
0x21d: {  	v17 =	vld.idx.msk [tilespmem:v45+s21+$0x0], $0xffff;
	v8 =	vor.u32 $0x180, v37;
	v11 =	vadd.f32 v11, v16  }
0x21e: {  	v6 =	vmul.f32 $1.442695020e+00, v6;
	(erf) = vpow2.f32 v7;
	v14 =	vld.idx.msk [tilespmem:v44+s21+$0x0], $0xffff  }
0x21f: {  	v7 =	vld.idx.msk [tilespmem:v10+s21+$0x0], $0xffff;
	v10 =	vpop (erf)  }
0x220: {  	(erf) = vpow2.f32 v6;
	v9 =	vld.idx.msk [tilespmem:v9+s21+$0x0], $0xffff;
	v10 =	vadd.f32 v11, v10  }
0x221: {  	v6 =	vld.idx.msk [tilespmem:v13+s21+$0x0], $0xffff;
	v12 =	vsub.f32 v12, v15;
	v11 =	vpop (erf)  }
0x222: {  	v13 =	vor.u32 $0x80, v36;
	v8 =	vld.idx.msk [tilespmem:v8+s21+$0x0], $0xffff;
	v15 =	vmov s30;
	v10 =	vadd.f32 v10, v11  }
0x223: {  	v14 =	vsub.f32 v14, v17;
	v21 =	vmul.f32 $2.812500000e-01, v12;
	v47 =	vmul.f32 $1.512500050e-01, v12;
	v11 =	vpop (erf)  }
0x224: {  	v58 =	vmul.f32 $1.012500000e-01, v12;
	v10 =	vadd.f32 v10, v11;
	v11 =	vor.u32 $0x80, v37  }
0x225: {  	v7 =	vsub.f32 v7, v9;
	v9 =	vmul.f32 $4.512499870e-01, v12;
	v19 =	vmul.f32 $3.612500130e-01, v14;
	v16 =	vpop (erf)  }
0x226: {  	v18 =	vld.idx.msk [tilespmem:v36+s21+$0x0], $0xffff;
	v23 =	vmul.f32 $2.812500000e-01, v14;
	v27 =	vmul.f32 $2.112500070e-01, v14;
	v10 =	vadd.f32 v10, v16  }
0x227: {  	v13 =	vld.idx.msk [tilespmem:v13+s21+$0x0], $0xffff;
	v48 =	vmul.f32 $1.512500050e-01, v14;
	v6 =	vsub.f32 v6, v8;
	v8 =	vmul.f32 $3.612500130e-01, v12;
	v17 =	vpop (erf)  }
0x228: {  	v20 =	vmul.f32 $9.499999880e-01, v7;
	v24 =	vmul.f32 $8.500000230e-01, v7;
	v10 =	vadd.f32 v10, v17;
	v17 =	vld.idx.msk [tilespmem:v37+s21+$0x0], $0xffff  }
0x229: {  	vm0 =	vlt.s32 v15, v2;
	v52 =	vmul.f32 $3.499999940e-01, v7;
	v54 =	vmul.f32 $2.500000000e-01, v7;
	v15 =	vpop (erf);
	v11 =	vld.idx.msk [tilespmem:v11+s21+$0x0], $0xffff  }
0x22a: {  	v56 =	vmul.f32 $1.500000060e-01, v7;
	v22 =	vmul.f32 $9.499999880e-01, v6;
	v10 =	vadd.f32 v10, v15  }
0x22b: {  	v26 =	vsel vm0, $0x0, v3;
	v25 =	vmul.f32 $8.500000230e-01, v6;
	v46 =	vmul.f32 $7.500000000e-01, v6  }
0x22c: {  	v49 =	vmul.f32 $6.499999760e-01, v6;
	v10 =	vmul.f32 v10, v26  }
0x22d: {  	v50 =	vmul.f32 $5.500000120e-01, v6;
	v26 =	vmul.f32 $7.500000000e-01, v7;
	v17 =	vsub.f32 v18, v17  }
0x22e: {  	v18 =	vmul.f32 $6.499999760e-01, v7;
	v11 =	vsub.f32 v13, v11;
	v5 =	vadd.f32 v10, v5  }
0x22f: {  	v51 =	vmul.f32 $4.499999880e-01, v6;
	v20 =	vadd.f32 v20, v17;
	v24 =	vadd.f32 v24, v17  }
0x230: {  	v53 =	vmul.f32 $3.499999940e-01, v6;
	v26 =	vadd.f32 v26, v17;
	v18 =	vadd.f32 v18, v17  }
0x231: {  	v55 =	vmul.f32 $2.500000000e-01, v6;
	v34 =	vadd.f32 v52, v17;
	v36 =	vadd.f32 v54, v17  }
0x232: {  	v13 =	vmul.f32 $5.500000120e-01, v7;
	v38 =	vadd.f32 v56, v17;
	v22 =	vadd.f32 v22, v11  }
0x233: {  	v10 =	vmul.f32 $4.499999880e-01, v7;
	v25 =	vadd.f32 v25, v11;
	v28 =	vadd.f32 v46, v11  }
0x234: {  	v57 =	vmul.f32 $1.500000060e-01, v6;
	v31 =	vadd.f32 v49, v11;
	v13 =	vadd.f32 v13, v17  }
0x235: {  	v6 =	vmul.f32 $5.000000070e-02, v6;
	v32 =	vadd.f32 v50, v11;
	v10 =	vadd.f32 v10, v17  }
0x236: {  	v7 =	vmul.f32 $5.000000070e-02, v7;
	v33 =	vadd.f32 v51, v11;
	v35 =	vadd.f32 v53, v11  }
0x237: {  	v16 =	vmul.f32 $4.512499870e-01, v14;
	v37 =	vadd.f32 v55, v11;
	v39 =	vadd.f32 v57, v11  }
0x238: {  	v15 =	vmul.f32 $2.112500070e-01, v12;
	v7 =	vadd.f32 v7, v17;
	v6 =	vadd.f32 v6, v11  }
0x239: {  	v11 =	vmul.f32 $1.012500000e-01, v14;
	v9 =	vadd.f32 v9, v20;
	v8 =	vadd.f32 v8, v24  }
0x23a: {  	v17 =	vmul.f32 $6.125000110e-02, v12;
	v21 =	vadd.f32 v21, v26;
	v15 =	vadd.f32 v15, v18  }
0x23b: {  	v20 =	vmul.f32 $6.125000110e-02, v14;
	v16 =	vadd.f32 v16, v22;
	v19 =	vadd.f32 v19, v25  }
0x23c: {  	v24 =	vmul.f32 $3.125000000e-02, v14;
	v23 =	vadd.f32 v23, v28;
	v18 =	vadd.f32 v27, v31  }
0x23d: {  	v22 =	vmul.f32 $3.125000000e-02, v12;
	v13 =	vadd.f32 v47, v13;
	v26 =	vadd.f32 v48, v32  }
0x23e: {  	v25 =	vmul.f32 $1.125000040e-02, v12;
	v10 =	vadd.f32 v58, v10;
	v11 =	vadd.f32 v11, v33  }
0x23f: {  	v27 =	vmul.f32 $1.125000040e-02, v14;
	v17 =	vadd.f32 v17, v34;
	v20 =	vadd.f32 v20, v35  }
0x240: {  	v12 =	vmul.f32 $1.249999970e-03, v12;
	v24 =	vadd.f32 v24, v37;
	v15 =	vadd.f32 $9.999999970e-07, v15  }
0x241: {  	v14 =	vmul.f32 $1.249999970e-03, v14;
	v22 =	vadd.f32 v22, v36;
	v25 =	vadd.f32 v25, v38  }
0x242: {  	v27 =	vadd.f32 v27, v39;
	v59 =	vadd.f32 v12, v7  }
0x243: {  	v6 =	vadd.f32 v14, v6;
	v7 =	vadd.f32 $9.999999970e-07, v9  }
0x244: {  	v9 =	vadd.f32 $9.999999970e-07, v16;
	v12 =	vadd.f32 $9.999999970e-07, v8  }
0x245: {  	v14 =	vadd.f32 $9.999999970e-07, v19;
	v16 =	vadd.f32 $9.999999970e-07, v21  }
0x246: {  	v19 =	vadd.f32 $9.999999970e-07, v23;
	v18 =	vadd.f32 $9.999999970e-07, v18  }
0x247: {  	v21 =	vadd.f32 $9.999999970e-07, v13;
	v26 =	vadd.f32 $9.999999970e-07, v26  }
0x248: {  	v60 =	vadd.f32 $9.999999970e-07, v10;
	v61 =	vadd.f32 $9.999999970e-07, v11;
	v11 =	vmul.f32 v15, v15  }
0x249: {  	s0 =	sadd.s32 $0x1, s0;
	v62 =	vadd.f32 $9.999999970e-07, v17;
	v8 =	vmul.f32 v7, v7;
	v7 =	vmul.f32 v12, v12  }
0x24a: {  	p4 =	seq.s32 s0, $0x0;
	v63 =	vadd.f32 $9.999999970e-07, v20;
	v9 =	vmul.f32 v9, v9;
	v10 =	vmul.f32 v16, v16  }
.Ltmp15:
0x24b: {  	v14 =	vmul.f32 v14, v14;
	v22 =	vadd.f32 $9.999999970e-07, v22;
	v13 =	vmul.f32 v19, v19;
	(pc) =	sbr.rel @p4 .LBB2_32-.Ltmp15, $4  }
0x24c: {  	v19 =	vadd.f32 $9.999999970e-07, v24;
	v12 =	vmul.f32 v21, v21;
	v17 =	vmul.f32 v18, v18  }
0x24d: {  	v23 =	vadd.f32 $9.999999970e-07, v25;
	v15 =	vmul.f32 v60, v60;
	v16 =	vmul.f32 v26, v26  }
0x24e: {  	v24 =	vadd.f32 $9.999999970e-07, v27;
	v18 =	vmul.f32 v62, v62;
	v20 =	vmul.f32 v61, v61  }
0x24f: {  	s1 =	simm.s32 $0xB3A0;
	p3 =	por $0x1, $0x1;
	s2 =	simm.s32 $0x0;
	v25 =	vadd.f32 $9.999999970e-07, v59;
	v21 =	vmul.f32 v22, v22;
	v22 =	vmul.f32 v63, v63  }
.LBB2_33:
0x250: {  	v26 =	vld [tilespmem:s1+$0x0];
	v27 =	vadd.f32 $9.999999970e-07, v6;
	v23 =	vmul.f32 v23, v23;
	v19 =	vmul.f32 v19, v19  }
0x251: {  	v24 =	vmul.f32 v24, v24;
	v7 =	vadd.f32 v14, v7;
	v6 =	vadd.f32 v9, v8  }
0x252: {  	v9 =	vadd.f32 v17, v11;
	v8 =	vadd.f32 v13, v10;
	v25 =	vmul.f32 v25, v25  }
0x253: {  	v11 =	vadd.f32 v20, v15;
	v10 =	vadd.f32 v16, v12;
	v17 =	vmul.f32 v27, v27  }
0x254: {  	v13 =	vadd.f32 v22, v18;
	v14 =	vadd.f32 v19, v21  }
0x255: {  	v16 =	vadd.f32 v24, v23;
	v17 =	vadd.f32 v17, v25;
	v12 =	vand.u32 $0x7F, v26  }
0x256: {  	v18 =	vmul.f32 $5.000000000e-01, v7;
	v19 =	vmul.f32 $5.000000000e-01, v6;
	v15 =	vshra.s32 v6, $0x1  }
0x257: {  	v20 =	vmul.f32 $5.000000000e-01, v8;
	v21 =	vshra.s32 v8, $0x1;
	v22 =	vshra.s32 v7, $0x1  }
0x258: {  	v23 =	vmul.f32 $5.000000000e-01, v10;
	v24 =	vmul.f32 $5.000000000e-01, v9;
	v25 =	vshra.s32 v9, $0x1  }
0x259: {  	v27 =	vmul.f32 $5.000000000e-01, v11;
	v28 =	vshra.s32 v11, $0x1;
	v29 =	vshra.s32 v10, $0x1  }
0x25a: {  	v31 =	vmul.f32 $5.000000000e-01, v13;
	v32 =	vshra.s32 v13, $0x1;
	v30 =	vmul.f32 $5.000000000e-01, v14  }
0x25b: {  	v33 =	vmul.f32 $5.000000000e-01, v16;
	v34 =	vshra.s32 v16, $0x1;
	v35 =	vshra.s32 v14, $0x1  }
0x25c: {  	v15 =	vsub.s32 $0x5F3759DF, v15;
	v36 =	vmul.f32 $5.000000000e-01, v17;
	v37 =	vshra.s32 v17, $0x1  }
0x25d: {  	s31 =	sadd.s32 $0x10, s31;
	v21 =	vsub.s32 $0x5F3759DF, v21;
	v22 =	vsub.s32 $0x5F3759DF, v22;
	v25 =	vsub.s32 $0x5F3759DF, v25  }
0x25e: {  	v28 =	vsub.s32 $0x5F3759DF, v28;
	v29 =	vsub.s32 $0x5F3759DF, v29;
	v39 =	vmul.f32 v15, v19;
	v38 =	vld [tilespmem:s31+$0x0]  }
0x25f: {  	v32 =	vsub.s32 $0x5F3759DF, v32;
	v40 =	vmul.f32 v21, v20;
	v41 =	vmul.f32 v22, v18  }
0x260: {  	v42 =	vmul.f32 v29, v23;
	v35 =	vsub.s32 $0x5F3759DF, v35;
	v43 =	vmul.f32 v25, v24  }
0x261: {  	v45 =	vmul.f32 v28, v27;
	v34 =	vsub.s32 $0x5F3759DF, v34;
	v44 =	vmul.f32 v32, v31  }
0x262: {  	v46 =	vmul.f32 v34, v33;
	v47 =	vmul.f32 v35, v30;
	v37 =	vsub.s32 $0x5F3759DF, v37  }
0x263: {  	v39 =	vmul.f32 v15, v39;
	v49 =	vmul.f32 v37, v36;
	v48 =	vand.u32 $0x7F, v38  }
0x264: {  	v26 =	vshll.u32 v26, $0x3;
	v40 =	vmul.f32 v21, v40;
	v41 =	vmul.f32 v22, v41  }
0x265: {  	v42 =	vmul.f32 v29, v42;
	v43 =	vmul.f32 v25, v43;
	v38 =	vshll.u32 v38, $0x3  }
0x266: {  	v45 =	vmul.f32 v28, v45;
	v44 =	vmul.f32 v32, v44;
	v39 =	vsub.f32 $1.500000000e+00, v39  }
0x267: {  	v47 =	vmul.f32 v35, v47;
	v40 =	vsub.f32 $1.500000000e+00, v40;
	v41 =	vsub.f32 $1.500000000e+00, v41  }
0x268: {  	v46 =	vmul.f32 v34, v46;
	v42 =	vsub.f32 $1.500000000e+00, v42;
	v43 =	vsub.f32 $1.500000000e+00, v43  }
0x269: {  	v45 =	vsub.f32 $1.500000000e+00, v45;
	v44 =	vsub.f32 $1.500000000e+00, v44;
	v49 =	vmul.f32 v37, v49  }
0x26a: {  	v47 =	vsub.f32 $1.500000000e+00, v47;
	v22 =	vmul.f32 v22, v41;
	v39 =	vmul.f32 v15, v39  }
0x26b: {  	v15 =	vsub.f32 $1.500000000e+00, v46;
	v21 =	vmul.f32 v21, v40;
	v25 =	vmul.f32 v25, v43  }
0x26c: {  	v28 =	vmul.f32 v28, v45;
	v29 =	vmul.f32 v29, v42;
	v40 =	vsub.f32 $1.500000000e+00, v49  }
0x26d: {  	v26 =	vand.u32 $0xFFFFFC00, v26;
	v32 =	vmul.f32 v32, v44;
	v35 =	vmul.f32 v35, v47  }
0x26e: {  	v34 =	vmul.f32 v34, v15;
	v37 =	vmul.f32 v37, v40;
	v38 =	vand.u32 $0xFFFFFC00, v38  }
0x26f: {  	v15 =	vor.u32 v12, v26;
	v18 =	vmul.f32 v22, v18;
	v19 =	vmul.f32 v39, v19  }
0x270: {  	v20 =	vmul.f32 v21, v20;
	v26 =	vmul.f32 v37, v36;
	v12 =	vor.u32 v48, v38  }
0x271: {  	v23 =	vmul.f32 v29, v23;
	v24 =	vmul.f32 v25, v24;
	v36 =	vor.u32 $0x200, v15  }
0x272: {  	v33 =	vmul.f32 v34, v33;
	v26 =	vmul.f32 v26, v37;
	v38 =	vor.u32 $0x200, v12  }
0x273: {  	v27 =	vmul.f32 v28, v27;
	v31 =	vmul.f32 v32, v31;
	v40 =	vor.u32 $0x280, v15  }
0x274: {  	v30 =	vmul.f32 v35, v30;
	v33 =	vmul.f32 v33, v34;
	v26 =	vsub.f32 $1.500000000e+00, v26  }
0x275: {  	v18 =	vmul.f32 v18, v22;
	v19 =	vmul.f32 v19, v39;
	v41 =	vor.u32 $0x280, v12  }
0x276: {  	v30 =	vmul.f32 v30, v35;
	v33 =	vsub.f32 $1.500000000e+00, v33;
	v26 =	vmul.f32 v26, v37  }
0x277: {  	v20 =	vmul.f32 v20, v21;
	v31 =	vmul.f32 v31, v32;
	v37 =	vor.u32 $0x100, v15  }
0x278: {  	v30 =	vsub.f32 $1.500000000e+00, v30;
	v17 =	vmul.f32 v26, v17;
	v26 =	vmul.f32 v33, v34  }
0x279: {  	v27 =	vmul.f32 v27, v28;
	v24 =	vmul.f32 v24, v25;
	v31 =	vsub.f32 $1.500000000e+00, v31  }
0x27a: {  	v17 =	vsub.f32 $0.0e+00, v17;
	v16 =	vmul.f32 v26, v16;
	v26 =	vmul.f32 v30, v35  }
0x27b: {  	v23 =	vmul.f32 v23, v29;
	v27 =	vsub.f32 $1.500000000e+00, v27;
	v30 =	vmul.f32 v31, v32  }
0x27c: {  	v17 =	vmul.f32 $1.442695020e+00, v17;
	v16 =	vsub.f32 $0.0e+00, v16;
	v14 =	vmul.f32 v26, v14  }
0x27d: {  	v23 =	vsub.f32 $1.500000000e+00, v23;
	v13 =	vmul.f32 v30, v13;
	v26 =	vmul.f32 v27, v28  }
0x27e: {  	v16 =	vmul.f32 $1.442695020e+00, v16;
	v14 =	vsub.f32 $0.0e+00, v14;
	(erf) = vpow2.f32 v17  }
0x27f: {  	v11 =	vmul.f32 v26, v11;
	v17 =	vmul.f32 v23, v29;
	v23 =	vsub.f32 $1.500000000e+00, v24  }
0x280: {  	v13 =	vsub.f32 $0.0e+00, v13;
	v14 =	vmul.f32 $1.442695020e+00, v14;
	(erf) = vpow2.f32 v16  }
0x281: {  	v10 =	vmul.f32 v17, v10;
	v16 =	vmul.f32 v23, v25;
	v17 =	vsub.f32 $1.500000000e+00, v20  }
0x282: {  	v13 =	vmul.f32 $1.442695020e+00, v13;
	v11 =	vsub.f32 $0.0e+00, v11;
	(erf) = vpow2.f32 v14  }
0x283: {  	v9 =	vmul.f32 v16, v9;
	v14 =	vmul.f32 v17, v21;
	v16 =	vsub.f32 $1.500000000e+00, v18  }
0x284: {  	v11 =	vmul.f32 $1.442695020e+00, v11;
	v10 =	vsub.f32 $0.0e+00, v10;
	(erf) = vpow2.f32 v13  }
0x285: {  	v8 =	vmul.f32 v14, v8;
	v16 =	vmul.f32 v16, v22;
	v14 =	vsub.f32 $1.500000000e+00, v19  }
0x286: {  	v10 =	vmul.f32 $1.442695020e+00, v10;
	v9 =	vsub.f32 $0.0e+00, v9;
	(erf) = vpow2.f32 v11  }
0x287: {  	v8 =	vsub.f32 $0.0e+00, v8;
	v7 =	vmul.f32 v16, v7;
	v14 =	vmul.f32 v14, v39;
	v13 =	vpop (erf)  }
0x288: {  	v9 =	vmul.f32 $1.442695020e+00, v9;
	v13 =	vadd.f32 $0.0e+00, v13;
	(erf) = vpow2.f32 v10  }
0x289: {  	v10 =	vor.u32 $0x100, v12;
	v7 =	vsub.f32 $0.0e+00, v7;
	v6 =	vmul.f32 v14, v6;
	v11 =	vpop (erf)  }
0x28a: {  	v8 =	vmul.f32 $1.442695020e+00, v8;
	v14 =	vld.idx.msk [tilespmem:v36+s21+$0x0], $0xffff;
	v11 =	vadd.f32 v13, v11;
	(erf) = vpow2.f32 v9  }
0x28b: {  	v9 =	vor.u32 $0x180, v15;
	v13 =	vor.u32 $0x180, v12;
	v6 =	vsub.f32 $0.0e+00, v6;
	v16 =	vld.idx.msk [tilespmem:v38+s21+$0x0], $0xffff;
	v17 =	vpop (erf)  }
0x28c: {  	v7 =	vmul.f32 $1.442695020e+00, v7;
	v18 =	vld.idx.msk [tilespmem:v40+s21+$0x0], $0xffff;
	v11 =	vadd.f32 v11, v17;
	(erf) = vpow2.f32 v8  }
0x28d: {  	v8 =	vld.idx.msk [tilespmem:v41+s21+$0x0], $0xffff;
	v17 =	vpop (erf)  }
0x28e: {  	v6 =	vmul.f32 $1.442695020e+00, v6;
	v19 =	vld.idx.msk [tilespmem:v37+s21+$0x0], $0xffff;
	v17 =	vadd.f32 v11, v17;
	(erf) = vpow2.f32 v7  }
0x28f: {  	v7 =	vld.idx.msk [tilespmem:v10+s21+$0x0], $0xffff;
	v10 =	vpop (erf)  }
0x290: {  	v9 =	vld.idx.msk [tilespmem:v9+s21+$0x0], $0xffff;
	v10 =	vadd.f32 v17, v10;
	(erf) = vpow2.f32 v6  }
0x291: {  	v6 =	vld.idx.msk [tilespmem:v13+s21+$0x0], $0xffff;
	v11 =	vpop (erf)  }
0x292: {  	v10 =	vadd.f32 v10, v11  }
0x293: {  	v11 =	vpop (erf)  }
0x294: {  	s2 =	sadd.s32 $0x10, s2;
	v14 =	vsub.f32 v14, v16;
	v13 =	vor.u32 $0x80, v15;
	v10 =	vadd.f32 v10, v11  }
0x295: {  	v16 =	vmov s2;
	v8 =	vsub.f32 v18, v8;
	v11 =	vor.u32 $0x80, v12;
	v17 =	vpop (erf)  }
0x296: {  	v18 =	vmul.f32 $4.512499870e-01, v14;
	v7 =	vsub.f32 v19, v7;
	v10 =	vadd.f32 v10, v17  }
0x297: {  	v6 =	vsub.f32 v9, v6;
	v9 =	vmul.f32 $3.612500130e-01, v14;
	v17 =	vmul.f32 $4.512499870e-01, v8;
	v15 =	vld.idx.msk [tilespmem:v15+s21+$0x0], $0xffff;
	v19 =	vpop (erf)  }
0x298: {  	v20 =	vmul.f32 $3.612500130e-01, v8;
	v21 =	vmul.f32 $9.499999880e-01, v7;
	v12 =	vld.idx.msk [tilespmem:v12+s21+$0x0], $0xffff;
	v10 =	vadd.f32 v10, v19  }
0x299: {  	vm0 =	vlt.s32 v16, v2;
	v19 =	vmul.f32 $2.812500000e-01, v14;
	v22 =	vmul.f32 $9.499999880e-01, v6;
	v13 =	vld.idx.msk [tilespmem:v13+s21+$0x0], $0xffff;
	v16 =	vpop (erf)  }
0x29a: {  	v23 =	vmul.f32 $2.812500000e-01, v8;
	v24 =	vmul.f32 $8.500000230e-01, v7;
	v11 =	vld.idx.msk [tilespmem:v11+s21+$0x0], $0xffff;
	v10 =	vadd.f32 v10, v16  }
0x29b: {  	v26 =	vsel vm0, $0x0, v3;
	v25 =	vmul.f32 $8.500000230e-01, v6;
	v16 =	vmul.f32 $2.112500070e-01, v14  }
0x29c: {  	v27 =	vmul.f32 $2.112500070e-01, v8;
	v10 =	vmul.f32 v10, v26  }
0x29d: {  	v28 =	vmul.f32 $7.500000000e-01, v6;
	v26 =	vmul.f32 $7.500000000e-01, v7  }
0x29e: {  	v29 =	vmul.f32 $1.512500050e-01, v14;
	v30 =	vmul.f32 $1.512500050e-01, v8;
	v5 =	vadd.f32 v10, v5  }
0x29f: {  	v10 =	vsub.f32 v15, v12;
	v12 =	vmul.f32 $6.499999760e-01, v7;
	v15 =	vmul.f32 $6.499999760e-01, v6  }
0x2a0: {  	v31 =	vmul.f32 $5.500000120e-01, v6;
	v11 =	vsub.f32 v13, v11;
	v13 =	vmul.f32 $5.500000120e-01, v7  }
0x2a1: {  	v32 =	vmul.f32 $4.499999880e-01, v7;
	v33 =	vmul.f32 $4.499999880e-01, v6  }
0x2a2: {  	v34 =	vmul.f32 $3.499999940e-01, v7;
	v21 =	vadd.f32 v21, v10;
	v22 =	vadd.f32 v22, v11  }
0x2a3: {  	v35 =	vmul.f32 $3.499999940e-01, v6;
	v24 =	vadd.f32 v24, v10;
	v25 =	vadd.f32 v25, v11  }
0x2a4: {  	v36 =	vmul.f32 $2.500000000e-01, v7;
	v26 =	vadd.f32 v26, v10;
	v28 =	vadd.f32 v28, v11  }
0x2a5: {  	v37 =	vmul.f32 $2.500000000e-01, v6;
	v12 =	vadd.f32 v12, v10;
	v15 =	vadd.f32 v15, v11  }
0x2a6: {  	v38 =	vmul.f32 $1.500000060e-01, v7;
	v13 =	vadd.f32 v13, v10;
	v31 =	vadd.f32 v31, v11  }
0x2a7: {  	v39 =	vmul.f32 $1.500000060e-01, v6;
	v32 =	vadd.f32 v32, v10;
	v33 =	vadd.f32 v33, v11  }
0x2a8: {  	v7 =	vmul.f32 $5.000000070e-02, v7;
	v34 =	vadd.f32 v34, v10;
	v35 =	vadd.f32 v35, v11  }
0x2a9: {  	v6 =	vmul.f32 $5.000000070e-02, v6;
	v36 =	vadd.f32 v36, v10;
	v37 =	vadd.f32 v37, v11  }
0x2aa: {  	v40 =	vmul.f32 $1.012500000e-01, v14;
	v38 =	vadd.f32 v38, v10;
	v39 =	vadd.f32 v39, v11  }
0x2ab: {  	v7 =	vadd.f32 v7, v10;
	v6 =	vadd.f32 v6, v11;
	v10 =	vmul.f32 $1.012500000e-01, v8  }
0x2ac: {  	v11 =	vmul.f32 $6.125000110e-02, v14;
	v18 =	vadd.f32 v18, v21;
	v17 =	vadd.f32 v17, v22  }
0x2ad: {  	v21 =	vmul.f32 $6.125000110e-02, v8;
	v9 =	vadd.f32 v9, v24;
	v20 =	vadd.f32 v20, v25  }
0x2ae: {  	v19 =	vadd.f32 v19, v26;
	v22 =	vmul.f32 $3.125000000e-02, v14;
	v23 =	vadd.f32 v23, v28  }
0x2af: {  	v24 =	vmul.f32 $3.125000000e-02, v8;
	v12 =	vadd.f32 v16, v12;
	v15 =	vadd.f32 v27, v15  }
0x2b0: {  	v16 =	vmul.f32 $1.125000040e-02, v14;
	v13 =	vadd.f32 v29, v13;
	v25 =	vadd.f32 v30, v31  }
0x2b1: {  	v26 =	vmul.f32 $1.125000040e-02, v8;
	v27 =	vadd.f32 v40, v32;
	v10 =	vadd.f32 v10, v33  }
0x2b2: {  	v14 =	vmul.f32 $1.249999970e-03, v14;
	v11 =	vadd.f32 v11, v34;
	v21 =	vadd.f32 v21, v35  }
0x2b3: {  	v8 =	vmul.f32 $1.249999970e-03, v8;
	v24 =	vadd.f32 v24, v37;
	v22 =	vadd.f32 v22, v36  }
0x2b4: {  	v16 =	vadd.f32 v16, v38;
	v26 =	vadd.f32 v26, v39  }
0x2b5: {  	v6 =	vadd.f32 v8, v6;
	v28 =	vadd.f32 v14, v7  }
0x2b6: {  	v7 =	vadd.f32 $9.999999970e-07, v18;
	v14 =	vadd.f32 $9.999999970e-07, v17  }
0x2b7: {  	v9 =	vadd.f32 $9.999999970e-07, v9;
	v17 =	vadd.f32 $9.999999970e-07, v20  }
0x2b8: {  	s0 =	sadd.s32 $0x1, s0;
	v18 =	vadd.f32 $9.999999970e-07, v19;
	v19 =	vadd.f32 $9.999999970e-07, v23  }
0x2b9: {  	p4 =	seq.s32 s0, $0x0;
	v12 =	vadd.f32 $9.999999970e-07, v12;
	v15 =	vadd.f32 $9.999999970e-07, v15  }
0x2ba: {  	v20 =	vadd.f32 $9.999999970e-07, v13;
	v25 =	vadd.f32 $9.999999970e-07, v25  }
0x2bb: {  	v27 =	vadd.f32 $9.999999970e-07, v27;
	v29 =	vadd.f32 $9.999999970e-07, v10;
	v8 =	vmul.f32 v7, v7  }
0x2bc: {  	v30 =	vadd.f32 $9.999999970e-07, v11;
	v7 =	vmul.f32 v9, v9;
	v9 =	vmul.f32 v14, v14  }
0x2bd: {  	v31 =	vadd.f32 $9.999999970e-07, v21;
	v10 =	vmul.f32 v18, v18;
	v14 =	vmul.f32 v17, v17  }
.Ltmp16:
0x2be: {  	v11 =	vmul.f32 v12, v12;
	v21 =	vadd.f32 $9.999999970e-07, v22;
	v13 =	vmul.f32 v19, v19;
	(pc) =	sbr.rel @!p4 .LBB2_33-.Ltmp16, $4  }
0x2bf: {  	v19 =	vadd.f32 $9.999999970e-07, v24;
	v12 =	vmul.f32 v20, v20;
	v17 =	vmul.f32 v15, v15  }
0x2c0: {  	v23 =	vadd.f32 $9.999999970e-07, v16;
	v15 =	vmul.f32 v27, v27;
	v16 =	vmul.f32 v25, v25  }
0x2c1: {  	v24 =	vadd.f32 $9.999999970e-07, v26;
	v18 =	vmul.f32 v30, v30;
	v20 =	vmul.f32 v29, v29  }
0x2c2: {  	s1 =	sadd.s32 $0x10, s1;
	v25 =	vadd.f32 $9.999999970e-07, v28;
	v22 =	vmul.f32 v31, v31;
	v21 =	vmul.f32 v21, v21  }
.LBB2_34:
0x2c3: {  	v26 =	vadd.f32 $9.999999970e-07, v6;
	v23 =	vmul.f32 v23, v23;
	v7 =	vadd.f32 v14, v7  }
0x2c4: {  	v19 =	vmul.f32 v19, v19;
	v6 =	vadd.f32 v9, v8;
	v9 =	vadd.f32 v17, v11  }
0x2c5: {  	v24 =	vmul.f32 v24, v24;
	v8 =	vadd.f32 v13, v10;
	v50 =	vadd.f32 v20, v15  }
0x2c6: {  	v12 =	vadd.f32 v16, v12;
	v48 =	vmul.f32 v25, v25;
	v52 =	vadd.f32 v22, v18  }
0x2c7: {  	v49 =	vmul.f32 v26, v26;
	v51 =	vadd.f32 v19, v21;
	v53 =	vadd.f32 v24, v23  }
0x2c8: {  	v54 =	vmul.f32 $5.000000000e-01, v7;
	v55 =	vmul.f32 $5.000000000e-01, v6;
	v56 =	vshra.s32 v6, $0x1  }
0x2c9: {  	v57 =	vmul.f32 $5.000000000e-01, v8;
	v58 =	vshra.s32 v8, $0x1;
	v59 =	vshra.s32 v7, $0x1  }
0x2ca: {  	v60 =	vmul.f32 $5.000000000e-01, v12;
	v61 =	vmul.f32 $5.000000000e-01, v9;
	v62 =	vshra.s32 v9, $0x1  }
0x2cb: {  	v63 =	vmul.f32 $5.000000000e-01, v50;
	v46 =	vshra.s32 v50, $0x1;
	v27 =	vshra.s32 v12, $0x1  }
0x2cc: {  	v29 =	vmul.f32 $5.000000000e-01, v52;
	v30 =	vshra.s32 v52, $0x1;
	v18 =	vsub.s32 $0x5F3759DF, v56  }
0x2cd: {  	v24 =	vsub.s32 $0x5F3759DF, v62;
	v20 =	vsub.s32 $0x5F3759DF, v58;
	v21 =	vsub.s32 $0x5F3759DF, v59  }
0x2ce: {  	v26 =	vsub.s32 $0x5F3759DF, v46;
	v27 =	vsub.s32 $0x5F3759DF, v27;
	v10 =	vadd.f32 v49, v48  }
0x2cf: {  	v28 =	vmul.f32 $5.000000000e-01, v51;
	v31 =	vmul.f32 $5.000000000e-01, v53;
	v32 =	vshra.s32 v53, $0x1  }
0x2d0: {  	v33 =	vshra.s32 v51, $0x1;
	v36 =	vmul.f32 v18, v55;
	v37 =	vmul.f32 v20, v57  }
0x2d1: {  	v30 =	vsub.s32 $0x5F3759DF, v30;
	v38 =	vmul.f32 v21, v54;
	v39 =	vmul.f32 v27, v60  }
0x2d2: {  	v40 =	vmul.f32 v24, v61;
	v42 =	vmul.f32 v26, v63;
	v33 =	vsub.s32 $0x5F3759DF, v33  }
0x2d3: {  	v32 =	vsub.s32 $0x5F3759DF, v32;
	v41 =	vmul.f32 v30, v29;
	v34 =	vmul.f32 $5.000000000e-01, v10  }
0x2d4: {  	v43 =	vmul.f32 v32, v31;
	v44 =	vmul.f32 v33, v28  }
0x2d5: {  	v36 =	vmul.f32 v18, v36;
	v37 =	vmul.f32 v20, v37  }
0x2d6: {  	v35 =	vshra.s32 v10, $0x1;
	v38 =	vmul.f32 v21, v38;
	v39 =	vmul.f32 v27, v39  }
0x2d7: {  	v40 =	vmul.f32 v24, v40;
	v42 =	vmul.f32 v26, v42;
	v35 =	vsub.s32 $0x5F3759DF, v35  }
0x2d8: {  	v41 =	vmul.f32 v30, v41;
	v45 =	vmul.f32 v35, v34;
	v36 =	vsub.f32 $1.500000000e+00, v36  }
0x2d9: {  	v44 =	vmul.f32 v33, v44;
	v37 =	vsub.f32 $1.500000000e+00, v37;
	v38 =	vsub.f32 $1.500000000e+00, v38  }
0x2da: {  	v43 =	vmul.f32 v32, v43;
	v39 =	vsub.f32 $1.500000000e+00, v39;
	v40 =	vsub.f32 $1.500000000e+00, v40  }
0x2db: {  	v42 =	vsub.f32 $1.500000000e+00, v42;
	v41 =	vsub.f32 $1.500000000e+00, v41;
	v45 =	vmul.f32 v35, v45  }
0x2dc: {  	v44 =	vsub.f32 $1.500000000e+00, v44;
	v21 =	vmul.f32 v21, v38;
	v18 =	vmul.f32 v18, v36  }
0x2dd: {  	v47 =	vsub.f32 $1.500000000e+00, v43;
	v24 =	vmul.f32 v24, v40;
	v20 =	vmul.f32 v20, v37  }
0x2de: {  	v26 =	vmul.f32 v26, v42;
	v27 =	vmul.f32 v27, v39;
	v48 =	vsub.f32 $1.500000000e+00, v45  }
0x2df: {  	v30 =	vmul.f32 v30, v41;
	v33 =	vmul.f32 v33, v44  }
0x2e0: {  	v32 =	vmul.f32 v32, v47;
	v35 =	vmul.f32 v35, v48  }
0x2e1: {  	v16 =	vmul.f32 v21, v54;
	v17 =	vmul.f32 v18, v55  }
0x2e2: {  	v19 =	vmul.f32 v20, v57;
	v34 =	vmul.f32 v35, v34  }
0x2e3: {  	v22 =	vmul.f32 v27, v60;
	v23 =	vmul.f32 v24, v61  }
0x2e4: {  	v31 =	vmul.f32 v32, v31;
	v34 =	vmul.f32 v34, v35  }
0x2e5: {  	v25 =	vmul.f32 v26, v63;
	v29 =	vmul.f32 v30, v29  }
0x2e6: {  	v28 =	vmul.f32 v33, v28;
	v31 =	vmul.f32 v31, v32;
	v34 =	vsub.f32 $1.500000000e+00, v34  }
0x2e7: {  	v16 =	vmul.f32 v16, v21;
	v17 =	vmul.f32 v17, v18  }
0x2e8: {  	v28 =	vmul.f32 v28, v33;
	v31 =	vsub.f32 $1.500000000e+00, v31;
	v34 =	vmul.f32 v34, v35  }
0x2e9: {  	v19 =	vmul.f32 v19, v20;
	v29 =	vmul.f32 v29, v30  }
0x2ea: {  	v28 =	vsub.f32 $1.500000000e+00, v28;
	v31 =	vmul.f32 v31, v32;
	v10 =	vmul.f32 v34, v10  }
0x2eb: {  	v25 =	vmul.f32 v25, v26;
	v23 =	vmul.f32 v23, v24;
	v29 =	vsub.f32 $1.500000000e+00, v29  }
0x2ec: {  	v28 =	vmul.f32 v28, v33;
	v14 =	vmul.f32 v31, v53;
	v10 =	vsub.f32 $0.0e+00, v10  }
0x2ed: {  	v22 =	vmul.f32 v22, v27;
	v25 =	vsub.f32 $1.500000000e+00, v25;
	v29 =	vmul.f32 v29, v30  }
0x2ee: {  	v13 =	vmul.f32 v28, v51;
	v14 =	vsub.f32 $0.0e+00, v14;
	v10 =	vmul.f32 $1.442695020e+00, v10  }
0x2ef: {  	v25 =	vmul.f32 v25, v26;
	v15 =	vmul.f32 v29, v52  }
0x2f0: {  	v13 =	vsub.f32 $0.0e+00, v13;
	v14 =	vmul.f32 $1.442695020e+00, v14;
	(erf) = vpow2.f32 v10  }
0x2f1: {  	v22 =	vsub.f32 $1.500000000e+00, v22;
	v55 =	vsub.f32 $1.500000000e+00, v16;
	v49 =	vmul.f32 v25, v50  }
0x2f2: {  	v15 =	vsub.f32 $0.0e+00, v15;
	v13 =	vmul.f32 $1.442695020e+00, v13;
	(erf) = vpow2.f32 v14  }
0x2f3: {  	v56 =	vmul.f32 v55, v21;
	v50 =	vmul.f32 v22, v27;
	v51 =	vsub.f32 $1.500000000e+00, v23  }
0x2f4: {  	v15 =	vmul.f32 $1.442695020e+00, v15;
	v10 =	vsub.f32 $0.0e+00, v49;
	(erf) = vpow2.f32 v13  }
0x2f5: {  	v11 =	vmul.f32 v50, v12;
	v53 =	vsub.f32 $1.500000000e+00, v19;
	v52 =	vmul.f32 v51, v24  }
0x2f6: {  	v10 =	vmul.f32 $1.442695020e+00, v10;
	(erf) = vpow2.f32 v15  }
0x2f7: {  	v54 =	vmul.f32 v53, v20;
	v11 =	vsub.f32 $0.0e+00, v11;
	v9 =	vmul.f32 v52, v9  }
0x2f8: {  	v57 =	vsub.f32 $1.500000000e+00, v17;
	v7 =	vmul.f32 v56, v7;
	(erf) = vpow2.f32 v10  }
0x2f9: {  	v8 =	vmul.f32 v54, v8;
	v11 =	vmul.f32 $1.442695020e+00, v11;
	v9 =	vsub.f32 $0.0e+00, v9;
	v59 =	vpop (erf)  }
0x2fa: {  	v58 =	vmul.f32 v57, v18;
	v7 =	vsub.f32 $0.0e+00, v7;
	v12 =	vadd.f32 $0.0e+00, v59  }
0x2fb: {  	v8 =	vsub.f32 $0.0e+00, v8;
	v9 =	vmul.f32 $1.442695020e+00, v9;
	(erf) = vpow2.f32 v11;
	v60 =	vpop (erf)  }
0x2fc: {  	v6 =	vmul.f32 v58, v6;
	v7 =	vmul.f32 $1.442695020e+00, v7;
	v10 =	vadd.f32 v12, v60  }
0x2fd: {  	v8 =	vmul.f32 $1.442695020e+00, v8;
	(erf) = vpow2.f32 v9;
	v61 =	vpop (erf)  }
0x2fe: {  	v6 =	vsub.f32 $0.0e+00, v6;
	v9 =	vadd.f32 v10, v61  }
0x2ff: {  	(erf) = vpow2.f32 v8;
	v62 =	vpop (erf)  }
0x300: {  	v6 =	vmul.f32 $1.442695020e+00, v6;
	v8 =	vadd.f32 v9, v62  }
0x301: {  	(erf) = vpow2.f32 v7;
	v7 =	vpop (erf)  }
0x302: {  	v7 =	vadd.f32 v8, v7  }
0x303: {  	(erf) = vpow2.f32 v6  }
0x304: {  	v6 =	vpop (erf)  }
0x305: {  	v6 =	vadd.f32 v7, v6  }
0x306: {  	v7 =	vpop (erf)  }
0x307: {  	v6 =	vadd.f32 v6, v7  }
0x308: {  	v7 =	vpop (erf)  }
0x309: {  	v6 =	vadd.f32 v6, v7  }
0x30a: {  	s0 =	sadd.s32 @p3 $0x10, s2;
	v7 =	vpop (erf)  }
0x30b: {  	s30 =	smov.u32 @p3 s0;
	v6 =	vadd.f32 v6, v7  }
0x30c: {  	v63 =	vpop (erf);
	v7 =	vmov s30  }
0x30d: {  	vm0 =	vlt.s32 v7, v2;
	v6 =	vadd.f32 v6, v63  }
0x30e: {  	v7 =	vsel vm0, $0x0, v3  }
0x30f: {  	v6 =	vmul.f32 v6, v7;
	_ =	sdelay $0x1  }
0x310: {  	v5 =	vadd.f32 v6, v5  }
.LBB2_25:
.Ltmp17:
0x311: {  	(pc) =	sbr.rel @!p2 .LBB2_29-.Ltmp17, $1  }
0x312: {  	_ =	sdelay $0x3  }
0x313: {  	v6 =	vld [tilespmem:s19+$0x0]  }
0x314: {  	v7 =	vld [tilespmem:s20+$0x0];
	_ =	sdelay $0x3  }
0x315: {  	v8 =	vshll.u32 v6, $0x3  }
0x316: {  	v6 =	vand.u32 $0x7F, v6;
	v9 =	vshll.u32 v7, $0x3;
	v8 =	vand.u32 $0xFFFFFC00, v8  }
0x317: {  	v7 =	vand.u32 $0x7F, v7;
	v9 =	vand.u32 $0xFFFFFC00, v9;
	v6 =	vor.u32 v6, v8  }
0x318: {  	v7 =	vor.u32 v7, v9;
	v8 =	vor.u32 $0x200, v6  }
0x319: {  	v9 =	vor.u32 $0x200, v7  }
0x31a: {  	v10 =	vor.u32 $0x280, v6  }
0x31b: {  	v11 =	vor.u32 $0x280, v7  }
0x31c: {  	v12 =	vor.u32 $0x100, v6  }
0x31d: {  	v13 =	vor.u32 $0x100, v7;
	v8 =	vld.idx.msk [tilespmem:v8+s21+$0x0], $0xffff  }
0x31e: {  	v14 =	vor.u32 $0x180, v6;
	v9 =	vld.idx.msk [tilespmem:v9+s21+$0x0], $0xffff  }
0x31f: {  	v15 =	vor.u32 $0x180, v7;
	v10 =	vld.idx.msk [tilespmem:v10+s21+$0x0], $0xffff  }
0x320: {  	v11 =	vld.idx.msk [tilespmem:v11+s21+$0x0], $0xffff  }
0x321: {  	v12 =	vld.idx.msk [tilespmem:v12+s21+$0x0], $0xffff  }
0x322: {  	v13 =	vld.idx.msk [tilespmem:v13+s21+$0x0], $0xffff  }
0x323: {  	v14 =	vld.idx.msk [tilespmem:v14+s21+$0x0], $0xffff  }
0x324: {  	v15 =	vld.idx.msk [tilespmem:v15+s21+$0x0], $0xffff;
	_ =	sdelay $0x2  }
0x325: {  	v8 =	vsub.f32 v8, v9;
	v9 =	vsub.f32 v10, v11  }
0x326: {  	v11 =	vsub.f32 v12, v13  }
0x327: {  	v12 =	vsub.f32 v14, v15;
	v13 =	vmul.f32 $4.512499870e-01, v8;
	v14 =	vmul.f32 $4.512499870e-01, v9  }
0x328: {  	v15 =	vmul.f32 $3.612500130e-01, v8;
	v17 =	vmul.f32 $3.612500130e-01, v9  }
0x329: {  	v16 =	vor.u32 $0x80, v6;
	v6 =	vld.idx.msk [tilespmem:v6+s21+$0x0], $0xffff;
	v18 =	vmul.f32 $9.499999880e-01, v11;
	v19 =	vmul.f32 $9.499999880e-01, v12  }
0x32a: {  	v10 =	vor.u32 $0x80, v7;
	v7 =	vld.idx.msk [tilespmem:v7+s21+$0x0], $0xffff;
	v20 =	vmul.f32 $2.812500000e-01, v8;
	v21 =	vmul.f32 $2.812500000e-01, v9  }
0x32b: {  	v22 =	vmul.f32 $8.500000230e-01, v11;
	v23 =	vmul.f32 $8.500000230e-01, v12  }
0x32c: {  	v24 =	vmul.f32 $2.112500070e-01, v8;
	v25 =	vmul.f32 $2.112500070e-01, v9  }
0x32d: {  	v26 =	vmul.f32 $7.500000000e-01, v11;
	v27 =	vmul.f32 $7.500000000e-01, v12  }
0x32e: {  	v28 =	vmul.f32 $1.512500050e-01, v8;
	v29 =	vmul.f32 $1.512500050e-01, v9  }
0x32f: {  	v30 =	vmul.f32 $6.499999760e-01, v12;
	v31 =	vmul.f32 $5.500000120e-01, v12;
	v6 =	vsub.f32 v6, v7  }
0x330: {  	v16 =	vld.idx.msk [tilespmem:v16+s21+$0x0], $0xffff;
	v32 =	vmul.f32 $4.499999880e-01, v11;
	v33 =	vmul.f32 $4.499999880e-01, v12  }
0x331: {  	v34 =	vmul.f32 $3.499999940e-01, v11;
	v10 =	vld.idx.msk [tilespmem:v10+s21+$0x0], $0xffff;
	v7 =	vmul.f32 $6.499999760e-01, v11;
	v18 =	vadd.f32 v18, v6  }
0x332: {  	v36 =	vmul.f32 $2.500000000e-01, v11;
	v22 =	vadd.f32 v22, v6;
	v26 =	vadd.f32 v26, v6  }
0x333: {  	v38 =	vmul.f32 $1.500000060e-01, v11;
	v7 =	vadd.f32 v7, v6;
	v32 =	vadd.f32 v32, v6  }
0x334: {  	v35 =	vmul.f32 $3.499999940e-01, v12;
	v34 =	vadd.f32 v34, v6;
	v36 =	vadd.f32 v36, v6  }
0x335: {  	v37 =	vmul.f32 $2.500000000e-01, v12;
	v38 =	vadd.f32 v38, v6;
	v13 =	vadd.f32 v13, v18  }
0x336: {  	v7 =	vadd.f32 v24, v7;
	v24 =	vmul.f32 $1.125000040e-02, v8;
	v10 =	vsub.f32 v16, v10  }
0x337: {  	v39 =	vmul.f32 $1.500000060e-01, v12;
	v15 =	vadd.f32 v15, v22;
	v20 =	vadd.f32 v20, v26  }
0x338: {  	v16 =	vmul.f32 $5.500000120e-01, v11;
	v24 =	vadd.f32 v24, v38;
	v19 =	vadd.f32 v19, v10  }
0x339: {  	v12 =	vmul.f32 $5.000000070e-02, v12;
	v23 =	vadd.f32 v23, v10;
	v27 =	vadd.f32 v27, v10  }
0x33a: {  	v40 =	vmul.f32 $1.012500000e-01, v8;
	v30 =	vadd.f32 v30, v10;
	v16 =	vadd.f32 v16, v6  }
0x33b: {  	v11 =	vmul.f32 $5.000000070e-02, v11;
	v31 =	vadd.f32 v31, v10;
	v33 =	vadd.f32 v33, v10  }
0x33c: {  	v18 =	vmul.f32 $6.125000110e-02, v9;
	v35 =	vadd.f32 v35, v10;
	v37 =	vadd.f32 v37, v10  }
0x33d: {  	v22 =	vmul.f32 $3.125000000e-02, v9;
	v39 =	vadd.f32 v39, v10;
	v6 =	vadd.f32 v11, v6  }
0x33e: {  	v26 =	vmul.f32 $1.125000040e-02, v9;
	v10 =	vadd.f32 v12, v10;
	v14 =	vadd.f32 v14, v19  }
0x33f: {  	v11 =	vmul.f32 $1.012500000e-01, v9;
	v17 =	vadd.f32 v17, v23;
	v21 =	vadd.f32 v21, v27  }
0x340: {  	v12 =	vmul.f32 $6.125000110e-02, v8;
	v23 =	vadd.f32 v25, v30;
	v16 =	vadd.f32 v28, v16  }
0x341: {  	v9 =	vmul.f32 $1.249999970e-03, v9;
	v25 =	vadd.f32 v29, v31;
	v27 =	vadd.f32 v40, v32  }
0x342: {  	v19 =	vmul.f32 $3.125000000e-02, v8;
	v11 =	vadd.f32 v11, v33;
	v12 =	vadd.f32 v12, v34  }
0x343: {  	v8 =	vmul.f32 $1.249999970e-03, v8;
	v18 =	vadd.f32 v18, v35;
	v22 =	vadd.f32 v22, v37  }
0x344: {  	v26 =	vadd.f32 v26, v39;
	v19 =	vadd.f32 v19, v36  }
0x345: {  	v60 =	vadd.f32 v8, v6;
	v6 =	vadd.f32 v9, v10  }
0x346: {  	v8 =	vadd.f32 $9.999999970e-07, v13;
	v9 =	vadd.f32 $9.999999970e-07, v14  }
0x347: {  	v10 =	vadd.f32 $9.999999970e-07, v15;
	v13 =	vadd.f32 $9.999999970e-07, v17  }
0x348: {  	v14 =	vadd.f32 $9.999999970e-07, v20;
	v15 =	vadd.f32 $9.999999970e-07, v21  }
0x349: {  	v17 =	vadd.f32 $9.999999970e-07, v7;
	v20 =	vadd.f32 $9.999999970e-07, v23  }
0x34a: {  	v16 =	vadd.f32 $9.999999970e-07, v16;
	v21 =	vadd.f32 $9.999999970e-07, v25  }
0x34b: {  	v25 =	vadd.f32 $9.999999970e-07, v27;
	v27 =	vadd.f32 $9.999999970e-07, v11;
	v8 =	vmul.f32 v8, v8  }
0x34c: {  	s0 =	sadd.s32 $0x1, s18;
	v61 =	vadd.f32 $9.999999970e-07, v12;
	v7 =	vmul.f32 v10, v10;
	v9 =	vmul.f32 v9, v9  }
0x34d: {  	p3 =	slt.u32 s0, $0x3;
	v62 =	vadd.f32 $9.999999970e-07, v18;
	v10 =	vmul.f32 v14, v14;
	v14 =	vmul.f32 v13, v13  }
.Ltmp18:
0x34e: {  	v23 =	vadd.f32 $9.999999970e-07, v24;
	v11 =	vmul.f32 v17, v17;
	v13 =	vmul.f32 v15, v15;
	(pc) =	sbr.rel @!p3 .LBB2_28-.Ltmp18, $4  }
0x34f: {  	v24 =	vadd.f32 $9.999999970e-07, v26;
	v12 =	vmul.f32 v16, v16;
	v17 =	vmul.f32 v20, v20  }
0x350: {  	v63 =	vadd.f32 $9.999999970e-07, v19;
	v15 =	vmul.f32 v25, v25;
	v16 =	vmul.f32 v21, v21  }
0x351: {  	v19 =	vadd.f32 $9.999999970e-07, v22;
	v18 =	vmul.f32 v61, v61;
	v20 =	vmul.f32 v27, v27  }
0x352: {  	s1 =	sadd.s32 $0x10, s19;
	s2 =	smov.u32 s20;
	v25 =	vadd.f32 $9.999999970e-07, v60;
	v22 =	vmul.f32 v62, v62;
	v21 =	vmul.f32 v63, v63  }
.LBB2_27:
0x353: {  	v26 =	vld [tilespmem:s1+$0x0];
	v27 =	vadd.f32 $9.999999970e-07, v6;
	v23 =	vmul.f32 v23, v23;
	v19 =	vmul.f32 v19, v19  }
0x354: {  	v24 =	vmul.f32 v24, v24;
	v7 =	vadd.f32 v14, v7;
	v6 =	vadd.f32 v9, v8  }
0x355: {  	v14 =	vmul.f32 v25, v25;
	v9 =	vadd.f32 v17, v11;
	v8 =	vadd.f32 v13, v10  }
0x356: {  	v11 =	vadd.f32 v20, v15;
	v10 =	vadd.f32 v16, v12;
	v17 =	vmul.f32 v27, v27  }
0x357: {  	v12 =	vadd.f32 v22, v18;
	v13 =	vadd.f32 v19, v21  }
0x358: {  	v16 =	vadd.f32 v24, v23;
	v17 =	vadd.f32 v17, v14;
	v15 =	vand.u32 $0x7F, v26  }
0x359: {  	v18 =	vmul.f32 $5.000000000e-01, v6;
	v19 =	vshra.s32 v6, $0x1;
	v14 =	vmul.f32 $5.000000000e-01, v7  }
0x35a: {  	v20 =	vmul.f32 $5.000000000e-01, v8;
	v21 =	vshra.s32 v8, $0x1;
	v22 =	vshra.s32 v7, $0x1  }
0x35b: {  	v23 =	vmul.f32 $5.000000000e-01, v10;
	v24 =	vmul.f32 $5.000000000e-01, v9;
	v25 =	vshra.s32 v9, $0x1  }
0x35c: {  	v27 =	vmul.f32 $5.000000000e-01, v11;
	v28 =	vshra.s32 v11, $0x1;
	v29 =	vshra.s32 v10, $0x1  }
0x35d: {  	v31 =	vmul.f32 $5.000000000e-01, v12;
	v32 =	vshra.s32 v12, $0x1;
	v30 =	vmul.f32 $5.000000000e-01, v13  }
0x35e: {  	v33 =	vmul.f32 $5.000000000e-01, v16;
	v34 =	vshra.s32 v16, $0x1;
	v35 =	vshra.s32 v13, $0x1  }
0x35f: {  	v19 =	vsub.s32 $0x5F3759DF, v19;
	v36 =	vmul.f32 $5.000000000e-01, v17;
	v37 =	vshra.s32 v17, $0x1  }
0x360: {  	s2 =	sadd.s32 $0x10, s2;
	v25 =	vsub.s32 $0x5F3759DF, v25;
	v21 =	vsub.s32 $0x5F3759DF, v21;
	v22 =	vsub.s32 $0x5F3759DF, v22  }
0x361: {  	v28 =	vsub.s32 $0x5F3759DF, v28;
	v29 =	vsub.s32 $0x5F3759DF, v29;
	v39 =	vmul.f32 v19, v18;
	v38 =	vld [tilespmem:s2+$0x0]  }
0x362: {  	v32 =	vsub.s32 $0x5F3759DF, v32;
	v40 =	vmul.f32 v21, v20;
	v41 =	vmul.f32 v22, v14  }
0x363: {  	v42 =	vmul.f32 v29, v23;
	v43 =	vmul.f32 v25, v24;
	v35 =	vsub.s32 $0x5F3759DF, v35  }
0x364: {  	v44 =	vmul.f32 v32, v31;
	v45 =	vmul.f32 v28, v27;
	v34 =	vsub.s32 $0x5F3759DF, v34  }
0x365: {  	v46 =	vmul.f32 v34, v33;
	v47 =	vmul.f32 v35, v30;
	v37 =	vsub.s32 $0x5F3759DF, v37  }
0x366: {  	v39 =	vmul.f32 v19, v39;
	v49 =	vmul.f32 v37, v36;
	v48 =	vand.u32 $0x7F, v38  }
0x367: {  	v26 =	vshll.u32 v26, $0x3;
	v40 =	vmul.f32 v21, v40;
	v41 =	vmul.f32 v22, v41  }
0x368: {  	v42 =	vmul.f32 v29, v42;
	v43 =	vmul.f32 v25, v43;
	v38 =	vshll.u32 v38, $0x3  }
0x369: {  	v44 =	vmul.f32 v32, v44;
	v45 =	vmul.f32 v28, v45;
	v39 =	vsub.f32 $1.500000000e+00, v39  }
0x36a: {  	v47 =	vmul.f32 v35, v47;
	v40 =	vsub.f32 $1.500000000e+00, v40;
	v41 =	vsub.f32 $1.500000000e+00, v41  }
0x36b: {  	v46 =	vmul.f32 v34, v46;
	v42 =	vsub.f32 $1.500000000e+00, v42;
	v43 =	vsub.f32 $1.500000000e+00, v43  }
0x36c: {  	v44 =	vsub.f32 $1.500000000e+00, v44;
	v45 =	vsub.f32 $1.500000000e+00, v45;
	v49 =	vmul.f32 v37, v49  }
0x36d: {  	v47 =	vsub.f32 $1.500000000e+00, v47;
	v19 =	vmul.f32 v19, v39;
	v22 =	vmul.f32 v22, v41  }
0x36e: {  	v39 =	vsub.f32 $1.500000000e+00, v46;
	v25 =	vmul.f32 v25, v43;
	v21 =	vmul.f32 v21, v40  }
0x36f: {  	v28 =	vmul.f32 v28, v45;
	v29 =	vmul.f32 v29, v42;
	v40 =	vsub.f32 $1.500000000e+00, v49  }
0x370: {  	v26 =	vand.u32 $0xFFFFFC00, v26;
	v32 =	vmul.f32 v32, v44;
	v35 =	vmul.f32 v35, v47  }
0x371: {  	v34 =	vmul.f32 v34, v39;
	v37 =	vmul.f32 v37, v40;
	v38 =	vand.u32 $0xFFFFFC00, v38  }
0x372: {  	v15 =	vor.u32 v15, v26;
	v18 =	vmul.f32 v19, v18;
	v26 =	vmul.f32 v22, v14  }
0x373: {  	v20 =	vmul.f32 v21, v20;
	v36 =	vmul.f32 v37, v36;
	v14 =	vor.u32 v48, v38  }
0x374: {  	v23 =	vmul.f32 v29, v23;
	v24 =	vmul.f32 v25, v24;
	v38 =	vor.u32 $0x200, v15  }
0x375: {  	v33 =	vmul.f32 v34, v33;
	v36 =	vmul.f32 v36, v37;
	v39 =	vor.u32 $0x200, v14  }
0x376: {  	v31 =	vmul.f32 v32, v31;
	v27 =	vmul.f32 v28, v27;
	v40 =	vor.u32 $0x280, v15  }
0x377: {  	v30 =	vmul.f32 v35, v30;
	v33 =	vmul.f32 v33, v34;
	v36 =	vsub.f32 $1.500000000e+00, v36  }
0x378: {  	v18 =	vmul.f32 v18, v19;
	v26 =	vmul.f32 v26, v22;
	v41 =	vor.u32 $0x280, v14  }
0x379: {  	v30 =	vmul.f32 v30, v35;
	v33 =	vsub.f32 $1.500000000e+00, v33;
	v36 =	vmul.f32 v36, v37  }
0x37a: {  	v31 =	vmul.f32 v31, v32;
	v20 =	vmul.f32 v20, v21;
	v37 =	vor.u32 $0x100, v15  }
0x37b: {  	v30 =	vsub.f32 $1.500000000e+00, v30;
	v33 =	vmul.f32 v33, v34;
	v17 =	vmul.f32 v36, v17  }
0x37c: {  	v27 =	vmul.f32 v27, v28;
	v24 =	vmul.f32 v24, v25;
	v31 =	vsub.f32 $1.500000000e+00, v31  }
0x37d: {  	v30 =	vmul.f32 v30, v35;
	v16 =	vmul.f32 v33, v16;
	v17 =	vsub.f32 $0.0e+00, v17  }
0x37e: {  	v23 =	vmul.f32 v23, v29;
	v27 =	vsub.f32 $1.500000000e+00, v27;
	v31 =	vmul.f32 v31, v32  }
0x37f: {  	v13 =	vmul.f32 v30, v13;
	v16 =	vsub.f32 $0.0e+00, v16;
	v17 =	vmul.f32 $1.442695020e+00, v17  }
0x380: {  	v23 =	vsub.f32 $1.500000000e+00, v23;
	v27 =	vmul.f32 v27, v28;
	v12 =	vmul.f32 v31, v12  }
0x381: {  	v13 =	vsub.f32 $0.0e+00, v13;
	v16 =	vmul.f32 $1.442695020e+00, v16;
	(erf) = vpow2.f32 v17  }
0x382: {  	v11 =	vmul.f32 v27, v11;
	v17 =	vmul.f32 v23, v29;
	v23 =	vsub.f32 $1.500000000e+00, v24  }
0x383: {  	v12 =	vsub.f32 $0.0e+00, v12;
	v13 =	vmul.f32 $1.442695020e+00, v13;
	(erf) = vpow2.f32 v16  }
0x384: {  	v10 =	vmul.f32 v17, v10;
	v16 =	vmul.f32 v23, v25;
	v17 =	vsub.f32 $1.500000000e+00, v20  }
0x385: {  	v11 =	vsub.f32 $0.0e+00, v11;
	v12 =	vmul.f32 $1.442695020e+00, v12;
	(erf) = vpow2.f32 v13  }
0x386: {  	v9 =	vmul.f32 v16, v9;
	v13 =	vmul.f32 v17, v21;
	v16 =	vsub.f32 $1.500000000e+00, v26  }
0x387: {  	v11 =	vmul.f32 $1.442695020e+00, v11;
	v10 =	vsub.f32 $0.0e+00, v10;
	(erf) = vpow2.f32 v12  }
0x388: {  	v8 =	vmul.f32 v13, v8;
	v16 =	vmul.f32 v16, v22;
	v13 =	vsub.f32 $1.500000000e+00, v18  }
0x389: {  	v10 =	vmul.f32 $1.442695020e+00, v10;
	v9 =	vsub.f32 $0.0e+00, v9;
	(erf) = vpow2.f32 v11  }
0x38a: {  	v8 =	vsub.f32 $0.0e+00, v8;
	v7 =	vmul.f32 v16, v7;
	v13 =	vmul.f32 v13, v19;
	v12 =	vpop (erf)  }
0x38b: {  	v9 =	vmul.f32 $1.442695020e+00, v9;
	v12 =	vadd.f32 $0.0e+00, v12;
	(erf) = vpow2.f32 v10  }
0x38c: {  	v10 =	vor.u32 $0x100, v14;
	v7 =	vsub.f32 $0.0e+00, v7;
	v6 =	vmul.f32 v13, v6;
	v11 =	vpop (erf)  }
0x38d: {  	v8 =	vmul.f32 $1.442695020e+00, v8;
	v13 =	vld.idx.msk [tilespmem:v38+s21+$0x0], $0xffff;
	v11 =	vadd.f32 v12, v11;
	(erf) = vpow2.f32 v9  }
0x38e: {  	v9 =	vor.u32 $0x180, v15;
	v12 =	vor.u32 $0x180, v14;
	v6 =	vsub.f32 $0.0e+00, v6;
	v16 =	vld.idx.msk [tilespmem:v39+s21+$0x0], $0xffff;
	v17 =	vpop (erf)  }
0x38f: {  	v7 =	vmul.f32 $1.442695020e+00, v7;
	v18 =	vld.idx.msk [tilespmem:v40+s21+$0x0], $0xffff;
	v11 =	vadd.f32 v11, v17;
	(erf) = vpow2.f32 v8  }
0x390: {  	v8 =	vld.idx.msk [tilespmem:v41+s21+$0x0], $0xffff;
	v17 =	vpop (erf)  }
0x391: {  	v6 =	vmul.f32 $1.442695020e+00, v6;
	v19 =	vld.idx.msk [tilespmem:v37+s21+$0x0], $0xffff;
	v17 =	vadd.f32 v11, v17;
	(erf) = vpow2.f32 v7  }
0x392: {  	v7 =	vld.idx.msk [tilespmem:v10+s21+$0x0], $0xffff;
	v10 =	vpop (erf)  }
0x393: {  	v9 =	vld.idx.msk [tilespmem:v9+s21+$0x0], $0xffff;
	v10 =	vadd.f32 v17, v10;
	(erf) = vpow2.f32 v6  }
0x394: {  	v6 =	vld.idx.msk [tilespmem:v12+s21+$0x0], $0xffff;
	v11 =	vpop (erf)  }
0x395: {  	v10 =	vadd.f32 v10, v11  }
0x396: {  	v11 =	vpop (erf)  }
0x397: {  	v12 =	vor.u32 $0x80, v15;
	v10 =	vadd.f32 v10, v11  }
0x398: {  	v13 =	vsub.f32 v13, v16;
	v8 =	vsub.f32 v18, v8;
	v11 =	vor.u32 $0x80, v14;
	v16 =	vpop (erf)  }
0x399: {  	v7 =	vsub.f32 v19, v7;
	v10 =	vadd.f32 v10, v16  }
0x39a: {  	v6 =	vsub.f32 v9, v6;
	v9 =	vmul.f32 $4.512499870e-01, v13;
	v16 =	vmul.f32 $4.512499870e-01, v8;
	v15 =	vld.idx.msk [tilespmem:v15+s21+$0x0], $0xffff;
	v17 =	vpop (erf)  }
0x39b: {  	v18 =	vmul.f32 $3.612500130e-01, v13;
	v19 =	vmul.f32 $3.612500130e-01, v8;
	v14 =	vld.idx.msk [tilespmem:v14+s21+$0x0], $0xffff;
	v10 =	vadd.f32 v10, v17  }
0x39c: {  	v17 =	vmul.f32 $9.499999880e-01, v7;
	v20 =	vmul.f32 $9.499999880e-01, v6;
	v12 =	vld.idx.msk [tilespmem:v12+s21+$0x0], $0xffff;
	v21 =	vpop (erf)  }
0x39d: {  	v22 =	vmul.f32 $2.812500000e-01, v13;
	v23 =	vmul.f32 $2.812500000e-01, v8;
	v11 =	vld.idx.msk [tilespmem:v11+s21+$0x0], $0xffff;
	v10 =	vadd.f32 v10, v21  }
0x39e: {  	v24 =	vmul.f32 $8.500000230e-01, v6;
	v21 =	vmul.f32 $8.500000230e-01, v7  }
0x39f: {  	v25 =	vmul.f32 $2.112500070e-01, v13;
	v26 =	vmul.f32 $2.112500070e-01, v8;
	v5 =	vadd.f32 v10, v5  }
0x3a0: {  	v27 =	vmul.f32 $7.500000000e-01, v6;
	v10 =	vmul.f32 $7.500000000e-01, v7  }
0x3a1: {  	v28 =	vmul.f32 $1.512500050e-01, v13;
	v29 =	vmul.f32 $1.512500050e-01, v8  }
0x3a2: {  	v30 =	vmul.f32 $6.499999760e-01, v6;
	v14 =	vsub.f32 v15, v14;
	v15 =	vmul.f32 $6.499999760e-01, v7  }
0x3a3: {  	v31 =	vmul.f32 $5.500000120e-01, v6;
	v11 =	vsub.f32 v12, v11;
	v12 =	vmul.f32 $5.500000120e-01, v7  }
0x3a4: {  	v32 =	vmul.f32 $4.499999880e-01, v7;
	v33 =	vmul.f32 $4.499999880e-01, v6  }
0x3a5: {  	v34 =	vmul.f32 $3.499999940e-01, v7;
	v17 =	vadd.f32 v17, v14;
	v20 =	vadd.f32 v20, v11  }
0x3a6: {  	v35 =	vmul.f32 $3.499999940e-01, v6;
	v21 =	vadd.f32 v21, v14;
	v24 =	vadd.f32 v24, v11  }
0x3a7: {  	v36 =	vmul.f32 $2.500000000e-01, v7;
	v10 =	vadd.f32 v10, v14;
	v27 =	vadd.f32 v27, v11  }
0x3a8: {  	v37 =	vmul.f32 $2.500000000e-01, v6;
	v15 =	vadd.f32 v15, v14;
	v30 =	vadd.f32 v30, v11  }
0x3a9: {  	v38 =	vmul.f32 $1.500000060e-01, v7;
	v12 =	vadd.f32 v12, v14;
	v31 =	vadd.f32 v31, v11  }
0x3aa: {  	v39 =	vmul.f32 $1.500000060e-01, v6;
	v32 =	vadd.f32 v32, v14;
	v33 =	vadd.f32 v33, v11  }
0x3ab: {  	v7 =	vmul.f32 $5.000000070e-02, v7;
	v34 =	vadd.f32 v34, v14;
	v35 =	vadd.f32 v35, v11  }
0x3ac: {  	v6 =	vmul.f32 $5.000000070e-02, v6;
	v36 =	vadd.f32 v36, v14;
	v37 =	vadd.f32 v37, v11  }
0x3ad: {  	v40 =	vmul.f32 $1.012500000e-01, v13;
	v38 =	vadd.f32 v38, v14;
	v39 =	vadd.f32 v39, v11  }
0x3ae: {  	v7 =	vadd.f32 v7, v14;
	v6 =	vadd.f32 v6, v11;
	v11 =	vmul.f32 $1.012500000e-01, v8  }
0x3af: {  	v14 =	vmul.f32 $6.125000110e-02, v13;
	v9 =	vadd.f32 v9, v17;
	v16 =	vadd.f32 v16, v20  }
0x3b0: {  	v17 =	vmul.f32 $6.125000110e-02, v8;
	v18 =	vadd.f32 v18, v21;
	v19 =	vadd.f32 v19, v24  }
0x3b1: {  	v10 =	vadd.f32 v22, v10;
	v20 =	vmul.f32 $3.125000000e-02, v13;
	v21 =	vadd.f32 v23, v27  }
0x3b2: {  	v22 =	vmul.f32 $3.125000000e-02, v8;
	v15 =	vadd.f32 v25, v15;
	v23 =	vadd.f32 v26, v30  }
0x3b3: {  	v24 =	vmul.f32 $1.125000040e-02, v13;
	v12 =	vadd.f32 v28, v12;
	v25 =	vadd.f32 v29, v31  }
0x3b4: {  	v26 =	vmul.f32 $1.125000040e-02, v8;
	v27 =	vadd.f32 v40, v32;
	v11 =	vadd.f32 v11, v33  }
0x3b5: {  	v13 =	vmul.f32 $1.249999970e-03, v13;
	v14 =	vadd.f32 v14, v34;
	v17 =	vadd.f32 v17, v35  }
0x3b6: {  	v8 =	vmul.f32 $1.249999970e-03, v8;
	v22 =	vadd.f32 v22, v37;
	v20 =	vadd.f32 v20, v36  }
0x3b7: {  	v24 =	vadd.f32 v24, v38;
	v26 =	vadd.f32 v26, v39  }
0x3b8: {  	v28 =	vadd.f32 v13, v7;
	v6 =	vadd.f32 v8, v6  }
0x3b9: {  	v7 =	vadd.f32 $9.999999970e-07, v9;
	v9 =	vadd.f32 $9.999999970e-07, v16  }
0x3ba: {  	v13 =	vadd.f32 $9.999999970e-07, v18;
	v16 =	vadd.f32 $9.999999970e-07, v19  }
0x3bb: {  	s0 =	sadd.s32 $0x1, s0;
	v10 =	vadd.f32 $9.999999970e-07, v10;
	v18 =	vadd.f32 $9.999999970e-07, v21  }
0x3bc: {  	p3 =	slt.u32 s0, $0x3;
	v15 =	vadd.f32 $9.999999970e-07, v15;
	v21 =	vadd.f32 $9.999999970e-07, v23  }
0x3bd: {  	v12 =	vadd.f32 $9.999999970e-07, v12;
	v25 =	vadd.f32 $9.999999970e-07, v25  }
0x3be: {  	v27 =	vadd.f32 $9.999999970e-07, v27;
	v29 =	vadd.f32 $9.999999970e-07, v11;
	v8 =	vmul.f32 v7, v7  }
0x3bf: {  	v30 =	vadd.f32 $9.999999970e-07, v14;
	v7 =	vmul.f32 v13, v13;
	v9 =	vmul.f32 v9, v9  }
0x3c0: {  	v31 =	vadd.f32 $9.999999970e-07, v17;
	v10 =	vmul.f32 v10, v10;
	v14 =	vmul.f32 v16, v16  }
.Ltmp19:
0x3c1: {  	v11 =	vmul.f32 v15, v15;
	v32 =	vadd.f32 $9.999999970e-07, v20;
	v13 =	vmul.f32 v18, v18;
	(pc) =	sbr.rel @p3 .LBB2_27-.Ltmp19, $4  }
0x3c2: {  	v19 =	vadd.f32 $9.999999970e-07, v22;
	v12 =	vmul.f32 v12, v12;
	v17 =	vmul.f32 v21, v21  }
0x3c3: {  	v23 =	vadd.f32 $9.999999970e-07, v24;
	v15 =	vmul.f32 v27, v27;
	v16 =	vmul.f32 v25, v25  }
0x3c4: {  	v24 =	vadd.f32 $9.999999970e-07, v26;
	v18 =	vmul.f32 v30, v30;
	v20 =	vmul.f32 v29, v29  }
0x3c5: {  	s1 =	sadd.s32 $0x10, s1;
	v25 =	vadd.f32 $9.999999970e-07, v28;
	v22 =	vmul.f32 v31, v31;
	v21 =	vmul.f32 v32, v32  }
.Ltmp20:
0x3c6: {  	_ = 	snop;
	(pc) =	sbr.rel .LBB2_28-.Ltmp20, $1  }
0x3c7: {  	_ =	sdelay $0x3  }
.LBB2_6:
.Ltmp21:
0x3c8: {  	(pc) =	sbr.rel .LBB2_15-.Ltmp21, $2  }
0x3c9: {  	_ =	sdelay $0x2  }
0x3ca: {  	s0 =	simm.s32 $0x0;
	v11 =	vimm.f32 $0.0e+00  }
.LBB2_4:
.Ltmp22:
0x3cb: {  	(pc) =	sbr.rel .LBB2_21-.Ltmp22, $2  }
0x3cc: {  	_ =	sdelay $0x2  }
0x3cd: {  	s0 =	smov.u32 s16;
	v9 =	vmov v4  }
.LBB2_24:
.Ltmp23:
0x3ce: {  	(pc) =	sbr.rel .LBB2_34-.Ltmp23, $2  }
0x3cf: {  	_ =	sdelay $0x2  }
0x3d0: {  	s2 =	simm.s32 $0x0  }
.LBB2_8:
.Ltmp24:
0x3d1: {  	_ = 	snop;
	(pc) =	sbr.rel .LBB2_15-.Ltmp24, $2  }
0x3d2: {  	_ =	sdelay $0x2  }
0x3d3: {  	s0 =	simm.s32 $0x0;
	v11 =	vimm.f32 $0.0e+00;
	v13 =	vmov v8  }
.LBB2_17:
.Ltmp25:
0x3d4: {  	(pc) =	sbr.rel .LBB2_21-.Ltmp25, $2  }
0x3d5: {  	_ =	sdelay $0x2  }
0x3d6: {  	s0 =	smov.u32 s16;
	v9 =	vmov v4  }
.LBB2_32:
.Ltmp26:
0x3d7: {  	(pc) =	sbr.rel .LBB2_34-.Ltmp26, $2  }
0x3d8: {  	_ =	sdelay $0x2  }
0x3d9: {  	s2 =	simm.s32 $0x0  }
.LBB2_10:
.Ltmp27:
0x3da: {  	(pc) =	sbr.rel .LBB2_15-.Ltmp27, $2  }
0x3db: {  	_ =	sdelay $0x2  }
0x3dc: {  	v16 =	vmovc v6;
	s0 =	simm.s32 $0x0;
	v10 =	vmov v5;
	v11 =	vimm.f32 $0.0e+00;
	v17 =	vmov v8  }
.LBB2_19:
.Ltmp28:
0x3dd: {  	(pc) =	sbr.rel .LBB2_21-.Ltmp28, $2  }
0x3de: {  	_ =	sdelay $0x2  }
0x3df: {  	v9 =	vmov v4  }
.LBB2_12:
.Ltmp29:
0x3e0: {  	_ = 	snop;
	(pc) =	sbr.rel .LBB2_15-.Ltmp29, $2  }
0x3e1: {  	_ =	sdelay $0x2  }
0x3e2: {  	s0 =	simm.s32 $0x0;
	v13 =	vmov v20  }
.LBB2_30:
0x3e3: {  	_ =	sfence.sel $0x180000  }
0x3e4: {  	[bflag:$0x0] =	sbarrier.arrive $0xFFFF  }
0x3e5: {  	_ =	strace $0x90000047  }
0x3e6: {  	s0 =	stileid.u32;
	[bflag:$0x2] =	sbarrier.arrive $0xFFFF  }
0x3e7: {  	p0 =	sne.s32 s0, $0x0;
	s0 =	rddreg [dreg:$0x7]  }
0x3e8: {  	s0 =	sadd.s32 @!p0 $0x100000, s0  }
0x3e9: {  	[sflag:s0] =	ssyncadd.tile.s32 @!p0 $0x1;
	_ =	shalt  }
.Lfunc_end2:
_tile_overlayer_lowered:
.L_overlay_start_2:
0x3ea: {  	(tag) =	ssettag $0x2  }
0x3eb: {  	s0 =	rddreg [dreg:$0x0];
	s2 =	stileid.u32  }
0x3ec: {  	s1 =	rddreg [dreg:$0x1];
	p0 =	sne.s32 s2, $0x0  }
0x3ed: {  	s3 =	rddreg [dreg:$0x2];
	[bflag:$0x3] =	sbarrier.arrive $0xFFFF;
	s2 =	simm.s32 @!p0 $0x1C02  }
0x3ee: {  	[timem:s3], [sflag:s2] =	dma.local @!p0 [hbm:s0], s1  }
0x3ef: {  	s0 =	simm.s32 @!p0 $0x2  }
0x3f0: {  	_ =	swait.ge @!p0 [sflag:s0], s1  }
0x3f1: {  	s1 =	ssub.s32 @!p0 $0x0, s1;
	[sflag:s0] =	ssyncset.done @!p0 $0x0  }
0x3f2: {  	[sflag:s0] =	ssyncadd.s32 @!p0 s1  }
0x3f3: {  	[bflag:$0x3] =	sbarrier.arrive $0xFFFF  }
0x3f4: {  	_ =	shalt  }

</sc_bundles>
